<compile_context>
chip_gen: v7x
topology: tpu7x:2x2x1
jax: 0.10.2.dev20260603
libtpu: 0.0.44.dev20260713+nightly
codegen_flags: <defaults>
</compile_context>

<pallas_src>
import functools

import jax
import jax.numpy as jnp
from jax import lax
from jax.experimental import pallas as pl
from jax.experimental.pallas import tpu as pltpu
from jax.experimental.pallas import tpu_sc as plsc

N = 10000
E = 320000
D = 128
H = 128
OUT = 16
B = 128
L = 5

NC = 2
NS = 16
NW = NC * NS

K = 128
CH = 80
EPT = CH * K
E_PAD = EPT * NW
HALF = 5120
NPH = 5248
ZPT = NPH // NS

_sc_mesh = plsc.VectorSubcoreMesh(
    core_axis_name="c", subcore_axis_name="s", num_cores=NC, num_subcores=NS)


@functools.partial(
    pl.kernel,
    out_type=jax.ShapeDtypeStruct((NC, N, D), jnp.float32),
    mesh=_sc_mesh,
    scratch_types=[
        pltpu.VMEM((CH, K), jnp.int32),
        pltpu.VMEM((CH, K), jnp.int32),
        pltpu.VMEM((CH, K), jnp.int32),
        pltpu.VMEM((K, D), jnp.float32),
        pltpu.VMEM((K, D), jnp.float32),
        pltpu.VMEM_SHARED((NPH, D), jnp.float32),
        pltpu.SemaphoreType.DMA,
        pltpu.SemaphoreType.DMA,
    ],
)
def _sc_spmm(h_hbm, src_hbm, dst0_hbm, dst1_hbm, out_hbm,
             src_v, dst0_v, dst1_v, rows_a, rows_b, pooled, sem_a, sem_b):
    c = lax.axis_index("c")
    s = lax.axis_index("s")
    wid = s * NC + c

    pltpu.sync_copy(src_hbm.at[wid], src_v)
    pltpu.sync_copy(dst0_hbm.at[wid], dst0_v)
    pltpu.sync_copy(dst1_hbm.at[wid], dst1_v)

    zvec = jnp.zeros((16,), jnp.float32)

    def zfill(i, carry):
        for k in range(D // 16):
            rows_a[i, pl.ds(k * 16, 16)] = zvec
        return carry

    def run_pass(p, dst_v):
        lax.fori_loop(0, K, zfill, 0)
        pltpu.sync_copy(rows_a, pooled.at[pl.ds(s * ZPT, K)])
        pltpu.sync_copy(rows_a, pooled.at[pl.ds(s * ZPT + K, K)])
        pltpu.sync_copy(rows_a.at[pl.ds(0, ZPT - 2 * K)],
                        pooled.at[pl.ds(s * ZPT + 2 * K, ZPT - 2 * K)])
        plsc.subcore_barrier()

        pltpu.async_copy(h_hbm.at[src_v.at[0]], rows_a, sem_a)

        def body(t, carry):
            a_chunk = 2 * t
            b_chunk = 2 * t + 1
            next_a = (2 * t + 2) % CH
            pltpu.make_async_copy(h_hbm.at[src_v.at[a_chunk]], rows_a,
                                  sem_a).wait()
            pltpu.async_copy(h_hbm.at[src_v.at[b_chunk]], rows_b, sem_b)
            pltpu.sync_copy(rows_a, pooled.at[dst_v.at[a_chunk]], add=True)
            pltpu.async_copy(h_hbm.at[src_v.at[next_a]], rows_a, sem_a)
            pltpu.make_async_copy(h_hbm.at[src_v.at[b_chunk]], rows_b,
                                  sem_b).wait()
            pltpu.sync_copy(rows_b, pooled.at[dst_v.at[b_chunk]], add=True)
            return carry

        lax.fori_loop(0, CH // 2, body, 0)
        pltpu.make_async_copy(h_hbm.at[src_v.at[0]], rows_a, sem_a).wait()

        plsc.subcore_barrier()

        if p == 0:
            rpt = HALF // NS
            pltpu.sync_copy(pooled.at[pl.ds(s * rpt, rpt)],
                            out_hbm.at[c, pl.ds(s * rpt, rpt)])
        else:
            rem = N - HALF
            rpt = 312

            @pl.when(s < NS - 1)
            def _():
                pltpu.sync_copy(pooled.at[pl.ds(s * rpt, rpt)],
                                out_hbm.at[c, pl.ds(HALF + s * rpt, rpt)])

            @pl.when(s == NS - 1)
            def _():
                pltpu.sync_copy(
                    pooled.at[pl.ds((NS - 1) * rpt, rem - (NS - 1) * rpt)],
                    out_hbm.at[c, pl.ds(HALF + (NS - 1) * rpt,
                                        rem - (NS - 1) * rpt)])

        plsc.subcore_barrier()

    run_pass(0, dst0_v)
    run_pass(1, dst1_v)


def _bn_relu(z, gamma, beta):
    mean = jnp.mean(z, axis=0, keepdims=True)
    var = jnp.mean((z - mean) ** 2, axis=0, keepdims=True)
    return jnp.maximum((z - mean) * lax.rsqrt(var + 1e-5) * gamma + beta, 0.0)


def _mlp_core(part_ref, h_ref, eps_ref, w1_ref, b1_ref, g1_ref, be1_ref,
              w2_ref, b2_ref, bng_ref, bnb_ref):
    h = h_ref[...]
    p = part_ref[0] + part_ref[1] + (1.0 + eps_ref[0, 0]) * h
    z = jnp.dot(p, w1_ref[...], preferred_element_type=jnp.float32) + b1_ref[...]
    z = _bn_relu(z, g1_ref[...], be1_ref[...])
    z = jnp.dot(z, w2_ref[...], preferred_element_type=jnp.float32) + b2_ref[...]
    return _bn_relu(z, bng_ref[...], bnb_ref[...])


def _layer0_body(part_ref, h_ref, eps_ref, w1_ref, b1_ref, g1_ref, be1_ref,
                 w2_ref, b2_ref, bng_ref, bnb_ref, wp0_ref, wp1_ref,
                 h_out_ref, acc_out_ref):
    hn = _mlp_core(part_ref, h_ref, eps_ref, w1_ref, b1_ref, g1_ref, be1_ref,
                   w2_ref, b2_ref, bng_ref, bnb_ref)
    h_out_ref[...] = hn
    acc_out_ref[...] = (
        jnp.dot(h_ref[...], wp0_ref[...], preferred_element_type=jnp.float32)
        + jnp.dot(hn, wp1_ref[...], preferred_element_type=jnp.float32))


def _layer_mid_body(part_ref, h_ref, eps_ref, w1_ref, b1_ref, g1_ref, be1_ref,
                    w2_ref, b2_ref, bng_ref, bnb_ref, wp_ref, acc_ref,
                    h_out_ref, acc_out_ref):
    hn = _mlp_core(part_ref, h_ref, eps_ref, w1_ref, b1_ref, g1_ref, be1_ref,
                   w2_ref, b2_ref, bng_ref, bnb_ref)
    h_out_ref[...] = hn
    acc_out_ref[...] = acc_ref[...] + jnp.dot(
        hn, wp_ref[...], preferred_element_type=jnp.float32)


def _layer_last_body(part_ref, h_ref, eps_ref, w1_ref, b1_ref, g1_ref, be1_ref,
                     w2_ref, b2_ref, bng_ref, bnb_ref, wp_ref, acc_ref,
                     gid_ref, bp_ref, out_ref):
    hn = _mlp_core(part_ref, h_ref, eps_ref, w1_ref, b1_ref, g1_ref, be1_ref,
                   w2_ref, b2_ref, bng_ref, bnb_ref)
    acc = acc_ref[...] + jnp.dot(hn, wp_ref[...],
                                 preferred_element_type=jnp.float32)
    ids = gid_ref[...]
    iota = lax.broadcasted_iota(jnp.int32, (N, B), 1)
    onehot = jnp.where(ids == iota, 1.0, 0.0)
    out = lax.dot_general(onehot, acc, (((0,), (0,)), ((), ())),
                          preferred_element_type=jnp.float32)
    out_ref[...] = out + jnp.sum(bp_ref[...], axis=0, keepdims=True)


_layer0_call = pl.pallas_call(
    _layer0_body,
    out_shape=[jax.ShapeDtypeStruct((N, H), jnp.float32),
               jax.ShapeDtypeStruct((N, OUT), jnp.float32)],
)

_layer_mid_call = pl.pallas_call(
    _layer_mid_body,
    out_shape=[jax.ShapeDtypeStruct((N, H), jnp.float32),
               jax.ShapeDtypeStruct((N, OUT), jnp.float32)],
)

_layer_last_call = pl.pallas_call(
    _layer_last_body,
    out_shape=jax.ShapeDtypeStruct((B, OUT), jnp.float32),
)


def kernel(x, edge_index, graph_ids, eps, W1, b1, g1, be1, W2, b2,
           bn_g, bn_b, Wp, bp):
    src = edge_index[1].astype(jnp.int32)
    dst = edge_index[0].astype(jnp.int32)
    pad = E_PAD - E
    src_p = jnp.concatenate([src, jnp.zeros((pad,), jnp.int32)]).reshape(NW, CH, K)
    dstg = jnp.concatenate([dst, jnp.full((pad,), 2 * HALF, jnp.int32)])
    dst0 = jnp.where(dstg < HALF, dstg, HALF).reshape(NW, CH, K)
    dst1 = jnp.where((dstg >= HALF) & (dstg < 2 * HALF), dstg - HALF,
                     HALF).reshape(NW, CH, K)
    gid = graph_ids.astype(jnp.int32).reshape(N, 1)

    h = x
    acc = None
    for l in range(L - 1):
        part = _sc_spmm(h, src_p, dst0, dst1)
        eps_l = eps[l].reshape(1, 1)
        params = (eps_l, W1[l], b1[l].reshape(1, H), g1[l].reshape(1, H),
                  be1[l].reshape(1, H), W2[l], b2[l].reshape(1, H),
                  bn_g[l].reshape(1, H), bn_b[l].reshape(1, H))
        if l == 0:
            h, acc = _layer0_call(part, h, *params, Wp[0], Wp[1])
        elif l < L - 2:
            h, acc = _layer_mid_call(part, h, *params, Wp[l + 1], acc)
        else:
            return _layer_last_call(part, h, *params, Wp[l + 1], acc, gid, bp)

# --- scband reference (transcript-rebuilt; emitter-appended) ---
"""Pipeline reference for scband-graph-isomorphism-network-81028853006932 (READ-ONLY COPY).

The authoritative reference and input builder live on the scoring server;
editing this copy changes nothing except your own understanding.
"""

import jax, jax.numpy as jnp
import numpy as np

N = 10000
E = 320000
D = 128
H = 128
OUT = 16
B = 128
L = 5  # num_layers


def setup_inputs(seed: int = 0) -> dict:
    key = jax.random.key(seed)
    ks = jax.random.split(key, 16)
    x = jax.random.normal(ks[0], (N, D), dtype=jnp.float32)
    edge_index = jax.random.randint(ks[1], (2, E), 0, N, dtype=jnp.int64)
    graph_ids = jnp.sort(jax.random.randint(ks[2], (N,), 0, B, dtype=jnp.int64))
    # GIN parameters (learn_eps=True). input_dim == hidden_dim == 128, so all 4 GIN layers stack.
    eps = jnp.zeros((L - 1,), dtype=jnp.float32)
    W1 = jax.random.normal(ks[3], (L - 1, D, H), dtype=jnp.float32) * 0.05
    b1 = jnp.zeros((L - 1, H), dtype=jnp.float32)
    g1 = jnp.ones((L - 1, H), dtype=jnp.float32)   # MLP inner BN gamma
    be1 = jnp.zeros((L - 1, H), dtype=jnp.float32)  # MLP inner BN beta
    W2 = jax.random.normal(ks[4], (L - 1, H, H), dtype=jnp.float32) * 0.05
    b2 = jnp.zeros((L - 1, H), dtype=jnp.float32)
    bn_g = jnp.ones((L - 1, H), dtype=jnp.float32)  # outer BN gamma
    bn_b = jnp.zeros((L - 1, H), dtype=jnp.float32)
    # linear_predictions: 5 heads (layer0 input_dim==hidden_dim so all stack)
    Wp = jax.random.normal(ks[5], (L, H, OUT), dtype=jnp.float32) * 0.05
    bp = jnp.zeros((L, OUT), dtype=jnp.float32)
    return {"x": x, "edge_index": edge_index, "graph_ids": graph_ids,
            "eps": eps, "W1": W1, "b1": b1, "g1": g1, "be1": be1,
            "W2": W2, "b2": b2, "bn_g": bn_g, "bn_b": bn_b, "Wp": Wp, "bp": bp}


def _batchnorm(h, gamma, beta):
    # training-mode batch norm (batch statistics, eps=1e-5) matching nn.BatchNorm1d
    mean = jnp.mean(h, axis=0, keepdims=True)
    var = jnp.var(h, axis=0, keepdims=True)
    return (h - mean) / jnp.sqrt(var + 1e-5) * gamma + beta


def reference(x, edge_index, graph_ids, eps, W1, b1, g1, be1, W2, b2, bn_g, bn_b, Wp, bp):
    src = edge_index[1]
    dst = edge_index[0]
    hidden_representations = [x]
    h = x
    for l in range(L - 1):
        # torch.spmm(adj, h): pooled[i] = sum_{(i,j) in edges} h[j]
        gathered = jnp.take(h, src, axis=0)
        pooled = jax.ops.segment_sum(gathered, dst, num_segments=N)
        # learn_eps: pooled + (1 + eps) * h
        pooled = pooled + (1.0 + eps[l]) * h
        # 2-layer MLP: Linear -> BN -> ReLU -> Linear
        z = pooled @ W1[l] + b1[l]
        z = jax.nn.relu(_batchnorm(z, g1[l], be1[l]))
        z = z @ W2[l] + b2[l]
        # outer BN + ReLU
        h = jax.nn.relu(_batchnorm(z, bn_g[l], bn_b[l]))
        hidden_representations.append(h)
    # readout: sum-pool per graph at every layer, linear prediction, accumulate
    output = jnp.zeros((B, OUT), dtype=jnp.float32)
    for l, hr in enumerate(hidden_representations):
        pooled_h = jax.ops.segment_sum(hr, graph_ids, num_segments=B)
        output = output + pooled_h @ Wp[l] + bp[l]
    return output

if __name__ == "__main__":
    import jax
    _d = setup_inputs()
    print(jax.jit(kernel)(*tuple(_d.values())))

</pallas_src>

<mosaic_0001>
#map = affine_map<(d0, d1) -> (0, 0)>
#map1 = affine_map<(d0, d1) -> (0, 0, 0)>
module attributes {stable_mosaic.version = 14 : i64} {
  func.func @_sc_spmm(%arg0: i32, %arg1: i32, %arg2: memref<10000x128xf32, #tpu.memory_space<hbm>>, %arg3: memref<32x80x128xi32, #tpu.memory_space<hbm>>, %arg4: memref<32x80x128xi32, #tpu.memory_space<hbm>>, %arg5: memref<32x80x128xi32, #tpu.memory_space<hbm>>, %arg6: memref<2x10000x128xf32, #tpu.memory_space<hbm>>, %arg7: memref<80x128xi32, #tpu.memory_space<vmem>>, %arg8: memref<80x128xi32, #tpu.memory_space<vmem>>, %arg9: memref<80x128xi32, #tpu.memory_space<vmem>>, %arg10: memref<128x128xf32, #tpu.memory_space<vmem>>, %arg11: memref<128x128xf32, #tpu.memory_space<vmem>>, %arg12: memref<5248x128xf32, #tpu.memory_space<vmem_shared>>, %arg13: memref<!tpu.dma_semaphore, #tpu.memory_space<semaphore_mem>>, %arg14: memref<!tpu.dma_semaphore, #tpu.memory_space<semaphore_mem>>) attributes {dimension_semantics = [#tpu.dimension_semantics<core_parallel>, #tpu.dimension_semantics<subcore_parallel>], iteration_bounds = array<i64: 2, 16>, scalar_prefetch = 0 : i64, scratch_operands = 8 : i64, tpu.core_type = #tpu.core_type<sc_vector_subcore>, window_params = [{transform_indices = #map}, {transform_indices = #map1}, {transform_indices = #map1}, {transform_indices = #map1}, {transform_indices = #map1}]} {
    %mul3A = arith.constant 2 : i32
    %mul3A_0 = arith.muli %arg1, %mul3A : i32
    %add3A = arith.addi %mul3A_0, %arg0 : i32
    "tpu.region"() ({
      %run_scoped3A = tpu.sem_alloc : memref<!tpu.dma_semaphore, #tpu.memory_space<semaphore_mem>>
      %dma_start3A_86 = arith.constant 0 : i32
      %dma_start3A_87 = arith.constant 0 : i32
      %dma_start3A_88 = tpu.memref_slice %arg3[%add3A, %dma_start3A_86, %dma_start3A_87] : memref<32x80x128xi32, #tpu.memory_space<hbm>> -> memref<1x80x128xi32, #tpu.memory_space<hbm>>
      %dma_start3A_89 = tpu.memref_squeeze %dma_start3A_88 : memref<1x80x128xi32, #tpu.memory_space<hbm>> -> memref<80x128xi32, #tpu.memory_space<hbm>>
      %dma_start3A_90 = arith.constant 0 : i32
      %dma_start3A_91 = arith.constant 0 : i32
      %dma_start3A_92 = tpu.memref_slice %arg3[%add3A, %dma_start3A_90, %dma_start3A_91] : memref<32x80x128xi32, #tpu.memory_space<hbm>> -> memref<1x80x128xi32, #tpu.memory_space<hbm>>
      %dma_start3A_93 = tpu.memref_squeeze %dma_start3A_92 : memref<1x80x128xi32, #tpu.memory_space<hbm>> -> memref<80x128xi32, #tpu.memory_space<hbm>>
      tpu.enqueue_dma source(%dma_start3A_93 : memref<80x128xi32, #tpu.memory_space<hbm>>) target(%arg7 : memref<80x128xi32, #tpu.memory_space<vmem>>) target_semaphore(%run_scoped3A : memref<!tpu.dma_semaphore, #tpu.memory_space<semaphore_mem>>)
      %dma_wait3A_94 = arith.constant 0 : i32
      %dma_wait3A_95 = arith.constant 0 : i32
      %dma_wait3A_96 = tpu.memref_slice %arg3[%add3A, %dma_wait3A_94, %dma_wait3A_95] : memref<32x80x128xi32, #tpu.memory_space<hbm>> -> memref<1x80x128xi32, #tpu.memory_space<hbm>>
      %dma_wait3A_97 = tpu.memref_squeeze %dma_wait3A_96 : memref<1x80x128xi32, #tpu.memory_space<hbm>> -> memref<80x128xi32, #tpu.memory_space<hbm>>
      %dma_wait3A_98 = arith.constant 0 : i32
      %dma_wait3A_99 = arith.constant 0 : i32
      %dma_wait3A_100 = tpu.memref_slice %arg3[%add3A, %dma_wait3A_98, %dma_wait3A_99] : memref<32x80x128xi32, #tpu.memory_space<hbm>> -> memref<1x80x128xi32, #tpu.memory_space<hbm>>
      %dma_wait3A_101 = tpu.memref_squeeze %dma_wait3A_100 : memref<1x80x128xi32, #tpu.memory_space<hbm>> -> memref<80x128xi32, #tpu.memory_space<hbm>>
      tpu.wait_dma2 semaphore(%run_scoped3A : memref<!tpu.dma_semaphore, #tpu.memory_space<semaphore_mem>>) src(%dma_wait3A_101 : memref<80x128xi32, #tpu.memory_space<hbm>>) dst(%arg7 : memref<80x128xi32, #tpu.memory_space<vmem>>)
      tpu.yield
    }) : () -> ()
    "tpu.region"() ({
      %run_scoped3A = tpu.sem_alloc : memref<!tpu.dma_semaphore, #tpu.memory_space<semaphore_mem>>
      %dma_start3A_86 = arith.constant 0 : i32
      %dma_start3A_87 = arith.constant 0 : i32
      %dma_start3A_88 = tpu.memref_slice %arg4[%add3A, %dma_start3A_86, %dma_start3A_87] : memref<32x80x128xi32, #tpu.memory_space<hbm>> -> memref<1x80x128xi32, #tpu.memory_space<hbm>>
      %dma_start3A_89 = tpu.memref_squeeze %dma_start3A_88 : memref<1x80x128xi32, #tpu.memory_space<hbm>> -> memref<80x128xi32, #tpu.memory_space<hbm>>
      %dma_start3A_90 = arith.constant 0 : i32
      %dma_start3A_91 = arith.constant 0 : i32
      %dma_start3A_92 = tpu.memref_slice %arg4[%add3A, %dma_start3A_90, %dma_start3A_91] : memref<32x80x128xi32, #tpu.memory_space<hbm>> -> memref<1x80x128xi32, #tpu.memory_space<hbm>>
      %dma_start3A_93 = tpu.memref_squeeze %dma_start3A_92 : memref<1x80x128xi32, #tpu.memory_space<hbm>> -> memref<80x128xi32, #tpu.memory_space<hbm>>
      tpu.enqueue_dma source(%dma_start3A_93 : memref<80x128xi32, #tpu.memory_space<hbm>>) target(%arg8 : memref<80x128xi32, #tpu.memory_space<vmem>>) target_semaphore(%run_scoped3A : memref<!tpu.dma_semaphore, #tpu.memory_space<semaphore_mem>>)
      %dma_wait3A_94 = arith.constant 0 : i32
      %dma_wait3A_95 = arith.constant 0 : i32
      %dma_wait3A_96 = tpu.memref_slice %arg4[%add3A, %dma_wait3A_94, %dma_wait3A_95] : memref<32x80x128xi32, #tpu.memory_space<hbm>> -> memref<1x80x128xi32, #tpu.memory_space<hbm>>
      %dma_wait3A_97 = tpu.memref_squeeze %dma_wait3A_96 : memref<1x80x128xi32, #tpu.memory_space<hbm>> -> memref<80x128xi32, #tpu.memory_space<hbm>>
      %dma_wait3A_98 = arith.constant 0 : i32
      %dma_wait3A_99 = arith.constant 0 : i32
      %dma_wait3A_100 = tpu.memref_slice %arg4[%add3A, %dma_wait3A_98, %dma_wait3A_99] : memref<32x80x128xi32, #tpu.memory_space<hbm>> -> memref<1x80x128xi32, #tpu.memory_space<hbm>>
      %dma_wait3A_101 = tpu.memref_squeeze %dma_wait3A_100 : memref<1x80x128xi32, #tpu.memory_space<hbm>> -> memref<80x128xi32, #tpu.memory_space<hbm>>
      tpu.wait_dma2 semaphore(%run_scoped3A : memref<!tpu.dma_semaphore, #tpu.memory_space<semaphore_mem>>) src(%dma_wait3A_101 : memref<80x128xi32, #tpu.memory_space<hbm>>) dst(%arg8 : memref<80x128xi32, #tpu.memory_space<vmem>>)
      tpu.yield
    }) : () -> ()
    "tpu.region"() ({
      %run_scoped3A = tpu.sem_alloc : memref<!tpu.dma_semaphore, #tpu.memory_space<semaphore_mem>>
      %dma_start3A_86 = arith.constant 0 : i32
      %dma_start3A_87 = arith.constant 0 : i32
      %dma_start3A_88 = tpu.memref_slice %arg5[%add3A, %dma_start3A_86, %dma_start3A_87] : memref<32x80x128xi32, #tpu.memory_space<hbm>> -> memref<1x80x128xi32, #tpu.memory_space<hbm>>
      %dma_start3A_89 = tpu.memref_squeeze %dma_start3A_88 : memref<1x80x128xi32, #tpu.memory_space<hbm>> -> memref<80x128xi32, #tpu.memory_space<hbm>>
      %dma_start3A_90 = arith.constant 0 : i32
      %dma_start3A_91 = arith.constant 0 : i32
      %dma_start3A_92 = tpu.memref_slice %arg5[%add3A, %dma_start3A_90, %dma_start3A_91] : memref<32x80x128xi32, #tpu.memory_space<hbm>> -> memref<1x80x128xi32, #tpu.memory_space<hbm>>
      %dma_start3A_93 = tpu.memref_squeeze %dma_start3A_92 : memref<1x80x128xi32, #tpu.memory_space<hbm>> -> memref<80x128xi32, #tpu.memory_space<hbm>>
      tpu.enqueue_dma source(%dma_start3A_93 : memref<80x128xi32, #tpu.memory_space<hbm>>) target(%arg9 : memref<80x128xi32, #tpu.memory_space<vmem>>) target_semaphore(%run_scoped3A : memref<!tpu.dma_semaphore, #tpu.memory_space<semaphore_mem>>)
      %dma_wait3A_94 = arith.constant 0 : i32
      %dma_wait3A_95 = arith.constant 0 : i32
      %dma_wait3A_96 = tpu.memref_slice %arg5[%add3A, %dma_wait3A_94, %dma_wait3A_95] : memref<32x80x128xi32, #tpu.memory_space<hbm>> -> memref<1x80x128xi32, #tpu.memory_space<hbm>>
      %dma_wait3A_97 = tpu.memref_squeeze %dma_wait3A_96 : memref<1x80x128xi32, #tpu.memory_space<hbm>> -> memref<80x128xi32, #tpu.memory_space<hbm>>
      %dma_wait3A_98 = arith.constant 0 : i32
      %dma_wait3A_99 = arith.constant 0 : i32
      %dma_wait3A_100 = tpu.memref_slice %arg5[%add3A, %dma_wait3A_98, %dma_wait3A_99] : memref<32x80x128xi32, #tpu.memory_space<hbm>> -> memref<1x80x128xi32, #tpu.memory_space<hbm>>
      %dma_wait3A_101 = tpu.memref_squeeze %dma_wait3A_100 : memref<1x80x128xi32, #tpu.memory_space<hbm>> -> memref<80x128xi32, #tpu.memory_space<hbm>>
      tpu.wait_dma2 semaphore(%run_scoped3A : memref<!tpu.dma_semaphore, #tpu.memory_space<semaphore_mem>>) src(%dma_wait3A_101 : memref<80x128xi32, #tpu.memory_space<hbm>>) dst(%arg9 : memref<80x128xi32, #tpu.memory_space<vmem>>)
      tpu.yield
    }) : () -> ()
    %broadcast_in_dim3A = arith.constant 0.000000e+00 : f32
    %broadcast_in_dim3A_1 = vector.broadcast %broadcast_in_dim3A : f32 to vector<16xf32>
    %scan3A = arith.constant 0 : i32
    %scan3A_2 = arith.constant 0 : i32
    %scan3A_3 = arith.constant 128 : i32
    %scan3A_4 = arith.addi %scan3A_2, %scan3A_3 : i32
    %scan3A_5 = arith.constant 1 : i32
    scf.for %scan3A_86 = %scan3A_2 to %scan3A_4 step %scan3A_5  : i32 {
      %swap3A = arith.index_cast %scan3A_86 : i32 to index
      %swap3A_87 = arith.constant 0 : index
      %swap3A_88 = tpu.vector_load %arg10[%swap3A, %swap3A_87] {strides = array<i32>} : memref<128x128xf32, #tpu.memory_space<vmem>>, vector<1x16xf32>,
      %swap3A_89 = vector.shape_cast %swap3A_88 : vector<1x16xf32> to vector<16xf32>
      %swap3A_90 = vector.shape_cast %broadcast_in_dim3A_1 : vector<16xf32> to vector<1x16xf32>
      tpu.vector_store %arg10[%swap3A, %swap3A_87], %swap3A_90 {strides = array<i32>} : memref<128x128xf32, #tpu.memory_space<vmem>>, vector<1x16xf32>,
      %swap3A_91 = arith.index_cast %scan3A_86 : i32 to index
      %swap3A_92 = arith.constant 16 : index
      %swap3A_93 = tpu.vector_load %arg10[%swap3A_91, %swap3A_92] {strides = array<i32>} : memref<128x128xf32, #tpu.memory_space<vmem>>, vector<1x16xf32>,
      %swap3A_94 = vector.shape_cast %swap3A_93 : vector<1x16xf32> to vector<16xf32>
      %swap3A_95 = vector.shape_cast %broadcast_in_dim3A_1 : vector<16xf32> to vector<1x16xf32>
      tpu.vector_store %arg10[%swap3A_91, %swap3A_92], %swap3A_95 {strides = array<i32>} : memref<128x128xf32, #tpu.memory_space<vmem>>, vector<1x16xf32>,
      %swap3A_96 = arith.index_cast %scan3A_86 : i32 to index
      %swap3A_97 = arith.constant 32 : index
      %swap3A_98 = tpu.vector_load %arg10[%swap3A_96, %swap3A_97] {strides = array<i32>} : memref<128x128xf32, #tpu.memory_space<vmem>>, vector<1x16xf32>,
      %swap3A_99 = vector.shape_cast %swap3A_98 : vector<1x16xf32> to vector<16xf32>
      %swap3A_100 = vector.shape_cast %broadcast_in_dim3A_1 : vector<16xf32> to vector<1x16xf32>
      tpu.vector_store %arg10[%swap3A_96, %swap3A_97], %swap3A_100 {strides = array<i32>} : memref<128x128xf32, #tpu.memory_space<vmem>>, vector<1x16xf32>,
      %swap3A_101 = arith.index_cast %scan3A_86 : i32 to index
      %swap3A_102 = arith.constant 48 : index
      %swap3A_103 = tpu.vector_load %arg10[%swap3A_101, %swap3A_102] {strides = array<i32>} : memref<128x128xf32, #tpu.memory_space<vmem>>, vector<1x16xf32>,
      %swap3A_104 = vector.shape_cast %swap3A_103 : vector<1x16xf32> to vector<16xf32>
      %swap3A_105 = vector.shape_cast %broadcast_in_dim3A_1 : vector<16xf32> to vector<1x16xf32>
      tpu.vector_store %arg10[%swap3A_101, %swap3A_102], %swap3A_105 {strides = array<i32>} : memref<128x128xf32, #tpu.memory_space<vmem>>, vector<1x16xf32>,
      %swap3A_106 = arith.index_cast %scan3A_86 : i32 to index
      %swap3A_107 = arith.constant 64 : index
      %swap3A_108 = tpu.vector_load %arg10[%swap3A_106, %swap3A_107] {strides = array<i32>} : memref<128x128xf32, #tpu.memory_space<vmem>>, vector<1x16xf32>,
      %swap3A_109 = vector.shape_cast %swap3A_108 : vector<1x16xf32> to vector<16xf32>
      %swap3A_110 = vector.shape_cast %broadcast_in_dim3A_1 : vector<16xf32> to vector<1x16xf32>
      tpu.vector_store %arg10[%swap3A_106, %swap3A_107], %swap3A_110 {strides = array<i32>} : memref<128x128xf32, #tpu.memory_space<vmem>>, vector<1x16xf32>,
      %swap3A_111 = arith.index_cast %scan3A_86 : i32 to index
      %swap3A_112 = arith.constant 80 : index
      %swap3A_113 = tpu.vector_load %arg10[%swap3A_111, %swap3A_112] {strides = array<i32>} : memref<128x128xf32, #tpu.memory_space<vmem>>, vector<1x16xf32>,
      %swap3A_114 = vector.shape_cast %swap3A_113 : vector<1x16xf32> to vector<16xf32>
      %swap3A_115 = vector.shape_cast %broadcast_in_dim3A_1 : vector<16xf32> to vector<1x16xf32>
      tpu.vector_store %arg10[%swap3A_111, %swap3A_112], %swap3A_115 {strides = array<i32>} : memref<128x128xf32, #tpu.memory_space<vmem>>, vector<1x16xf32>,
      %swap3A_116 = arith.index_cast %scan3A_86 : i32 to index
      %swap3A_117 = arith.constant 96 : index
      %swap3A_118 = tpu.vector_load %arg10[%swap3A_116, %swap3A_117] {strides = array<i32>} : memref<128x128xf32, #tpu.memory_space<vmem>>, vector<1x16xf32>,
      %swap3A_119 = vector.shape_cast %swap3A_118 : vector<1x16xf32> to vector<16xf32>
      %swap3A_120 = vector.shape_cast %broadcast_in_dim3A_1 : vector<16xf32> to vector<1x16xf32>
      tpu.vector_store %arg10[%swap3A_116, %swap3A_117], %swap3A_120 {strides = array<i32>} : memref<128x128xf32, #tpu.memory_space<vmem>>, vector<1x16xf32>,
      %swap3A_121 = arith.index_cast %scan3A_86 : i32 to index
      %swap3A_122 = arith.constant 112 : index
      %swap3A_123 = tpu.vector_load %arg10[%swap3A_121, %swap3A_122] {strides = array<i32>} : memref<128x128xf32, #tpu.memory_space<vmem>>, vector<1x16xf32>,
      %swap3A_124 = vector.shape_cast %swap3A_123 : vector<1x16xf32> to vector<16xf32>
      %swap3A_125 = vector.shape_cast %broadcast_in_dim3A_1 : vector<16xf32> to vector<1x16xf32>
      tpu.vector_store %arg10[%swap3A_121, %swap3A_122], %swap3A_125 {strides = array<i32>} : memref<128x128xf32, #tpu.memory_space<vmem>>, vector<1x16xf32>,
    }
    %scan3A_6 = arith.constant 128 : i32
    %mul3A_7 = arith.constant 328 : i32
    %mul3A_8 = arith.muli %arg1, %mul3A_7 : i32
    "tpu.region"() ({
      %run_scoped3A = tpu.sem_alloc : memref<!tpu.dma_semaphore, #tpu.memory_space<semaphore_mem>>
      %dma_start3A_86 = arith.constant 0 : i32
      %dma_start3A_87 = tpu.memref_slice %arg12[%mul3A_8, %dma_start3A_86] : memref<5248x128xf32, #tpu.memory_space<vmem_shared>> -> memref<128x128xf32, #tpu.memory_space<vmem_shared>>
      %dma_start3A_88 = arith.constant 0 : i32
      %dma_start3A_89 = tpu.memref_slice %arg12[%mul3A_8, %dma_start3A_88] : memref<5248x128xf32, #tpu.memory_space<vmem_shared>> -> memref<128x128xf32, #tpu.memory_space<vmem_shared>>
      tpu.enqueue_dma source(%arg10 : memref<128x128xf32, #tpu.memory_space<vmem>>) target(%dma_start3A_89 : memref<128x128xf32, #tpu.memory_space<vmem_shared>>) target_semaphore(%run_scoped3A : memref<!tpu.dma_semaphore, #tpu.memory_space<semaphore_mem>>)
      %dma_wait3A_90 = arith.constant 0 : i32
      %dma_wait3A_91 = tpu.memref_slice %arg12[%mul3A_8, %dma_wait3A_90] : memref<5248x128xf32, #tpu.memory_space<vmem_shared>> -> memref<128x128xf32, #tpu.memory_space<vmem_shared>>
      %dma_wait3A_92 = arith.constant 0 : i32
      %dma_wait3A_93 = tpu.memref_slice %arg12[%mul3A_8, %dma_wait3A_92] : memref<5248x128xf32, #tpu.memory_space<vmem_shared>> -> memref<128x128xf32, #tpu.memory_space<vmem_shared>>
      tpu.wait_dma2 semaphore(%run_scoped3A : memref<!tpu.dma_semaphore, #tpu.memory_space<semaphore_mem>>) src(%arg10 : memref<128x128xf32, #tpu.memory_space<vmem>>) dst(%dma_wait3A_93 : memref<128x128xf32, #tpu.memory_space<vmem_shared>>)
      tpu.yield
    }) : () -> ()
    %mul3A_9 = arith.constant 328 : i32
    %mul3A_10 = arith.muli %arg1, %mul3A_9 : i32
    %add3A_11 = arith.constant 128 : i32
    %add3A_12 = arith.addi %mul3A_10, %add3A_11 : i32
    "tpu.region"() ({
      %run_scoped3A = tpu.sem_alloc : memref<!tpu.dma_semaphore, #tpu.memory_space<semaphore_mem>>
      %dma_start3A_86 = arith.constant 0 : i32
      %dma_start3A_87 = tpu.memref_slice %arg12[%add3A_12, %dma_start3A_86] : memref<5248x128xf32, #tpu.memory_space<vmem_shared>> -> memref<128x128xf32, #tpu.memory_space<vmem_shared>>
      %dma_start3A_88 = arith.constant 0 : i32
      %dma_start3A_89 = tpu.memref_slice %arg12[%add3A_12, %dma_start3A_88] : memref<5248x128xf32, #tpu.memory_space<vmem_shared>> -> memref<128x128xf32, #tpu.memory_space<vmem_shared>>
      tpu.enqueue_dma source(%arg10 : memref<128x128xf32, #tpu.memory_space<vmem>>) target(%dma_start3A_89 : memref<128x128xf32, #tpu.memory_space<vmem_shared>>) target_semaphore(%run_scoped3A : memref<!tpu.dma_semaphore, #tpu.memory_space<semaphore_mem>>)
      %dma_wait3A_90 = arith.constant 0 : i32
      %dma_wait3A_91 = tpu.memref_slice %arg12[%add3A_12, %dma_wait3A_90] : memref<5248x128xf32, #tpu.memory_space<vmem_shared>> -> memref<128x128xf32, #tpu.memory_space<vmem_shared>>
      %dma_wait3A_92 = arith.constant 0 : i32
      %dma_wait3A_93 = tpu.memref_slice %arg12[%add3A_12, %dma_wait3A_92] : memref<5248x128xf32, #tpu.memory_space<vmem_shared>> -> memref<128x128xf32, #tpu.memory_space<vmem_shared>>
      tpu.wait_dma2 semaphore(%run_scoped3A : memref<!tpu.dma_semaphore, #tpu.memory_space<semaphore_mem>>) src(%arg10 : memref<128x128xf32, #tpu.memory_space<vmem>>) dst(%dma_wait3A_93 : memref<128x128xf32, #tpu.memory_space<vmem_shared>>)
      tpu.yield
    }) : () -> ()
    %mul3A_13 = arith.constant 328 : i32
    %mul3A_14 = arith.muli %arg1, %mul3A_13 : i32
    %add3A_15 = arith.constant 256 : i32
    %add3A_16 = arith.addi %mul3A_14, %add3A_15 : i32
    "tpu.region"() ({
      %run_scoped3A = tpu.sem_alloc : memref<!tpu.dma_semaphore, #tpu.memory_space<semaphore_mem>>
      %dma_start3A_86 = arith.constant 0 : i32
      %dma_start3A_87 = arith.constant 0 : i32
      %dma_start3A_88 = tpu.memref_slice %arg10[%dma_start3A_86, %dma_start3A_87] : memref<128x128xf32, #tpu.memory_space<vmem>> -> memref<72x128xf32, #tpu.memory_space<vmem>>
      %dma_start3A_89 = arith.constant 0 : i32
      %dma_start3A_90 = tpu.memref_slice %arg12[%add3A_16, %dma_start3A_89] : memref<5248x128xf32, #tpu.memory_space<vmem_shared>> -> memref<72x128xf32, #tpu.memory_space<vmem_shared>>
      %dma_start3A_91 = arith.constant 0 : i32
      %dma_start3A_92 = tpu.memref_slice %arg12[%add3A_16, %dma_start3A_91] : memref<5248x128xf32, #tpu.memory_space<vmem_shared>> -> memref<72x128xf32, #tpu.memory_space<vmem_shared>>
      %dma_start3A_93 = arith.constant 0 : i32
      %dma_start3A_94 = arith.constant 0 : i32
      %dma_start3A_95 = tpu.memref_slice %arg10[%dma_start3A_93, %dma_start3A_94] : memref<128x128xf32, #tpu.memory_space<vmem>> -> memref<72x128xf32, #tpu.memory_space<vmem>>
      tpu.enqueue_dma source(%dma_start3A_95 : memref<72x128xf32, #tpu.memory_space<vmem>>) target(%dma_start3A_92 : memref<72x128xf32, #tpu.memory_space<vmem_shared>>) target_semaphore(%run_scoped3A : memref<!tpu.dma_semaphore, #tpu.memory_space<semaphore_mem>>)
      %dma_wait3A_96 = arith.constant 0 : i32
      %dma_wait3A_97 = arith.constant 0 : i32
      %dma_wait3A_98 = tpu.memref_slice %arg10[%dma_wait3A_96, %dma_wait3A_97] : memref<128x128xf32, #tpu.memory_space<vmem>> -> memref<72x128xf32, #tpu.memory_space<vmem>>
      %dma_wait3A_99 = arith.constant 0 : i32
      %dma_wait3A_100 = tpu.memref_slice %arg12[%add3A_16, %dma_wait3A_99] : memref<5248x128xf32, #tpu.memory_space<vmem_shared>> -> memref<72x128xf32, #tpu.memory_space<vmem_shared>>
      %dma_wait3A_101 = arith.constant 0 : i32
      %dma_wait3A_102 = tpu.memref_slice %arg12[%add3A_16, %dma_wait3A_101] : memref<5248x128xf32, #tpu.memory_space<vmem_shared>> -> memref<72x128xf32, #tpu.memory_space<vmem_shared>>
      %dma_wait3A_103 = arith.constant 0 : i32
      %dma_wait3A_104 = arith.constant 0 : i32
      %dma_wait3A_105 = tpu.memref_slice %arg10[%dma_wait3A_103, %dma_wait3A_104] : memref<128x128xf32, #tpu.memory_space<vmem>> -> memref<72x128xf32, #tpu.memory_space<vmem>>
      tpu.wait_dma2 semaphore(%run_scoped3A : memref<!tpu.dma_semaphore, #tpu.memory_space<semaphore_mem>>) src(%dma_wait3A_105 : memref<72x128xf32, #tpu.memory_space<vmem>>) dst(%dma_wait3A_102 : memref<72x128xf32, #tpu.memory_space<vmem_shared>>)
      tpu.yield
    }) : () -> ()
    %barrier3A = arith.constant 0 : index
    tpu.barrier barrier_id(%barrier3A)
    %dma_start3A = arith.constant 0 : i32
    %dma_start3A_17 = arith.constant 0 : i32
    %dma_start3A_18 = tpu.memref_slice %arg7[%dma_start3A, %dma_start3A_17] : memref<80x128xi32, #tpu.memory_space<vmem>> -> memref<1x128xi32, #tpu.memory_space<vmem>>
    %dma_start3A_19 = tpu.memref_squeeze %dma_start3A_18 : memref<1x128xi32, #tpu.memory_space<vmem>> -> memref<128xi32, #tpu.memory_space<vmem>>
    %dma_start3A_20 = arith.constant 0 : i32
    %dma_start3A_21 = arith.constant 0 : i32
    %dma_start3A_22 = tpu.memref_slice %arg2[%dma_start3A_20, %dma_start3A_21] : memref<10000x128xf32, #tpu.memory_space<hbm>> -> memref<10000x128xf32, #tpu.memory_space<hbm>>
    tpu.enqueue_indirect_dma source(%dma_start3A_22 : memref<10000x128xf32, #tpu.memory_space<hbm>>) target(%arg10 : memref<128x128xf32, #tpu.memory_space<vmem>>) offsets(%dma_start3A_19 : memref<128xi32, #tpu.memory_space<vmem>>) semaphore(%arg13 : memref<!tpu.dma_semaphore, #tpu.memory_space<semaphore_mem>>)
    %scan3A_23 = arith.constant 0 : i32
    %scan3A_24 = arith.constant 0 : i32
    %scan3A_25 = arith.constant 40 : i32
    %scan3A_26 = arith.addi %scan3A_24, %scan3A_25 : i32
    %scan3A_27 = arith.constant 1 : i32
    scf.for %scan3A_86 = %scan3A_24 to %scan3A_26 step %scan3A_27  : i32 {
      %mul3A_87 = arith.constant 2 : i32
      %mul3A_88 = arith.muli %mul3A_87, %scan3A_86 : i32
      %mul3A_89 = arith.constant 2 : i32
      %mul3A_90 = arith.muli %mul3A_89, %scan3A_86 : i32
      %add3A_91 = arith.constant 1 : i32
      %add3A_92 = arith.addi %mul3A_90, %add3A_91 : i32
      %mul3A_93 = arith.constant 2 : i32
      %mul3A_94 = arith.muli %mul3A_93, %scan3A_86 : i32
      %add3A_95 = arith.constant 2 : i32
      %add3A_96 = arith.addi %mul3A_94, %add3A_95 : i32
      %jit3A = arith.constant 80 : i32
      %eq3A_97 = arith.constant 0 : i32
      %eq3A_98 = arith.cmpi eq, %jit3A, %eq3A_97 : i32
      %jit3A_99 = arith.constant 1 : i32
      %select_n3A = arith.select %eq3A_98, %jit3A_99, %jit3A : i32
      %rem3A = arith.remsi %add3A_96, %select_n3A : i32
      %ne3A = arith.constant 0 : i32
      %ne3A_100 = arith.cmpi ne, %rem3A, %ne3A : i32
      %lt3A_101 = arith.constant 0 : i32
      %lt3A_102 = arith.cmpi slt, %rem3A, %lt3A_101 : i32
      %lt3A_103 = arith.constant 0 : i32
      %lt3A_104 = arith.cmpi slt, %select_n3A, %lt3A_103 : i32
      %ne3A_105 = arith.xori %lt3A_102, %lt3A_104 : i1
      %and3A = arith.andi %ne3A_105, %ne3A_100 : i1
      %add3A_106 = arith.addi %rem3A, %select_n3A : i32
      %select_n3A_107 = arith.select %and3A, %add3A_106, %rem3A : i32
      %dma_wait3A_108 = arith.constant 0 : i32
      %dma_wait3A_109 = tpu.memref_slice %arg7[%mul3A_88, %dma_wait3A_108] : memref<80x128xi32, #tpu.memory_space<vmem>> -> memref<1x128xi32, #tpu.memory_space<vmem>>
      %dma_wait3A_110 = tpu.memref_squeeze %dma_wait3A_109 : memref<1x128xi32, #tpu.memory_space<vmem>> -> memref<128xi32, #tpu.memory_space<vmem>>
      %dma_wait3A_111 = arith.constant 0 : i32
      %dma_wait3A_112 = arith.constant 0 : i32
      %dma_wait3A_113 = tpu.memref_slice %arg2[%dma_wait3A_111, %dma_wait3A_112] : memref<10000x128xf32, #tpu.memory_space<hbm>> -> memref<10000x128xf32, #tpu.memory_space<hbm>>
      tpu.wait_indirect_dma semaphore(%arg13 : memref<!tpu.dma_semaphore, #tpu.memory_space<semaphore_mem>>) src(%dma_wait3A_113 : memref<10000x128xf32, #tpu.memory_space<hbm>>) dst(%arg10 : memref<128x128xf32, #tpu.memory_space<vmem>>)
      %dma_start3A_114 = arith.constant 0 : i32
      %dma_start3A_115 = tpu.memref_slice %arg7[%add3A_92, %dma_start3A_114] : memref<80x128xi32, #tpu.memory_space<vmem>> -> memref<1x128xi32, #tpu.memory_space<vmem>>
      %dma_start3A_116 = tpu.memref_squeeze %dma_start3A_115 : memref<1x128xi32, #tpu.memory_space<vmem>> -> memref<128xi32, #tpu.memory_space<vmem>>
      %dma_start3A_117 = arith.constant 0 : i32
      %dma_start3A_118 = arith.constant 0 : i32
      %dma_start3A_119 = tpu.memref_slice %arg2[%dma_start3A_117, %dma_start3A_118] : memref<10000x128xf32, #tpu.memory_space<hbm>> -> memref<10000x128xf32, #tpu.memory_space<hbm>>
      tpu.enqueue_indirect_dma source(%dma_start3A_119 : memref<10000x128xf32, #tpu.memory_space<hbm>>) target(%arg11 : memref<128x128xf32, #tpu.memory_space<vmem>>) offsets(%dma_start3A_116 : memref<128xi32, #tpu.memory_space<vmem>>) semaphore(%arg14 : memref<!tpu.dma_semaphore, #tpu.memory_space<semaphore_mem>>)
      "tpu.region"() ({
        %run_scoped3A = tpu.sem_alloc : memref<!tpu.dma_semaphore, #tpu.memory_space<semaphore_mem>>
        %dma_start3A_132 = arith.constant 0 : i32
        %dma_start3A_133 = tpu.memref_slice %arg8[%mul3A_88, %dma_start3A_132] : memref<80x128xi32, #tpu.memory_space<vmem>> -> memref<1x128xi32, #tpu.memory_space<vmem>>
        %dma_start3A_134 = tpu.memref_squeeze %dma_start3A_133 : memref<1x128xi32, #tpu.memory_space<vmem>> -> memref<128xi32, #tpu.memory_space<vmem>>
        %dma_start3A_135 = arith.constant 0 : i32
        %dma_start3A_136 = arith.constant 0 : i32
        %dma_start3A_137 = tpu.memref_slice %arg12[%dma_start3A_135, %dma_start3A_136] : memref<5248x128xf32, #tpu.memory_space<vmem_shared>> -> memref<5248x128xf32, #tpu.memory_space<vmem_shared>>
        tpu.enqueue_indirect_dma source(%arg10 : memref<128x128xf32, #tpu.memory_space<vmem>>) target(%dma_start3A_137 : memref<5248x128xf32, #tpu.memory_space<vmem_shared>>) offsets(%dma_start3A_134 : memref<128xi32, #tpu.memory_space<vmem>>) semaphore(%run_scoped3A : memref<!tpu.dma_semaphore, #tpu.memory_space<semaphore_mem>>) {add = true}
        %dma_wait3A_138 = arith.constant 0 : i32
        %dma_wait3A_139 = tpu.memref_slice %arg8[%mul3A_88, %dma_wait3A_138] : memref<80x128xi32, #tpu.memory_space<vmem>> -> memref<1x128xi32, #tpu.memory_space<vmem>>
        %dma_wait3A_140 = tpu.memref_squeeze %dma_wait3A_139 : memref<1x128xi32, #tpu.memory_space<vmem>> -> memref<128xi32, #tpu.memory_space<vmem>>
        %dma_wait3A_141 = arith.constant 0 : i32
        %dma_wait3A_142 = arith.constant 0 : i32
        %dma_wait3A_143 = tpu.memref_slice %arg12[%dma_wait3A_141, %dma_wait3A_142] : memref<5248x128xf32, #tpu.memory_space<vmem_shared>> -> memref<5248x128xf32, #tpu.memory_space<vmem_shared>>
        tpu.wait_indirect_dma semaphore(%run_scoped3A : memref<!tpu.dma_semaphore, #tpu.memory_space<semaphore_mem>>) src(%arg10 : memref<128x128xf32, #tpu.memory_space<vmem>>) dst(%dma_wait3A_143 : memref<5248x128xf32, #tpu.memory_space<vmem_shared>>)
        tpu.yield
      }) : () -> ()
      %dma_start3A_120 = arith.constant 0 : i32
      %dma_start3A_121 = tpu.memref_slice %arg7[%select_n3A_107, %dma_start3A_120] : memref<80x128xi32, #tpu.memory_space<vmem>> -> memref<1x128xi32, #tpu.memory_space<vmem>>
      %dma_start3A_122 = tpu.memref_squeeze %dma_start3A_121 : memref<1x128xi32, #tpu.memory_space<vmem>> -> memref<128xi32, #tpu.memory_space<vmem>>
      %dma_start3A_123 = arith.constant 0 : i32
      %dma_start3A_124 = arith.constant 0 : i32
      %dma_start3A_125 = tpu.memref_slice %arg2[%dma_start3A_123, %dma_start3A_124] : memref<10000x128xf32, #tpu.memory_space<hbm>> -> memref<10000x128xf32, #tpu.memory_space<hbm>>
      tpu.enqueue_indirect_dma source(%dma_start3A_125 : memref<10000x128xf32, #tpu.memory_space<hbm>>) target(%arg10 : memref<128x128xf32, #tpu.memory_space<vmem>>) offsets(%dma_start3A_122 : memref<128xi32, #tpu.memory_space<vmem>>) semaphore(%arg13 : memref<!tpu.dma_semaphore, #tpu.memory_space<semaphore_mem>>)
      %dma_wait3A_126 = arith.constant 0 : i32
      %dma_wait3A_127 = tpu.memref_slice %arg7[%add3A_92, %dma_wait3A_126] : memref<80x128xi32, #tpu.memory_space<vmem>> -> memref<1x128xi32, #tpu.memory_space<vmem>>
      %dma_wait3A_128 = tpu.memref_squeeze %dma_wait3A_127 : memref<1x128xi32, #tpu.memory_space<vmem>> -> memref<128xi32, #tpu.memory_space<vmem>>
      %dma_wait3A_129 = arith.constant 0 : i32
      %dma_wait3A_130 = arith.constant 0 : i32
      %dma_wait3A_131 = tpu.memref_slice %arg2[%dma_wait3A_129, %dma_wait3A_130] : memref<10000x128xf32, #tpu.memory_space<hbm>> -> memref<10000x128xf32, #tpu.memory_space<hbm>>
      tpu.wait_indirect_dma semaphore(%arg14 : memref<!tpu.dma_semaphore, #tpu.memory_space<semaphore_mem>>) src(%dma_wait3A_131 : memref<10000x128xf32, #tpu.memory_space<hbm>>) dst(%arg11 : memref<128x128xf32, #tpu.memory_space<vmem>>)
      "tpu.region"() ({
        %run_scoped3A = tpu.sem_alloc : memref<!tpu.dma_semaphore, #tpu.memory_space<semaphore_mem>>
        %dma_start3A_132 = arith.constant 0 : i32
        %dma_start3A_133 = tpu.memref_slice %arg8[%add3A_92, %dma_start3A_132] : memref<80x128xi32, #tpu.memory_space<vmem>> -> memref<1x128xi32, #tpu.memory_space<vmem>>
        %dma_start3A_134 = tpu.memref_squeeze %dma_start3A_133 : memref<1x128xi32, #tpu.memory_space<vmem>> -> memref<128xi32, #tpu.memory_space<vmem>>
        %dma_start3A_135 = arith.constant 0 : i32
        %dma_start3A_136 = arith.constant 0 : i32
        %dma_start3A_137 = tpu.memref_slice %arg12[%dma_start3A_135, %dma_start3A_136] : memref<5248x128xf32, #tpu.memory_space<vmem_shared>> -> memref<5248x128xf32, #tpu.memory_space<vmem_shared>>
        tpu.enqueue_indirect_dma source(%arg11 : memref<128x128xf32, #tpu.memory_space<vmem>>) target(%dma_start3A_137 : memref<5248x128xf32, #tpu.memory_space<vmem_shared>>) offsets(%dma_start3A_134 : memref<128xi32, #tpu.memory_space<vmem>>) semaphore(%run_scoped3A : memref<!tpu.dma_semaphore, #tpu.memory_space<semaphore_mem>>) {add = true}
        %dma_wait3A_138 = arith.constant 0 : i32
        %dma_wait3A_139 = tpu.memref_slice %arg8[%add3A_92, %dma_wait3A_138] : memref<80x128xi32, #tpu.memory_space<vmem>> -> memref<1x128xi32, #tpu.memory_space<vmem>>
        %dma_wait3A_140 = tpu.memref_squeeze %dma_wait3A_139 : memref<1x128xi32, #tpu.memory_space<vmem>> -> memref<128xi32, #tpu.memory_space<vmem>>
        %dma_wait3A_141 = arith.constant 0 : i32
        %dma_wait3A_142 = arith.constant 0 : i32
        %dma_wait3A_143 = tpu.memref_slice %arg12[%dma_wait3A_141, %dma_wait3A_142] : memref<5248x128xf32, #tpu.memory_space<vmem_shared>> -> memref<5248x128xf32, #tpu.memory_space<vmem_shared>>
        tpu.wait_indirect_dma semaphore(%run_scoped3A : memref<!tpu.dma_semaphore, #tpu.memory_space<semaphore_mem>>) src(%arg11 : memref<128x128xf32, #tpu.memory_space<vmem>>) dst(%dma_wait3A_143 : memref<5248x128xf32, #tpu.memory_space<vmem_shared>>)
        tpu.yield
      }) : () -> ()
    }
    %scan3A_28 = arith.constant 40 : i32
    %dma_wait3A = arith.constant 0 : i32
    %dma_wait3A_29 = arith.constant 0 : i32
    %dma_wait3A_30 = tpu.memref_slice %arg7[%dma_wait3A, %dma_wait3A_29] : memref<80x128xi32, #tpu.memory_space<vmem>> -> memref<1x128xi32, #tpu.memory_space<vmem>>
    %dma_wait3A_31 = tpu.memref_squeeze %dma_wait3A_30 : memref<1x128xi32, #tpu.memory_space<vmem>> -> memref<128xi32, #tpu.memory_space<vmem>>
    %dma_wait3A_32 = arith.constant 0 : i32
    %dma_wait3A_33 = arith.constant 0 : i32
    %dma_wait3A_34 = tpu.memref_slice %arg2[%dma_wait3A_32, %dma_wait3A_33] : memref<10000x128xf32, #tpu.memory_space<hbm>> -> memref<10000x128xf32, #tpu.memory_space<hbm>>
    tpu.wait_indirect_dma semaphore(%arg13 : memref<!tpu.dma_semaphore, #tpu.memory_space<semaphore_mem>>) src(%dma_wait3A_34 : memref<10000x128xf32, #tpu.memory_space<hbm>>) dst(%arg10 : memref<128x128xf32, #tpu.memory_space<vmem>>)
    %barrier3A_35 = arith.constant 0 : index
    tpu.barrier barrier_id(%barrier3A_35)
    %mul3A_36 = arith.constant 320 : i32
    %mul3A_37 = arith.muli %arg1, %mul3A_36 : i32
    %mul3A_38 = arith.constant 320 : i32
    %mul3A_39 = arith.muli %arg1, %mul3A_38 : i32
    "tpu.region"() ({
      %run_scoped3A = tpu.sem_alloc : memref<!tpu.dma_semaphore, #tpu.memory_space<semaphore_mem>>
      %dma_start3A_86 = arith.constant 0 : i32
      %dma_start3A_87 = tpu.memref_slice %arg6[%arg0, %mul3A_39, %dma_start3A_86] : memref<2x10000x128xf32, #tpu.memory_space<hbm>> -> memref<1x320x128xf32, #tpu.memory_space<hbm>>
      %dma_start3A_88 = tpu.memref_squeeze %dma_start3A_87 : memref<1x320x128xf32, #tpu.memory_space<hbm>> -> memref<320x128xf32, #tpu.memory_space<hbm>>
      %dma_start3A_89 = arith.constant 0 : i32
      %dma_start3A_90 = tpu.memref_slice %arg12[%mul3A_37, %dma_start3A_89] : memref<5248x128xf32, #tpu.memory_space<vmem_shared>> -> memref<320x128xf32, #tpu.memory_space<vmem_shared>>
      tpu.enqueue_dma source(%dma_start3A_90 : memref<320x128xf32, #tpu.memory_space<vmem_shared>>) target(%dma_start3A_88 : memref<320x128xf32, #tpu.memory_space<hbm>>) target_semaphore(%run_scoped3A : memref<!tpu.dma_semaphore, #tpu.memory_space<semaphore_mem>>)
      %dma_wait3A_91 = arith.constant 0 : i32
      %dma_wait3A_92 = tpu.memref_slice %arg6[%arg0, %mul3A_39, %dma_wait3A_91] : memref<2x10000x128xf32, #tpu.memory_space<hbm>> -> memref<1x320x128xf32, #tpu.memory_space<hbm>>
      %dma_wait3A_93 = tpu.memref_squeeze %dma_wait3A_92 : memref<1x320x128xf32, #tpu.memory_space<hbm>> -> memref<320x128xf32, #tpu.memory_space<hbm>>
      %dma_wait3A_94 = arith.constant 0 : i32
      %dma_wait3A_95 = tpu.memref_slice %arg12[%mul3A_37, %dma_wait3A_94] : memref<5248x128xf32, #tpu.memory_space<vmem_shared>> -> memref<320x128xf32, #tpu.memory_space<vmem_shared>>
      tpu.wait_dma2 semaphore(%run_scoped3A : memref<!tpu.dma_semaphore, #tpu.memory_space<semaphore_mem>>) src(%dma_wait3A_95 : memref<320x128xf32, #tpu.memory_space<vmem_shared>>) dst(%dma_wait3A_93 : memref<320x128xf32, #tpu.memory_space<hbm>>)
      tpu.yield
    }) : () -> ()
    %barrier3A_40 = arith.constant 0 : index
    tpu.barrier barrier_id(%barrier3A_40)
    %scan3A_41 = arith.constant 0 : i32
    %scan3A_42 = arith.constant 0 : i32
    %scan3A_43 = arith.constant 128 : i32
    %scan3A_44 = arith.addi %scan3A_42, %scan3A_43 : i32
    %scan3A_45 = arith.constant 1 : i32
    scf.for %scan3A_86 = %scan3A_42 to %scan3A_44 step %scan3A_45  : i32 {
      %swap3A = arith.index_cast %scan3A_86 : i32 to index
      %swap3A_87 = arith.constant 0 : index
      %swap3A_88 = tpu.vector_load %arg10[%swap3A, %swap3A_87] {strides = array<i32>} : memref<128x128xf32, #tpu.memory_space<vmem>>, vector<1x16xf32>,
      %swap3A_89 = vector.shape_cast %swap3A_88 : vector<1x16xf32> to vector<16xf32>
      %swap3A_90 = vector.shape_cast %broadcast_in_dim3A_1 : vector<16xf32> to vector<1x16xf32>
      tpu.vector_store %arg10[%swap3A, %swap3A_87], %swap3A_90 {strides = array<i32>} : memref<128x128xf32, #tpu.memory_space<vmem>>, vector<1x16xf32>,
      %swap3A_91 = arith.index_cast %scan3A_86 : i32 to index
      %swap3A_92 = arith.constant 16 : index
      %swap3A_93 = tpu.vector_load %arg10[%swap3A_91, %swap3A_92] {strides = array<i32>} : memref<128x128xf32, #tpu.memory_space<vmem>>, vector<1x16xf32>,
      %swap3A_94 = vector.shape_cast %swap3A_93 : vector<1x16xf32> to vector<16xf32>
      %swap3A_95 = vector.shape_cast %broadcast_in_dim3A_1 : vector<16xf32> to vector<1x16xf32>
      tpu.vector_store %arg10[%swap3A_91, %swap3A_92], %swap3A_95 {strides = array<i32>} : memref<128x128xf32, #tpu.memory_space<vmem>>, vector<1x16xf32>,
      %swap3A_96 = arith.index_cast %scan3A_86 : i32 to index
      %swap3A_97 = arith.constant 32 : index
      %swap3A_98 = tpu.vector_load %arg10[%swap3A_96, %swap3A_97] {strides = array<i32>} : memref<128x128xf32, #tpu.memory_space<vmem>>, vector<1x16xf32>,
      %swap3A_99 = vector.shape_cast %swap3A_98 : vector<1x16xf32> to vector<16xf32>
      %swap3A_100 = vector.shape_cast %broadcast_in_dim3A_1 : vector<16xf32> to vector<1x16xf32>
      tpu.vector_store %arg10[%swap3A_96, %swap3A_97], %swap3A_100 {strides = array<i32>} : memref<128x128xf32, #tpu.memory_space<vmem>>, vector<1x16xf32>,
      %swap3A_101 = arith.index_cast %scan3A_86 : i32 to index
      %swap3A_102 = arith.constant 48 : index
      %swap3A_103 = tpu.vector_load %arg10[%swap3A_101, %swap3A_102] {strides = array<i32>} : memref<128x128xf32, #tpu.memory_space<vmem>>, vector<1x16xf32>,
      %swap3A_104 = vector.shape_cast %swap3A_103 : vector<1x16xf32> to vector<16xf32>
      %swap3A_105 = vector.shape_cast %broadcast_in_dim3A_1 : vector<16xf32> to vector<1x16xf32>
      tpu.vector_store %arg10[%swap3A_101, %swap3A_102], %swap3A_105 {strides = array<i32>} : memref<128x128xf32, #tpu.memory_space<vmem>>, vector<1x16xf32>,
      %swap3A_106 = arith.index_cast %scan3A_86 : i32 to index
      %swap3A_107 = arith.constant 64 : index
      %swap3A_108 = tpu.vector_load %arg10[%swap3A_106, %swap3A_107] {strides = array<i32>} : memref<128x128xf32, #tpu.memory_space<vmem>>, vector<1x16xf32>,
      %swap3A_109 = vector.shape_cast %swap3A_108 : vector<1x16xf32> to vector<16xf32>
      %swap3A_110 = vector.shape_cast %broadcast_in_dim3A_1 : vector<16xf32> to vector<1x16xf32>
      tpu.vector_store %arg10[%swap3A_106, %swap3A_107], %swap3A_110 {strides = array<i32>} : memref<128x128xf32, #tpu.memory_space<vmem>>, vector<1x16xf32>,
      %swap3A_111 = arith.index_cast %scan3A_86 : i32 to index
      %swap3A_112 = arith.constant 80 : index
      %swap3A_113 = tpu.vector_load %arg10[%swap3A_111, %swap3A_112] {strides = array<i32>} : memref<128x128xf32, #tpu.memory_space<vmem>>, vector<1x16xf32>,
      %swap3A_114 = vector.shape_cast %swap3A_113 : vector<1x16xf32> to vector<16xf32>
      %swap3A_115 = vector.shape_cast %broadcast_in_dim3A_1 : vector<16xf32> to vector<1x16xf32>
      tpu.vector_store %arg10[%swap3A_111, %swap3A_112], %swap3A_115 {strides = array<i32>} : memref<128x128xf32, #tpu.memory_space<vmem>>, vector<1x16xf32>,
      %swap3A_116 = arith.index_cast %scan3A_86 : i32 to index
      %swap3A_117 = arith.constant 96 : index
      %swap3A_118 = tpu.vector_load %arg10[%swap3A_116, %swap3A_117] {strides = array<i32>} : memref<128x128xf32, #tpu.memory_space<vmem>>, vector<1x16xf32>,
      %swap3A_119 = vector.shape_cast %swap3A_118 : vector<1x16xf32> to vector<16xf32>
      %swap3A_120 = vector.shape_cast %broadcast_in_dim3A_1 : vector<16xf32> to vector<1x16xf32>
      tpu.vector_store %arg10[%swap3A_116, %swap3A_117], %swap3A_120 {strides = array<i32>} : memref<128x128xf32, #tpu.memory_space<vmem>>, vector<1x16xf32>,
      %swap3A_121 = arith.index_cast %scan3A_86 : i32 to index
      %swap3A_122 = arith.constant 112 : index
      %swap3A_123 = tpu.vector_load %arg10[%swap3A_121, %swap3A_122] {strides = array<i32>} : memref<128x128xf32, #tpu.memory_space<vmem>>, vector<1x16xf32>,
      %swap3A_124 = vector.shape_cast %swap3A_123 : vector<1x16xf32> to vector<16xf32>
      %swap3A_125 = vector.shape_cast %broadcast_in_dim3A_1 : vector<16xf32> to vector<1x16xf32>
      tpu.vector_store %arg10[%swap3A_121, %swap3A_122], %swap3A_125 {strides = array<i32>} : memref<128x128xf32, #tpu.memory_space<vmem>>, vector<1x16xf32>,
    }
    %scan3A_46 = arith.constant 128 : i32
    %mul3A_47 = arith.constant 328 : i32
    %mul3A_48 = arith.muli %arg1, %mul3A_47 : i32
    "tpu.region"() ({
      %run_scoped3A = tpu.sem_alloc : memref<!tpu.dma_semaphore, #tpu.memory_space<semaphore_mem>>
      %dma_start3A_86 = arith.constant 0 : i32
      %dma_start3A_87 = tpu.memref_slice %arg12[%mul3A_48, %dma_start3A_86] : memref<5248x128xf32, #tpu.memory_space<vmem_shared>> -> memref<128x128xf32, #tpu.memory_space<vmem_shared>>
      %dma_start3A_88 = arith.constant 0 : i32
      %dma_start3A_89 = tpu.memref_slice %arg12[%mul3A_48, %dma_start3A_88] : memref<5248x128xf32, #tpu.memory_space<vmem_shared>> -> memref<128x128xf32, #tpu.memory_space<vmem_shared>>
      tpu.enqueue_dma source(%arg10 : memref<128x128xf32, #tpu.memory_space<vmem>>) target(%dma_start3A_89 : memref<128x128xf32, #tpu.memory_space<vmem_shared>>) target_semaphore(%run_scoped3A : memref<!tpu.dma_semaphore, #tpu.memory_space<semaphore_mem>>)
      %dma_wait3A_90 = arith.constant 0 : i32
      %dma_wait3A_91 = tpu.memref_slice %arg12[%mul3A_48, %dma_wait3A_90] : memref<5248x128xf32, #tpu.memory_space<vmem_shared>> -> memref<128x128xf32, #tpu.memory_space<vmem_shared>>
      %dma_wait3A_92 = arith.constant 0 : i32
      %dma_wait3A_93 = tpu.memref_slice %arg12[%mul3A_48, %dma_wait3A_92] : memref<5248x128xf32, #tpu.memory_space<vmem_shared>> -> memref<128x128xf32, #tpu.memory_space<vmem_shared>>
      tpu.wait_dma2 semaphore(%run_scoped3A : memref<!tpu.dma_semaphore, #tpu.memory_space<semaphore_mem>>) src(%arg10 : memref<128x128xf32, #tpu.memory_space<vmem>>) dst(%dma_wait3A_93 : memref<128x128xf32, #tpu.memory_space<vmem_shared>>)
      tpu.yield
    }) : () -> ()
    %mul3A_49 = arith.constant 328 : i32
    %mul3A_50 = arith.muli %arg1, %mul3A_49 : i32
    %add3A_51 = arith.constant 128 : i32
    %add3A_52 = arith.addi %mul3A_50, %add3A_51 : i32
    "tpu.region"() ({
      %run_scoped3A = tpu.sem_alloc : memref<!tpu.dma_semaphore, #tpu.memory_space<semaphore_mem>>
      %dma_start3A_86 = arith.constant 0 : i32
      %dma_start3A_87 = tpu.memref_slice %arg12[%add3A_52, %dma_start3A_86] : memref<5248x128xf32, #tpu.memory_space<vmem_shared>> -> memref<128x128xf32, #tpu.memory_space<vmem_shared>>
      %dma_start3A_88 = arith.constant 0 : i32
      %dma_start3A_89 = tpu.memref_slice %arg12[%add3A_52, %dma_start3A_88] : memref<5248x128xf32, #tpu.memory_space<vmem_shared>> -> memref<128x128xf32, #tpu.memory_space<vmem_shared>>
      tpu.enqueue_dma source(%arg10 : memref<128x128xf32, #tpu.memory_space<vmem>>) target(%dma_start3A_89 : memref<128x128xf32, #tpu.memory_space<vmem_shared>>) target_semaphore(%run_scoped3A : memref<!tpu.dma_semaphore, #tpu.memory_space<semaphore_mem>>)
      %dma_wait3A_90 = arith.constant 0 : i32
      %dma_wait3A_91 = tpu.memref_slice %arg12[%add3A_52, %dma_wait3A_90] : memref<5248x128xf32, #tpu.memory_space<vmem_shared>> -> memref<128x128xf32, #tpu.memory_space<vmem_shared>>
      %dma_wait3A_92 = arith.constant 0 : i32
      %dma_wait3A_93 = tpu.memref_slice %arg12[%add3A_52, %dma_wait3A_92] : memref<5248x128xf32, #tpu.memory_space<vmem_shared>> -> memref<128x128xf32, #tpu.memory_space<vmem_shared>>
      tpu.wait_dma2 semaphore(%run_scoped3A : memref<!tpu.dma_semaphore, #tpu.memory_space<semaphore_mem>>) src(%arg10 : memref<128x128xf32, #tpu.memory_space<vmem>>) dst(%dma_wait3A_93 : memref<128x128xf32, #tpu.memory_space<vmem_shared>>)
      tpu.yield
    }) : () -> ()
    %mul3A_53 = arith.constant 328 : i32
    %mul3A_54 = arith.muli %arg1, %mul3A_53 : i32
    %add3A_55 = arith.constant 256 : i32
    %add3A_56 = arith.addi %mul3A_54, %add3A_55 : i32
    "tpu.region"() ({
      %run_scoped3A = tpu.sem_alloc : memref<!tpu.dma_semaphore, #tpu.memory_space<semaphore_mem>>
      %dma_start3A_86 = arith.constant 0 : i32
      %dma_start3A_87 = arith.constant 0 : i32
      %dma_start3A_88 = tpu.memref_slice %arg10[%dma_start3A_86, %dma_start3A_87] : memref<128x128xf32, #tpu.memory_space<vmem>> -> memref<72x128xf32, #tpu.memory_space<vmem>>
      %dma_start3A_89 = arith.constant 0 : i32
      %dma_start3A_90 = tpu.memref_slice %arg12[%add3A_56, %dma_start3A_89] : memref<5248x128xf32, #tpu.memory_space<vmem_shared>> -> memref<72x128xf32, #tpu.memory_space<vmem_shared>>
      %dma_start3A_91 = arith.constant 0 : i32
      %dma_start3A_92 = tpu.memref_slice %arg12[%add3A_56, %dma_start3A_91] : memref<5248x128xf32, #tpu.memory_space<vmem_shared>> -> memref<72x128xf32, #tpu.memory_space<vmem_shared>>
      %dma_start3A_93 = arith.constant 0 : i32
      %dma_start3A_94 = arith.constant 0 : i32
      %dma_start3A_95 = tpu.memref_slice %arg10[%dma_start3A_93, %dma_start3A_94] : memref<128x128xf32, #tpu.memory_space<vmem>> -> memref<72x128xf32, #tpu.memory_space<vmem>>
      tpu.enqueue_dma source(%dma_start3A_95 : memref<72x128xf32, #tpu.memory_space<vmem>>) target(%dma_start3A_92 : memref<72x128xf32, #tpu.memory_space<vmem_shared>>) target_semaphore(%run_scoped3A : memref<!tpu.dma_semaphore, #tpu.memory_space<semaphore_mem>>)
      %dma_wait3A_96 = arith.constant 0 : i32
      %dma_wait3A_97 = arith.constant 0 : i32
      %dma_wait3A_98 = tpu.memref_slice %arg10[%dma_wait3A_96, %dma_wait3A_97] : memref<128x128xf32, #tpu.memory_space<vmem>> -> memref<72x128xf32, #tpu.memory_space<vmem>>
      %dma_wait3A_99 = arith.constant 0 : i32
      %dma_wait3A_100 = tpu.memref_slice %arg12[%add3A_56, %dma_wait3A_99] : memref<5248x128xf32, #tpu.memory_space<vmem_shared>> -> memref<72x128xf32, #tpu.memory_space<vmem_shared>>
      %dma_wait3A_101 = arith.constant 0 : i32
      %dma_wait3A_102 = tpu.memref_slice %arg12[%add3A_56, %dma_wait3A_101] : memref<5248x128xf32, #tpu.memory_space<vmem_shared>> -> memref<72x128xf32, #tpu.memory_space<vmem_shared>>
      %dma_wait3A_103 = arith.constant 0 : i32
      %dma_wait3A_104 = arith.constant 0 : i32
      %dma_wait3A_105 = tpu.memref_slice %arg10[%dma_wait3A_103, %dma_wait3A_104] : memref<128x128xf32, #tpu.memory_space<vmem>> -> memref<72x128xf32, #tpu.memory_space<vmem>>
      tpu.wait_dma2 semaphore(%run_scoped3A : memref<!tpu.dma_semaphore, #tpu.memory_space<semaphore_mem>>) src(%dma_wait3A_105 : memref<72x128xf32, #tpu.memory_space<vmem>>) dst(%dma_wait3A_102 : memref<72x128xf32, #tpu.memory_space<vmem_shared>>)
      tpu.yield
    }) : () -> ()
    %barrier3A_57 = arith.constant 0 : index
    tpu.barrier barrier_id(%barrier3A_57)
    %dma_start3A_58 = arith.constant 0 : i32
    %dma_start3A_59 = arith.constant 0 : i32
    %dma_start3A_60 = tpu.memref_slice %arg7[%dma_start3A_58, %dma_start3A_59] : memref<80x128xi32, #tpu.memory_space<vmem>> -> memref<1x128xi32, #tpu.memory_space<vmem>>
    %dma_start3A_61 = tpu.memref_squeeze %dma_start3A_60 : memref<1x128xi32, #tpu.memory_space<vmem>> -> memref<128xi32, #tpu.memory_space<vmem>>
    %dma_start3A_62 = arith.constant 0 : i32
    %dma_start3A_63 = arith.constant 0 : i32
    %dma_start3A_64 = tpu.memref_slice %arg2[%dma_start3A_62, %dma_start3A_63] : memref<10000x128xf32, #tpu.memory_space<hbm>> -> memref<10000x128xf32, #tpu.memory_space<hbm>>
    tpu.enqueue_indirect_dma source(%dma_start3A_64 : memref<10000x128xf32, #tpu.memory_space<hbm>>) target(%arg10 : memref<128x128xf32, #tpu.memory_space<vmem>>) offsets(%dma_start3A_61 : memref<128xi32, #tpu.memory_space<vmem>>) semaphore(%arg13 : memref<!tpu.dma_semaphore, #tpu.memory_space<semaphore_mem>>)
    %scan3A_65 = arith.constant 0 : i32
    %scan3A_66 = arith.constant 0 : i32
    %scan3A_67 = arith.constant 40 : i32
    %scan3A_68 = arith.addi %scan3A_66, %scan3A_67 : i32
    %scan3A_69 = arith.constant 1 : i32
    scf.for %scan3A_86 = %scan3A_66 to %scan3A_68 step %scan3A_69  : i32 {
      %mul3A_87 = arith.constant 2 : i32
      %mul3A_88 = arith.muli %mul3A_87, %scan3A_86 : i32
      %mul3A_89 = arith.constant 2 : i32
      %mul3A_90 = arith.muli %mul3A_89, %scan3A_86 : i32
      %add3A_91 = arith.constant 1 : i32
      %add3A_92 = arith.addi %mul3A_90, %add3A_91 : i32
      %mul3A_93 = arith.constant 2 : i32
      %mul3A_94 = arith.muli %mul3A_93, %scan3A_86 : i32
      %add3A_95 = arith.constant 2 : i32
      %add3A_96 = arith.addi %mul3A_94, %add3A_95 : i32
      %jit3A = arith.constant 80 : i32
      %eq3A_97 = arith.constant 0 : i32
      %eq3A_98 = arith.cmpi eq, %jit3A, %eq3A_97 : i32
      %jit3A_99 = arith.constant 1 : i32
      %select_n3A = arith.select %eq3A_98, %jit3A_99, %jit3A : i32
      %rem3A = arith.remsi %add3A_96, %select_n3A : i32
      %ne3A = arith.constant 0 : i32
      %ne3A_100 = arith.cmpi ne, %rem3A, %ne3A : i32
      %lt3A_101 = arith.constant 0 : i32
      %lt3A_102 = arith.cmpi slt, %rem3A, %lt3A_101 : i32
      %lt3A_103 = arith.constant 0 : i32
      %lt3A_104 = arith.cmpi slt, %select_n3A, %lt3A_103 : i32
      %ne3A_105 = arith.xori %lt3A_102, %lt3A_104 : i1
      %and3A = arith.andi %ne3A_105, %ne3A_100 : i1
      %add3A_106 = arith.addi %rem3A, %select_n3A : i32
      %select_n3A_107 = arith.select %and3A, %add3A_106, %rem3A : i32
      %dma_wait3A_108 = arith.constant 0 : i32
      %dma_wait3A_109 = tpu.memref_slice %arg7[%mul3A_88, %dma_wait3A_108] : memref<80x128xi32, #tpu.memory_space<vmem>> -> memref<1x128xi32, #tpu.memory_space<vmem>>
      %dma_wait3A_110 = tpu.memref_squeeze %dma_wait3A_109 : memref<1x128xi32, #tpu.memory_space<vmem>> -> memref<128xi32, #tpu.memory_space<vmem>>
      %dma_wait3A_111 = arith.constant 0 : i32
      %dma_wait3A_112 = arith.constant 0 : i32
      %dma_wait3A_113 = tpu.memref_slice %arg2[%dma_wait3A_111, %dma_wait3A_112] : memref<10000x128xf32, #tpu.memory_space<hbm>> -> memref<10000x128xf32, #tpu.memory_space<hbm>>
      tpu.wait_indirect_dma semaphore(%arg13 : memref<!tpu.dma_semaphore, #tpu.memory_space<semaphore_mem>>) src(%dma_wait3A_113 : memref<10000x128xf32, #tpu.memory_space<hbm>>) dst(%arg10 : memref<128x128xf32, #tpu.memory_space<vmem>>)
      %dma_start3A_114 = arith.constant 0 : i32
      %dma_start3A_115 = tpu.memref_slice %arg7[%add3A_92, %dma_start3A_114] : memref<80x128xi32, #tpu.memory_space<vmem>> -> memref<1x128xi32, #tpu.memory_space<vmem>>
      %dma_start3A_116 = tpu.memref_squeeze %dma_start3A_115 : memref<1x128xi32, #tpu.memory_space<vmem>> -> memref<128xi32, #tpu.memory_space<vmem>>
      %dma_start3A_117 = arith.constant 0 : i32
      %dma_start3A_118 = arith.constant 0 : i32
      %dma_start3A_119 = tpu.memref_slice %arg2[%dma_start3A_117, %dma_start3A_118] : memref<10000x128xf32, #tpu.memory_space<hbm>> -> memref<10000x128xf32, #tpu.memory_space<hbm>>
      tpu.enqueue_indirect_dma source(%dma_start3A_119 : memref<10000x128xf32, #tpu.memory_space<hbm>>) target(%arg11 : memref<128x128xf32, #tpu.memory_space<vmem>>) offsets(%dma_start3A_116 : memref<128xi32, #tpu.memory_space<vmem>>) semaphore(%arg14 : memref<!tpu.dma_semaphore, #tpu.memory_space<semaphore_mem>>)
      "tpu.region"() ({
        %run_scoped3A = tpu.sem_alloc : memref<!tpu.dma_semaphore, #tpu.memory_space<semaphore_mem>>
        %dma_start3A_132 = arith.constant 0 : i32
        %dma_start3A_133 = tpu.memref_slice %arg9[%mul3A_88, %dma_start3A_132] : memref<80x128xi32, #tpu.memory_space<vmem>> -> memref<1x128xi32, #tpu.memory_space<vmem>>
        %dma_start3A_134 = tpu.memref_squeeze %dma_start3A_133 : memref<1x128xi32, #tpu.memory_space<vmem>> -> memref<128xi32, #tpu.memory_space<vmem>>
        %dma_start3A_135 = arith.constant 0 : i32
        %dma_start3A_136 = arith.constant 0 : i32
        %dma_start3A_137 = tpu.memref_slice %arg12[%dma_start3A_135, %dma_start3A_136] : memref<5248x128xf32, #tpu.memory_space<vmem_shared>> -> memref<5248x128xf32, #tpu.memory_space<vmem_shared>>
        tpu.enqueue_indirect_dma source(%arg10 : memref<128x128xf32, #tpu.memory_space<vmem>>) target(%dma_start3A_137 : memref<5248x128xf32, #tpu.memory_space<vmem_shared>>) offsets(%dma_start3A_134 : memref<128xi32, #tpu.memory_space<vmem>>) semaphore(%run_scoped3A : memref<!tpu.dma_semaphore, #tpu.memory_space<semaphore_mem>>) {add = true}
        %dma_wait3A_138 = arith.constant 0 : i32
        %dma_wait3A_139 = tpu.memref_slice %arg9[%mul3A_88, %dma_wait3A_138] : memref<80x128xi32, #tpu.memory_space<vmem>> -> memref<1x128xi32, #tpu.memory_space<vmem>>
        %dma_wait3A_140 = tpu.memref_squeeze %dma_wait3A_139 : memref<1x128xi32, #tpu.memory_space<vmem>> -> memref<128xi32, #tpu.memory_space<vmem>>
        %dma_wait3A_141 = arith.constant 0 : i32
        %dma_wait3A_142 = arith.constant 0 : i32
        %dma_wait3A_143 = tpu.memref_slice %arg12[%dma_wait3A_141, %dma_wait3A_142] : memref<5248x128xf32, #tpu.memory_space<vmem_shared>> -> memref<5248x128xf32, #tpu.memory_space<vmem_shared>>
        tpu.wait_indirect_dma semaphore(%run_scoped3A : memref<!tpu.dma_semaphore, #tpu.memory_space<semaphore_mem>>) src(%arg10 : memref<128x128xf32, #tpu.memory_space<vmem>>) dst(%dma_wait3A_143 : memref<5248x128xf32, #tpu.memory_space<vmem_shared>>)
        tpu.yield
      }) : () -> ()
      %dma_start3A_120 = arith.constant 0 : i32
      %dma_start3A_121 = tpu.memref_slice %arg7[%select_n3A_107, %dma_start3A_120] : memref<80x128xi32, #tpu.memory_space<vmem>> -> memref<1x128xi32, #tpu.memory_space<vmem>>
      %dma_start3A_122 = tpu.memref_squeeze %dma_start3A_121 : memref<1x128xi32, #tpu.memory_space<vmem>> -> memref<128xi32, #tpu.memory_space<vmem>>
      %dma_start3A_123 = arith.constant 0 : i32
      %dma_start3A_124 = arith.constant 0 : i32
      %dma_start3A_125 = tpu.memref_slice %arg2[%dma_start3A_123, %dma_start3A_124] : memref<10000x128xf32, #tpu.memory_space<hbm>> -> memref<10000x128xf32, #tpu.memory_space<hbm>>
      tpu.enqueue_indirect_dma source(%dma_start3A_125 : memref<10000x128xf32, #tpu.memory_space<hbm>>) target(%arg10 : memref<128x128xf32, #tpu.memory_space<vmem>>) offsets(%dma_start3A_122 : memref<128xi32, #tpu.memory_space<vmem>>) semaphore(%arg13 : memref<!tpu.dma_semaphore, #tpu.memory_space<semaphore_mem>>)
      %dma_wait3A_126 = arith.constant 0 : i32
      %dma_wait3A_127 = tpu.memref_slice %arg7[%add3A_92, %dma_wait3A_126] : memref<80x128xi32, #tpu.memory_space<vmem>> -> memref<1x128xi32, #tpu.memory_space<vmem>>
      %dma_wait3A_128 = tpu.memref_squeeze %dma_wait3A_127 : memref<1x128xi32, #tpu.memory_space<vmem>> -> memref<128xi32, #tpu.memory_space<vmem>>
      %dma_wait3A_129 = arith.constant 0 : i32
      %dma_wait3A_130 = arith.constant 0 : i32
      %dma_wait3A_131 = tpu.memref_slice %arg2[%dma_wait3A_129, %dma_wait3A_130] : memref<10000x128xf32, #tpu.memory_space<hbm>> -> memref<10000x128xf32, #tpu.memory_space<hbm>>
      tpu.wait_indirect_dma semaphore(%arg14 : memref<!tpu.dma_semaphore, #tpu.memory_space<semaphore_mem>>) src(%dma_wait3A_131 : memref<10000x128xf32, #tpu.memory_space<hbm>>) dst(%arg11 : memref<128x128xf32, #tpu.memory_space<vmem>>)
      "tpu.region"() ({
        %run_scoped3A = tpu.sem_alloc : memref<!tpu.dma_semaphore, #tpu.memory_space<semaphore_mem>>
        %dma_start3A_132 = arith.constant 0 : i32
        %dma_start3A_133 = tpu.memref_slice %arg9[%add3A_92, %dma_start3A_132] : memref<80x128xi32, #tpu.memory_space<vmem>> -> memref<1x128xi32, #tpu.memory_space<vmem>>
        %dma_start3A_134 = tpu.memref_squeeze %dma_start3A_133 : memref<1x128xi32, #tpu.memory_space<vmem>> -> memref<128xi32, #tpu.memory_space<vmem>>
        %dma_start3A_135 = arith.constant 0 : i32
        %dma_start3A_136 = arith.constant 0 : i32
        %dma_start3A_137 = tpu.memref_slice %arg12[%dma_start3A_135, %dma_start3A_136] : memref<5248x128xf32, #tpu.memory_space<vmem_shared>> -> memref<5248x128xf32, #tpu.memory_space<vmem_shared>>
        tpu.enqueue_indirect_dma source(%arg11 : memref<128x128xf32, #tpu.memory_space<vmem>>) target(%dma_start3A_137 : memref<5248x128xf32, #tpu.memory_space<vmem_shared>>) offsets(%dma_start3A_134 : memref<128xi32, #tpu.memory_space<vmem>>) semaphore(%run_scoped3A : memref<!tpu.dma_semaphore, #tpu.memory_space<semaphore_mem>>) {add = true}
        %dma_wait3A_138 = arith.constant 0 : i32
        %dma_wait3A_139 = tpu.memref_slice %arg9[%add3A_92, %dma_wait3A_138] : memref<80x128xi32, #tpu.memory_space<vmem>> -> memref<1x128xi32, #tpu.memory_space<vmem>>
        %dma_wait3A_140 = tpu.memref_squeeze %dma_wait3A_139 : memref<1x128xi32, #tpu.memory_space<vmem>> -> memref<128xi32, #tpu.memory_space<vmem>>
        %dma_wait3A_141 = arith.constant 0 : i32
        %dma_wait3A_142 = arith.constant 0 : i32
        %dma_wait3A_143 = tpu.memref_slice %arg12[%dma_wait3A_141, %dma_wait3A_142] : memref<5248x128xf32, #tpu.memory_space<vmem_shared>> -> memref<5248x128xf32, #tpu.memory_space<vmem_shared>>
        tpu.wait_indirect_dma semaphore(%run_scoped3A : memref<!tpu.dma_semaphore, #tpu.memory_space<semaphore_mem>>) src(%arg11 : memref<128x128xf32, #tpu.memory_space<vmem>>) dst(%dma_wait3A_143 : memref<5248x128xf32, #tpu.memory_space<vmem_shared>>)
        tpu.yield
      }) : () -> ()
    }
    %scan3A_70 = arith.constant 40 : i32
    %dma_wait3A_71 = arith.constant 0 : i32
    %dma_wait3A_72 = arith.constant 0 : i32
    %dma_wait3A_73 = tpu.memref_slice %arg7[%dma_wait3A_71, %dma_wait3A_72] : memref<80x128xi32, #tpu.memory_space<vmem>> -> memref<1x128xi32, #tpu.memory_space<vmem>>
    %dma_wait3A_74 = tpu.memref_squeeze %dma_wait3A_73 : memref<1x128xi32, #tpu.memory_space<vmem>> -> memref<128xi32, #tpu.memory_space<vmem>>
    %dma_wait3A_75 = arith.constant 0 : i32
    %dma_wait3A_76 = arith.constant 0 : i32
    %dma_wait3A_77 = tpu.memref_slice %arg2[%dma_wait3A_75, %dma_wait3A_76] : memref<10000x128xf32, #tpu.memory_space<hbm>> -> memref<10000x128xf32, #tpu.memory_space<hbm>>
    tpu.wait_indirect_dma semaphore(%arg13 : memref<!tpu.dma_semaphore, #tpu.memory_space<semaphore_mem>>) src(%dma_wait3A_77 : memref<10000x128xf32, #tpu.memory_space<hbm>>) dst(%arg10 : memref<128x128xf32, #tpu.memory_space<vmem>>)
    %barrier3A_78 = arith.constant 0 : index
    tpu.barrier barrier_id(%barrier3A_78)
    %lt3A = arith.constant 15 : i32
    %lt3A_79 = arith.cmpi slt, %arg1, %lt3A : i32
    %convert_element_type3A = arith.extui %lt3A_79 : i1 to i32
    %cond3A = arith.constant 0 : i32
    %cond3A_80 = arith.cmpi ne, %convert_element_type3A, %cond3A : i32
    scf.if %cond3A_80 {
      %mul3A_86 = arith.constant 312 : i32
      %mul3A_87 = arith.muli %arg1, %mul3A_86 : i32
      %mul3A_88 = arith.constant 312 : i32
      %mul3A_89 = arith.muli %arg1, %mul3A_88 : i32
      %add3A_90 = arith.constant 5120 : i32
      %add3A_91 = arith.addi %add3A_90, %mul3A_89 : i32
      "tpu.region"() ({
        %run_scoped3A = tpu.sem_alloc : memref<!tpu.dma_semaphore, #tpu.memory_space<semaphore_mem>>
        %dma_start3A_92 = arith.constant 0 : i32
        %dma_start3A_93 = tpu.memref_slice %arg6[%arg0, %add3A_91, %dma_start3A_92] : memref<2x10000x128xf32, #tpu.memory_space<hbm>> -> memref<1x312x128xf32, #tpu.memory_space<hbm>>
        %dma_start3A_94 = tpu.memref_squeeze %dma_start3A_93 : memref<1x312x128xf32, #tpu.memory_space<hbm>> -> memref<312x128xf32, #tpu.memory_space<hbm>>
        %dma_start3A_95 = arith.constant 0 : i32
        %dma_start3A_96 = tpu.memref_slice %arg12[%mul3A_87, %dma_start3A_95] : memref<5248x128xf32, #tpu.memory_space<vmem_shared>> -> memref<312x128xf32, #tpu.memory_space<vmem_shared>>
        tpu.enqueue_dma source(%dma_start3A_96 : memref<312x128xf32, #tpu.memory_space<vmem_shared>>) target(%dma_start3A_94 : memref<312x128xf32, #tpu.memory_space<hbm>>) target_semaphore(%run_scoped3A : memref<!tpu.dma_semaphore, #tpu.memory_space<semaphore_mem>>)
        %dma_wait3A_97 = arith.constant 0 : i32
        %dma_wait3A_98 = tpu.memref_slice %arg6[%arg0, %add3A_91, %dma_wait3A_97] : memref<2x10000x128xf32, #tpu.memory_space<hbm>> -> memref<1x312x128xf32, #tpu.memory_space<hbm>>
        %dma_wait3A_99 = tpu.memref_squeeze %dma_wait3A_98 : memref<1x312x128xf32, #tpu.memory_space<hbm>> -> memref<312x128xf32, #tpu.memory_space<hbm>>
        %dma_wait3A_100 = arith.constant 0 : i32
        %dma_wait3A_101 = tpu.memref_slice %arg12[%mul3A_87, %dma_wait3A_100] : memref<5248x128xf32, #tpu.memory_space<vmem_shared>> -> memref<312x128xf32, #tpu.memory_space<vmem_shared>>
        tpu.wait_dma2 semaphore(%run_scoped3A : memref<!tpu.dma_semaphore, #tpu.memory_space<semaphore_mem>>) src(%dma_wait3A_101 : memref<312x128xf32, #tpu.memory_space<vmem_shared>>) dst(%dma_wait3A_99 : memref<312x128xf32, #tpu.memory_space<hbm>>)
        tpu.yield
      }) : () -> ()
    } else {
    }
    %eq3A = arith.constant 15 : i32
    %eq3A_81 = arith.cmpi eq, %arg1, %eq3A : i32
    %convert_element_type3A_82 = arith.extui %eq3A_81 : i1 to i32
    %cond3A_83 = arith.constant 0 : i32
    %cond3A_84 = arith.cmpi ne, %convert_element_type3A_82, %cond3A_83 : i32
    scf.if %cond3A_84 {
      "tpu.region"() ({
        %run_scoped3A = tpu.sem_alloc : memref<!tpu.dma_semaphore, #tpu.memory_space<semaphore_mem>>
        %dma_start3A_86 = arith.constant 9800 : i32
        %dma_start3A_87 = arith.constant 0 : i32
        %dma_start3A_88 = tpu.memref_slice %arg6[%arg0, %dma_start3A_86, %dma_start3A_87] : memref<2x10000x128xf32, #tpu.memory_space<hbm>> -> memref<1x200x128xf32, #tpu.memory_space<hbm>>
        %dma_start3A_89 = tpu.memref_squeeze %dma_start3A_88 : memref<1x200x128xf32, #tpu.memory_space<hbm>> -> memref<200x128xf32, #tpu.memory_space<hbm>>
        %dma_start3A_90 = arith.constant 4680 : i32
        %dma_start3A_91 = arith.constant 0 : i32
        %dma_start3A_92 = tpu.memref_slice %arg12[%dma_start3A_90, %dma_start3A_91] : memref<5248x128xf32, #tpu.memory_space<vmem_shared>> -> memref<200x128xf32, #tpu.memory_space<vmem_shared>>
        tpu.enqueue_dma source(%dma_start3A_92 : memref<200x128xf32, #tpu.memory_space<vmem_shared>>) target(%dma_start3A_89 : memref<200x128xf32, #tpu.memory_space<hbm>>) target_semaphore(%run_scoped3A : memref<!tpu.dma_semaphore, #tpu.memory_space<semaphore_mem>>)
        %dma_wait3A_93 = arith.constant 9800 : i32
        %dma_wait3A_94 = arith.constant 0 : i32
        %dma_wait3A_95 = tpu.memref_slice %arg6[%arg0, %dma_wait3A_93, %dma_wait3A_94] : memref<2x10000x128xf32, #tpu.memory_space<hbm>> -> memref<1x200x128xf32, #tpu.memory_space<hbm>>
        %dma_wait3A_96 = tpu.memref_squeeze %dma_wait3A_95 : memref<1x200x128xf32, #tpu.memory_space<hbm>> -> memref<200x128xf32, #tpu.memory_space<hbm>>
        %dma_wait3A_97 = arith.constant 4680 : i32
        %dma_wait3A_98 = arith.constant 0 : i32
        %dma_wait3A_99 = tpu.memref_slice %arg12[%dma_wait3A_97, %dma_wait3A_98] : memref<5248x128xf32, #tpu.memory_space<vmem_shared>> -> memref<200x128xf32, #tpu.memory_space<vmem_shared>>
        tpu.wait_dma2 semaphore(%run_scoped3A : memref<!tpu.dma_semaphore, #tpu.memory_space<semaphore_mem>>) src(%dma_wait3A_99 : memref<200x128xf32, #tpu.memory_space<vmem_shared>>) dst(%dma_wait3A_96 : memref<200x128xf32, #tpu.memory_space<hbm>>)
        tpu.yield
      }) : () -> ()
    } else {
    }
    %barrier3A_85 = arith.constant 0 : index
    tpu.barrier barrier_id(%barrier3A_85)
    return
  }
}

#map = affine_map<(d0, d1) -> (0, 0)>
#map1 = affine_map<(d0, d1) -> (0, 0, 0)>
module attributes {stable_mosaic.version = 14 : i64} {
  func.func @_sc_spmm(%arg0: i32, %arg1: i32, %arg2: memref<10000x128xf32, #tpu.memory_space<hbm>>, %arg3: memref<32x80x128xi32, #tpu.memory_space<hbm>>, %arg4: memref<32x80x128xi32, #tpu.memory_space<hbm>>, %arg5: memref<32x80x128xi32, #tpu.memory_space<hbm>>, %arg6: memref<2x10000x128xf32, #tpu.memory_space<hbm>>, %arg7: memref<80x128xi32, #tpu.memory_space<vmem>>, %arg8: memref<80x128xi32, #tpu.memory_space<vmem>>, %arg9: memref<80x128xi32, #tpu.memory_space<vmem>>, %arg10: memref<128x128xf32, #tpu.memory_space<vmem>>, %arg11: memref<128x128xf32, #tpu.memory_space<vmem>>, %arg12: memref<5248x128xf32, #tpu.memory_space<vmem_shared>>, %arg13: memref<!tpu.dma_semaphore, #tpu.memory_space<semaphore_mem>>, %arg14: memref<!tpu.dma_semaphore, #tpu.memory_space<semaphore_mem>>) attributes {dimension_semantics = [#tpu.dimension_semantics<core_parallel>, #tpu.dimension_semantics<subcore_parallel>], iteration_bounds = array<i64: 2, 16>, scalar_prefetch = 0 : i64, scratch_operands = 8 : i64, tpu.core_type = #tpu.core_type<sc_vector_subcore>, window_params = [{transform_indices = #map}, {transform_indices = #map1}, {transform_indices = #map1}, {transform_indices = #map1}, {transform_indices = #map1}]} {
    %mul3A = arith.constant 2 : i32
    %mul3A_0 = arith.muli %arg1, %mul3A : i32
    %add3A = arith.addi %mul3A_0, %arg0 : i32
    "tpu.region"() ({
      %run_scoped3A = tpu.sem_alloc : memref<!tpu.dma_semaphore, #tpu.memory_space<semaphore_mem>>
      %dma_start3A_86 = arith.constant 0 : i32
      %dma_start3A_87 = arith.constant 0 : i32
      %dma_start3A_88 = tpu.memref_slice %arg3[%add3A, %dma_start3A_86, %dma_start3A_87] : memref<32x80x128xi32, #tpu.memory_space<hbm>> -> memref<1x80x128xi32, #tpu.memory_space<hbm>>
      %dma_start3A_89 = tpu.memref_squeeze %dma_start3A_88 : memref<1x80x128xi32, #tpu.memory_space<hbm>> -> memref<80x128xi32, #tpu.memory_space<hbm>>
      %dma_start3A_90 = arith.constant 0 : i32
      %dma_start3A_91 = arith.constant 0 : i32
      %dma_start3A_92 = tpu.memref_slice %arg3[%add3A, %dma_start3A_90, %dma_start3A_91] : memref<32x80x128xi32, #tpu.memory_space<hbm>> -> memref<1x80x128xi32, #tpu.memory_space<hbm>>
      %dma_start3A_93 = tpu.memref_squeeze %dma_start3A_92 : memref<1x80x128xi32, #tpu.memory_space<hbm>> -> memref<80x128xi32, #tpu.memory_space<hbm>>
      tpu.enqueue_dma source(%dma_start3A_93 : memref<80x128xi32, #tpu.memory_space<hbm>>) target(%arg7 : memref<80x128xi32, #tpu.memory_space<vmem>>) target_semaphore(%run_scoped3A : memref<!tpu.dma_semaphore, #tpu.memory_space<semaphore_mem>>)
      %dma_wait3A_94 = arith.constant 0 : i32
      %dma_wait3A_95 = arith.constant 0 : i32
      %dma_wait3A_96 = tpu.memref_slice %arg3[%add3A, %dma_wait3A_94, %dma_wait3A_95] : memref<32x80x128xi32, #tpu.memory_space<hbm>> -> memref<1x80x128xi32, #tpu.memory_space<hbm>>
      %dma_wait3A_97 = tpu.memref_squeeze %dma_wait3A_96 : memref<1x80x128xi32, #tpu.memory_space<hbm>> -> memref<80x128xi32, #tpu.memory_space<hbm>>
      %dma_wait3A_98 = arith.constant 0 : i32
      %dma_wait3A_99 = arith.constant 0 : i32
      %dma_wait3A_100 = tpu.memref_slice %arg3[%add3A, %dma_wait3A_98, %dma_wait3A_99] : memref<32x80x128xi32, #tpu.memory_space<hbm>> -> memref<1x80x128xi32, #tpu.memory_space<hbm>>
      %dma_wait3A_101 = tpu.memref_squeeze %dma_wait3A_100 : memref<1x80x128xi32, #tpu.memory_space<hbm>> -> memref<80x128xi32, #tpu.memory_space<hbm>>
      tpu.wait_dma2 semaphore(%run_scoped3A : memref<!tpu.dma_semaphore, #tpu.memory_space<semaphore_mem>>) src(%dma_wait3A_101 : memref<80x128xi32, #tpu.memory_space<hbm>>) dst(%arg7 : memref<80x128xi32, #tpu.memory_space<vmem>>)
      tpu.yield
    }) : () -> ()
    "tpu.region"() ({
      %run_scoped3A = tpu.sem_alloc : memref<!tpu.dma_semaphore, #tpu.memory_space<semaphore_mem>>
      %dma_start3A_86 = arith.constant 0 : i32
      %dma_start3A_87 = arith.constant 0 : i32
      %dma_start3A_88 = tpu.memref_slice %arg4[%add3A, %dma_start3A_86, %dma_start3A_87] : memref<32x80x128xi32, #tpu.memory_space<hbm>> -> memref<1x80x128xi32, #tpu.memory_space<hbm>>
      %dma_start3A_89 = tpu.memref_squeeze %dma_start3A_88 : memref<1x80x128xi32, #tpu.memory_space<hbm>> -> memref<80x128xi32, #tpu.memory_space<hbm>>
      %dma_start3A_90 = arith.constant 0 : i32
      %dma_start3A_91 = arith.constant 0 : i32
      %dma_start3A_92 = tpu.memref_slice %arg4[%add3A, %dma_start3A_90, %dma_start3A_91] : memref<32x80x128xi32, #tpu.memory_space<hbm>> -> memref<1x80x128xi32, #tpu.memory_space<hbm>>
      %dma_start3A_93 = tpu.memref_squeeze %dma_start3A_92 : memref<1x80x128xi32, #tpu.memory_space<hbm>> -> memref<80x128xi32, #tpu.memory_space<hbm>>
      tpu.enqueue_dma source(%dma_start3A_93 : memref<80x128xi32, #tpu.memory_space<hbm>>) target(%arg8 : memref<80x128xi32, #tpu.memory_space<vmem>>) target_semaphore(%run_scoped3A : memref<!tpu.dma_semaphore, #tpu.memory_space<semaphore_mem>>)
      %dma_wait3A_94 = arith.constant 0 : i32
      %dma_wait3A_95 = arith.constant 0 : i32
      %dma_wait3A_96 = tpu.memref_slice %arg4[%add3A, %dma_wait3A_94, %dma_wait3A_95] : memref<32x80x128xi32, #tpu.memory_space<hbm>> -> memref<1x80x128xi32, #tpu.memory_space<hbm>>
      %dma_wait3A_97 = tpu.memref_squeeze %dma_wait3A_96 : memref<1x80x128xi32, #tpu.memory_space<hbm>> -> memref<80x128xi32, #tpu.memory_space<hbm>>
      %dma_wait3A_98 = arith.constant 0 : i32
      %dma_wait3A_99 = arith.constant 0 : i32
      %dma_wait3A_100 = tpu.memref_slice %arg4[%add3A, %dma_wait3A_98, %dma_wait3A_99] : memref<32x80x128xi32, #tpu.memory_space<hbm>> -> memref<1x80x128xi32, #tpu.memory_space<hbm>>
      %dma_wait3A_101 = tpu.memref_squeeze %dma_wait3A_100 : memref<1x80x128xi32, #tpu.memory_space<hbm>> -> memref<80x128xi32, #tpu.memory_space<hbm>>
      tpu.wait_dma2 semaphore(%run_scoped3A : memref<!tpu.dma_semaphore, #tpu.memory_space<semaphore_mem>>) src(%dma_wait3A_101 : memref<80x128xi32, #tpu.memory_space<hbm>>) dst(%arg8 : memref<80x128xi32, #tpu.memory_space<vmem>>)
      tpu.yield
    }) : () -> ()
    "tpu.region"() ({
      %run_scoped3A = tpu.sem_alloc : memref<!tpu.dma_semaphore, #tpu.memory_space<semaphore_mem>>
      %dma_start3A_86 = arith.constant 0 : i32
      %dma_start3A_87 = arith.constant 0 : i32
      %dma_start3A_88 = tpu.memref_slice %arg5[%add3A, %dma_start3A_86, %dma_start3A_87] : memref<32x80x128xi32, #tpu.memory_space<hbm>> -> memref<1x80x128xi32, #tpu.memory_space<hbm>>
      %dma_start3A_89 = tpu.memref_squeeze %dma_start3A_88 : memref<1x80x128xi32, #tpu.memory_space<hbm>> -> memref<80x128xi32, #tpu.memory_space<hbm>>
      %dma_start3A_90 = arith.constant 0 : i32
      %dma_start3A_91 = arith.constant 0 : i32
      %dma_start3A_92 = tpu.memref_slice %arg5[%add3A, %dma_start3A_90, %dma_start3A_91] : memref<32x80x128xi32, #tpu.memory_space<hbm>> -> memref<1x80x128xi32, #tpu.memory_space<hbm>>
      %dma_start3A_93 = tpu.memref_squeeze %dma_start3A_92 : memref<1x80x128xi32, #tpu.memory_space<hbm>> -> memref<80x128xi32, #tpu.memory_space<hbm>>
      tpu.enqueue_dma source(%dma_start3A_93 : memref<80x128xi32, #tpu.memory_space<hbm>>) target(%arg9 : memref<80x128xi32, #tpu.memory_space<vmem>>) target_semaphore(%run_scoped3A : memref<!tpu.dma_semaphore, #tpu.memory_space<semaphore_mem>>)
      %dma_wait3A_94 = arith.constant 0 : i32
      %dma_wait3A_95 = arith.constant 0 : i32
      %dma_wait3A_96 = tpu.memref_slice %arg5[%add3A, %dma_wait3A_94, %dma_wait3A_95] : memref<32x80x128xi32, #tpu.memory_space<hbm>> -> memref<1x80x128xi32, #tpu.memory_space<hbm>>
      %dma_wait3A_97 = tpu.memref_squeeze %dma_wait3A_96 : memref<1x80x128xi32, #tpu.memory_space<hbm>> -> memref<80x128xi32, #tpu.memory_space<hbm>>
      %dma_wait3A_98 = arith.constant 0 : i32
      %dma_wait3A_99 = arith.constant 0 : i32
      %dma_wait3A_100 = tpu.memref_slice %arg5[%add3A, %dma_wait3A_98, %dma_wait3A_99] : memref<32x80x128xi32, #tpu.memory_space<hbm>> -> memref<1x80x128xi32, #tpu.memory_space<hbm>>
      %dma_wait3A_101 = tpu.memref_squeeze %dma_wait3A_100 : memref<1x80x128xi32, #tpu.memory_space<hbm>> -> memref<80x128xi32, #tpu.memory_space<hbm>>
      tpu.wait_dma2 semaphore(%run_scoped3A : memref<!tpu.dma_semaphore, #tpu.memory_space<semaphore_mem>>) src(%dma_wait3A_101 : memref<80x128xi32, #tpu.memory_space<hbm>>) dst(%arg9 : memref<80x128xi32, #tpu.memory_space<vmem>>)
      tpu.yield
    }) : () -> ()
    %broadcast_in_dim3A = arith.constant 0.000000e+00 : f32
    %broadcast_in_dim3A_1 = vector.broadcast %broadcast_in_dim3A : f32 to vector<16xf32>
    %scan3A = arith.constant 0 : i32
    %scan3A_2 = arith.constant 0 : i32
    %scan3A_3 = arith.constant 128 : i32
    %scan3A_4 = arith.addi %scan3A_2, %scan3A_3 : i32
    %scan3A_5 = arith.constant 1 : i32
    scf.for %scan3A_86 = %scan3A_2 to %scan3A_4 step %scan3A_5  : i32 {
      %swap3A = arith.index_cast %scan3A_86 : i32 to index
      %swap3A_87 = arith.constant 0 : index
      %swap3A_88 = tpu.vector_load %arg10[%swap3A, %swap3A_87] {strides = array<i32>} : memref<128x128xf32, #tpu.memory_space<vmem>>, vector<1x16xf32>,
      %swap3A_89 = vector.shape_cast %swap3A_88 : vector<1x16xf32> to vector<16xf32>
      %swap3A_90 = vector.shape_cast %broadcast_in_dim3A_1 : vector<16xf32> to vector<1x16xf32>
      tpu.vector_store %arg10[%swap3A, %swap3A_87], %swap3A_90 {strides = array<i32>} : memref<128x128xf32, #tpu.memory_space<vmem>>, vector<1x16xf32>,
      %swap3A_91 = arith.index_cast %scan3A_86 : i32 to index
      %swap3A_92 = arith.constant 16 : index
      %swap3A_93 = tpu.vector_load %arg10[%swap3A_91, %swap3A_92] {strides = array<i32>} : memref<128x128xf32, #tpu.memory_space<vmem>>, vector<1x16xf32>,
      %swap3A_94 = vector.shape_cast %swap3A_93 : vector<1x16xf32> to vector<16xf32>
      %swap3A_95 = vector.shape_cast %broadcast_in_dim3A_1 : vector<16xf32> to vector<1x16xf32>
      tpu.vector_store %arg10[%swap3A_91, %swap3A_92], %swap3A_95 {strides = array<i32>} : memref<128x128xf32, #tpu.memory_space<vmem>>, vector<1x16xf32>,
      %swap3A_96 = arith.index_cast %scan3A_86 : i32 to index
      %swap3A_97 = arith.constant 32 : index
      %swap3A_98 = tpu.vector_load %arg10[%swap3A_96, %swap3A_97] {strides = array<i32>} : memref<128x128xf32, #tpu.memory_space<vmem>>, vector<1x16xf32>,
      %swap3A_99 = vector.shape_cast %swap3A_98 : vector<1x16xf32> to vector<16xf32>
      %swap3A_100 = vector.shape_cast %broadcast_in_dim3A_1 : vector<16xf32> to vector<1x16xf32>
      tpu.vector_store %arg10[%swap3A_96, %swap3A_97], %swap3A_100 {strides = array<i32>} : memref<128x128xf32, #tpu.memory_space<vmem>>, vector<1x16xf32>,
      %swap3A_101 = arith.index_cast %scan3A_86 : i32 to index
      %swap3A_102 = arith.constant 48 : index
      %swap3A_103 = tpu.vector_load %arg10[%swap3A_101, %swap3A_102] {strides = array<i32>} : memref<128x128xf32, #tpu.memory_space<vmem>>, vector<1x16xf32>,
      %swap3A_104 = vector.shape_cast %swap3A_103 : vector<1x16xf32> to vector<16xf32>
      %swap3A_105 = vector.shape_cast %broadcast_in_dim3A_1 : vector<16xf32> to vector<1x16xf32>
      tpu.vector_store %arg10[%swap3A_101, %swap3A_102], %swap3A_105 {strides = array<i32>} : memref<128x128xf32, #tpu.memory_space<vmem>>, vector<1x16xf32>,
      %swap3A_106 = arith.index_cast %scan3A_86 : i32 to index
      %swap3A_107 = arith.constant 64 : index
      %swap3A_108 = tpu.vector_load %arg10[%swap3A_106, %swap3A_107] {strides = array<i32>} : memref<128x128xf32, #tpu.memory_space<vmem>>, vector<1x16xf32>,
      %swap3A_109 = vector.shape_cast %swap3A_108 : vector<1x16xf32> to vector<16xf32>
      %swap3A_110 = vector.shape_cast %broadcast_in_dim3A_1 : vector<16xf32> to vector<1x16xf32>
      tpu.vector_store %arg10[%swap3A_106, %swap3A_107], %swap3A_110 {strides = array<i32>} : memref<128x128xf32, #tpu.memory_space<vmem>>, vector<1x16xf32>,
      %swap3A_111 = arith.index_cast %scan3A_86 : i32 to index
      %swap3A_112 = arith.constant 80 : index
      %swap3A_113 = tpu.vector_load %arg10[%swap3A_111, %swap3A_112] {strides = array<i32>} : memref<128x128xf32, #tpu.memory_space<vmem>>, vector<1x16xf32>,
      %swap3A_114 = vector.shape_cast %swap3A_113 : vector<1x16xf32> to vector<16xf32>
      %swap3A_115 = vector.shape_cast %broadcast_in_dim3A_1 : vector<16xf32> to vector<1x16xf32>
      tpu.vector_store %arg10[%swap3A_111, %swap3A_112], %swap3A_115 {strides = array<i32>} : memref<128x128xf32, #tpu.memory_space<vmem>>, vector<1x16xf32>,
      %swap3A_116 = arith.index_cast %scan3A_86 : i32 to index
      %swap3A_117 = arith.constant 96 : index
      %swap3A_118 = tpu.vector_load %arg10[%swap3A_116, %swap3A_117] {strides = array<i32>} : memref<128x128xf32, #tpu.memory_space<vmem>>, vector<1x16xf32>,
      %swap3A_119 = vector.shape_cast %swap3A_118 : vector<1x16xf32> to vector<16xf32>
      %swap3A_120 = vector.shape_cast %broadcast_in_dim3A_1 : vector<16xf32> to vector<1x16xf32>
      tpu.vector_store %arg10[%swap3A_116, %swap3A_117], %swap3A_120 {strides = array<i32>} : memref<128x128xf32, #tpu.memory_space<vmem>>, vector<1x16xf32>,
      %swap3A_121 = arith.index_cast %scan3A_86 : i32 to index
      %swap3A_122 = arith.constant 112 : index
      %swap3A_123 = tpu.vector_load %arg10[%swap3A_121, %swap3A_122] {strides = array<i32>} : memref<128x128xf32, #tpu.memory_space<vmem>>, vector<1x16xf32>,
      %swap3A_124 = vector.shape_cast %swap3A_123 : vector<1x16xf32> to vector<16xf32>
      %swap3A_125 = vector.shape_cast %broadcast_in_dim3A_1 : vector<16xf32> to vector<1x16xf32>
      tpu.vector_store %arg10[%swap3A_121, %swap3A_122], %swap3A_125 {strides = array<i32>} : memref<128x128xf32, #tpu.memory_space<vmem>>, vector<1x16xf32>,
    }
    %scan3A_6 = arith.constant 128 : i32
    %mul3A_7 = arith.constant 328 : i32
    %mul3A_8 = arith.muli %arg1, %mul3A_7 : i32
    "tpu.region"() ({
      %run_scoped3A = tpu.sem_alloc : memref<!tpu.dma_semaphore, #tpu.memory_space<semaphore_mem>>
      %dma_start3A_86 = arith.constant 0 : i32
      %dma_start3A_87 = tpu.memref_slice %arg12[%mul3A_8, %dma_start3A_86] : memref<5248x128xf32, #tpu.memory_space<vmem_shared>> -> memref<128x128xf32, #tpu.memory_space<vmem_shared>>
      %dma_start3A_88 = arith.constant 0 : i32
      %dma_start3A_89 = tpu.memref_slice %arg12[%mul3A_8, %dma_start3A_88] : memref<5248x128xf32, #tpu.memory_space<vmem_shared>> -> memref<128x128xf32, #tpu.memory_space<vmem_shared>>
      tpu.enqueue_dma source(%arg10 : memref<128x128xf32, #tpu.memory_space<vmem>>) target(%dma_start3A_89 : memref<128x128xf32, #tpu.memory_space<vmem_shared>>) target_semaphore(%run_scoped3A : memref<!tpu.dma_semaphore, #tpu.memory_space<semaphore_mem>>)
      %dma_wait3A_90 = arith.constant 0 : i32
      %dma_wait3A_91 = tpu.memref_slice %arg12[%mul3A_8, %dma_wait3A_90] : memref<5248x128xf32, #tpu.memory_space<vmem_shared>> -> memref<128x128xf32, #tpu.memory_space<vmem_shared>>
      %dma_wait3A_92 = arith.constant 0 : i32
      %dma_wait3A_93 = tpu.memref_slice %arg12[%mul3A_8, %dma_wait3A_92] : memref<5248x128xf32, #tpu.memory_space<vmem_shared>> -> memref<128x128xf32, #tpu.memory_space<vmem_shared>>
      tpu.wait_dma2 semaphore(%run_scoped3A : memref<!tpu.dma_semaphore, #tpu.memory_space<semaphore_mem>>) src(%arg10 : memref<128x128xf32, #tpu.memory_space<vmem>>) dst(%dma_wait3A_93 : memref<128x128xf32, #tpu.memory_space<vmem_shared>>)
      tpu.yield
    }) : () -> ()
    %mul3A_9 = arith.constant 328 : i32
    %mul3A_10 = arith.muli %arg1, %mul3A_9 : i32
    %add3A_11 = arith.constant 128 : i32
    %add3A_12 = arith.addi %mul3A_10, %add3A_11 : i32
    "tpu.region"() ({
      %run_scoped3A = tpu.sem_alloc : memref<!tpu.dma_semaphore, #tpu.memory_space<semaphore_mem>>
      %dma_start3A_86 = arith.constant 0 : i32
      %dma_start3A_87 = tpu.memref_slice %arg12[%add3A_12, %dma_start3A_86] : memref<5248x128xf32, #tpu.memory_space<vmem_shared>> -> memref<128x128xf32, #tpu.memory_space<vmem_shared>>
      %dma_start3A_88 = arith.constant 0 : i32
      %dma_start3A_89 = tpu.memref_slice %arg12[%add3A_12, %dma_start3A_88] : memref<5248x128xf32, #tpu.memory_space<vmem_shared>> -> memref<128x128xf32, #tpu.memory_space<vmem_shared>>
      tpu.enqueue_dma source(%arg10 : memref<128x128xf32, #tpu.memory_space<vmem>>) target(%dma_start3A_89 : memref<128x128xf32, #tpu.memory_space<vmem_shared>>) target_semaphore(%run_scoped3A : memref<!tpu.dma_semaphore, #tpu.memory_space<semaphore_mem>>)
      %dma_wait3A_90 = arith.constant 0 : i32
      %dma_wait3A_91 = tpu.memref_slice %arg12[%add3A_12, %dma_wait3A_90] : memref<5248x128xf32, #tpu.memory_space<vmem_shared>> -> memref<128x128xf32, #tpu.memory_space<vmem_shared>>
      %dma_wait3A_92 = arith.constant 0 : i32
      %dma_wait3A_93 = tpu.memref_slice %arg12[%add3A_12, %dma_wait3A_92] : memref<5248x128xf32, #tpu.memory_space<vmem_shared>> -> memref<128x128xf32, #tpu.memory_space<vmem_shared>>
      tpu.wait_dma2 semaphore(%run_scoped3A : memref<!tpu.dma_semaphore, #tpu.memory_space<semaphore_mem>>) src(%arg10 : memref<128x128xf32, #tpu.memory_space<vmem>>) dst(%dma_wait3A_93 : memref<128x128xf32, #tpu.memory_space<vmem_shared>>)
      tpu.yield
    }) : () -> ()
    %mul3A_13 = arith.constant 328 : i32
    %mul3A_14 = arith.muli %arg1, %mul3A_13 : i32
    %add3A_15 = arith.constant 256 : i32
    %add3A_16 = arith.addi %mul3A_14, %add3A_15 : i32
    "tpu.region"() ({
      %run_scoped3A = tpu.sem_alloc : memref<!tpu.dma_semaphore, #tpu.memory_space<semaphore_mem>>
      %dma_start3A_86 = arith.constant 0 : i32
      %dma_start3A_87 = arith.constant 0 : i32
      %dma_start3A_88 = tpu.memref_slice %arg10[%dma_start3A_86, %dma_start3A_87] : memref<128x128xf32, #tpu.memory_space<vmem>> -> memref<72x128xf32, #tpu.memory_space<vmem>>
      %dma_start3A_89 = arith.constant 0 : i32
      %dma_start3A_90 = tpu.memref_slice %arg12[%add3A_16, %dma_start3A_89] : memref<5248x128xf32, #tpu.memory_space<vmem_shared>> -> memref<72x128xf32, #tpu.memory_space<vmem_shared>>
      %dma_start3A_91 = arith.constant 0 : i32
      %dma_start3A_92 = tpu.memref_slice %arg12[%add3A_16, %dma_start3A_91] : memref<5248x128xf32, #tpu.memory_space<vmem_shared>> -> memref<72x128xf32, #tpu.memory_space<vmem_shared>>
      %dma_start3A_93 = arith.constant 0 : i32
      %dma_start3A_94 = arith.constant 0 : i32
      %dma_start3A_95 = tpu.memref_slice %arg10[%dma_start3A_93, %dma_start3A_94] : memref<128x128xf32, #tpu.memory_space<vmem>> -> memref<72x128xf32, #tpu.memory_space<vmem>>
      tpu.enqueue_dma source(%dma_start3A_95 : memref<72x128xf32, #tpu.memory_space<vmem>>) target(%dma_start3A_92 : memref<72x128xf32, #tpu.memory_space<vmem_shared>>) target_semaphore(%run_scoped3A : memref<!tpu.dma_semaphore, #tpu.memory_space<semaphore_mem>>)
      %dma_wait3A_96 = arith.constant 0 : i32
      %dma_wait3A_97 = arith.constant 0 : i32
      %dma_wait3A_98 = tpu.memref_slice %arg10[%dma_wait3A_96, %dma_wait3A_97] : memref<128x128xf32, #tpu.memory_space<vmem>> -> memref<72x128xf32, #tpu.memory_space<vmem>>
      %dma_wait3A_99 = arith.constant 0 : i32
      %dma_wait3A_100 = tpu.memref_slice %arg12[%add3A_16, %dma_wait3A_99] : memref<5248x128xf32, #tpu.memory_space<vmem_shared>> -> memref<72x128xf32, #tpu.memory_space<vmem_shared>>
      %dma_wait3A_101 = arith.constant 0 : i32
      %dma_wait3A_102 = tpu.memref_slice %arg12[%add3A_16, %dma_wait3A_101] : memref<5248x128xf32, #tpu.memory_space<vmem_shared>> -> memref<72x128xf32, #tpu.memory_space<vmem_shared>>
      %dma_wait3A_103 = arith.constant 0 : i32
      %dma_wait3A_104 = arith.constant 0 : i32
      %dma_wait3A_105 = tpu.memref_slice %arg10[%dma_wait3A_103, %dma_wait3A_104] : memref<128x128xf32, #tpu.memory_space<vmem>> -> memref<72x128xf32, #tpu.memory_space<vmem>>
      tpu.wait_dma2 semaphore(%run_scoped3A : memref<!tpu.dma_semaphore, #tpu.memory_space<semaphore_mem>>) src(%dma_wait3A_105 : memref<72x128xf32, #tpu.memory_space<vmem>>) dst(%dma_wait3A_102 : memref<72x128xf32, #tpu.memory_space<vmem_shared>>)
      tpu.yield
    }) : () -> ()
    %barrier3A = arith.constant 0 : index
    tpu.barrier barrier_id(%barrier3A)
    %dma_start3A = arith.constant 0 : i32
    %dma_start3A_17 = arith.constant 0 : i32
    %dma_start3A_18 = tpu.memref_slice %arg7[%dma_start3A, %dma_start3A_17] : memref<80x128xi32, #tpu.memory_space<vmem>> -> memref<1x128xi32, #tpu.memory_space<vmem>>
    %dma_start3A_19 = tpu.memref_squeeze %dma_start3A_18 : memref<1x128xi32, #tpu.memory_space<vmem>> -> memref<128xi32, #tpu.memory_space<vmem>>
    %dma_start3A_20 = arith.constant 0 : i32
    %dma_start3A_21 = arith.constant 0 : i32
    %dma_start3A_22 = tpu.memref_slice %arg2[%dma_start3A_20, %dma_start3A_21] : memref<10000x128xf32, #tpu.memory_space<hbm>> -> memref<10000x128xf32, #tpu.memory_space<hbm>>
    tpu.enqueue_indirect_dma source(%dma_start3A_22 : memref<10000x128xf32, #tpu.memory_space<hbm>>) target(%arg10 : memref<128x128xf32, #tpu.memory_space<vmem>>) offsets(%dma_start3A_19 : memref<128xi32, #tpu.memory_space<vmem>>) semaphore(%arg13 : memref<!tpu.dma_semaphore, #tpu.memory_space<semaphore_mem>>)
    %scan3A_23 = arith.constant 0 : i32
    %scan3A_24 = arith.constant 0 : i32
    %scan3A_25 = arith.constant 40 : i32
    %scan3A_26 = arith.addi %scan3A_24, %scan3A_25 : i32
    %scan3A_27 = arith.constant 1 : i32
    scf.for %scan3A_86 = %scan3A_24 to %scan3A_26 step %scan3A_27  : i32 {
      %mul3A_87 = arith.constant 2 : i32
      %mul3A_88 = arith.muli %mul3A_87, %scan3A_86 : i32
      %mul3A_89 = arith.constant 2 : i32
      %mul3A_90 = arith.muli %mul3A_89, %scan3A_86 : i32
      %add3A_91 = arith.constant 1 : i32
      %add3A_92 = arith.addi %mul3A_90, %add3A_91 : i32
      %mul3A_93 = arith.constant 2 : i32
      %mul3A_94 = arith.muli %mul3A_93, %scan3A_86 : i32
      %add3A_95 = arith.constant 2 : i32
      %add3A_96 = arith.addi %mul3A_94, %add3A_95 : i32
      %jit3A = arith.constant 80 : i32
      %eq3A_97 = arith.constant 0 : i32
      %eq3A_98 = arith.cmpi eq, %jit3A, %eq3A_97 : i32
      %jit3A_99 = arith.constant 1 : i32
      %select_n3A = arith.select %eq3A_98, %jit3A_99, %jit3A : i32
      %rem3A = arith.remsi %add3A_96, %select_n3A : i32
      %ne3A = arith.constant 0 : i32
      %ne3A_100 = arith.cmpi ne, %rem3A, %ne3A : i32
      %lt3A_101 = arith.constant 0 : i32
      %lt3A_102 = arith.cmpi slt, %rem3A, %lt3A_101 : i32
      %lt3A_103 = arith.constant 0 : i32
      %lt3A_104 = arith.cmpi slt, %select_n3A, %lt3A_103 : i32
      %ne3A_105 = arith.xori %lt3A_102, %lt3A_104 : i1
      %and3A = arith.andi %ne3A_105, %ne3A_100 : i1
      %add3A_106 = arith.addi %rem3A, %select_n3A : i32
      %select_n3A_107 = arith.select %and3A, %add3A_106, %rem3A : i32
      %dma_wait3A_108 = arith.constant 0 : i32
      %dma_wait3A_109 = tpu.memref_slice %arg7[%mul3A_88, %dma_wait3A_108] : memref<80x128xi32, #tpu.memory_space<vmem>> -> memref<1x128xi32, #tpu.memory_space<vmem>>
      %dma_wait3A_110 = tpu.memref_squeeze %dma_wait3A_109 : memref<1x128xi32, #tpu.memory_space<vmem>> -> memref<128xi32, #tpu.memory_space<vmem>>
      %dma_wait3A_111 = arith.constant 0 : i32
      %dma_wait3A_112 = arith.constant 0 : i32
      %dma_wait3A_113 = tpu.memref_slice %arg2[%dma_wait3A_111, %dma_wait3A_112] : memref<10000x128xf32, #tpu.memory_space<hbm>> -> memref<10000x128xf32, #tpu.memory_space<hbm>>
      tpu.wait_indirect_dma semaphore(%arg13 : memref<!tpu.dma_semaphore, #tpu.memory_space<semaphore_mem>>) src(%dma_wait3A_113 : memref<10000x128xf32, #tpu.memory_space<hbm>>) dst(%arg10 : memref<128x128xf32, #tpu.memory_space<vmem>>)
      %dma_start3A_114 = arith.constant 0 : i32
      %dma_start3A_115 = tpu.memref_slice %arg7[%add3A_92, %dma_start3A_114] : memref<80x128xi32, #tpu.memory_space<vmem>> -> memref<1x128xi32, #tpu.memory_space<vmem>>
      %dma_start3A_116 = tpu.memref_squeeze %dma_start3A_115 : memref<1x128xi32, #tpu.memory_space<vmem>> -> memref<128xi32, #tpu.memory_space<vmem>>
      %dma_start3A_117 = arith.constant 0 : i32
      %dma_start3A_118 = arith.constant 0 : i32
      %dma_start3A_119 = tpu.memref_slice %arg2[%dma_start3A_117, %dma_start3A_118] : memref<10000x128xf32, #tpu.memory_space<hbm>> -> memref<10000x128xf32, #tpu.memory_space<hbm>>
      tpu.enqueue_indirect_dma source(%dma_start3A_119 : memref<10000x128xf32, #tpu.memory_space<hbm>>) target(%arg11 : memref<128x128xf32, #tpu.memory_space<vmem>>) offsets(%dma_start3A_116 : memref<128xi32, #tpu.memory_space<vmem>>) semaphore(%arg14 : memref<!tpu.dma_semaphore, #tpu.memory_space<semaphore_mem>>)
      "tpu.region"() ({
        %run_scoped3A = tpu.sem_alloc : memref<!tpu.dma_semaphore, #tpu.memory_space<semaphore_mem>>
        %dma_start3A_132 = arith.constant 0 : i32
        %dma_start3A_133 = tpu.memref_slice %arg8[%mul3A_88, %dma_start3A_132] : memref<80x128xi32, #tpu.memory_space<vmem>> -> memref<1x128xi32, #tpu.memory_space<vmem>>
        %dma_start3A_134 = tpu.memref_squeeze %dma_start3A_133 : memref<1x128xi32, #tpu.memory_space<vmem>> -> memref<128xi32, #tpu.memory_space<vmem>>
        %dma_start3A_135 = arith.constant 0 : i32
        %dma_start3A_136 = arith.constant 0 : i32
        %dma_start3A_137 = tpu.memref_slice %arg12[%dma_start3A_135, %dma_start3A_136] : memref<5248x128xf32, #tpu.memory_space<vmem_shared>> -> memref<5248x128xf32, #tpu.memory_space<vmem_shared>>
        tpu.enqueue_indirect_dma source(%arg10 : memref<128x128xf32, #tpu.memory_space<vmem>>) target(%dma_start3A_137 : memref<5248x128xf32, #tpu.memory_space<vmem_shared>>) offsets(%dma_start3A_134 : memref<128xi32, #tpu.memory_space<vmem>>) semaphore(%run_scoped3A : memref<!tpu.dma_semaphore, #tpu.memory_space<semaphore_mem>>) {add = true}
        %dma_wait3A_138 = arith.constant 0 : i32
        %dma_wait3A_139 = tpu.memref_slice %arg8[%mul3A_88, %dma_wait3A_138] : memref<80x128xi32, #tpu.memory_space<vmem>> -> memref<1x128xi32, #tpu.memory_space<vmem>>
        %dma_wait3A_140 = tpu.memref_squeeze %dma_wait3A_139 : memref<1x128xi32, #tpu.memory_space<vmem>> -> memref<128xi32, #tpu.memory_space<vmem>>
        %dma_wait3A_141 = arith.constant 0 : i32
        %dma_wait3A_142 = arith.constant 0 : i32
        %dma_wait3A_143 = tpu.memref_slice %arg12[%dma_wait3A_141, %dma_wait3A_142] : memref<5248x128xf32, #tpu.memory_space<vmem_shared>> -> memref<5248x128xf32, #tpu.memory_space<vmem_shared>>
        tpu.wait_indirect_dma semaphore(%run_scoped3A : memref<!tpu.dma_semaphore, #tpu.memory_space<semaphore_mem>>) src(%arg10 : memref<128x128xf32, #tpu.memory_space<vmem>>) dst(%dma_wait3A_143 : memref<5248x128xf32, #tpu.memory_space<vmem_shared>>)
        tpu.yield
      }) : () -> ()
      %dma_start3A_120 = arith.constant 0 : i32
      %dma_start3A_121 = tpu.memref_slice %arg7[%select_n3A_107, %dma_start3A_120] : memref<80x128xi32, #tpu.memory_space<vmem>> -> memref<1x128xi32, #tpu.memory_space<vmem>>
      %dma_start3A_122 = tpu.memref_squeeze %dma_start3A_121 : memref<1x128xi32, #tpu.memory_space<vmem>> -> memref<128xi32, #tpu.memory_space<vmem>>
      %dma_start3A_123 = arith.constant 0 : i32
      %dma_start3A_124 = arith.constant 0 : i32
      %dma_start3A_125 = tpu.memref_slice %arg2[%dma_start3A_123, %dma_start3A_124] : memref<10000x128xf32, #tpu.memory_space<hbm>> -> memref<10000x128xf32, #tpu.memory_space<hbm>>
      tpu.enqueue_indirect_dma source(%dma_start3A_125 : memref<10000x128xf32, #tpu.memory_space<hbm>>) target(%arg10 : memref<128x128xf32, #tpu.memory_space<vmem>>) offsets(%dma_start3A_122 : memref<128xi32, #tpu.memory_space<vmem>>) semaphore(%arg13 : memref<!tpu.dma_semaphore, #tpu.memory_space<semaphore_mem>>)
      %dma_wait3A_126 = arith.constant 0 : i32
      %dma_wait3A_127 = tpu.memref_slice %arg7[%add3A_92, %dma_wait3A_126] : memref<80x128xi32, #tpu.memory_space<vmem>> -> memref<1x128xi32, #tpu.memory_space<vmem>>
      %dma_wait3A_128 = tpu.memref_squeeze %dma_wait3A_127 : memref<1x128xi32, #tpu.memory_space<vmem>> -> memref<128xi32, #tpu.memory_space<vmem>>
      %dma_wait3A_129 = arith.constant 0 : i32
      %dma_wait3A_130 = arith.constant 0 : i32
      %dma_wait3A_131 = tpu.memref_slice %arg2[%dma_wait3A_129, %dma_wait3A_130] : memref<10000x128xf32, #tpu.memory_space<hbm>> -> memref<10000x128xf32, #tpu.memory_space<hbm>>
      tpu.wait_indirect_dma semaphore(%arg14 : memref<!tpu.dma_semaphore, #tpu.memory_space<semaphore_mem>>) src(%dma_wait3A_131 : memref<10000x128xf32, #tpu.memory_space<hbm>>) dst(%arg11 : memref<128x128xf32, #tpu.memory_space<vmem>>)
      "tpu.region"() ({
        %run_scoped3A = tpu.sem_alloc : memref<!tpu.dma_semaphore, #tpu.memory_space<semaphore_mem>>
        %dma_start3A_132 = arith.constant 0 : i32
        %dma_start3A_133 = tpu.memref_slice %arg8[%add3A_92, %dma_start3A_132] : memref<80x128xi32, #tpu.memory_space<vmem>> -> memref<1x128xi32, #tpu.memory_space<vmem>>
        %dma_start3A_134 = tpu.memref_squeeze %dma_start3A_133 : memref<1x128xi32, #tpu.memory_space<vmem>> -> memref<128xi32, #tpu.memory_space<vmem>>
        %dma_start3A_135 = arith.constant 0 : i32
        %dma_start3A_136 = arith.constant 0 : i32
        %dma_start3A_137 = tpu.memref_slice %arg12[%dma_start3A_135, %dma_start3A_136] : memref<5248x128xf32, #tpu.memory_space<vmem_shared>> -> memref<5248x128xf32, #tpu.memory_space<vmem_shared>>
        tpu.enqueue_indirect_dma source(%arg11 : memref<128x128xf32, #tpu.memory_space<vmem>>) target(%dma_start3A_137 : memref<5248x128xf32, #tpu.memory_space<vmem_shared>>) offsets(%dma_start3A_134 : memref<128xi32, #tpu.memory_space<vmem>>) semaphore(%run_scoped3A : memref<!tpu.dma_semaphore, #tpu.memory_space<semaphore_mem>>) {add = true}
        %dma_wait3A_138 = arith.constant 0 : i32
        %dma_wait3A_139 = tpu.memref_slice %arg8[%add3A_92, %dma_wait3A_138] : memref<80x128xi32, #tpu.memory_space<vmem>> -> memref<1x128xi32, #tpu.memory_space<vmem>>
        %dma_wait3A_140 = tpu.memref_squeeze %dma_wait3A_139 : memref<1x128xi32, #tpu.memory_space<vmem>> -> memref<128xi32, #tpu.memory_space<vmem>>
        %dma_wait3A_141 = arith.constant 0 : i32
        %dma_wait3A_142 = arith.constant 0 : i32
        %dma_wait3A_143 = tpu.memref_slice %arg12[%dma_wait3A_141, %dma_wait3A_142] : memref<5248x128xf32, #tpu.memory_space<vmem_shared>> -> memref<5248x128xf32, #tpu.memory_space<vmem_shared>>
        tpu.wait_indirect_dma semaphore(%run_scoped3A : memref<!tpu.dma_semaphore, #tpu.memory_space<semaphore_mem>>) src(%arg11 : memref<128x128xf32, #tpu.memory_space<vmem>>) dst(%dma_wait3A_143 : memref<5248x128xf32, #tpu.memory_space<vmem_shared>>)
        tpu.yield
      }) : () -> ()
    }
    %scan3A_28 = arith.constant 40 : i32
    %dma_wait3A = arith.constant 0 : i32
    %dma_wait3A_29 = arith.constant 0 : i32
    %dma_wait3A_30 = tpu.memref_slice %arg7[%dma_wait3A, %dma_wait3A_29] : memref<80x128xi32, #tpu.memory_space<vmem>> -> memref<1x128xi32, #tpu.memory_space<vmem>>
    %dma_wait3A_31 = tpu.memref_squeeze %dma_wait3A_30 : memref<1x128xi32, #tpu.memory_space<vmem>> -> memref<128xi32, #tpu.memory_space<vmem>>
    %dma_wait3A_32 = arith.constant 0 : i32
    %dma_wait3A_33 = arith.constant 0 : i32
    %dma_wait3A_34 = tpu.memref_slice %arg2[%dma_wait3A_32, %dma_wait3A_33] : memref<10000x128xf32, #tpu.memory_space<hbm>> -> memref<10000x128xf32, #tpu.memory_space<hbm>>
    tpu.wait_indirect_dma semaphore(%arg13 : memref<!tpu.dma_semaphore, #tpu.memory_space<semaphore_mem>>) src(%dma_wait3A_34 : memref<10000x128xf32, #tpu.memory_space<hbm>>) dst(%arg10 : memref<128x128xf32, #tpu.memory_space<vmem>>)
    %barrier3A_35 = arith.constant 0 : index
    tpu.barrier barrier_id(%barrier3A_35)
    %mul3A_36 = arith.constant 320 : i32
    %mul3A_37 = arith.muli %arg1, %mul3A_36 : i32
    %mul3A_38 = arith.constant 320 : i32
    %mul3A_39 = arith.muli %arg1, %mul3A_38 : i32
    "tpu.region"() ({
      %run_scoped3A = tpu.sem_alloc : memref<!tpu.dma_semaphore, #tpu.memory_space<semaphore_mem>>
      %dma_start3A_86 = arith.constant 0 : i32
      %dma_start3A_87 = tpu.memref_slice %arg6[%arg0, %mul3A_39, %dma_start3A_86] : memref<2x10000x128xf32, #tpu.memory_space<hbm>> -> memref<1x320x128xf32, #tpu.memory_space<hbm>>
      %dma_start3A_88 = tpu.memref_squeeze %dma_start3A_87 : memref<1x320x128xf32, #tpu.memory_space<hbm>> -> memref<320x128xf32, #tpu.memory_space<hbm>>
      %dma_start3A_89 = arith.constant 0 : i32
      %dma_start3A_90 = tpu.memref_slice %arg12[%mul3A_37, %dma_start3A_89] : memref<5248x128xf32, #tpu.memory_space<vmem_shared>> -> memref<320x128xf32, #tpu.memory_space<vmem_shared>>
      tpu.enqueue_dma source(%dma_start3A_90 : memref<320x128xf32, #tpu.memory_space<vmem_shared>>) target(%dma_start3A_88 : memref<320x128xf32, #tpu.memory_space<hbm>>) target_semaphore(%run_scoped3A : memref<!tpu.dma_semaphore, #tpu.memory_space<semaphore_mem>>)
      %dma_wait3A_91 = arith.constant 0 : i32
      %dma_wait3A_92 = tpu.memref_slice %arg6[%arg0, %mul3A_39, %dma_wait3A_91] : memref<2x10000x128xf32, #tpu.memory_space<hbm>> -> memref<1x320x128xf32, #tpu.memory_space<hbm>>
      %dma_wait3A_93 = tpu.memref_squeeze %dma_wait3A_92 : memref<1x320x128xf32, #tpu.memory_space<hbm>> -> memref<320x128xf32, #tpu.memory_space<hbm>>
      %dma_wait3A_94 = arith.constant 0 : i32
      %dma_wait3A_95 = tpu.memref_slice %arg12[%mul3A_37, %dma_wait3A_94] : memref<5248x128xf32, #tpu.memory_space<vmem_shared>> -> memref<320x128xf32, #tpu.memory_space<vmem_shared>>
      tpu.wait_dma2 semaphore(%run_scoped3A : memref<!tpu.dma_semaphore, #tpu.memory_space<semaphore_mem>>) src(%dma_wait3A_95 : memref<320x128xf32, #tpu.memory_space<vmem_shared>>) dst(%dma_wait3A_93 : memref<320x128xf32, #tpu.memory_space<hbm>>)
      tpu.yield
    }) : () -> ()
    %barrier3A_40 = arith.constant 0 : index
    tpu.barrier barrier_id(%barrier3A_40)
    %scan3A_41 = arith.constant 0 : i32
    %scan3A_42 = arith.constant 0 : i32
    %scan3A_43 = arith.constant 128 : i32
    %scan3A_44 = arith.addi %scan3A_42, %scan3A_43 : i32
    %scan3A_45 = arith.constant 1 : i32
    scf.for %scan3A_86 = %scan3A_42 to %scan3A_44 step %scan3A_45  : i32 {
      %swap3A = arith.index_cast %scan3A_86 : i32 to index
      %swap3A_87 = arith.constant 0 : index
      %swap3A_88 = tpu.vector_load %arg10[%swap3A, %swap3A_87] {strides = array<i32>} : memref<128x128xf32, #tpu.memory_space<vmem>>, vector<1x16xf32>,
      %swap3A_89 = vector.shape_cast %swap3A_88 : vector<1x16xf32> to vector<16xf32>
      %swap3A_90 = vector.shape_cast %broadcast_in_dim3A_1 : vector<16xf32> to vector<1x16xf32>
      tpu.vector_store %arg10[%swap3A, %swap3A_87], %swap3A_90 {strides = array<i32>} : memref<128x128xf32, #tpu.memory_space<vmem>>, vector<1x16xf32>,
      %swap3A_91 = arith.index_cast %scan3A_86 : i32 to index
      %swap3A_92 = arith.constant 16 : index
      %swap3A_93 = tpu.vector_load %arg10[%swap3A_91, %swap3A_92] {strides = array<i32>} : memref<128x128xf32, #tpu.memory_space<vmem>>, vector<1x16xf32>,
      %swap3A_94 = vector.shape_cast %swap3A_93 : vector<1x16xf32> to vector<16xf32>
      %swap3A_95 = vector.shape_cast %broadcast_in_dim3A_1 : vector<16xf32> to vector<1x16xf32>
      tpu.vector_store %arg10[%swap3A_91, %swap3A_92], %swap3A_95 {strides = array<i32>} : memref<128x128xf32, #tpu.memory_space<vmem>>, vector<1x16xf32>,
      %swap3A_96 = arith.index_cast %scan3A_86 : i32 to index
      %swap3A_97 = arith.constant 32 : index
      %swap3A_98 = tpu.vector_load %arg10[%swap3A_96, %swap3A_97] {strides = array<i32>} : memref<128x128xf32, #tpu.memory_space<vmem>>, vector<1x16xf32>,
      %swap3A_99 = vector.shape_cast %swap3A_98 : vector<1x16xf32> to vector<16xf32>
      %swap3A_100 = vector.shape_cast %broadcast_in_dim3A_1 : vector<16xf32> to vector<1x16xf32>
      tpu.vector_store %arg10[%swap3A_96, %swap3A_97], %swap3A_100 {strides = array<i32>} : memref<128x128xf32, #tpu.memory_space<vmem>>, vector<1x16xf32>,
      %swap3A_101 = arith.index_cast %scan3A_86 : i32 to index
      %swap3A_102 = arith.constant 48 : index
      %swap3A_103 = tpu.vector_load %arg10[%swap3A_101, %swap3A_102] {strides = array<i32>} : memref<128x128xf32, #tpu.memory_space<vmem>>, vector<1x16xf32>,
      %swap3A_104 = vector.shape_cast %swap3A_103 : vector<1x16xf32> to vector<16xf32>
      %swap3A_105 = vector.shape_cast %broadcast_in_dim3A_1 : vector<16xf32> to vector<1x16xf32>
      tpu.vector_store %arg10[%swap3A_101, %swap3A_102], %swap3A_105 {strides = array<i32>} : memref<128x128xf32, #tpu.memory_space<vmem>>, vector<1x16xf32>,
      %swap3A_106 = arith.index_cast %scan3A_86 : i32 to index
      %swap3A_107 = arith.constant 64 : index
      %swap3A_108 = tpu.vector_load %arg10[%swap3A_106, %swap3A_107] {strides = array<i32>} : memref<128x128xf32, #tpu.memory_space<vmem>>, vector<1x16xf32>,
      %swap3A_109 = vector.shape_cast %swap3A_108 : vector<1x16xf32> to vector<16xf32>
      %swap3A_110 = vector.shape_cast %broadcast_in_dim3A_1 : vector<16xf32> to vector<1x16xf32>
      tpu.vector_store %arg10[%swap3A_106, %swap3A_107], %swap3A_110 {strides = array<i32>} : memref<128x128xf32, #tpu.memory_space<vmem>>, vector<1x16xf32>,
      %swap3A_111 = arith.index_cast %scan3A_86 : i32 to index
      %swap3A_112 = arith.constant 80 : index
      %swap3A_113 = tpu.vector_load %arg10[%swap3A_111, %swap3A_112] {strides = array<i32>} : memref<128x128xf32, #tpu.memory_space<vmem>>, vector<1x16xf32>,
      %swap3A_114 = vector.shape_cast %swap3A_113 : vector<1x16xf32> to vector<16xf32>
      %swap3A_115 = vector.shape_cast %broadcast_in_dim3A_1 : vector<16xf32> to vector<1x16xf32>
      tpu.vector_store %arg10[%swap3A_111, %swap3A_112], %swap3A_115 {strides = array<i32>} : memref<128x128xf32, #tpu.memory_space<vmem>>, vector<1x16xf32>,
      %swap3A_116 = arith.index_cast %scan3A_86 : i32 to index
      %swap3A_117 = arith.constant 96 : index
      %swap3A_118 = tpu.vector_load %arg10[%swap3A_116, %swap3A_117] {strides = array<i32>} : memref<128x128xf32, #tpu.memory_space<vmem>>, vector<1x16xf32>,
      %swap3A_119 = vector.shape_cast %swap3A_118 : vector<1x16xf32> to vector<16xf32>
      %swap3A_120 = vector.shape_cast %broadcast_in_dim3A_1 : vector<16xf32> to vector<1x16xf32>
      tpu.vector_store %arg10[%swap3A_116, %swap3A_117], %swap3A_120 {strides = array<i32>} : memref<128x128xf32, #tpu.memory_space<vmem>>, vector<1x16xf32>,
      %swap3A_121 = arith.index_cast %scan3A_86 : i32 to index
      %swap3A_122 = arith.constant 112 : index
      %swap3A_123 = tpu.vector_load %arg10[%swap3A_121, %swap3A_122] {strides = array<i32>} : memref<128x128xf32, #tpu.memory_space<vmem>>, vector<1x16xf32>,
      %swap3A_124 = vector.shape_cast %swap3A_123 : vector<1x16xf32> to vector<16xf32>
      %swap3A_125 = vector.shape_cast %broadcast_in_dim3A_1 : vector<16xf32> to vector<1x16xf32>
      tpu.vector_store %arg10[%swap3A_121, %swap3A_122], %swap3A_125 {strides = array<i32>} : memref<128x128xf32, #tpu.memory_space<vmem>>, vector<1x16xf32>,
    }
    %scan3A_46 = arith.constant 128 : i32
    %mul3A_47 = arith.constant 328 : i32
    %mul3A_48 = arith.muli %arg1, %mul3A_47 : i32
    "tpu.region"() ({
      %run_scoped3A = tpu.sem_alloc : memref<!tpu.dma_semaphore, #tpu.memory_space<semaphore_mem>>
      %dma_start3A_86 = arith.constant 0 : i32
      %dma_start3A_87 = tpu.memref_slice %arg12[%mul3A_48, %dma_start3A_86] : memref<5248x128xf32, #tpu.memory_space<vmem_shared>> -> memref<128x128xf32, #tpu.memory_space<vmem_shared>>
      %dma_start3A_88 = arith.constant 0 : i32
      %dma_start3A_89 = tpu.memref_slice %arg12[%mul3A_48, %dma_start3A_88] : memref<5248x128xf32, #tpu.memory_space<vmem_shared>> -> memref<128x128xf32, #tpu.memory_space<vmem_shared>>
      tpu.enqueue_dma source(%arg10 : memref<128x128xf32, #tpu.memory_space<vmem>>) target(%dma_start3A_89 : memref<128x128xf32, #tpu.memory_space<vmem_shared>>) target_semaphore(%run_scoped3A : memref<!tpu.dma_semaphore, #tpu.memory_space<semaphore_mem>>)
      %dma_wait3A_90 = arith.constant 0 : i32
      %dma_wait3A_91 = tpu.memref_slice %arg12[%mul3A_48, %dma_wait3A_90] : memref<5248x128xf32, #tpu.memory_space<vmem_shared>> -> memref<128x128xf32, #tpu.memory_space<vmem_shared>>
      %dma_wait3A_92 = arith.constant 0 : i32
      %dma_wait3A_93 = tpu.memref_slice %arg12[%mul3A_48, %dma_wait3A_92] : memref<5248x128xf32, #tpu.memory_space<vmem_shared>> -> memref<128x128xf32, #tpu.memory_space<vmem_shared>>
      tpu.wait_dma2 semaphore(%run_scoped3A : memref<!tpu.dma_semaphore, #tpu.memory_space<semaphore_mem>>) src(%arg10 : memref<128x128xf32, #tpu.memory_space<vmem>>) dst(%dma_wait3A_93 : memref<128x128xf32, #tpu.memory_space<vmem_shared>>)
      tpu.yield
    }) : () -> ()
    %mul3A_49 = arith.constant 328 : i32
    %mul3A_50 = arith.muli %arg1, %mul3A_49 : i32
    %add3A_51 = arith.constant 128 : i32
    %add3A_52 = arith.addi %mul3A_50, %add3A_51 : i32
    "tpu.region"() ({
      %run_scoped3A = tpu.sem_alloc : memref<!tpu.dma_semaphore, #tpu.memory_space<semaphore_mem>>
      %dma_start3A_86 = arith.constant 0 : i32
      %dma_start3A_87 = tpu.memref_slice %arg12[%add3A_52, %dma_start3A_86] : memref<5248x128xf32, #tpu.memory_space<vmem_shared>> -> memref<128x128xf32, #tpu.memory_space<vmem_shared>>
      %dma_start3A_88 = arith.constant 0 : i32
      %dma_start3A_89 = tpu.memref_slice %arg12[%add3A_52, %dma_start3A_88] : memref<5248x128xf32, #tpu.memory_space<vmem_shared>> -> memref<128x128xf32, #tpu.memory_space<vmem_shared>>
      tpu.enqueue_dma source(%arg10 : memref<128x128xf32, #tpu.memory_space<vmem>>) target(%dma_start3A_89 : memref<128x128xf32, #tpu.memory_space<vmem_shared>>) target_semaphore(%run_scoped3A : memref<!tpu.dma_semaphore, #tpu.memory_space<semaphore_mem>>)
      %dma_wait3A_90 = arith.constant 0 : i32
      %dma_wait3A_91 = tpu.memref_slice %arg12[%add3A_52, %dma_wait3A_90] : memref<5248x128xf32, #tpu.memory_space<vmem_shared>> -> memref<128x128xf32, #tpu.memory_space<vmem_shared>>
      %dma_wait3A_92 = arith.constant 0 : i32
      %dma_wait3A_93 = tpu.memref_slice %arg12[%add3A_52, %dma_wait3A_92] : memref<5248x128xf32, #tpu.memory_space<vmem_shared>> -> memref<128x128xf32, #tpu.memory_space<vmem_shared>>
      tpu.wait_dma2 semaphore(%run_scoped3A : memref<!tpu.dma_semaphore, #tpu.memory_space<semaphore_mem>>) src(%arg10 : memref<128x128xf32, #tpu.memory_space<vmem>>) dst(%dma_wait3A_93 : memref<128x128xf32, #tpu.memory_space<vmem_shared>>)
      tpu.yield
    }) : () -> ()
    %mul3A_53 = arith.constant 328 : i32
    %mul3A_54 = arith.muli %arg1, %mul3A_53 : i32
    %add3A_55 = arith.constant 256 : i32
    %add3A_56 = arith.addi %mul3A_54, %add3A_55 : i32
    "tpu.region"() ({
      %run_scoped3A = tpu.sem_alloc : memref<!tpu.dma_semaphore, #tpu.memory_space<semaphore_mem>>
      %dma_start3A_86 = arith.constant 0 : i32
      %dma_start3A_87 = arith.constant 0 : i32
      %dma_start3A_88 = tpu.memref_slice %arg10[%dma_start3A_86, %dma_start3A_87] : memref<128x128xf32, #tpu.memory_space<vmem>> -> memref<72x128xf32, #tpu.memory_space<vmem>>
      %dma_start3A_89 = arith.constant 0 : i32
      %dma_start3A_90 = tpu.memref_slice %arg12[%add3A_56, %dma_start3A_89] : memref<5248x128xf32, #tpu.memory_space<vmem_shared>> -> memref<72x128xf32, #tpu.memory_space<vmem_shared>>
      %dma_start3A_91 = arith.constant 0 : i32
      %dma_start3A_92 = tpu.memref_slice %arg12[%add3A_56, %dma_start3A_91] : memref<5248x128xf32, #tpu.memory_space<vmem_shared>> -> memref<72x128xf32, #tpu.memory_space<vmem_shared>>
      %dma_start3A_93 = arith.constant 0 : i32
      %dma_start3A_94 = arith.constant 0 : i32
      %dma_start3A_95 = tpu.memref_slice %arg10[%dma_start3A_93, %dma_start3A_94] : memref<128x128xf32, #tpu.memory_space<vmem>> -> memref<72x128xf32, #tpu.memory_space<vmem>>
      tpu.enqueue_dma source(%dma_start3A_95 : memref<72x128xf32, #tpu.memory_space<vmem>>) target(%dma_start3A_92 : memref<72x128xf32, #tpu.memory_space<vmem_shared>>) target_semaphore(%run_scoped3A : memref<!tpu.dma_semaphore, #tpu.memory_space<semaphore_mem>>)
      %dma_wait3A_96 = arith.constant 0 : i32
      %dma_wait3A_97 = arith.constant 0 : i32
      %dma_wait3A_98 = tpu.memref_slice %arg10[%dma_wait3A_96, %dma_wait3A_97] : memref<128x128xf32, #tpu.memory_space<vmem>> -> memref<72x128xf32, #tpu.memory_space<vmem>>
      %dma_wait3A_99 = arith.constant 0 : i32
      %dma_wait3A_100 = tpu.memref_slice %arg12[%add3A_56, %dma_wait3A_99] : memref<5248x128xf32, #tpu.memory_space<vmem_shared>> -> memref<72x128xf32, #tpu.memory_space<vmem_shared>>
      %dma_wait3A_101 = arith.constant 0 : i32
      %dma_wait3A_102 = tpu.memref_slice %arg12[%add3A_56, %dma_wait3A_101] : memref<5248x128xf32, #tpu.memory_space<vmem_shared>> -> memref<72x128xf32, #tpu.memory_space<vmem_shared>>
      %dma_wait3A_103 = arith.constant 0 : i32
      %dma_wait3A_104 = arith.constant 0 : i32
      %dma_wait3A_105 = tpu.memref_slice %arg10[%dma_wait3A_103, %dma_wait3A_104] : memref<128x128xf32, #tpu.memory_space<vmem>> -> memref<72x128xf32, #tpu.memory_space<vmem>>
      tpu.wait_dma2 semaphore(%run_scoped3A : memref<!tpu.dma_semaphore, #tpu.memory_space<semaphore_mem>>) src(%dma_wait3A_105 : memref<72x128xf32, #tpu.memory_space<vmem>>) dst(%dma_wait3A_102 : memref<72x128xf32, #tpu.memory_space<vmem_shared>>)
      tpu.yield
    }) : () -> ()
    %barrier3A_57 = arith.constant 0 : index
    tpu.barrier barrier_id(%barrier3A_57)
    %dma_start3A_58 = arith.constant 0 : i32
    %dma_start3A_59 = arith.constant 0 : i32
    %dma_start3A_60 = tpu.memref_slice %arg7[%dma_start3A_58, %dma_start3A_59] : memref<80x128xi32, #tpu.memory_space<vmem>> -> memref<1x128xi32, #tpu.memory_space<vmem>>
    %dma_start3A_61 = tpu.memref_squeeze %dma_start3A_60 : memref<1x128xi32, #tpu.memory_space<vmem>> -> memref<128xi32, #tpu.memory_space<vmem>>
    %dma_start3A_62 = arith.constant 0 : i32
    %dma_start3A_63 = arith.constant 0 : i32
    %dma_start3A_64 = tpu.memref_slice %arg2[%dma_start3A_62, %dma_start3A_63] : memref<10000x128xf32, #tpu.memory_space<hbm>> -> memref<10000x128xf32, #tpu.memory_space<hbm>>
    tpu.enqueue_indirect_dma source(%dma_start3A_64 : memref<10000x128xf32, #tpu.memory_space<hbm>>) target(%arg10 : memref<128x128xf32, #tpu.memory_space<vmem>>) offsets(%dma_start3A_61 : memref<128xi32, #tpu.memory_space<vmem>>) semaphore(%arg13 : memref<!tpu.dma_semaphore, #tpu.memory_space<semaphore_mem>>)
    %scan3A_65 = arith.constant 0 : i32
    %scan3A_66 = arith.constant 0 : i32
    %scan3A_67 = arith.constant 40 : i32
    %scan3A_68 = arith.addi %scan3A_66, %scan3A_67 : i32
    %scan3A_69 = arith.constant 1 : i32
    scf.for %scan3A_86 = %scan3A_66 to %scan3A_68 step %scan3A_69  : i32 {
      %mul3A_87 = arith.constant 2 : i32
      %mul3A_88 = arith.muli %mul3A_87, %scan3A_86 : i32
      %mul3A_89 = arith.constant 2 : i32
      %mul3A_90 = arith.muli %mul3A_89, %scan3A_86 : i32
      %add3A_91 = arith.constant 1 : i32
      %add3A_92 = arith.addi %mul3A_90, %add3A_91 : i32
      %mul3A_93 = arith.constant 2 : i32
      %mul3A_94 = arith.muli %mul3A_93, %scan3A_86 : i32
      %add3A_95 = arith.constant 2 : i32
      %add3A_96 = arith.addi %mul3A_94, %add3A_95 : i32
      %jit3A = arith.constant 80 : i32
      %eq3A_97 = arith.constant 0 : i32
      %eq3A_98 = arith.cmpi eq, %jit3A, %eq3A_97 : i32
      %jit3A_99 = arith.constant 1 : i32
      %select_n3A = arith.select %eq3A_98, %jit3A_99, %jit3A : i32
      %rem3A = arith.remsi %add3A_96, %select_n3A : i32
      %ne3A = arith.constant 0 : i32
      %ne3A_100 = arith.cmpi ne, %rem3A, %ne3A : i32
      %lt3A_101 = arith.constant 0 : i32
      %lt3A_102 = arith.cmpi slt, %rem3A, %lt3A_101 : i32
      %lt3A_103 = arith.constant 0 : i32
      %lt3A_104 = arith.cmpi slt, %select_n3A, %lt3A_103 : i32
      %ne3A_105 = arith.xori %lt3A_102, %lt3A_104 : i1
      %and3A = arith.andi %ne3A_105, %ne3A_100 : i1
      %add3A_106 = arith.addi %rem3A, %select_n3A : i32
      %select_n3A_107 = arith.select %and3A, %add3A_106, %rem3A : i32
      %dma_wait3A_108 = arith.constant 0 : i32
      %dma_wait3A_109 = tpu.memref_slice %arg7[%mul3A_88, %dma_wait3A_108] : memref<80x128xi32, #tpu.memory_space<vmem>> -> memref<1x128xi32, #tpu.memory_space<vmem>>
      %dma_wait3A_110 = tpu.memref_squeeze %dma_wait3A_109 : memref<1x128xi32, #tpu.memory_space<vmem>> -> memref<128xi32, #tpu.memory_space<vmem>>
      %dma_wait3A_111 = arith.constant 0 : i32
      %dma_wait3A_112 = arith.constant 0 : i32
      %dma_wait3A_113 = tpu.memref_slice %arg2[%dma_wait3A_111, %dma_wait3A_112] : memref<10000x128xf32, #tpu.memory_space<hbm>> -> memref<10000x128xf32, #tpu.memory_space<hbm>>
      tpu.wait_indirect_dma semaphore(%arg13 : memref<!tpu.dma_semaphore, #tpu.memory_space<semaphore_mem>>) src(%dma_wait3A_113 : memref<10000x128xf32, #tpu.memory_space<hbm>>) dst(%arg10 : memref<128x128xf32, #tpu.memory_space<vmem>>)
      %dma_start3A_114 = arith.constant 0 : i32
      %dma_start3A_115 = tpu.memref_slice %arg7[%add3A_92, %dma_start3A_114] : memref<80x128xi32, #tpu.memory_space<vmem>> -> memref<1x128xi32, #tpu.memory_space<vmem>>
      %dma_start3A_116 = tpu.memref_squeeze %dma_start3A_115 : memref<1x128xi32, #tpu.memory_space<vmem>> -> memref<128xi32, #tpu.memory_space<vmem>>
      %dma_start3A_117 = arith.constant 0 : i32
      %dma_start3A_118 = arith.constant 0 : i32
      %dma_start3A_119 = tpu.memref_slice %arg2[%dma_start3A_117, %dma_start3A_118] : memref<10000x128xf32, #tpu.memory_space<hbm>> -> memref<10000x128xf32, #tpu.memory_space<hbm>>
      tpu.enqueue_indirect_dma source(%dma_start3A_119 : memref<10000x128xf32, #tpu.memory_space<hbm>>) target(%arg11 : memref<128x128xf32, #tpu.memory_space<vmem>>) offsets(%dma_start3A_116 : memref<128xi32, #tpu.memory_space<vmem>>) semaphore(%arg14 : memref<!tpu.dma_semaphore, #tpu.memory_space<semaphore_mem>>)
      "tpu.region"() ({
        %run_scoped3A = tpu.sem_alloc : memref<!tpu.dma_semaphore, #tpu.memory_space<semaphore_mem>>
        %dma_start3A_132 = arith.constant 0 : i32
        %dma_start3A_133 = tpu.memref_slice %arg9[%mul3A_88, %dma_start3A_132] : memref<80x128xi32, #tpu.memory_space<vmem>> -> memref<1x128xi32, #tpu.memory_space<vmem>>
        %dma_start3A_134 = tpu.memref_squeeze %dma_start3A_133 : memref<1x128xi32, #tpu.memory_space<vmem>> -> memref<128xi32, #tpu.memory_space<vmem>>
        %dma_start3A_135 = arith.constant 0 : i32
        %dma_start3A_136 = arith.constant 0 : i32
        %dma_start3A_137 = tpu.memref_slice %arg12[%dma_start3A_135, %dma_start3A_136] : memref<5248x128xf32, #tpu.memory_space<vmem_shared>> -> memref<5248x128xf32, #tpu.memory_space<vmem_shared>>
        tpu.enqueue_indirect_dma source(%arg10 : memref<128x128xf32, #tpu.memory_space<vmem>>) target(%dma_start3A_137 : memref<5248x128xf32, #tpu.memory_space<vmem_shared>>) offsets(%dma_start3A_134 : memref<128xi32, #tpu.memory_space<vmem>>) semaphore(%run_scoped3A : memref<!tpu.dma_semaphore, #tpu.memory_space<semaphore_mem>>) {add = true}
        %dma_wait3A_138 = arith.constant 0 : i32
        %dma_wait3A_139 = tpu.memref_slice %arg9[%mul3A_88, %dma_wait3A_138] : memref<80x128xi32, #tpu.memory_space<vmem>> -> memref<1x128xi32, #tpu.memory_space<vmem>>
        %dma_wait3A_140 = tpu.memref_squeeze %dma_wait3A_139 : memref<1x128xi32, #tpu.memory_space<vmem>> -> memref<128xi32, #tpu.memory_space<vmem>>
        %dma_wait3A_141 = arith.constant 0 : i32
        %dma_wait3A_142 = arith.constant 0 : i32
        %dma_wait3A_143 = tpu.memref_slice %arg12[%dma_wait3A_141, %dma_wait3A_142] : memref<5248x128xf32, #tpu.memory_space<vmem_shared>> -> memref<5248x128xf32, #tpu.memory_space<vmem_shared>>
        tpu.wait_indirect_dma semaphore(%run_scoped3A : memref<!tpu.dma_semaphore, #tpu.memory_space<semaphore_mem>>) src(%arg10 : memref<128x128xf32, #tpu.memory_space<vmem>>) dst(%dma_wait3A_143 : memref<5248x128xf32, #tpu.memory_space<vmem_shared>>)
        tpu.yield
      }) : () -> ()
      %dma_start3A_120 = arith.constant 0 : i32
      %dma_start3A_121 = tpu.memref_slice %arg7[%select_n3A_107, %dma_start3A_120] : memref<80x128xi32, #tpu.memory_space<vmem>> -> memref<1x128xi32, #tpu.memory_space<vmem>>
      %dma_start3A_122 = tpu.memref_squeeze %dma_start3A_121 : memref<1x128xi32, #tpu.memory_space<vmem>> -> memref<128xi32, #tpu.memory_space<vmem>>
      %dma_start3A_123 = arith.constant 0 : i32
      %dma_start3A_124 = arith.constant 0 : i32
      %dma_start3A_125 = tpu.memref_slice %arg2[%dma_start3A_123, %dma_start3A_124] : memref<10000x128xf32, #tpu.memory_space<hbm>> -> memref<10000x128xf32, #tpu.memory_space<hbm>>
      tpu.enqueue_indirect_dma source(%dma_start3A_125 : memref<10000x128xf32, #tpu.memory_space<hbm>>) target(%arg10 : memref<128x128xf32, #tpu.memory_space<vmem>>) offsets(%dma_start3A_122 : memref<128xi32, #tpu.memory_space<vmem>>) semaphore(%arg13 : memref<!tpu.dma_semaphore, #tpu.memory_space<semaphore_mem>>)
      %dma_wait3A_126 = arith.constant 0 : i32
      %dma_wait3A_127 = tpu.memref_slice %arg7[%add3A_92, %dma_wait3A_126] : memref<80x128xi32, #tpu.memory_space<vmem>> -> memref<1x128xi32, #tpu.memory_space<vmem>>
      %dma_wait3A_128 = tpu.memref_squeeze %dma_wait3A_127 : memref<1x128xi32, #tpu.memory_space<vmem>> -> memref<128xi32, #tpu.memory_space<vmem>>
      %dma_wait3A_129 = arith.constant 0 : i32
      %dma_wait3A_130 = arith.constant 0 : i32
      %dma_wait3A_131 = tpu.memref_slice %arg2[%dma_wait3A_129, %dma_wait3A_130] : memref<10000x128xf32, #tpu.memory_space<hbm>> -> memref<10000x128xf32, #tpu.memory_space<hbm>>
      tpu.wait_indirect_dma semaphore(%arg14 : memref<!tpu.dma_semaphore, #tpu.memory_space<semaphore_mem>>) src(%dma_wait3A_131 : memref<10000x128xf32, #tpu.memory_space<hbm>>) dst(%arg11 : memref<128x128xf32, #tpu.memory_space<vmem>>)
      "tpu.region"() ({
        %run_scoped3A = tpu.sem_alloc : memref<!tpu.dma_semaphore, #tpu.memory_space<semaphore_mem>>
        %dma_start3A_132 = arith.constant 0 : i32
        %dma_start3A_133 = tpu.memref_slice %arg9[%add3A_92, %dma_start3A_132] : memref<80x128xi32, #tpu.memory_space<vmem>> -> memref<1x128xi32, #tpu.memory_space<vmem>>
        %dma_start3A_134 = tpu.memref_squeeze %dma_start3A_133 : memref<1x128xi32, #tpu.memory_space<vmem>> -> memref<128xi32, #tpu.memory_space<vmem>>
        %dma_start3A_135 = arith.constant 0 : i32
        %dma_start3A_136 = arith.constant 0 : i32
        %dma_start3A_137 = tpu.memref_slice %arg12[%dma_start3A_135, %dma_start3A_136] : memref<5248x128xf32, #tpu.memory_space<vmem_shared>> -> memref<5248x128xf32, #tpu.memory_space<vmem_shared>>
        tpu.enqueue_indirect_dma source(%arg11 : memref<128x128xf32, #tpu.memory_space<vmem>>) target(%dma_start3A_137 : memref<5248x128xf32, #tpu.memory_space<vmem_shared>>) offsets(%dma_start3A_134 : memref<128xi32, #tpu.memory_space<vmem>>) semaphore(%run_scoped3A : memref<!tpu.dma_semaphore, #tpu.memory_space<semaphore_mem>>) {add = true}
        %dma_wait3A_138 = arith.constant 0 : i32
        %dma_wait3A_139 = tpu.memref_slice %arg9[%add3A_92, %dma_wait3A_138] : memref<80x128xi32, #tpu.memory_space<vmem>> -> memref<1x128xi32, #tpu.memory_space<vmem>>
        %dma_wait3A_140 = tpu.memref_squeeze %dma_wait3A_139 : memref<1x128xi32, #tpu.memory_space<vmem>> -> memref<128xi32, #tpu.memory_space<vmem>>
        %dma_wait3A_141 = arith.constant 0 : i32
        %dma_wait3A_142 = arith.constant 0 : i32
        %dma_wait3A_143 = tpu.memref_slice %arg12[%dma_wait3A_141, %dma_wait3A_142] : memref<5248x128xf32, #tpu.memory_space<vmem_shared>> -> memref<5248x128xf32, #tpu.memory_space<vmem_shared>>
        tpu.wait_indirect_dma semaphore(%run_scoped3A : memref<!tpu.dma_semaphore, #tpu.memory_space<semaphore_mem>>) src(%arg11 : memref<128x128xf32, #tpu.memory_space<vmem>>) dst(%dma_wait3A_143 : memref<5248x128xf32, #tpu.memory_space<vmem_shared>>)
        tpu.yield
      }) : () -> ()
    }
    %scan3A_70 = arith.constant 40 : i32
    %dma_wait3A_71 = arith.constant 0 : i32
    %dma_wait3A_72 = arith.constant 0 : i32
    %dma_wait3A_73 = tpu.memref_slice %arg7[%dma_wait3A_71, %dma_wait3A_72] : memref<80x128xi32, #tpu.memory_space<vmem>> -> memref<1x128xi32, #tpu.memory_space<vmem>>
    %dma_wait3A_74 = tpu.memref_squeeze %dma_wait3A_73 : memref<1x128xi32, #tpu.memory_space<vmem>> -> memref<128xi32, #tpu.memory_space<vmem>>
    %dma_wait3A_75 = arith.constant 0 : i32
    %dma_wait3A_76 = arith.constant 0 : i32
    %dma_wait3A_77 = tpu.memref_slice %arg2[%dma_wait3A_75, %dma_wait3A_76] : memref<10000x128xf32, #tpu.memory_space<hbm>> -> memref<10000x128xf32, #tpu.memory_space<hbm>>
    tpu.wait_indirect_dma semaphore(%arg13 : memref<!tpu.dma_semaphore, #tpu.memory_space<semaphore_mem>>) src(%dma_wait3A_77 : memref<10000x128xf32, #tpu.memory_space<hbm>>) dst(%arg10 : memref<128x128xf32, #tpu.memory_space<vmem>>)
    %barrier3A_78 = arith.constant 0 : index
    tpu.barrier barrier_id(%barrier3A_78)
    %lt3A = arith.constant 15 : i32
    %lt3A_79 = arith.cmpi slt, %arg1, %lt3A : i32
    %convert_element_type3A = arith.extui %lt3A_79 : i1 to i32
    %cond3A = arith.constant 0 : i32
    %cond3A_80 = arith.cmpi ne, %convert_element_type3A, %cond3A : i32
    scf.if %cond3A_80 {
      %mul3A_86 = arith.constant 312 : i32
      %mul3A_87 = arith.muli %arg1, %mul3A_86 : i32
      %mul3A_88 = arith.constant 312 : i32
      %mul3A_89 = arith.muli %arg1, %mul3A_88 : i32
      %add3A_90 = arith.constant 5120 : i32
      %add3A_91 = arith.addi %add3A_90, %mul3A_89 : i32
      "tpu.region"() ({
        %run_scoped3A = tpu.sem_alloc : memref<!tpu.dma_semaphore, #tpu.memory_space<semaphore_mem>>
        %dma_start3A_92 = arith.constant 0 : i32
        %dma_start3A_93 = tpu.memref_slice %arg6[%arg0, %add3A_91, %dma_start3A_92] : memref<2x10000x128xf32, #tpu.memory_space<hbm>> -> memref<1x312x128xf32, #tpu.memory_space<hbm>>
        %dma_start3A_94 = tpu.memref_squeeze %dma_start3A_93 : memref<1x312x128xf32, #tpu.memory_space<hbm>> -> memref<312x128xf32, #tpu.memory_space<hbm>>
        %dma_start3A_95 = arith.constant 0 : i32
        %dma_start3A_96 = tpu.memref_slice %arg12[%mul3A_87, %dma_start3A_95] : memref<5248x128xf32, #tpu.memory_space<vmem_shared>> -> memref<312x128xf32, #tpu.memory_space<vmem_shared>>
        tpu.enqueue_dma source(%dma_start3A_96 : memref<312x128xf32, #tpu.memory_space<vmem_shared>>) target(%dma_start3A_94 : memref<312x128xf32, #tpu.memory_space<hbm>>) target_semaphore(%run_scoped3A : memref<!tpu.dma_semaphore, #tpu.memory_space<semaphore_mem>>)
        %dma_wait3A_97 = arith.constant 0 : i32
        %dma_wait3A_98 = tpu.memref_slice %arg6[%arg0, %add3A_91, %dma_wait3A_97] : memref<2x10000x128xf32, #tpu.memory_space<hbm>> -> memref<1x312x128xf32, #tpu.memory_space<hbm>>
        %dma_wait3A_99 = tpu.memref_squeeze %dma_wait3A_98 : memref<1x312x128xf32, #tpu.memory_space<hbm>> -> memref<312x128xf32, #tpu.memory_space<hbm>>
        %dma_wait3A_100 = arith.constant 0 : i32
        %dma_wait3A_101 = tpu.memref_slice %arg12[%mul3A_87, %dma_wait3A_100] : memref<5248x128xf32, #tpu.memory_space<vmem_shared>> -> memref<312x128xf32, #tpu.memory_space<vmem_shared>>
        tpu.wait_dma2 semaphore(%run_scoped3A : memref<!tpu.dma_semaphore, #tpu.memory_space<semaphore_mem>>) src(%dma_wait3A_101 : memref<312x128xf32, #tpu.memory_space<vmem_shared>>) dst(%dma_wait3A_99 : memref<312x128xf32, #tpu.memory_space<hbm>>)
        tpu.yield
      }) : () -> ()
    } else {
    }
    %eq3A = arith.constant 15 : i32
    %eq3A_81 = arith.cmpi eq, %arg1, %eq3A : i32
    %convert_element_type3A_82 = arith.extui %eq3A_81 : i1 to i32
    %cond3A_83 = arith.constant 0 : i32
    %cond3A_84 = arith.cmpi ne, %convert_element_type3A_82, %cond3A_83 : i32
    scf.if %cond3A_84 {
      "tpu.region"() ({
        %run_scoped3A = tpu.sem_alloc : memref<!tpu.dma_semaphore, #tpu.memory_space<semaphore_mem>>
        %dma_start3A_86 = arith.constant 9800 : i32
        %dma_start3A_87 = arith.constant 0 : i32
        %dma_start3A_88 = tpu.memref_slice %arg6[%arg0, %dma_start3A_86, %dma_start3A_87] : memref<2x10000x128xf32, #tpu.memory_space<hbm>> -> memref<1x200x128xf32, #tpu.memory_space<hbm>>
        %dma_start3A_89 = tpu.memref_squeeze %dma_start3A_88 : memref<1x200x128xf32, #tpu.memory_space<hbm>> -> memref<200x128xf32, #tpu.memory_space<hbm>>
        %dma_start3A_90 = arith.constant 4680 : i32
        %dma_start3A_91 = arith.constant 0 : i32
        %dma_start3A_92 = tpu.memref_slice %arg12[%dma_start3A_90, %dma_start3A_91] : memref<5248x128xf32, #tpu.memory_space<vmem_shared>> -> memref<200x128xf32, #tpu.memory_space<vmem_shared>>
        tpu.enqueue_dma source(%dma_start3A_92 : memref<200x128xf32, #tpu.memory_space<vmem_shared>>) target(%dma_start3A_89 : memref<200x128xf32, #tpu.memory_space<hbm>>) target_semaphore(%run_scoped3A : memref<!tpu.dma_semaphore, #tpu.memory_space<semaphore_mem>>)
        %dma_wait3A_93 = arith.constant 9800 : i32
        %dma_wait3A_94 = arith.constant 0 : i32
        %dma_wait3A_95 = tpu.memref_slice %arg6[%arg0, %dma_wait3A_93, %dma_wait3A_94] : memref<2x10000x128xf32, #tpu.memory_space<hbm>> -> memref<1x200x128xf32, #tpu.memory_space<hbm>>
        %dma_wait3A_96 = tpu.memref_squeeze %dma_wait3A_95 : memref<1x200x128xf32, #tpu.memory_space<hbm>> -> memref<200x128xf32, #tpu.memory_space<hbm>>
        %dma_wait3A_97 = arith.constant 4680 : i32
        %dma_wait3A_98 = arith.constant 0 : i32
        %dma_wait3A_99 = tpu.memref_slice %arg12[%dma_wait3A_97, %dma_wait3A_98] : memref<5248x128xf32, #tpu.memory_space<vmem_shared>> -> memref<200x128xf32, #tpu.memory_space<vmem_shared>>
        tpu.wait_dma2 semaphore(%run_scoped3A : memref<!tpu.dma_semaphore, #tpu.memory_space<semaphore_mem>>) src(%dma_wait3A_99 : memref<200x128xf32, #tpu.memory_space<vmem_shared>>) dst(%dma_wait3A_96 : memref<200x128xf32, #tpu.memory_space<hbm>>)
        tpu.yield
      }) : () -> ()
    } else {
    }
    %barrier3A_85 = arith.constant 0 : index
    tpu.barrier barrier_id(%barrier3A_85)
    return
  }
}

#map = affine_map<(d0, d1) -> (0, 0)>
#map1 = affine_map<(d0, d1) -> (0, 0, 0)>
module attributes {stable_mosaic.version = 14 : i64} {
  func.func @_sc_spmm(%arg0: i32, %arg1: i32, %arg2: memref<10000x128xf32, #tpu.memory_space<hbm>>, %arg3: memref<32x80x128xi32, #tpu.memory_space<hbm>>, %arg4: memref<32x80x128xi32, #tpu.memory_space<hbm>>, %arg5: memref<32x80x128xi32, #tpu.memory_space<hbm>>, %arg6: memref<2x10000x128xf32, #tpu.memory_space<hbm>>, %arg7: memref<80x128xi32, #tpu.memory_space<vmem>>, %arg8: memref<80x128xi32, #tpu.memory_space<vmem>>, %arg9: memref<80x128xi32, #tpu.memory_space<vmem>>, %arg10: memref<128x128xf32, #tpu.memory_space<vmem>>, %arg11: memref<128x128xf32, #tpu.memory_space<vmem>>, %arg12: memref<5248x128xf32, #tpu.memory_space<vmem_shared>>, %arg13: memref<!tpu.dma_semaphore, #tpu.memory_space<semaphore_mem>>, %arg14: memref<!tpu.dma_semaphore, #tpu.memory_space<semaphore_mem>>) attributes {dimension_semantics = [#tpu.dimension_semantics<core_parallel>, #tpu.dimension_semantics<subcore_parallel>], iteration_bounds = array<i64: 2, 16>, scalar_prefetch = 0 : i64, scratch_operands = 8 : i64, tpu.core_type = #tpu.core_type<sc_vector_subcore>, window_params = [{transform_indices = #map}, {transform_indices = #map1}, {transform_indices = #map1}, {transform_indices = #map1}, {transform_indices = #map1}]} {
    %mul3A = arith.constant 2 : i32
    %mul3A_0 = arith.muli %arg1, %mul3A : i32
    %add3A = arith.addi %mul3A_0, %arg0 : i32
    "tpu.region"() ({
      %run_scoped3A = tpu.sem_alloc : memref<!tpu.dma_semaphore, #tpu.memory_space<semaphore_mem>>
      %dma_start3A_86 = arith.constant 0 : i32
      %dma_start3A_87 = arith.constant 0 : i32
      %dma_start3A_88 = tpu.memref_slice %arg3[%add3A, %dma_start3A_86, %dma_start3A_87] : memref<32x80x128xi32, #tpu.memory_space<hbm>> -> memref<1x80x128xi32, #tpu.memory_space<hbm>>
      %dma_start3A_89 = tpu.memref_squeeze %dma_start3A_88 : memref<1x80x128xi32, #tpu.memory_space<hbm>> -> memref<80x128xi32, #tpu.memory_space<hbm>>
      %dma_start3A_90 = arith.constant 0 : i32
      %dma_start3A_91 = arith.constant 0 : i32
      %dma_start3A_92 = tpu.memref_slice %arg3[%add3A, %dma_start3A_90, %dma_start3A_91] : memref<32x80x128xi32, #tpu.memory_space<hbm>> -> memref<1x80x128xi32, #tpu.memory_space<hbm>>
      %dma_start3A_93 = tpu.memref_squeeze %dma_start3A_92 : memref<1x80x128xi32, #tpu.memory_space<hbm>> -> memref<80x128xi32, #tpu.memory_space<hbm>>
      tpu.enqueue_dma source(%dma_start3A_93 : memref<80x128xi32, #tpu.memory_space<hbm>>) target(%arg7 : memref<80x128xi32, #tpu.memory_space<vmem>>) target_semaphore(%run_scoped3A : memref<!tpu.dma_semaphore, #tpu.memory_space<semaphore_mem>>)
      %dma_wait3A_94 = arith.constant 0 : i32
      %dma_wait3A_95 = arith.constant 0 : i32
      %dma_wait3A_96 = tpu.memref_slice %arg3[%add3A, %dma_wait3A_94, %dma_wait3A_95] : memref<32x80x128xi32, #tpu.memory_space<hbm>> -> memref<1x80x128xi32, #tpu.memory_space<hbm>>
      %dma_wait3A_97 = tpu.memref_squeeze %dma_wait3A_96 : memref<1x80x128xi32, #tpu.memory_space<hbm>> -> memref<80x128xi32, #tpu.memory_space<hbm>>
      %dma_wait3A_98 = arith.constant 0 : i32
      %dma_wait3A_99 = arith.constant 0 : i32
      %dma_wait3A_100 = tpu.memref_slice %arg3[%add3A, %dma_wait3A_98, %dma_wait3A_99] : memref<32x80x128xi32, #tpu.memory_space<hbm>> -> memref<1x80x128xi32, #tpu.memory_space<hbm>>
      %dma_wait3A_101 = tpu.memref_squeeze %dma_wait3A_100 : memref<1x80x128xi32, #tpu.memory_space<hbm>> -> memref<80x128xi32, #tpu.memory_space<hbm>>
      tpu.wait_dma2 semaphore(%run_scoped3A : memref<!tpu.dma_semaphore, #tpu.memory_space<semaphore_mem>>) src(%dma_wait3A_101 : memref<80x128xi32, #tpu.memory_space<hbm>>) dst(%arg7 : memref<80x128xi32, #tpu.memory_space<vmem>>)
      tpu.yield
    }) : () -> ()
    "tpu.region"() ({
      %run_scoped3A = tpu.sem_alloc : memref<!tpu.dma_semaphore, #tpu.memory_space<semaphore_mem>>
      %dma_start3A_86 = arith.constant 0 : i32
      %dma_start3A_87 = arith.constant 0 : i32
      %dma_start3A_88 = tpu.memref_slice %arg4[%add3A, %dma_start3A_86, %dma_start3A_87] : memref<32x80x128xi32, #tpu.memory_space<hbm>> -> memref<1x80x128xi32, #tpu.memory_space<hbm>>
      %dma_start3A_89 = tpu.memref_squeeze %dma_start3A_88 : memref<1x80x128xi32, #tpu.memory_space<hbm>> -> memref<80x128xi32, #tpu.memory_space<hbm>>
      %dma_start3A_90 = arith.constant 0 : i32
      %dma_start3A_91 = arith.constant 0 : i32
      %dma_start3A_92 = tpu.memref_slice %arg4[%add3A, %dma_start3A_90, %dma_start3A_91] : memref<32x80x128xi32, #tpu.memory_space<hbm>> -> memref<1x80x128xi32, #tpu.memory_space<hbm>>
      %dma_start3A_93 = tpu.memref_squeeze %dma_start3A_92 : memref<1x80x128xi32, #tpu.memory_space<hbm>> -> memref<80x128xi32, #tpu.memory_space<hbm>>
      tpu.enqueue_dma source(%dma_start3A_93 : memref<80x128xi32, #tpu.memory_space<hbm>>) target(%arg8 : memref<80x128xi32, #tpu.memory_space<vmem>>) target_semaphore(%run_scoped3A : memref<!tpu.dma_semaphore, #tpu.memory_space<semaphore_mem>>)
      %dma_wait3A_94 = arith.constant 0 : i32
      %dma_wait3A_95 = arith.constant 0 : i32
      %dma_wait3A_96 = tpu.memref_slice %arg4[%add3A, %dma_wait3A_94, %dma_wait3A_95] : memref<32x80x128xi32, #tpu.memory_space<hbm>> -> memref<1x80x128xi32, #tpu.memory_space<hbm>>
      %dma_wait3A_97 = tpu.memref_squeeze %dma_wait3A_96 : memref<1x80x128xi32, #tpu.memory_space<hbm>> -> memref<80x128xi32, #tpu.memory_space<hbm>>
      %dma_wait3A_98 = arith.constant 0 : i32
      %dma_wait3A_99 = arith.constant 0 : i32
      %dma_wait3A_100 = tpu.memref_slice %arg4[%add3A, %dma_wait3A_98, %dma_wait3A_99] : memref<32x80x128xi32, #tpu.memory_space<hbm>> -> memref<1x80x128xi32, #tpu.memory_space<hbm>>
      %dma_wait3A_101 = tpu.memref_squeeze %dma_wait3A_100 : memref<1x80x128xi32, #tpu.memory_space<hbm>> -> memref<80x128xi32, #tpu.memory_space<hbm>>
      tpu.wait_dma2 semaphore(%run_scoped3A : memref<!tpu.dma_semaphore, #tpu.memory_space<semaphore_mem>>) src(%dma_wait3A_101 : memref<80x128xi32, #tpu.memory_space<hbm>>) dst(%arg8 : memref<80x128xi32, #tpu.memory_space<vmem>>)
      tpu.yield
    }) : () -> ()
    "tpu.region"() ({
      %run_scoped3A = tpu.sem_alloc : memref<!tpu.dma_semaphore, #tpu.memory_space<semaphore_mem>>
      %dma_start3A_86 = arith.constant 0 : i32
      %dma_start3A_87 = arith.constant 0 : i32
      %dma_start3A_88 = tpu.memref_slice %arg5[%add3A, %dma_start3A_86, %dma_start3A_87] : memref<32x80x128xi32, #tpu.memory_space<hbm>> -> memref<1x80x128xi32, #tpu.memory_space<hbm>>
      %dma_start3A_89 = tpu.memref_squeeze %dma_start3A_88 : memref<1x80x128xi32, #tpu.memory_space<hbm>> -> memref<80x128xi32, #tpu.memory_space<hbm>>
      %dma_start3A_90 = arith.constant 0 : i32
      %dma_start3A_91 = arith.constant 0 : i32
      %dma_start3A_92 = tpu.memref_slice %arg5[%add3A, %dma_start3A_90, %dma_start3A_91] : memref<32x80x128xi32, #tpu.memory_space<hbm>> -> memref<1x80x128xi32, #tpu.memory_space<hbm>>
      %dma_start3A_93 = tpu.memref_squeeze %dma_start3A_92 : memref<1x80x128xi32, #tpu.memory_space<hbm>> -> memref<80x128xi32, #tpu.memory_space<hbm>>
      tpu.enqueue_dma source(%dma_start3A_93 : memref<80x128xi32, #tpu.memory_space<hbm>>) target(%arg9 : memref<80x128xi32, #tpu.memory_space<vmem>>) target_semaphore(%run_scoped3A : memref<!tpu.dma_semaphore, #tpu.memory_space<semaphore_mem>>)
      %dma_wait3A_94 = arith.constant 0 : i32
      %dma_wait3A_95 = arith.constant 0 : i32
      %dma_wait3A_96 = tpu.memref_slice %arg5[%add3A, %dma_wait3A_94, %dma_wait3A_95] : memref<32x80x128xi32, #tpu.memory_space<hbm>> -> memref<1x80x128xi32, #tpu.memory_space<hbm>>
      %dma_wait3A_97 = tpu.memref_squeeze %dma_wait3A_96 : memref<1x80x128xi32, #tpu.memory_space<hbm>> -> memref<80x128xi32, #tpu.memory_space<hbm>>
      %dma_wait3A_98 = arith.constant 0 : i32
      %dma_wait3A_99 = arith.constant 0 : i32
      %dma_wait3A_100 = tpu.memref_slice %arg5[%add3A, %dma_wait3A_98, %dma_wait3A_99] : memref<32x80x128xi32, #tpu.memory_space<hbm>> -> memref<1x80x128xi32, #tpu.memory_space<hbm>>
      %dma_wait3A_101 = tpu.memref_squeeze %dma_wait3A_100 : memref<1x80x128xi32, #tpu.memory_space<hbm>> -> memref<80x128xi32, #tpu.memory_space<hbm>>
      tpu.wait_dma2 semaphore(%run_scoped3A : memref<!tpu.dma_semaphore, #tpu.memory_space<semaphore_mem>>) src(%dma_wait3A_101 : memref<80x128xi32, #tpu.memory_space<hbm>>) dst(%arg9 : memref<80x128xi32, #tpu.memory_space<vmem>>)
      tpu.yield
    }) : () -> ()
    %broadcast_in_dim3A = arith.constant 0.000000e+00 : f32
    %broadcast_in_dim3A_1 = vector.broadcast %broadcast_in_dim3A : f32 to vector<16xf32>
    %scan3A = arith.constant 0 : i32
    %scan3A_2 = arith.constant 0 : i32
    %scan3A_3 = arith.constant 128 : i32
    %scan3A_4 = arith.addi %scan3A_2, %scan3A_3 : i32
    %scan3A_5 = arith.constant 1 : i32
    scf.for %scan3A_86 = %scan3A_2 to %scan3A_4 step %scan3A_5  : i32 {
      %swap3A = arith.index_cast %scan3A_86 : i32 to index
      %swap3A_87 = arith.constant 0 : index
      %swap3A_88 = tpu.vector_load %arg10[%swap3A, %swap3A_87] {strides = array<i32>} : memref<128x128xf32, #tpu.memory_space<vmem>>, vector<1x16xf32>,
      %swap3A_89 = vector.shape_cast %swap3A_88 : vector<1x16xf32> to vector<16xf32>
      %swap3A_90 = vector.shape_cast %broadcast_in_dim3A_1 : vector<16xf32> to vector<1x16xf32>
      tpu.vector_store %arg10[%swap3A, %swap3A_87], %swap3A_90 {strides = array<i32>} : memref<128x128xf32, #tpu.memory_space<vmem>>, vector<1x16xf32>,
      %swap3A_91 = arith.index_cast %scan3A_86 : i32 to index
      %swap3A_92 = arith.constant 16 : index
      %swap3A_93 = tpu.vector_load %arg10[%swap3A_91, %swap3A_92] {strides = array<i32>} : memref<128x128xf32, #tpu.memory_space<vmem>>, vector<1x16xf32>,
      %swap3A_94 = vector.shape_cast %swap3A_93 : vector<1x16xf32> to vector<16xf32>
      %swap3A_95 = vector.shape_cast %broadcast_in_dim3A_1 : vector<16xf32> to vector<1x16xf32>
      tpu.vector_store %arg10[%swap3A_91, %swap3A_92], %swap3A_95 {strides = array<i32>} : memref<128x128xf32, #tpu.memory_space<vmem>>, vector<1x16xf32>,
      %swap3A_96 = arith.index_cast %scan3A_86 : i32 to index
      %swap3A_97 = arith.constant 32 : index
      %swap3A_98 = tpu.vector_load %arg10[%swap3A_96, %swap3A_97] {strides = array<i32>} : memref<128x128xf32, #tpu.memory_space<vmem>>, vector<1x16xf32>,
      %swap3A_99 = vector.shape_cast %swap3A_98 : vector<1x16xf32> to vector<16xf32>
      %swap3A_100 = vector.shape_cast %broadcast_in_dim3A_1 : vector<16xf32> to vector<1x16xf32>
      tpu.vector_store %arg10[%swap3A_96, %swap3A_97], %swap3A_100 {strides = array<i32>} : memref<128x128xf32, #tpu.memory_space<vmem>>, vector<1x16xf32>,
      %swap3A_101 = arith.index_cast %scan3A_86 : i32 to index
      %swap3A_102 = arith.constant 48 : index
      %swap3A_103 = tpu.vector_load %arg10[%swap3A_101, %swap3A_102] {strides = array<i32>} : memref<128x128xf32, #tpu.memory_space<vmem>>, vector<1x16xf32>,
      %swap3A_104 = vector.shape_cast %swap3A_103 : vector<1x16xf32> to vector<16xf32>
      %swap3A_105 = vector.shape_cast %broadcast_in_dim3A_1 : vector<16xf32> to vector<1x16xf32>
      tpu.vector_store %arg10[%swap3A_101, %swap3A_102], %swap3A_105 {strides = array<i32>} : memref<128x128xf32, #tpu.memory_space<vmem>>, vector<1x16xf32>,
      %swap3A_106 = arith.index_cast %scan3A_86 : i32 to index
      %swap3A_107 = arith.constant 64 : index
      %swap3A_108 = tpu.vector_load %arg10[%swap3A_106, %swap3A_107] {strides = array<i32>} : memref<128x128xf32, #tpu.memory_space<vmem>>, vector<1x16xf32>,
      %swap3A_109 = vector.shape_cast %swap3A_108 : vector<1x16xf32> to vector<16xf32>
      %swap3A_110 = vector.shape_cast %broadcast_in_dim3A_1 : vector<16xf32> to vector<1x16xf32>
      tpu.vector_store %arg10[%swap3A_106, %swap3A_107], %swap3A_110 {strides = array<i32>} : memref<128x128xf32, #tpu.memory_space<vmem>>, vector<1x16xf32>,
      %swap3A_111 = arith.index_cast %scan3A_86 : i32 to index
      %swap3A_112 = arith.constant 80 : index
      %swap3A_113 = tpu.vector_load %arg10[%swap3A_111, %swap3A_112] {strides = array<i32>} : memref<128x128xf32, #tpu.memory_space<vmem>>, vector<1x16xf32>,
      %swap3A_114 = vector.shape_cast %swap3A_113 : vector<1x16xf32> to vector<16xf32>
      %swap3A_115 = vector.shape_cast %broadcast_in_dim3A_1 : vector<16xf32> to vector<1x16xf32>
      tpu.vector_store %arg10[%swap3A_111, %swap3A_112], %swap3A_115 {strides = array<i32>} : memref<128x128xf32, #tpu.memory_space<vmem>>, vector<1x16xf32>,
      %swap3A_116 = arith.index_cast %scan3A_86 : i32 to index
      %swap3A_117 = arith.constant 96 : index
      %swap3A_118 = tpu.vector_load %arg10[%swap3A_116, %swap3A_117] {strides = array<i32>} : memref<128x128xf32, #tpu.memory_space<vmem>>, vector<1x16xf32>,
      %swap3A_119 = vector.shape_cast %swap3A_118 : vector<1x16xf32> to vector<16xf32>
      %swap3A_120 = vector.shape_cast %broadcast_in_dim3A_1 : vector<16xf32> to vector<1x16xf32>
      tpu.vector_store %arg10[%swap3A_116, %swap3A_117], %swap3A_120 {strides = array<i32>} : memref<128x128xf32, #tpu.memory_space<vmem>>, vector<1x16xf32>,
      %swap3A_121 = arith.index_cast %scan3A_86 : i32 to index
      %swap3A_122 = arith.constant 112 : index
      %swap3A_123 = tpu.vector_load %arg10[%swap3A_121, %swap3A_122] {strides = array<i32>} : memref<128x128xf32, #tpu.memory_space<vmem>>, vector<1x16xf32>,
      %swap3A_124 = vector.shape_cast %swap3A_123 : vector<1x16xf32> to vector<16xf32>
      %swap3A_125 = vector.shape_cast %broadcast_in_dim3A_1 : vector<16xf32> to vector<1x16xf32>
      tpu.vector_store %arg10[%swap3A_121, %swap3A_122], %swap3A_125 {strides = array<i32>} : memref<128x128xf32, #tpu.memory_space<vmem>>, vector<1x16xf32>,
    }
    %scan3A_6 = arith.constant 128 : i32
    %mul3A_7 = arith.constant 328 : i32
    %mul3A_8 = arith.muli %arg1, %mul3A_7 : i32
    "tpu.region"() ({
      %run_scoped3A = tpu.sem_alloc : memref<!tpu.dma_semaphore, #tpu.memory_space<semaphore_mem>>
      %dma_start3A_86 = arith.constant 0 : i32
      %dma_start3A_87 = tpu.memref_slice %arg12[%mul3A_8, %dma_start3A_86] : memref<5248x128xf32, #tpu.memory_space<vmem_shared>> -> memref<128x128xf32, #tpu.memory_space<vmem_shared>>
      %dma_start3A_88 = arith.constant 0 : i32
      %dma_start3A_89 = tpu.memref_slice %arg12[%mul3A_8, %dma_start3A_88] : memref<5248x128xf32, #tpu.memory_space<vmem_shared>> -> memref<128x128xf32, #tpu.memory_space<vmem_shared>>
      tpu.enqueue_dma source(%arg10 : memref<128x128xf32, #tpu.memory_space<vmem>>) target(%dma_start3A_89 : memref<128x128xf32, #tpu.memory_space<vmem_shared>>) target_semaphore(%run_scoped3A : memref<!tpu.dma_semaphore, #tpu.memory_space<semaphore_mem>>)
      %dma_wait3A_90 = arith.constant 0 : i32
      %dma_wait3A_91 = tpu.memref_slice %arg12[%mul3A_8, %dma_wait3A_90] : memref<5248x128xf32, #tpu.memory_space<vmem_shared>> -> memref<128x128xf32, #tpu.memory_space<vmem_shared>>
      %dma_wait3A_92 = arith.constant 0 : i32
      %dma_wait3A_93 = tpu.memref_slice %arg12[%mul3A_8, %dma_wait3A_92] : memref<5248x128xf32, #tpu.memory_space<vmem_shared>> -> memref<128x128xf32, #tpu.memory_space<vmem_shared>>
      tpu.wait_dma2 semaphore(%run_scoped3A : memref<!tpu.dma_semaphore, #tpu.memory_space<semaphore_mem>>) src(%arg10 : memref<128x128xf32, #tpu.memory_space<vmem>>) dst(%dma_wait3A_93 : memref<128x128xf32, #tpu.memory_space<vmem_shared>>)
      tpu.yield
    }) : () -> ()
    %mul3A_9 = arith.constant 328 : i32
    %mul3A_10 = arith.muli %arg1, %mul3A_9 : i32
    %add3A_11 = arith.constant 128 : i32
    %add3A_12 = arith.addi %mul3A_10, %add3A_11 : i32
    "tpu.region"() ({
      %run_scoped3A = tpu.sem_alloc : memref<!tpu.dma_semaphore, #tpu.memory_space<semaphore_mem>>
      %dma_start3A_86 = arith.constant 0 : i32
      %dma_start3A_87 = tpu.memref_slice %arg12[%add3A_12, %dma_start3A_86] : memref<5248x128xf32, #tpu.memory_space<vmem_shared>> -> memref<128x128xf32, #tpu.memory_space<vmem_shared>>
      %dma_start3A_88 = arith.constant 0 : i32
      %dma_start3A_89 = tpu.memref_slice %arg12[%add3A_12, %dma_start3A_88] : memref<5248x128xf32, #tpu.memory_space<vmem_shared>> -> memref<128x128xf32, #tpu.memory_space<vmem_shared>>
      tpu.enqueue_dma source(%arg10 : memref<128x128xf32, #tpu.memory_space<vmem>>) target(%dma_start3A_89 : memref<128x128xf32, #tpu.memory_space<vmem_shared>>) target_semaphore(%run_scoped3A : memref<!tpu.dma_semaphore, #tpu.memory_space<semaphore_mem>>)
      %dma_wait3A_90 = arith.constant 0 : i32
      %dma_wait3A_91 = tpu.memref_slice %arg12[%add3A_12, %dma_wait3A_90] : memref<5248x128xf32, #tpu.memory_space<vmem_shared>> -> memref<128x128xf32, #tpu.memory_space<vmem_shared>>
      %dma_wait3A_92 = arith.constant 0 : i32
      %dma_wait3A_93 = tpu.memref_slice %arg12[%add3A_12, %dma_wait3A_92] : memref<5248x128xf32, #tpu.memory_space<vmem_shared>> -> memref<128x128xf32, #tpu.memory_space<vmem_shared>>
      tpu.wait_dma2 semaphore(%run_scoped3A : memref<!tpu.dma_semaphore, #tpu.memory_space<semaphore_mem>>) src(%arg10 : memref<128x128xf32, #tpu.memory_space<vmem>>) dst(%dma_wait3A_93 : memref<128x128xf32, #tpu.memory_space<vmem_shared>>)
      tpu.yield
    }) : () -> ()
    %mul3A_13 = arith.constant 328 : i32
    %mul3A_14 = arith.muli %arg1, %mul3A_13 : i32
    %add3A_15 = arith.constant 256 : i32
    %add3A_16 = arith.addi %mul3A_14, %add3A_15 : i32
    "tpu.region"() ({
      %run_scoped3A = tpu.sem_alloc : memref<!tpu.dma_semaphore, #tpu.memory_space<semaphore_mem>>
      %dma_start3A_86 = arith.constant 0 : i32
      %dma_start3A_87 = arith.constant 0 : i32
      %dma_start3A_88 = tpu.memref_slice %arg10[%dma_start3A_86, %dma_start3A_87] : memref<128x128xf32, #tpu.memory_space<vmem>> -> memref<72x128xf32, #tpu.memory_space<vmem>>
      %dma_start3A_89 = arith.constant 0 : i32
      %dma_start3A_90 = tpu.memref_slice %arg12[%add3A_16, %dma_start3A_89] : memref<5248x128xf32, #tpu.memory_space<vmem_shared>> -> memref<72x128xf32, #tpu.memory_space<vmem_shared>>
      %dma_start3A_91 = arith.constant 0 : i32
      %dma_start3A_92 = tpu.memref_slice %arg12[%add3A_16, %dma_start3A_91] : memref<5248x128xf32, #tpu.memory_space<vmem_shared>> -> memref<72x128xf32, #tpu.memory_space<vmem_shared>>
      %dma_start3A_93 = arith.constant 0 : i32
      %dma_start3A_94 = arith.constant 0 : i32
      %dma_start3A_95 = tpu.memref_slice %arg10[%dma_start3A_93, %dma_start3A_94] : memref<128x128xf32, #tpu.memory_space<vmem>> -> memref<72x128xf32, #tpu.memory_space<vmem>>
      tpu.enqueue_dma source(%dma_start3A_95 : memref<72x128xf32, #tpu.memory_space<vmem>>) target(%dma_start3A_92 : memref<72x128xf32, #tpu.memory_space<vmem_shared>>) target_semaphore(%run_scoped3A : memref<!tpu.dma_semaphore, #tpu.memory_space<semaphore_mem>>)
      %dma_wait3A_96 = arith.constant 0 : i32
      %dma_wait3A_97 = arith.constant 0 : i32
      %dma_wait3A_98 = tpu.memref_slice %arg10[%dma_wait3A_96, %dma_wait3A_97] : memref<128x128xf32, #tpu.memory_space<vmem>> -> memref<72x128xf32, #tpu.memory_space<vmem>>
      %dma_wait3A_99 = arith.constant 0 : i32
      %dma_wait3A_100 = tpu.memref_slice %arg12[%add3A_16, %dma_wait3A_99] : memref<5248x128xf32, #tpu.memory_space<vmem_shared>> -> memref<72x128xf32, #tpu.memory_space<vmem_shared>>
      %dma_wait3A_101 = arith.constant 0 : i32
      %dma_wait3A_102 = tpu.memref_slice %arg12[%add3A_16, %dma_wait3A_101] : memref<5248x128xf32, #tpu.memory_space<vmem_shared>> -> memref<72x128xf32, #tpu.memory_space<vmem_shared>>
      %dma_wait3A_103 = arith.constant 0 : i32
      %dma_wait3A_104 = arith.constant 0 : i32
      %dma_wait3A_105 = tpu.memref_slice %arg10[%dma_wait3A_103, %dma_wait3A_104] : memref<128x128xf32, #tpu.memory_space<vmem>> -> memref<72x128xf32, #tpu.memory_space<vmem>>
      tpu.wait_dma2 semaphore(%run_scoped3A : memref<!tpu.dma_semaphore, #tpu.memory_space<semaphore_mem>>) src(%dma_wait3A_105 : memref<72x128xf32, #tpu.memory_space<vmem>>) dst(%dma_wait3A_102 : memref<72x128xf32, #tpu.memory_space<vmem_shared>>)
      tpu.yield
    }) : () -> ()
    %barrier3A = arith.constant 0 : index
    tpu.barrier barrier_id(%barrier3A)
    %dma_start3A = arith.constant 0 : i32
    %dma_start3A_17 = arith.constant 0 : i32
    %dma_start3A_18 = tpu.memref_slice %arg7[%dma_start3A, %dma_start3A_17] : memref<80x128xi32, #tpu.memory_space<vmem>> -> memref<1x128xi32, #tpu.memory_space<vmem>>
    %dma_start3A_19 = tpu.memref_squeeze %dma_start3A_18 : memref<1x128xi32, #tpu.memory_space<vmem>> -> memref<128xi32, #tpu.memory_space<vmem>>
    %dma_start3A_20 = arith.constant 0 : i32
    %dma_start3A_21 = arith.constant 0 : i32
    %dma_start3A_22 = tpu.memref_slice %arg2[%dma_start3A_20, %dma_start3A_21] : memref<10000x128xf32, #tpu.memory_space<hbm>> -> memref<10000x128xf32, #tpu.memory_space<hbm>>
    tpu.enqueue_indirect_dma source(%dma_start3A_22 : memref<10000x128xf32, #tpu.memory_space<hbm>>) target(%arg10 : memref<128x128xf32, #tpu.memory_space<vmem>>) offsets(%dma_start3A_19 : memref<128xi32, #tpu.memory_space<vmem>>) semaphore(%arg13 : memref<!tpu.dma_semaphore, #tpu.memory_space<semaphore_mem>>)
    %scan3A_23 = arith.constant 0 : i32
    %scan3A_24 = arith.constant 0 : i32
    %scan3A_25 = arith.constant 40 : i32
    %scan3A_26 = arith.addi %scan3A_24, %scan3A_25 : i32
    %scan3A_27 = arith.constant 1 : i32
    scf.for %scan3A_86 = %scan3A_24 to %scan3A_26 step %scan3A_27  : i32 {
      %mul3A_87 = arith.constant 2 : i32
      %mul3A_88 = arith.muli %mul3A_87, %scan3A_86 : i32
      %mul3A_89 = arith.constant 2 : i32
      %mul3A_90 = arith.muli %mul3A_89, %scan3A_86 : i32
      %add3A_91 = arith.constant 1 : i32
      %add3A_92 = arith.addi %mul3A_90, %add3A_91 : i32
      %mul3A_93 = arith.constant 2 : i32
      %mul3A_94 = arith.muli %mul3A_93, %scan3A_86 : i32
      %add3A_95 = arith.constant 2 : i32
      %add3A_96 = arith.addi %mul3A_94, %add3A_95 : i32
      %jit3A = arith.constant 80 : i32
      %eq3A_97 = arith.constant 0 : i32
      %eq3A_98 = arith.cmpi eq, %jit3A, %eq3A_97 : i32
      %jit3A_99 = arith.constant 1 : i32
      %select_n3A = arith.select %eq3A_98, %jit3A_99, %jit3A : i32
      %rem3A = arith.remsi %add3A_96, %select_n3A : i32
      %ne3A = arith.constant 0 : i32
      %ne3A_100 = arith.cmpi ne, %rem3A, %ne3A : i32
      %lt3A_101 = arith.constant 0 : i32
      %lt3A_102 = arith.cmpi slt, %rem3A, %lt3A_101 : i32
      %lt3A_103 = arith.constant 0 : i32
      %lt3A_104 = arith.cmpi slt, %select_n3A, %lt3A_103 : i32
      %ne3A_105 = arith.xori %lt3A_102, %lt3A_104 : i1
      %and3A = arith.andi %ne3A_105, %ne3A_100 : i1
      %add3A_106 = arith.addi %rem3A, %select_n3A : i32
      %select_n3A_107 = arith.select %and3A, %add3A_106, %rem3A : i32
      %dma_wait3A_108 = arith.constant 0 : i32
      %dma_wait3A_109 = tpu.memref_slice %arg7[%mul3A_88, %dma_wait3A_108] : memref<80x128xi32, #tpu.memory_space<vmem>> -> memref<1x128xi32, #tpu.memory_space<vmem>>
      %dma_wait3A_110 = tpu.memref_squeeze %dma_wait3A_109 : memref<1x128xi32, #tpu.memory_space<vmem>> -> memref<128xi32, #tpu.memory_space<vmem>>
      %dma_wait3A_111 = arith.constant 0 : i32
      %dma_wait3A_112 = arith.constant 0 : i32
      %dma_wait3A_113 = tpu.memref_slice %arg2[%dma_wait3A_111, %dma_wait3A_112] : memref<10000x128xf32, #tpu.memory_space<hbm>> -> memref<10000x128xf32, #tpu.memory_space<hbm>>
      tpu.wait_indirect_dma semaphore(%arg13 : memref<!tpu.dma_semaphore, #tpu.memory_space<semaphore_mem>>) src(%dma_wait3A_113 : memref<10000x128xf32, #tpu.memory_space<hbm>>) dst(%arg10 : memref<128x128xf32, #tpu.memory_space<vmem>>)
      %dma_start3A_114 = arith.constant 0 : i32
      %dma_start3A_115 = tpu.memref_slice %arg7[%add3A_92, %dma_start3A_114] : memref<80x128xi32, #tpu.memory_space<vmem>> -> memref<1x128xi32, #tpu.memory_space<vmem>>
      %dma_start3A_116 = tpu.memref_squeeze %dma_start3A_115 : memref<1x128xi32, #tpu.memory_space<vmem>> -> memref<128xi32, #tpu.memory_space<vmem>>
      %dma_start3A_117 = arith.constant 0 : i32
      %dma_start3A_118 = arith.constant 0 : i32
      %dma_start3A_119 = tpu.memref_slice %arg2[%dma_start3A_117, %dma_start3A_118] : memref<10000x128xf32, #tpu.memory_space<hbm>> -> memref<10000x128xf32, #tpu.memory_space<hbm>>
      tpu.enqueue_indirect_dma source(%dma_start3A_119 : memref<10000x128xf32, #tpu.memory_space<hbm>>) target(%arg11 : memref<128x128xf32, #tpu.memory_space<vmem>>) offsets(%dma_start3A_116 : memref<128xi32, #tpu.memory_space<vmem>>) semaphore(%arg14 : memref<!tpu.dma_semaphore, #tpu.memory_space<semaphore_mem>>)
      "tpu.region"() ({
        %run_scoped3A = tpu.sem_alloc : memref<!tpu.dma_semaphore, #tpu.memory_space<semaphore_mem>>
        %dma_start3A_132 = arith.constant 0 : i32
        %dma_start3A_133 = tpu.memref_slice %arg8[%mul3A_88, %dma_start3A_132] : memref<80x128xi32, #tpu.memory_space<vmem>> -> memref<1x128xi32, #tpu.memory_space<vmem>>
        %dma_start3A_134 = tpu.memref_squeeze %dma_start3A_133 : memref<1x128xi32, #tpu.memory_space<vmem>> -> memref<128xi32, #tpu.memory_space<vmem>>
        %dma_start3A_135 = arith.constant 0 : i32
        %dma_start3A_136 = arith.constant 0 : i32
        %dma_start3A_137 = tpu.memref_slice %arg12[%dma_start3A_135, %dma_start3A_136] : memref<5248x128xf32, #tpu.memory_space<vmem_shared>> -> memref<5248x128xf32, #tpu.memory_space<vmem_shared>>
        tpu.enqueue_indirect_dma source(%arg10 : memref<128x128xf32, #tpu.memory_space<vmem>>) target(%dma_start3A_137 : memref<5248x128xf32, #tpu.memory_space<vmem_shared>>) offsets(%dma_start3A_134 : memref<128xi32, #tpu.memory_space<vmem>>) semaphore(%run_scoped3A : memref<!tpu.dma_semaphore, #tpu.memory_space<semaphore_mem>>) {add = true}
        %dma_wait3A_138 = arith.constant 0 : i32
        %dma_wait3A_139 = tpu.memref_slice %arg8[%mul3A_88, %dma_wait3A_138] : memref<80x128xi32, #tpu.memory_space<vmem>> -> memref<1x128xi32, #tpu.memory_space<vmem>>
        %dma_wait3A_140 = tpu.memref_squeeze %dma_wait3A_139 : memref<1x128xi32, #tpu.memory_space<vmem>> -> memref<128xi32, #tpu.memory_space<vmem>>
        %dma_wait3A_141 = arith.constant 0 : i32
        %dma_wait3A_142 = arith.constant 0 : i32
        %dma_wait3A_143 = tpu.memref_slice %arg12[%dma_wait3A_141, %dma_wait3A_142] : memref<5248x128xf32, #tpu.memory_space<vmem_shared>> -> memref<5248x128xf32, #tpu.memory_space<vmem_shared>>
        tpu.wait_indirect_dma semaphore(%run_scoped3A : memref<!tpu.dma_semaphore, #tpu.memory_space<semaphore_mem>>) src(%arg10 : memref<128x128xf32, #tpu.memory_space<vmem>>) dst(%dma_wait3A_143 : memref<5248x128xf32, #tpu.memory_space<vmem_shared>>)
        tpu.yield
      }) : () -> ()
      %dma_start3A_120 = arith.constant 0 : i32
      %dma_start3A_121 = tpu.memref_slice %arg7[%select_n3A_107, %dma_start3A_120] : memref<80x128xi32, #tpu.memory_space<vmem>> -> memref<1x128xi32, #tpu.memory_space<vmem>>
      %dma_start3A_122 = tpu.memref_squeeze %dma_start3A_121 : memref<1x128xi32, #tpu.memory_space<vmem>> -> memref<128xi32, #tpu.memory_space<vmem>>
      %dma_start3A_123 = arith.constant 0 : i32
      %dma_start3A_124 = arith.constant 0 : i32
      %dma_start3A_125 = tpu.memref_slice %arg2[%dma_start3A_123, %dma_start3A_124] : memref<10000x128xf32, #tpu.memory_space<hbm>> -> memref<10000x128xf32, #tpu.memory_space<hbm>>
      tpu.enqueue_indirect_dma source(%dma_start3A_125 : memref<10000x128xf32, #tpu.memory_space<hbm>>) target(%arg10 : memref<128x128xf32, #tpu.memory_space<vmem>>) offsets(%dma_start3A_122 : memref<128xi32, #tpu.memory_space<vmem>>) semaphore(%arg13 : memref<!tpu.dma_semaphore, #tpu.memory_space<semaphore_mem>>)
      %dma_wait3A_126 = arith.constant 0 : i32
      %dma_wait3A_127 = tpu.memref_slice %arg7[%add3A_92, %dma_wait3A_126] : memref<80x128xi32, #tpu.memory_space<vmem>> -> memref<1x128xi32, #tpu.memory_space<vmem>>
      %dma_wait3A_128 = tpu.memref_squeeze %dma_wait3A_127 : memref<1x128xi32, #tpu.memory_space<vmem>> -> memref<128xi32, #tpu.memory_space<vmem>>
      %dma_wait3A_129 = arith.constant 0 : i32
      %dma_wait3A_130 = arith.constant 0 : i32
      %dma_wait3A_131 = tpu.memref_slice %arg2[%dma_wait3A_129, %dma_wait3A_130] : memref<10000x128xf32, #tpu.memory_space<hbm>> -> memref<10000x128xf32, #tpu.memory_space<hbm>>
      tpu.wait_indirect_dma semaphore(%arg14 : memref<!tpu.dma_semaphore, #tpu.memory_space<semaphore_mem>>) src(%dma_wait3A_131 : memref<10000x128xf32, #tpu.memory_space<hbm>>) dst(%arg11 : memref<128x128xf32, #tpu.memory_space<vmem>>)
      "tpu.region"() ({
        %run_scoped3A = tpu.sem_alloc : memref<!tpu.dma_semaphore, #tpu.memory_space<semaphore_mem>>
        %dma_start3A_132 = arith.constant 0 : i32
        %dma_start3A_133 = tpu.memref_slice %arg8[%add3A_92, %dma_start3A_132] : memref<80x128xi32, #tpu.memory_space<vmem>> -> memref<1x128xi32, #tpu.memory_space<vmem>>
        %dma_start3A_134 = tpu.memref_squeeze %dma_start3A_133 : memref<1x128xi32, #tpu.memory_space<vmem>> -> memref<128xi32, #tpu.memory_space<vmem>>
        %dma_start3A_135 = arith.constant 0 : i32
        %dma_start3A_136 = arith.constant 0 : i32
        %dma_start3A_137 = tpu.memref_slice %arg12[%dma_start3A_135, %dma_start3A_136] : memref<5248x128xf32, #tpu.memory_space<vmem_shared>> -> memref<5248x128xf32, #tpu.memory_space<vmem_shared>>
        tpu.enqueue_indirect_dma source(%arg11 : memref<128x128xf32, #tpu.memory_space<vmem>>) target(%dma_start3A_137 : memref<5248x128xf32, #tpu.memory_space<vmem_shared>>) offsets(%dma_start3A_134 : memref<128xi32, #tpu.memory_space<vmem>>) semaphore(%run_scoped3A : memref<!tpu.dma_semaphore, #tpu.memory_space<semaphore_mem>>) {add = true}
        %dma_wait3A_138 = arith.constant 0 : i32
        %dma_wait3A_139 = tpu.memref_slice %arg8[%add3A_92, %dma_wait3A_138] : memref<80x128xi32, #tpu.memory_space<vmem>> -> memref<1x128xi32, #tpu.memory_space<vmem>>
        %dma_wait3A_140 = tpu.memref_squeeze %dma_wait3A_139 : memref<1x128xi32, #tpu.memory_space<vmem>> -> memref<128xi32, #tpu.memory_space<vmem>>
        %dma_wait3A_141 = arith.constant 0 : i32
        %dma_wait3A_142 = arith.constant 0 : i32
        %dma_wait3A_143 = tpu.memref_slice %arg12[%dma_wait3A_141, %dma_wait3A_142] : memref<5248x128xf32, #tpu.memory_space<vmem_shared>> -> memref<5248x128xf32, #tpu.memory_space<vmem_shared>>
        tpu.wait_indirect_dma semaphore(%run_scoped3A : memref<!tpu.dma_semaphore, #tpu.memory_space<semaphore_mem>>) src(%arg11 : memref<128x128xf32, #tpu.memory_space<vmem>>) dst(%dma_wait3A_143 : memref<5248x128xf32, #tpu.memory_space<vmem_shared>>)
        tpu.yield
      }) : () -> ()
    }
    %scan3A_28 = arith.constant 40 : i32
    %dma_wait3A = arith.constant 0 : i32
    %dma_wait3A_29 = arith.constant 0 : i32
    %dma_wait3A_30 = tpu.memref_slice %arg7[%dma_wait3A, %dma_wait3A_29] : memref<80x128xi32, #tpu.memory_space<vmem>> -> memref<1x128xi32, #tpu.memory_space<vmem>>
    %dma_wait3A_31 = tpu.memref_squeeze %dma_wait3A_30 : memref<1x128xi32, #tpu.memory_space<vmem>> -> memref<128xi32, #tpu.memory_space<vmem>>
    %dma_wait3A_32 = arith.constant 0 : i32
    %dma_wait3A_33 = arith.constant 0 : i32
    %dma_wait3A_34 = tpu.memref_slice %arg2[%dma_wait3A_32, %dma_wait3A_33] : memref<10000x128xf32, #tpu.memory_space<hbm>> -> memref<10000x128xf32, #tpu.memory_space<hbm>>
    tpu.wait_indirect_dma semaphore(%arg13 : memref<!tpu.dma_semaphore, #tpu.memory_space<semaphore_mem>>) src(%dma_wait3A_34 : memref<10000x128xf32, #tpu.memory_space<hbm>>) dst(%arg10 : memref<128x128xf32, #tpu.memory_space<vmem>>)
    %barrier3A_35 = arith.constant 0 : index
    tpu.barrier barrier_id(%barrier3A_35)
    %mul3A_36 = arith.constant 320 : i32
    %mul3A_37 = arith.muli %arg1, %mul3A_36 : i32
    %mul3A_38 = arith.constant 320 : i32
    %mul3A_39 = arith.muli %arg1, %mul3A_38 : i32
    "tpu.region"() ({
      %run_scoped3A = tpu.sem_alloc : memref<!tpu.dma_semaphore, #tpu.memory_space<semaphore_mem>>
      %dma_start3A_86 = arith.constant 0 : i32
      %dma_start3A_87 = tpu.memref_slice %arg6[%arg0, %mul3A_39, %dma_start3A_86] : memref<2x10000x128xf32, #tpu.memory_space<hbm>> -> memref<1x320x128xf32, #tpu.memory_space<hbm>>
      %dma_start3A_88 = tpu.memref_squeeze %dma_start3A_87 : memref<1x320x128xf32, #tpu.memory_space<hbm>> -> memref<320x128xf32, #tpu.memory_space<hbm>>
      %dma_start3A_89 = arith.constant 0 : i32
      %dma_start3A_90 = tpu.memref_slice %arg12[%mul3A_37, %dma_start3A_89] : memref<5248x128xf32, #tpu.memory_space<vmem_shared>> -> memref<320x128xf32, #tpu.memory_space<vmem_shared>>
      tpu.enqueue_dma source(%dma_start3A_90 : memref<320x128xf32, #tpu.memory_space<vmem_shared>>) target(%dma_start3A_88 : memref<320x128xf32, #tpu.memory_space<hbm>>) target_semaphore(%run_scoped3A : memref<!tpu.dma_semaphore, #tpu.memory_space<semaphore_mem>>)
      %dma_wait3A_91 = arith.constant 0 : i32
      %dma_wait3A_92 = tpu.memref_slice %arg6[%arg0, %mul3A_39, %dma_wait3A_91] : memref<2x10000x128xf32, #tpu.memory_space<hbm>> -> memref<1x320x128xf32, #tpu.memory_space<hbm>>
      %dma_wait3A_93 = tpu.memref_squeeze %dma_wait3A_92 : memref<1x320x128xf32, #tpu.memory_space<hbm>> -> memref<320x128xf32, #tpu.memory_space<hbm>>
      %dma_wait3A_94 = arith.constant 0 : i32
      %dma_wait3A_95 = tpu.memref_slice %arg12[%mul3A_37, %dma_wait3A_94] : memref<5248x128xf32, #tpu.memory_space<vmem_shared>> -> memref<320x128xf32, #tpu.memory_space<vmem_shared>>
      tpu.wait_dma2 semaphore(%run_scoped3A : memref<!tpu.dma_semaphore, #tpu.memory_space<semaphore_mem>>) src(%dma_wait3A_95 : memref<320x128xf32, #tpu.memory_space<vmem_shared>>) dst(%dma_wait3A_93 : memref<320x128xf32, #tpu.memory_space<hbm>>)
      tpu.yield
    }) : () -> ()
    %barrier3A_40 = arith.constant 0 : index
    tpu.barrier barrier_id(%barrier3A_40)
    %scan3A_41 = arith.constant 0 : i32
    %scan3A_42 = arith.constant 0 : i32
    %scan3A_43 = arith.constant 128 : i32
    %scan3A_44 = arith.addi %scan3A_42, %scan3A_43 : i32
    %scan3A_45 = arith.constant 1 : i32
    scf.for %scan3A_86 = %scan3A_42 to %scan3A_44 step %scan3A_45  : i32 {
      %swap3A = arith.index_cast %scan3A_86 : i32 to index
      %swap3A_87 = arith.constant 0 : index
      %swap3A_88 = tpu.vector_load %arg10[%swap3A, %swap3A_87] {strides = array<i32>} : memref<128x128xf32, #tpu.memory_space<vmem>>, vector<1x16xf32>,
      %swap3A_89 = vector.shape_cast %swap3A_88 : vector<1x16xf32> to vector<16xf32>
      %swap3A_90 = vector.shape_cast %broadcast_in_dim3A_1 : vector<16xf32> to vector<1x16xf32>
      tpu.vector_store %arg10[%swap3A, %swap3A_87], %swap3A_90 {strides = array<i32>} : memref<128x128xf32, #tpu.memory_space<vmem>>, vector<1x16xf32>,
      %swap3A_91 = arith.index_cast %scan3A_86 : i32 to index
      %swap3A_92 = arith.constant 16 : index
      %swap3A_93 = tpu.vector_load %arg10[%swap3A_91, %swap3A_92] {strides = array<i32>} : memref<128x128xf32, #tpu.memory_space<vmem>>, vector<1x16xf32>,
      %swap3A_94 = vector.shape_cast %swap3A_93 : vector<1x16xf32> to vector<16xf32>
      %swap3A_95 = vector.shape_cast %broadcast_in_dim3A_1 : vector<16xf32> to vector<1x16xf32>
      tpu.vector_store %arg10[%swap3A_91, %swap3A_92], %swap3A_95 {strides = array<i32>} : memref<128x128xf32, #tpu.memory_space<vmem>>, vector<1x16xf32>,
      %swap3A_96 = arith.index_cast %scan3A_86 : i32 to index
      %swap3A_97 = arith.constant 32 : index
      %swap3A_98 = tpu.vector_load %arg10[%swap3A_96, %swap3A_97] {strides = array<i32>} : memref<128x128xf32, #tpu.memory_space<vmem>>, vector<1x16xf32>,
      %swap3A_99 = vector.shape_cast %swap3A_98 : vector<1x16xf32> to vector<16xf32>
      %swap3A_100 = vector.shape_cast %broadcast_in_dim3A_1 : vector<16xf32> to vector<1x16xf32>
      tpu.vector_store %arg10[%swap3A_96, %swap3A_97], %swap3A_100 {strides = array<i32>} : memref<128x128xf32, #tpu.memory_space<vmem>>, vector<1x16xf32>,
      %swap3A_101 = arith.index_cast %scan3A_86 : i32 to index
      %swap3A_102 = arith.constant 48 : index
      %swap3A_103 = tpu.vector_load %arg10[%swap3A_101, %swap3A_102] {strides = array<i32>} : memref<128x128xf32, #tpu.memory_space<vmem>>, vector<1x16xf32>,
      %swap3A_104 = vector.shape_cast %swap3A_103 : vector<1x16xf32> to vector<16xf32>
      %swap3A_105 = vector.shape_cast %broadcast_in_dim3A_1 : vector<16xf32> to vector<1x16xf32>
      tpu.vector_store %arg10[%swap3A_101, %swap3A_102], %swap3A_105 {strides = array<i32>} : memref<128x128xf32, #tpu.memory_space<vmem>>, vector<1x16xf32>,
      %swap3A_106 = arith.index_cast %scan3A_86 : i32 to index
      %swap3A_107 = arith.constant 64 : index
      %swap3A_108 = tpu.vector_load %arg10[%swap3A_106, %swap3A_107] {strides = array<i32>} : memref<128x128xf32, #tpu.memory_space<vmem>>, vector<1x16xf32>,
      %swap3A_109 = vector.shape_cast %swap3A_108 : vector<1x16xf32> to vector<16xf32>
      %swap3A_110 = vector.shape_cast %broadcast_in_dim3A_1 : vector<16xf32> to vector<1x16xf32>
      tpu.vector_store %arg10[%swap3A_106, %swap3A_107], %swap3A_110 {strides = array<i32>} : memref<128x128xf32, #tpu.memory_space<vmem>>, vector<1x16xf32>,
      %swap3A_111 = arith.index_cast %scan3A_86 : i32 to index
      %swap3A_112 = arith.constant 80 : index
      %swap3A_113 = tpu.vector_load %arg10[%swap3A_111, %swap3A_112] {strides = array<i32>} : memref<128x128xf32, #tpu.memory_space<vmem>>, vector<1x16xf32>,
      %swap3A_114 = vector.shape_cast %swap3A_113 : vector<1x16xf32> to vector<16xf32>
      %swap3A_115 = vector.shape_cast %broadcast_in_dim3A_1 : vector<16xf32> to vector<1x16xf32>
      tpu.vector_store %arg10[%swap3A_111, %swap3A_112], %swap3A_115 {strides = array<i32>} : memref<128x128xf32, #tpu.memory_space<vmem>>, vector<1x16xf32>,
      %swap3A_116 = arith.index_cast %scan3A_86 : i32 to index
      %swap3A_117 = arith.constant 96 : index
      %swap3A_118 = tpu.vector_load %arg10[%swap3A_116, %swap3A_117] {strides = array<i32>} : memref<128x128xf32, #tpu.memory_space<vmem>>, vector<1x16xf32>,
      %swap3A_119 = vector.shape_cast %swap3A_118 : vector<1x16xf32> to vector<16xf32>
      %swap3A_120 = vector.shape_cast %broadcast_in_dim3A_1 : vector<16xf32> to vector<1x16xf32>
      tpu.vector_store %arg10[%swap3A_116, %swap3A_117], %swap3A_120 {strides = array<i32>} : memref<128x128xf32, #tpu.memory_space<vmem>>, vector<1x16xf32>,
      %swap3A_121 = arith.index_cast %scan3A_86 : i32 to index
      %swap3A_122 = arith.constant 112 : index
      %swap3A_123 = tpu.vector_load %arg10[%swap3A_121, %swap3A_122] {strides = array<i32>} : memref<128x128xf32, #tpu.memory_space<vmem>>, vector<1x16xf32>,
      %swap3A_124 = vector.shape_cast %swap3A_123 : vector<1x16xf32> to vector<16xf32>
      %swap3A_125 = vector.shape_cast %broadcast_in_dim3A_1 : vector<16xf32> to vector<1x16xf32>
      tpu.vector_store %arg10[%swap3A_121, %swap3A_122], %swap3A_125 {strides = array<i32>} : memref<128x128xf32, #tpu.memory_space<vmem>>, vector<1x16xf32>,
    }
    %scan3A_46 = arith.constant 128 : i32
    %mul3A_47 = arith.constant 328 : i32
    %mul3A_48 = arith.muli %arg1, %mul3A_47 : i32
    "tpu.region"() ({
      %run_scoped3A = tpu.sem_alloc : memref<!tpu.dma_semaphore, #tpu.memory_space<semaphore_mem>>
      %dma_start3A_86 = arith.constant 0 : i32
      %dma_start3A_87 = tpu.memref_slice %arg12[%mul3A_48, %dma_start3A_86] : memref<5248x128xf32, #tpu.memory_space<vmem_shared>> -> memref<128x128xf32, #tpu.memory_space<vmem_shared>>
      %dma_start3A_88 = arith.constant 0 : i32
      %dma_start3A_89 = tpu.memref_slice %arg12[%mul3A_48, %dma_start3A_88] : memref<5248x128xf32, #tpu.memory_space<vmem_shared>> -> memref<128x128xf32, #tpu.memory_space<vmem_shared>>
      tpu.enqueue_dma source(%arg10 : memref<128x128xf32, #tpu.memory_space<vmem>>) target(%dma_start3A_89 : memref<128x128xf32, #tpu.memory_space<vmem_shared>>) target_semaphore(%run_scoped3A : memref<!tpu.dma_semaphore, #tpu.memory_space<semaphore_mem>>)
      %dma_wait3A_90 = arith.constant 0 : i32
      %dma_wait3A_91 = tpu.memref_slice %arg12[%mul3A_48, %dma_wait3A_90] : memref<5248x128xf32, #tpu.memory_space<vmem_shared>> -> memref<128x128xf32, #tpu.memory_space<vmem_shared>>
      %dma_wait3A_92 = arith.constant 0 : i32
      %dma_wait3A_93 = tpu.memref_slice %arg12[%mul3A_48, %dma_wait3A_92] : memref<5248x128xf32, #tpu.memory_space<vmem_shared>> -> memref<128x128xf32, #tpu.memory_space<vmem_shared>>
      tpu.wait_dma2 semaphore(%run_scoped3A : memref<!tpu.dma_semaphore, #tpu.memory_space<semaphore_mem>>) src(%arg10 : memref<128x128xf32, #tpu.memory_space<vmem>>) dst(%dma_wait3A_93 : memref<128x128xf32, #tpu.memory_space<vmem_shared>>)
      tpu.yield
    }) : () -> ()
    %mul3A_49 = arith.constant 328 : i32
    %mul3A_50 = arith.muli %arg1, %mul3A_49 : i32
    %add3A_51 = arith.constant 128 : i32
    %add3A_52 = arith.addi %mul3A_50, %add3A_51 : i32
    "tpu.region"() ({
      %run_scoped3A = tpu.sem_alloc : memref<!tpu.dma_semaphore, #tpu.memory_space<semaphore_mem>>
      %dma_start3A_86 = arith.constant 0 : i32
      %dma_start3A_87 = tpu.memref_slice %arg12[%add3A_52, %dma_start3A_86] : memref<5248x128xf32, #tpu.memory_space<vmem_shared>> -> memref<128x128xf32, #tpu.memory_space<vmem_shared>>
      %dma_start3A_88 = arith.constant 0 : i32
      %dma_start3A_89 = tpu.memref_slice %arg12[%add3A_52, %dma_start3A_88] : memref<5248x128xf32, #tpu.memory_space<vmem_shared>> -> memref<128x128xf32, #tpu.memory_space<vmem_shared>>
      tpu.enqueue_dma source(%arg10 : memref<128x128xf32, #tpu.memory_space<vmem>>) target(%dma_start3A_89 : memref<128x128xf32, #tpu.memory_space<vmem_shared>>) target_semaphore(%run_scoped3A : memref<!tpu.dma_semaphore, #tpu.memory_space<semaphore_mem>>)
      %dma_wait3A_90 = arith.constant 0 : i32
      %dma_wait3A_91 = tpu.memref_slice %arg12[%add3A_52, %dma_wait3A_90] : memref<5248x128xf32, #tpu.memory_space<vmem_shared>> -> memref<128x128xf32, #tpu.memory_space<vmem_shared>>
      %dma_wait3A_92 = arith.constant 0 : i32
      %dma_wait3A_93 = tpu.memref_slice %arg12[%add3A_52, %dma_wait3A_92] : memref<5248x128xf32, #tpu.memory_space<vmem_shared>> -> memref<128x128xf32, #tpu.memory_space<vmem_shared>>
      tpu.wait_dma2 semaphore(%run_scoped3A : memref<!tpu.dma_semaphore, #tpu.memory_space<semaphore_mem>>) src(%arg10 : memref<128x128xf32, #tpu.memory_space<vmem>>) dst(%dma_wait3A_93 : memref<128x128xf32, #tpu.memory_space<vmem_shared>>)
      tpu.yield
    }) : () -> ()
    %mul3A_53 = arith.constant 328 : i32
    %mul3A_54 = arith.muli %arg1, %mul3A_53 : i32
    %add3A_55 = arith.constant 256 : i32
    %add3A_56 = arith.addi %mul3A_54, %add3A_55 : i32
    "tpu.region"() ({
      %run_scoped3A = tpu.sem_alloc : memref<!tpu.dma_semaphore, #tpu.memory_space<semaphore_mem>>
      %dma_start3A_86 = arith.constant 0 : i32
      %dma_start3A_87 = arith.constant 0 : i32
      %dma_start3A_88 = tpu.memref_slice %arg10[%dma_start3A_86, %dma_start3A_87] : memref<128x128xf32, #tpu.memory_space<vmem>> -> memref<72x128xf32, #tpu.memory_space<vmem>>
      %dma_start3A_89 = arith.constant 0 : i32
      %dma_start3A_90 = tpu.memref_slice %arg12[%add3A_56, %dma_start3A_89] : memref<5248x128xf32, #tpu.memory_space<vmem_shared>> -> memref<72x128xf32, #tpu.memory_space<vmem_shared>>
      %dma_start3A_91 = arith.constant 0 : i32
      %dma_start3A_92 = tpu.memref_slice %arg12[%add3A_56, %dma_start3A_91] : memref<5248x128xf32, #tpu.memory_space<vmem_shared>> -> memref<72x128xf32, #tpu.memory_space<vmem_shared>>
      %dma_start3A_93 = arith.constant 0 : i32
      %dma_start3A_94 = arith.constant 0 : i32
      %dma_start3A_95 = tpu.memref_slice %arg10[%dma_start3A_93, %dma_start3A_94] : memref<128x128xf32, #tpu.memory_space<vmem>> -> memref<72x128xf32, #tpu.memory_space<vmem>>
      tpu.enqueue_dma source(%dma_start3A_95 : memref<72x128xf32, #tpu.memory_space<vmem>>) target(%dma_start3A_92 : memref<72x128xf32, #tpu.memory_space<vmem_shared>>) target_semaphore(%run_scoped3A : memref<!tpu.dma_semaphore, #tpu.memory_space<semaphore_mem>>)
      %dma_wait3A_96 = arith.constant 0 : i32
      %dma_wait3A_97 = arith.constant 0 : i32
      %dma_wait3A_98 = tpu.memref_slice %arg10[%dma_wait3A_96, %dma_wait3A_97] : memref<128x128xf32, #tpu.memory_space<vmem>> -> memref<72x128xf32, #tpu.memory_space<vmem>>
      %dma_wait3A_99 = arith.constant 0 : i32
      %dma_wait3A_100 = tpu.memref_slice %arg12[%add3A_56, %dma_wait3A_99] : memref<5248x128xf32, #tpu.memory_space<vmem_shared>> -> memref<72x128xf32, #tpu.memory_space<vmem_shared>>
      %dma_wait3A_101 = arith.constant 0 : i32
      %dma_wait3A_102 = tpu.memref_slice %arg12[%add3A_56, %dma_wait3A_101] : memref<5248x128xf32, #tpu.memory_space<vmem_shared>> -> memref<72x128xf32, #tpu.memory_space<vmem_shared>>
      %dma_wait3A_103 = arith.constant 0 : i32
      %dma_wait3A_104 = arith.constant 0 : i32
      %dma_wait3A_105 = tpu.memref_slice %arg10[%dma_wait3A_103, %dma_wait3A_104] : memref<128x128xf32, #tpu.memory_space<vmem>> -> memref<72x128xf32, #tpu.memory_space<vmem>>
      tpu.wait_dma2 semaphore(%run_scoped3A : memref<!tpu.dma_semaphore, #tpu.memory_space<semaphore_mem>>) src(%dma_wait3A_105 : memref<72x128xf32, #tpu.memory_space<vmem>>) dst(%dma_wait3A_102 : memref<72x128xf32, #tpu.memory_space<vmem_shared>>)
      tpu.yield
    }) : () -> ()
    %barrier3A_57 = arith.constant 0 : index
    tpu.barrier barrier_id(%barrier3A_57)
    %dma_start3A_58 = arith.constant 0 : i32
    %dma_start3A_59 = arith.constant 0 : i32
    %dma_start3A_60 = tpu.memref_slice %arg7[%dma_start3A_58, %dma_start3A_59] : memref<80x128xi32, #tpu.memory_space<vmem>> -> memref<1x128xi32, #tpu.memory_space<vmem>>
    %dma_start3A_61 = tpu.memref_squeeze %dma_start3A_60 : memref<1x128xi32, #tpu.memory_space<vmem>> -> memref<128xi32, #tpu.memory_space<vmem>>
    %dma_start3A_62 = arith.constant 0 : i32
    %dma_start3A_63 = arith.constant 0 : i32
    %dma_start3A_64 = tpu.memref_slice %arg2[%dma_start3A_62, %dma_start3A_63] : memref<10000x128xf32, #tpu.memory_space<hbm>> -> memref<10000x128xf32, #tpu.memory_space<hbm>>
    tpu.enqueue_indirect_dma source(%dma_start3A_64 : memref<10000x128xf32, #tpu.memory_space<hbm>>) target(%arg10 : memref<128x128xf32, #tpu.memory_space<vmem>>) offsets(%dma_start3A_61 : memref<128xi32, #tpu.memory_space<vmem>>) semaphore(%arg13 : memref<!tpu.dma_semaphore, #tpu.memory_space<semaphore_mem>>)
    %scan3A_65 = arith.constant 0 : i32
    %scan3A_66 = arith.constant 0 : i32
    %scan3A_67 = arith.constant 40 : i32
    %scan3A_68 = arith.addi %scan3A_66, %scan3A_67 : i32
    %scan3A_69 = arith.constant 1 : i32
    scf.for %scan3A_86 = %scan3A_66 to %scan3A_68 step %scan3A_69  : i32 {
      %mul3A_87 = arith.constant 2 : i32
      %mul3A_88 = arith.muli %mul3A_87, %scan3A_86 : i32
      %mul3A_89 = arith.constant 2 : i32
      %mul3A_90 = arith.muli %mul3A_89, %scan3A_86 : i32
      %add3A_91 = arith.constant 1 : i32
      %add3A_92 = arith.addi %mul3A_90, %add3A_91 : i32
      %mul3A_93 = arith.constant 2 : i32
      %mul3A_94 = arith.muli %mul3A_93, %scan3A_86 : i32
      %add3A_95 = arith.constant 2 : i32
      %add3A_96 = arith.addi %mul3A_94, %add3A_95 : i32
      %jit3A = arith.constant 80 : i32
      %eq3A_97 = arith.constant 0 : i32
      %eq3A_98 = arith.cmpi eq, %jit3A, %eq3A_97 : i32
      %jit3A_99 = arith.constant 1 : i32
      %select_n3A = arith.select %eq3A_98, %jit3A_99, %jit3A : i32
      %rem3A = arith.remsi %add3A_96, %select_n3A : i32
      %ne3A = arith.constant 0 : i32
      %ne3A_100 = arith.cmpi ne, %rem3A, %ne3A : i32
      %lt3A_101 = arith.constant 0 : i32
      %lt3A_102 = arith.cmpi slt, %rem3A, %lt3A_101 : i32
      %lt3A_103 = arith.constant 0 : i32
      %lt3A_104 = arith.cmpi slt, %select_n3A, %lt3A_103 : i32
      %ne3A_105 = arith.xori %lt3A_102, %lt3A_104 : i1
      %and3A = arith.andi %ne3A_105, %ne3A_100 : i1
      %add3A_106 = arith.addi %rem3A, %select_n3A : i32
      %select_n3A_107 = arith.select %and3A, %add3A_106, %rem3A : i32
      %dma_wait3A_108 = arith.constant 0 : i32
      %dma_wait3A_109 = tpu.memref_slice %arg7[%mul3A_88, %dma_wait3A_108] : memref<80x128xi32, #tpu.memory_space<vmem>> -> memref<1x128xi32, #tpu.memory_space<vmem>>
      %dma_wait3A_110 = tpu.memref_squeeze %dma_wait3A_109 : memref<1x128xi32, #tpu.memory_space<vmem>> -> memref<128xi32, #tpu.memory_space<vmem>>
      %dma_wait3A_111 = arith.constant 0 : i32
      %dma_wait3A_112 = arith.constant 0 : i32
      %dma_wait3A_113 = tpu.memref_slice %arg2[%dma_wait3A_111, %dma_wait3A_112] : memref<10000x128xf32, #tpu.memory_space<hbm>> -> memref<10000x128xf32, #tpu.memory_space<hbm>>
      tpu.wait_indirect_dma semaphore(%arg13 : memref<!tpu.dma_semaphore, #tpu.memory_space<semaphore_mem>>) src(%dma_wait3A_113 : memref<10000x128xf32, #tpu.memory_space<hbm>>) dst(%arg10 : memref<128x128xf32, #tpu.memory_space<vmem>>)
      %dma_start3A_114 = arith.constant 0 : i32
      %dma_start3A_115 = tpu.memref_slice %arg7[%add3A_92, %dma_start3A_114] : memref<80x128xi32, #tpu.memory_space<vmem>> -> memref<1x128xi32, #tpu.memory_space<vmem>>
      %dma_start3A_116 = tpu.memref_squeeze %dma_start3A_115 : memref<1x128xi32, #tpu.memory_space<vmem>> -> memref<128xi32, #tpu.memory_space<vmem>>
      %dma_start3A_117 = arith.constant 0 : i32
      %dma_start3A_118 = arith.constant 0 : i32
      %dma_start3A_119 = tpu.memref_slice %arg2[%dma_start3A_117, %dma_start3A_118] : memref<10000x128xf32, #tpu.memory_space<hbm>> -> memref<10000x128xf32, #tpu.memory_space<hbm>>
      tpu.enqueue_indirect_dma source(%dma_start3A_119 : memref<10000x128xf32, #tpu.memory_space<hbm>>) target(%arg11 : memref<128x128xf32, #tpu.memory_space<vmem>>) offsets(%dma_start3A_116 : memref<128xi32, #tpu.memory_space<vmem>>) semaphore(%arg14 : memref<!tpu.dma_semaphore, #tpu.memory_space<semaphore_mem>>)
      "tpu.region"() ({
        %run_scoped3A = tpu.sem_alloc : memref<!tpu.dma_semaphore, #tpu.memory_space<semaphore_mem>>
        %dma_start3A_132 = arith.constant 0 : i32
        %dma_start3A_133 = tpu.memref_slice %arg9[%mul3A_88, %dma_start3A_132] : memref<80x128xi32, #tpu.memory_space<vmem>> -> memref<1x128xi32, #tpu.memory_space<vmem>>
        %dma_start3A_134 = tpu.memref_squeeze %dma_start3A_133 : memref<1x128xi32, #tpu.memory_space<vmem>> -> memref<128xi32, #tpu.memory_space<vmem>>
        %dma_start3A_135 = arith.constant 0 : i32
        %dma_start3A_136 = arith.constant 0 : i32
        %dma_start3A_137 = tpu.memref_slice %arg12[%dma_start3A_135, %dma_start3A_136] : memref<5248x128xf32, #tpu.memory_space<vmem_shared>> -> memref<5248x128xf32, #tpu.memory_space<vmem_shared>>
        tpu.enqueue_indirect_dma source(%arg10 : memref<128x128xf32, #tpu.memory_space<vmem>>) target(%dma_start3A_137 : memref<5248x128xf32, #tpu.memory_space<vmem_shared>>) offsets(%dma_start3A_134 : memref<128xi32, #tpu.memory_space<vmem>>) semaphore(%run_scoped3A : memref<!tpu.dma_semaphore, #tpu.memory_space<semaphore_mem>>) {add = true}
        %dma_wait3A_138 = arith.constant 0 : i32
        %dma_wait3A_139 = tpu.memref_slice %arg9[%mul3A_88, %dma_wait3A_138] : memref<80x128xi32, #tpu.memory_space<vmem>> -> memref<1x128xi32, #tpu.memory_space<vmem>>
        %dma_wait3A_140 = tpu.memref_squeeze %dma_wait3A_139 : memref<1x128xi32, #tpu.memory_space<vmem>> -> memref<128xi32, #tpu.memory_space<vmem>>
        %dma_wait3A_141 = arith.constant 0 : i32
        %dma_wait3A_142 = arith.constant 0 : i32
        %dma_wait3A_143 = tpu.memref_slice %arg12[%dma_wait3A_141, %dma_wait3A_142] : memref<5248x128xf32, #tpu.memory_space<vmem_shared>> -> memref<5248x128xf32, #tpu.memory_space<vmem_shared>>
        tpu.wait_indirect_dma semaphore(%run_scoped3A : memref<!tpu.dma_semaphore, #tpu.memory_space<semaphore_mem>>) src(%arg10 : memref<128x128xf32, #tpu.memory_space<vmem>>) dst(%dma_wait3A_143 : memref<5248x128xf32, #tpu.memory_space<vmem_shared>>)
        tpu.yield
      }) : () -> ()
      %dma_start3A_120 = arith.constant 0 : i32
      %dma_start3A_121 = tpu.memref_slice %arg7[%select_n3A_107, %dma_start3A_120] : memref<80x128xi32, #tpu.memory_space<vmem>> -> memref<1x128xi32, #tpu.memory_space<vmem>>
      %dma_start3A_122 = tpu.memref_squeeze %dma_start3A_121 : memref<1x128xi32, #tpu.memory_space<vmem>> -> memref<128xi32, #tpu.memory_space<vmem>>
      %dma_start3A_123 = arith.constant 0 : i32
      %dma_start3A_124 = arith.constant 0 : i32
      %dma_start3A_125 = tpu.memref_slice %arg2[%dma_start3A_123, %dma_start3A_124] : memref<10000x128xf32, #tpu.memory_space<hbm>> -> memref<10000x128xf32, #tpu.memory_space<hbm>>
      tpu.enqueue_indirect_dma source(%dma_start3A_125 : memref<10000x128xf32, #tpu.memory_space<hbm>>) target(%arg10 : memref<128x128xf32, #tpu.memory_space<vmem>>) offsets(%dma_start3A_122 : memref<128xi32, #tpu.memory_space<vmem>>) semaphore(%arg13 : memref<!tpu.dma_semaphore, #tpu.memory_space<semaphore_mem>>)
      %dma_wait3A_126 = arith.constant 0 : i32
      %dma_wait3A_127 = tpu.memref_slice %arg7[%add3A_92, %dma_wait3A_126] : memref<80x128xi32, #tpu.memory_space<vmem>> -> memref<1x128xi32, #tpu.memory_space<vmem>>
      %dma_wait3A_128 = tpu.memref_squeeze %dma_wait3A_127 : memref<1x128xi32, #tpu.memory_space<vmem>> -> memref<128xi32, #tpu.memory_space<vmem>>
      %dma_wait3A_129 = arith.constant 0 : i32
      %dma_wait3A_130 = arith.constant 0 : i32
      %dma_wait3A_131 = tpu.memref_slice %arg2[%dma_wait3A_129, %dma_wait3A_130] : memref<10000x128xf32, #tpu.memory_space<hbm>> -> memref<10000x128xf32, #tpu.memory_space<hbm>>
      tpu.wait_indirect_dma semaphore(%arg14 : memref<!tpu.dma_semaphore, #tpu.memory_space<semaphore_mem>>) src(%dma_wait3A_131 : memref<10000x128xf32, #tpu.memory_space<hbm>>) dst(%arg11 : memref<128x128xf32, #tpu.memory_space<vmem>>)
      "tpu.region"() ({
        %run_scoped3A = tpu.sem_alloc : memref<!tpu.dma_semaphore, #tpu.memory_space<semaphore_mem>>
        %dma_start3A_132 = arith.constant 0 : i32
        %dma_start3A_133 = tpu.memref_slice %arg9[%add3A_92, %dma_start3A_132] : memref<80x128xi32, #tpu.memory_space<vmem>> -> memref<1x128xi32, #tpu.memory_space<vmem>>
        %dma_start3A_134 = tpu.memref_squeeze %dma_start3A_133 : memref<1x128xi32, #tpu.memory_space<vmem>> -> memref<128xi32, #tpu.memory_space<vmem>>
        %dma_start3A_135 = arith.constant 0 : i32
        %dma_start3A_136 = arith.constant 0 : i32
        %dma_start3A_137 = tpu.memref_slice %arg12[%dma_start3A_135, %dma_start3A_136] : memref<5248x128xf32, #tpu.memory_space<vmem_shared>> -> memref<5248x128xf32, #tpu.memory_space<vmem_shared>>
        tpu.enqueue_indirect_dma source(%arg11 : memref<128x128xf32, #tpu.memory_space<vmem>>) target(%dma_start3A_137 : memref<5248x128xf32, #tpu.memory_space<vmem_shared>>) offsets(%dma_start3A_134 : memref<128xi32, #tpu.memory_space<vmem>>) semaphore(%run_scoped3A : memref<!tpu.dma_semaphore, #tpu.memory_space<semaphore_mem>>) {add = true}
        %dma_wait3A_138 = arith.constant 0 : i32
        %dma_wait3A_139 = tpu.memref_slice %arg9[%add3A_92, %dma_wait3A_138] : memref<80x128xi32, #tpu.memory_space<vmem>> -> memref<1x128xi32, #tpu.memory_space<vmem>>
        %dma_wait3A_140 = tpu.memref_squeeze %dma_wait3A_139 : memref<1x128xi32, #tpu.memory_space<vmem>> -> memref<128xi32, #tpu.memory_space<vmem>>
        %dma_wait3A_141 = arith.constant 0 : i32
        %dma_wait3A_142 = arith.constant 0 : i32
        %dma_wait3A_143 = tpu.memref_slice %arg12[%dma_wait3A_141, %dma_wait3A_142] : memref<5248x128xf32, #tpu.memory_space<vmem_shared>> -> memref<5248x128xf32, #tpu.memory_space<vmem_shared>>
        tpu.wait_indirect_dma semaphore(%run_scoped3A : memref<!tpu.dma_semaphore, #tpu.memory_space<semaphore_mem>>) src(%arg11 : memref<128x128xf32, #tpu.memory_space<vmem>>) dst(%dma_wait3A_143 : memref<5248x128xf32, #tpu.memory_space<vmem_shared>>)
        tpu.yield
      }) : () -> ()
    }
    %scan3A_70 = arith.constant 40 : i32
    %dma_wait3A_71 = arith.constant 0 : i32
    %dma_wait3A_72 = arith.constant 0 : i32
    %dma_wait3A_73 = tpu.memref_slice %arg7[%dma_wait3A_71, %dma_wait3A_72] : memref<80x128xi32, #tpu.memory_space<vmem>> -> memref<1x128xi32, #tpu.memory_space<vmem>>
    %dma_wait3A_74 = tpu.memref_squeeze %dma_wait3A_73 : memref<1x128xi32, #tpu.memory_space<vmem>> -> memref<128xi32, #tpu.memory_space<vmem>>
    %dma_wait3A_75 = arith.constant 0 : i32
    %dma_wait3A_76 = arith.constant 0 : i32
    %dma_wait3A_77 = tpu.memref_slice %arg2[%dma_wait3A_75, %dma_wait3A_76] : memref<10000x128xf32, #tpu.memory_space<hbm>> -> memref<10000x128xf32, #tpu.memory_space<hbm>>
    tpu.wait_indirect_dma semaphore(%arg13 : memref<!tpu.dma_semaphore, #tpu.memory_space<semaphore_mem>>) src(%dma_wait3A_77 : memref<10000x128xf32, #tpu.memory_space<hbm>>) dst(%arg10 : memref<128x128xf32, #tpu.memory_space<vmem>>)
    %barrier3A_78 = arith.constant 0 : index
    tpu.barrier barrier_id(%barrier3A_78)
    %lt3A = arith.constant 15 : i32
    %lt3A_79 = arith.cmpi slt, %arg1, %lt3A : i32
    %convert_element_type3A = arith.extui %lt3A_79 : i1 to i32
    %cond3A = arith.constant 0 : i32
    %cond3A_80 = arith.cmpi ne, %convert_element_type3A, %cond3A : i32
    scf.if %cond3A_80 {
      %mul3A_86 = arith.constant 312 : i32
      %mul3A_87 = arith.muli %arg1, %mul3A_86 : i32
      %mul3A_88 = arith.constant 312 : i32
      %mul3A_89 = arith.muli %arg1, %mul3A_88 : i32
      %add3A_90 = arith.constant 5120 : i32
      %add3A_91 = arith.addi %add3A_90, %mul3A_89 : i32
      "tpu.region"() ({
        %run_scoped3A = tpu.sem_alloc : memref<!tpu.dma_semaphore, #tpu.memory_space<semaphore_mem>>
        %dma_start3A_92 = arith.constant 0 : i32
        %dma_start3A_93 = tpu.memref_slice %arg6[%arg0, %add3A_91, %dma_start3A_92] : memref<2x10000x128xf32, #tpu.memory_space<hbm>> -> memref<1x312x128xf32, #tpu.memory_space<hbm>>
        %dma_start3A_94 = tpu.memref_squeeze %dma_start3A_93 : memref<1x312x128xf32, #tpu.memory_space<hbm>> -> memref<312x128xf32, #tpu.memory_space<hbm>>
        %dma_start3A_95 = arith.constant 0 : i32
        %dma_start3A_96 = tpu.memref_slice %arg12[%mul3A_87, %dma_start3A_95] : memref<5248x128xf32, #tpu.memory_space<vmem_shared>> -> memref<312x128xf32, #tpu.memory_space<vmem_shared>>
        tpu.enqueue_dma source(%dma_start3A_96 : memref<312x128xf32, #tpu.memory_space<vmem_shared>>) target(%dma_start3A_94 : memref<312x128xf32, #tpu.memory_space<hbm>>) target_semaphore(%run_scoped3A : memref<!tpu.dma_semaphore, #tpu.memory_space<semaphore_mem>>)
        %dma_wait3A_97 = arith.constant 0 : i32
        %dma_wait3A_98 = tpu.memref_slice %arg6[%arg0, %add3A_91, %dma_wait3A_97] : memref<2x10000x128xf32, #tpu.memory_space<hbm>> -> memref<1x312x128xf32, #tpu.memory_space<hbm>>
        %dma_wait3A_99 = tpu.memref_squeeze %dma_wait3A_98 : memref<1x312x128xf32, #tpu.memory_space<hbm>> -> memref<312x128xf32, #tpu.memory_space<hbm>>
        %dma_wait3A_100 = arith.constant 0 : i32
        %dma_wait3A_101 = tpu.memref_slice %arg12[%mul3A_87, %dma_wait3A_100] : memref<5248x128xf32, #tpu.memory_space<vmem_shared>> -> memref<312x128xf32, #tpu.memory_space<vmem_shared>>
        tpu.wait_dma2 semaphore(%run_scoped3A : memref<!tpu.dma_semaphore, #tpu.memory_space<semaphore_mem>>) src(%dma_wait3A_101 : memref<312x128xf32, #tpu.memory_space<vmem_shared>>) dst(%dma_wait3A_99 : memref<312x128xf32, #tpu.memory_space<hbm>>)
        tpu.yield
      }) : () -> ()
    } else {
    }
    %eq3A = arith.constant 15 : i32
    %eq3A_81 = arith.cmpi eq, %arg1, %eq3A : i32
    %convert_element_type3A_82 = arith.extui %eq3A_81 : i1 to i32
    %cond3A_83 = arith.constant 0 : i32
    %cond3A_84 = arith.cmpi ne, %convert_element_type3A_82, %cond3A_83 : i32
    scf.if %cond3A_84 {
      "tpu.region"() ({
        %run_scoped3A = tpu.sem_alloc : memref<!tpu.dma_semaphore, #tpu.memory_space<semaphore_mem>>
        %dma_start3A_86 = arith.constant 9800 : i32
        %dma_start3A_87 = arith.constant 0 : i32
        %dma_start3A_88 = tpu.memref_slice %arg6[%arg0, %dma_start3A_86, %dma_start3A_87] : memref<2x10000x128xf32, #tpu.memory_space<hbm>> -> memref<1x200x128xf32, #tpu.memory_space<hbm>>
        %dma_start3A_89 = tpu.memref_squeeze %dma_start3A_88 : memref<1x200x128xf32, #tpu.memory_space<hbm>> -> memref<200x128xf32, #tpu.memory_space<hbm>>
        %dma_start3A_90 = arith.constant 4680 : i32
        %dma_start3A_91 = arith.constant 0 : i32
        %dma_start3A_92 = tpu.memref_slice %arg12[%dma_start3A_90, %dma_start3A_91] : memref<5248x128xf32, #tpu.memory_space<vmem_shared>> -> memref<200x128xf32, #tpu.memory_space<vmem_shared>>
        tpu.enqueue_dma source(%dma_start3A_92 : memref<200x128xf32, #tpu.memory_space<vmem_shared>>) target(%dma_start3A_89 : memref<200x128xf32, #tpu.memory_space<hbm>>) target_semaphore(%run_scoped3A : memref<!tpu.dma_semaphore, #tpu.memory_space<semaphore_mem>>)
        %dma_wait3A_93 = arith.constant 9800 : i32
        %dma_wait3A_94 = arith.constant 0 : i32
        %dma_wait3A_95 = tpu.memref_slice %arg6[%arg0, %dma_wait3A_93, %dma_wait3A_94] : memref<2x10000x128xf32, #tpu.memory_space<hbm>> -> memref<1x200x128xf32, #tpu.memory_space<hbm>>
        %dma_wait3A_96 = tpu.memref_squeeze %dma_wait3A_95 : memref<1x200x128xf32, #tpu.memory_space<hbm>> -> memref<200x128xf32, #tpu.memory_space<hbm>>
        %dma_wait3A_97 = arith.constant 4680 : i32
        %dma_wait3A_98 = arith.constant 0 : i32
        %dma_wait3A_99 = tpu.memref_slice %arg12[%dma_wait3A_97, %dma_wait3A_98] : memref<5248x128xf32, #tpu.memory_space<vmem_shared>> -> memref<200x128xf32, #tpu.memory_space<vmem_shared>>
        tpu.wait_dma2 semaphore(%run_scoped3A : memref<!tpu.dma_semaphore, #tpu.memory_space<semaphore_mem>>) src(%dma_wait3A_99 : memref<200x128xf32, #tpu.memory_space<vmem_shared>>) dst(%dma_wait3A_96 : memref<200x128xf32, #tpu.memory_space<hbm>>)
        tpu.yield
      }) : () -> ()
    } else {
    }
    %barrier3A_85 = arith.constant 0 : index
    tpu.barrier barrier_id(%barrier3A_85)
    return
  }
}

#map = affine_map<(d0, d1) -> (0, 0)>
#map1 = affine_map<(d0, d1) -> (0, 0, 0)>
module attributes {stable_mosaic.version = 14 : i64} {
  func.func @_sc_spmm(%arg0: i32, %arg1: i32, %arg2: memref<10000x128xf32, #tpu.memory_space<hbm>>, %arg3: memref<32x80x128xi32, #tpu.memory_space<hbm>>, %arg4: memref<32x80x128xi32, #tpu.memory_space<hbm>>, %arg5: memref<32x80x128xi32, #tpu.memory_space<hbm>>, %arg6: memref<2x10000x128xf32, #tpu.memory_space<hbm>>, %arg7: memref<80x128xi32, #tpu.memory_space<vmem>>, %arg8: memref<80x128xi32, #tpu.memory_space<vmem>>, %arg9: memref<80x128xi32, #tpu.memory_space<vmem>>, %arg10: memref<128x128xf32, #tpu.memory_space<vmem>>, %arg11: memref<128x128xf32, #tpu.memory_space<vmem>>, %arg12: memref<5248x128xf32, #tpu.memory_space<vmem_shared>>, %arg13: memref<!tpu.dma_semaphore, #tpu.memory_space<semaphore_mem>>, %arg14: memref<!tpu.dma_semaphore, #tpu.memory_space<semaphore_mem>>) attributes {dimension_semantics = [#tpu.dimension_semantics<core_parallel>, #tpu.dimension_semantics<subcore_parallel>], iteration_bounds = array<i64: 2, 16>, scalar_prefetch = 0 : i64, scratch_operands = 8 : i64, tpu.core_type = #tpu.core_type<sc_vector_subcore>, window_params = [{transform_indices = #map}, {transform_indices = #map1}, {transform_indices = #map1}, {transform_indices = #map1}, {transform_indices = #map1}]} {
    %mul3A = arith.constant 2 : i32
    %mul3A_0 = arith.muli %arg1, %mul3A : i32
    %add3A = arith.addi %mul3A_0, %arg0 : i32
    "tpu.region"() ({
      %run_scoped3A = tpu.sem_alloc : memref<!tpu.dma_semaphore, #tpu.memory_space<semaphore_mem>>
      %dma_start3A_86 = arith.constant 0 : i32
      %dma_start3A_87 = arith.constant 0 : i32
      %dma_start3A_88 = tpu.memref_slice %arg3[%add3A, %dma_start3A_86, %dma_start3A_87] : memref<32x80x128xi32, #tpu.memory_space<hbm>> -> memref<1x80x128xi32, #tpu.memory_space<hbm>>
      %dma_start3A_89 = tpu.memref_squeeze %dma_start3A_88 : memref<1x80x128xi32, #tpu.memory_space<hbm>> -> memref<80x128xi32, #tpu.memory_space<hbm>>
      %dma_start3A_90 = arith.constant 0 : i32
      %dma_start3A_91 = arith.constant 0 : i32
      %dma_start3A_92 = tpu.memref_slice %arg3[%add3A, %dma_start3A_90, %dma_start3A_91] : memref<32x80x128xi32, #tpu.memory_space<hbm>> -> memref<1x80x128xi32, #tpu.memory_space<hbm>>
      %dma_start3A_93 = tpu.memref_squeeze %dma_start3A_92 : memref<1x80x128xi32, #tpu.memory_space<hbm>> -> memref<80x128xi32, #tpu.memory_space<hbm>>
      tpu.enqueue_dma source(%dma_start3A_93 : memref<80x128xi32, #tpu.memory_space<hbm>>) target(%arg7 : memref<80x128xi32, #tpu.memory_space<vmem>>) target_semaphore(%run_scoped3A : memref<!tpu.dma_semaphore, #tpu.memory_space<semaphore_mem>>)
      %dma_wait3A_94 = arith.constant 0 : i32
      %dma_wait3A_95 = arith.constant 0 : i32
      %dma_wait3A_96 = tpu.memref_slice %arg3[%add3A, %dma_wait3A_94, %dma_wait3A_95] : memref<32x80x128xi32, #tpu.memory_space<hbm>> -> memref<1x80x128xi32, #tpu.memory_space<hbm>>
      %dma_wait3A_97 = tpu.memref_squeeze %dma_wait3A_96 : memref<1x80x128xi32, #tpu.memory_space<hbm>> -> memref<80x128xi32, #tpu.memory_space<hbm>>
      %dma_wait3A_98 = arith.constant 0 : i32
      %dma_wait3A_99 = arith.constant 0 : i32
      %dma_wait3A_100 = tpu.memref_slice %arg3[%add3A, %dma_wait3A_98, %dma_wait3A_99] : memref<32x80x128xi32, #tpu.memory_space<hbm>> -> memref<1x80x128xi32, #tpu.memory_space<hbm>>
      %dma_wait3A_101 = tpu.memref_squeeze %dma_wait3A_100 : memref<1x80x128xi32, #tpu.memory_space<hbm>> -> memref<80x128xi32, #tpu.memory_space<hbm>>
      tpu.wait_dma2 semaphore(%run_scoped3A : memref<!tpu.dma_semaphore, #tpu.memory_space<semaphore_mem>>) src(%dma_wait3A_101 : memref<80x128xi32, #tpu.memory_space<hbm>>) dst(%arg7 : memref<80x128xi32, #tpu.memory_space<vmem>>)
      tpu.yield
    }) : () -> ()
    "tpu.region"() ({
      %run_scoped3A = tpu.sem_alloc : memref<!tpu.dma_semaphore, #tpu.memory_space<semaphore_mem>>
      %dma_start3A_86 = arith.constant 0 : i32
      %dma_start3A_87 = arith.constant 0 : i32
      %dma_start3A_88 = tpu.memref_slice %arg4[%add3A, %dma_start3A_86, %dma_start3A_87] : memref<32x80x128xi32, #tpu.memory_space<hbm>> -> memref<1x80x128xi32, #tpu.memory_space<hbm>>
      %dma_start3A_89 = tpu.memref_squeeze %dma_start3A_88 : memref<1x80x128xi32, #tpu.memory_space<hbm>> -> memref<80x128xi32, #tpu.memory_space<hbm>>
      %dma_start3A_90 = arith.constant 0 : i32
      %dma_start3A_91 = arith.constant 0 : i32
      %dma_start3A_92 = tpu.memref_slice %arg4[%add3A, %dma_start3A_90, %dma_start3A_91] : memref<32x80x128xi32, #tpu.memory_space<hbm>> -> memref<1x80x128xi32, #tpu.memory_space<hbm>>
      %dma_start3A_93 = tpu.memref_squeeze %dma_start3A_92 : memref<1x80x128xi32, #tpu.memory_space<hbm>> -> memref<80x128xi32, #tpu.memory_space<hbm>>
      tpu.enqueue_dma source(%dma_start3A_93 : memref<80x128xi32, #tpu.memory_space<hbm>>) target(%arg8 : memref<80x128xi32, #tpu.memory_space<vmem>>) target_semaphore(%run_scoped3A : memref<!tpu.dma_semaphore, #tpu.memory_space<semaphore_mem>>)
      %dma_wait3A_94 = arith.constant 0 : i32
      %dma_wait3A_95 = arith.constant 0 : i32
      %dma_wait3A_96 = tpu.memref_slice %arg4[%add3A, %dma_wait3A_94, %dma_wait3A_95] : memref<32x80x128xi32, #tpu.memory_space<hbm>> -> memref<1x80x128xi32, #tpu.memory_space<hbm>>
      %dma_wait3A_97 = tpu.memref_squeeze %dma_wait3A_96 : memref<1x80x128xi32, #tpu.memory_space<hbm>> -> memref<80x128xi32, #tpu.memory_space<hbm>>
      %dma_wait3A_98 = arith.constant 0 : i32
      %dma_wait3A_99 = arith.constant 0 : i32
      %dma_wait3A_100 = tpu.memref_slice %arg4[%add3A, %dma_wait3A_98, %dma_wait3A_99] : memref<32x80x128xi32, #tpu.memory_space<hbm>> -> memref<1x80x128xi32, #tpu.memory_space<hbm>>
      %dma_wait3A_101 = tpu.memref_squeeze %dma_wait3A_100 : memref<1x80x128xi32, #tpu.memory_space<hbm>> -> memref<80x128xi32, #tpu.memory_space<hbm>>
      tpu.wait_dma2 semaphore(%run_scoped3A : memref<!tpu.dma_semaphore, #tpu.memory_space<semaphore_mem>>) src(%dma_wait3A_101 : memref<80x128xi32, #tpu.memory_space<hbm>>) dst(%arg8 : memref<80x128xi32, #tpu.memory_space<vmem>>)
      tpu.yield
    }) : () -> ()
    "tpu.region"() ({
      %run_scoped3A = tpu.sem_alloc : memref<!tpu.dma_semaphore, #tpu.memory_space<semaphore_mem>>
      %dma_start3A_86 = arith.constant 0 : i32
      %dma_start3A_87 = arith.constant 0 : i32
      %dma_start3A_88 = tpu.memref_slice %arg5[%add3A, %dma_start3A_86, %dma_start3A_87] : memref<32x80x128xi32, #tpu.memory_space<hbm>> -> memref<1x80x128xi32, #tpu.memory_space<hbm>>
      %dma_start3A_89 = tpu.memref_squeeze %dma_start3A_88 : memref<1x80x128xi32, #tpu.memory_space<hbm>> -> memref<80x128xi32, #tpu.memory_space<hbm>>
      %dma_start3A_90 = arith.constant 0 : i32
      %dma_start3A_91 = arith.constant 0 : i32
      %dma_start3A_92 = tpu.memref_slice %arg5[%add3A, %dma_start3A_90, %dma_start3A_91] : memref<32x80x128xi32, #tpu.memory_space<hbm>> -> memref<1x80x128xi32, #tpu.memory_space<hbm>>
      %dma_start3A_93 = tpu.memref_squeeze %dma_start3A_92 : memref<1x80x128xi32, #tpu.memory_space<hbm>> -> memref<80x128xi32, #tpu.memory_space<hbm>>
      tpu.enqueue_dma source(%dma_start3A_93 : memref<80x128xi32, #tpu.memory_space<hbm>>) target(%arg9 : memref<80x128xi32, #tpu.memory_space<vmem>>) target_semaphore(%run_scoped3A : memref<!tpu.dma_semaphore, #tpu.memory_space<semaphore_mem>>)
      %dma_wait3A_94 = arith.constant 0 : i32
      %dma_wait3A_95 = arith.constant 0 : i32
      %dma_wait3A_96 = tpu.memref_slice %arg5[%add3A, %dma_wait3A_94, %dma_wait3A_95] : memref<32x80x128xi32, #tpu.memory_space<hbm>> -> memref<1x80x128xi32, #tpu.memory_space<hbm>>
      %dma_wait3A_97 = tpu.memref_squeeze %dma_wait3A_96 : memref<1x80x128xi32, #tpu.memory_space<hbm>> -> memref<80x128xi32, #tpu.memory_space<hbm>>
      %dma_wait3A_98 = arith.constant 0 : i32
      %dma_wait3A_99 = arith.constant 0 : i32
      %dma_wait3A_100 = tpu.memref_slice %arg5[%add3A, %dma_wait3A_98, %dma_wait3A_99] : memref<32x80x128xi32, #tpu.memory_space<hbm>> -> memref<1x80x128xi32, #tpu.memory_space<hbm>>
      %dma_wait3A_101 = tpu.memref_squeeze %dma_wait3A_100 : memref<1x80x128xi32, #tpu.memory_space<hbm>> -> memref<80x128xi32, #tpu.memory_space<hbm>>
      tpu.wait_dma2 semaphore(%run_scoped3A : memref<!tpu.dma_semaphore, #tpu.memory_space<semaphore_mem>>) src(%dma_wait3A_101 : memref<80x128xi32, #tpu.memory_space<hbm>>) dst(%arg9 : memref<80x128xi32, #tpu.memory_space<vmem>>)
      tpu.yield
    }) : () -> ()
    %broadcast_in_dim3A = arith.constant 0.000000e+00 : f32
    %broadcast_in_dim3A_1 = vector.broadcast %broadcast_in_dim3A : f32 to vector<16xf32>
    %scan3A = arith.constant 0 : i32
    %scan3A_2 = arith.constant 0 : i32
    %scan3A_3 = arith.constant 128 : i32
    %scan3A_4 = arith.addi %scan3A_2, %scan3A_3 : i32
    %scan3A_5 = arith.constant 1 : i32
    scf.for %scan3A_86 = %scan3A_2 to %scan3A_4 step %scan3A_5  : i32 {
      %swap3A = arith.index_cast %scan3A_86 : i32 to index
      %swap3A_87 = arith.constant 0 : index
      %swap3A_88 = tpu.vector_load %arg10[%swap3A, %swap3A_87] {strides = array<i32>} : memref<128x128xf32, #tpu.memory_space<vmem>>, vector<1x16xf32>,
      %swap3A_89 = vector.shape_cast %swap3A_88 : vector<1x16xf32> to vector<16xf32>
      %swap3A_90 = vector.shape_cast %broadcast_in_dim3A_1 : vector<16xf32> to vector<1x16xf32>
      tpu.vector_store %arg10[%swap3A, %swap3A_87], %swap3A_90 {strides = array<i32>} : memref<128x128xf32, #tpu.memory_space<vmem>>, vector<1x16xf32>,
      %swap3A_91 = arith.index_cast %scan3A_86 : i32 to index
      %swap3A_92 = arith.constant 16 : index
      %swap3A_93 = tpu.vector_load %arg10[%swap3A_91, %swap3A_92] {strides = array<i32>} : memref<128x128xf32, #tpu.memory_space<vmem>>, vector<1x16xf32>,
      %swap3A_94 = vector.shape_cast %swap3A_93 : vector<1x16xf32> to vector<16xf32>
      %swap3A_95 = vector.shape_cast %broadcast_in_dim3A_1 : vector<16xf32> to vector<1x16xf32>
      tpu.vector_store %arg10[%swap3A_91, %swap3A_92], %swap3A_95 {strides = array<i32>} : memref<128x128xf32, #tpu.memory_space<vmem>>, vector<1x16xf32>,
      %swap3A_96 = arith.index_cast %scan3A_86 : i32 to index
      %swap3A_97 = arith.constant 32 : index
      %swap3A_98 = tpu.vector_load %arg10[%swap3A_96, %swap3A_97] {strides = array<i32>} : memref<128x128xf32, #tpu.memory_space<vmem>>, vector<1x16xf32>,
      %swap3A_99 = vector.shape_cast %swap3A_98 : vector<1x16xf32> to vector<16xf32>
      %swap3A_100 = vector.shape_cast %broadcast_in_dim3A_1 : vector<16xf32> to vector<1x16xf32>
      tpu.vector_store %arg10[%swap3A_96, %swap3A_97], %swap3A_100 {strides = array<i32>} : memref<128x128xf32, #tpu.memory_space<vmem>>, vector<1x16xf32>,
      %swap3A_101 = arith.index_cast %scan3A_86 : i32 to index
      %swap3A_102 = arith.constant 48 : index
      %swap3A_103 = tpu.vector_load %arg10[%swap3A_101, %swap3A_102] {strides = array<i32>} : memref<128x128xf32, #tpu.memory_space<vmem>>, vector<1x16xf32>,
      %swap3A_104 = vector.shape_cast %swap3A_103 : vector<1x16xf32> to vector<16xf32>
      %swap3A_105 = vector.shape_cast %broadcast_in_dim3A_1 : vector<16xf32> to vector<1x16xf32>
      tpu.vector_store %arg10[%swap3A_101, %swap3A_102], %swap3A_105 {strides = array<i32>} : memref<128x128xf32, #tpu.memory_space<vmem>>, vector<1x16xf32>,
      %swap3A_106 = arith.index_cast %scan3A_86 : i32 to index
      %swap3A_107 = arith.constant 64 : index
      %swap3A_108 = tpu.vector_load %arg10[%swap3A_106, %swap3A_107] {strides = array<i32>} : memref<128x128xf32, #tpu.memory_space<vmem>>, vector<1x16xf32>,
      %swap3A_109 = vector.shape_cast %swap3A_108 : vector<1x16xf32> to vector<16xf32>
      %swap3A_110 = vector.shape_cast %broadcast_in_dim3A_1 : vector<16xf32> to vector<1x16xf32>
      tpu.vector_store %arg10[%swap3A_106, %swap3A_107], %swap3A_110 {strides = array<i32>} : memref<128x128xf32, #tpu.memory_space<vmem>>, vector<1x16xf32>,
      %swap3A_111 = arith.index_cast %scan3A_86 : i32 to index
      %swap3A_112 = arith.constant 80 : index
      %swap3A_113 = tpu.vector_load %arg10[%swap3A_111, %swap3A_112] {strides = array<i32>} : memref<128x128xf32, #tpu.memory_space<vmem>>, vector<1x16xf32>,
      %swap3A_114 = vector.shape_cast %swap3A_113 : vector<1x16xf32> to vector<16xf32>
      %swap3A_115 = vector.shape_cast %broadcast_in_dim3A_1 : vector<16xf32> to vector<1x16xf32>
      tpu.vector_store %arg10[%swap3A_111, %swap3A_112], %swap3A_115 {strides = array<i32>} : memref<128x128xf32, #tpu.memory_space<vmem>>, vector<1x16xf32>,
      %swap3A_116 = arith.index_cast %scan3A_86 : i32 to index
      %swap3A_117 = arith.constant 96 : index
      %swap3A_118 = tpu.vector_load %arg10[%swap3A_116, %swap3A_117] {strides = array<i32>} : memref<128x128xf32, #tpu.memory_space<vmem>>, vector<1x16xf32>,
      %swap3A_119 = vector.shape_cast %swap3A_118 : vector<1x16xf32> to vector<16xf32>
      %swap3A_120 = vector.shape_cast %broadcast_in_dim3A_1 : vector<16xf32> to vector<1x16xf32>
      tpu.vector_store %arg10[%swap3A_116, %swap3A_117], %swap3A_120 {strides = array<i32>} : memref<128x128xf32, #tpu.memory_space<vmem>>, vector<1x16xf32>,
      %swap3A_121 = arith.index_cast %scan3A_86 : i32 to index
      %swap3A_122 = arith.constant 112 : index
      %swap3A_123 = tpu.vector_load %arg10[%swap3A_121, %swap3A_122] {strides = array<i32>} : memref<128x128xf32, #tpu.memory_space<vmem>>, vector<1x16xf32>,
      %swap3A_124 = vector.shape_cast %swap3A_123 : vector<1x16xf32> to vector<16xf32>
      %swap3A_125 = vector.shape_cast %broadcast_in_dim3A_1 : vector<16xf32> to vector<1x16xf32>
      tpu.vector_store %arg10[%swap3A_121, %swap3A_122], %swap3A_125 {strides = array<i32>} : memref<128x128xf32, #tpu.memory_space<vmem>>, vector<1x16xf32>,
    }
    %scan3A_6 = arith.constant 128 : i32
    %mul3A_7 = arith.constant 328 : i32
    %mul3A_8 = arith.muli %arg1, %mul3A_7 : i32
    "tpu.region"() ({
      %run_scoped3A = tpu.sem_alloc : memref<!tpu.dma_semaphore, #tpu.memory_space<semaphore_mem>>
      %dma_start3A_86 = arith.constant 0 : i32
      %dma_start3A_87 = tpu.memref_slice %arg12[%mul3A_8, %dma_start3A_86] : memref<5248x128xf32, #tpu.memory_space<vmem_shared>> -> memref<128x128xf32, #tpu.memory_space<vmem_shared>>
      %dma_start3A_88 = arith.constant 0 : i32
      %dma_start3A_89 = tpu.memref_slice %arg12[%mul3A_8, %dma_start3A_88] : memref<5248x128xf32, #tpu.memory_space<vmem_shared>> -> memref<128x128xf32, #tpu.memory_space<vmem_shared>>
      tpu.enqueue_dma source(%arg10 : memref<128x128xf32, #tpu.memory_space<vmem>>) target(%dma_start3A_89 : memref<128x128xf32, #tpu.memory_space<vmem_shared>>) target_semaphore(%run_scoped3A : memref<!tpu.dma_semaphore, #tpu.memory_space<semaphore_mem>>)
      %dma_wait3A_90 = arith.constant 0 : i32
      %dma_wait3A_91 = tpu.memref_slice %arg12[%mul3A_8, %dma_wait3A_90] : memref<5248x128xf32, #tpu.memory_space<vmem_shared>> -> memref<128x128xf32, #tpu.memory_space<vmem_shared>>
      %dma_wait3A_92 = arith.constant 0 : i32
      %dma_wait3A_93 = tpu.memref_slice %arg12[%mul3A_8, %dma_wait3A_92] : memref<5248x128xf32, #tpu.memory_space<vmem_shared>> -> memref<128x128xf32, #tpu.memory_space<vmem_shared>>
      tpu.wait_dma2 semaphore(%run_scoped3A : memref<!tpu.dma_semaphore, #tpu.memory_space<semaphore_mem>>) src(%arg10 : memref<128x128xf32, #tpu.memory_space<vmem>>) dst(%dma_wait3A_93 : memref<128x128xf32, #tpu.memory_space<vmem_shared>>)
      tpu.yield
    }) : () -> ()
    %mul3A_9 = arith.constant 328 : i32
    %mul3A_10 = arith.muli %arg1, %mul3A_9 : i32
    %add3A_11 = arith.constant 128 : i32
    %add3A_12 = arith.addi %mul3A_10, %add3A_11 : i32
    "tpu.region"() ({
      %run_scoped3A = tpu.sem_alloc : memref<!tpu.dma_semaphore, #tpu.memory_space<semaphore_mem>>
      %dma_start3A_86 = arith.constant 0 : i32
      %dma_start3A_87 = tpu.memref_slice %arg12[%add3A_12, %dma_start3A_86] : memref<5248x128xf32, #tpu.memory_space<vmem_shared>> -> memref<128x128xf32, #tpu.memory_space<vmem_shared>>
      %dma_start3A_88 = arith.constant 0 : i32
      %dma_start3A_89 = tpu.memref_slice %arg12[%add3A_12, %dma_start3A_88] : memref<5248x128xf32, #tpu.memory_space<vmem_shared>> -> memref<128x128xf32, #tpu.memory_space<vmem_shared>>
      tpu.enqueue_dma source(%arg10 : memref<128x128xf32, #tpu.memory_space<vmem>>) target(%dma_start3A_89 : memref<128x128xf32, #tpu.memory_space<vmem_shared>>) target_semaphore(%run_scoped3A : memref<!tpu.dma_semaphore, #tpu.memory_space<semaphore_mem>>)
      %dma_wait3A_90 = arith.constant 0 : i32
      %dma_wait3A_91 = tpu.memref_slice %arg12[%add3A_12, %dma_wait3A_90] : memref<5248x128xf32, #tpu.memory_space<vmem_shared>> -> memref<128x128xf32, #tpu.memory_space<vmem_shared>>
      %dma_wait3A_92 = arith.constant 0 : i32
      %dma_wait3A_93 = tpu.memref_slice %arg12[%add3A_12, %dma_wait3A_92] : memref<5248x128xf32, #tpu.memory_space<vmem_shared>> -> memref<128x128xf32, #tpu.memory_space<vmem_shared>>
      tpu.wait_dma2 semaphore(%run_scoped3A : memref<!tpu.dma_semaphore, #tpu.memory_space<semaphore_mem>>) src(%arg10 : memref<128x128xf32, #tpu.memory_space<vmem>>) dst(%dma_wait3A_93 : memref<128x128xf32, #tpu.memory_space<vmem_shared>>)
      tpu.yield
    }) : () -> ()
    %mul3A_13 = arith.constant 328 : i32
    %mul3A_14 = arith.muli %arg1, %mul3A_13 : i32
    %add3A_15 = arith.constant 256 : i32
    %add3A_16 = arith.addi %mul3A_14, %add3A_15 : i32
    "tpu.region"() ({
      %run_scoped3A = tpu.sem_alloc : memref<!tpu.dma_semaphore, #tpu.memory_space<semaphore_mem>>
      %dma_start3A_86 = arith.constant 0 : i32
      %dma_start3A_87 = arith.constant 0 : i32
      %dma_start3A_88 = tpu.memref_slice %arg10[%dma_start3A_86, %dma_start3A_87] : memref<128x128xf32, #tpu.memory_space<vmem>> -> memref<72x128xf32, #tpu.memory_space<vmem>>
      %dma_start3A_89 = arith.constant 0 : i32
      %dma_start3A_90 = tpu.memref_slice %arg12[%add3A_16, %dma_start3A_89] : memref<5248x128xf32, #tpu.memory_space<vmem_shared>> -> memref<72x128xf32, #tpu.memory_space<vmem_shared>>
      %dma_start3A_91 = arith.constant 0 : i32
      %dma_start3A_92 = tpu.memref_slice %arg12[%add3A_16, %dma_start3A_91] : memref<5248x128xf32, #tpu.memory_space<vmem_shared>> -> memref<72x128xf32, #tpu.memory_space<vmem_shared>>
      %dma_start3A_93 = arith.constant 0 : i32
      %dma_start3A_94 = arith.constant 0 : i32
      %dma_start3A_95 = tpu.memref_slice %arg10[%dma_start3A_93, %dma_start3A_94] : memref<128x128xf32, #tpu.memory_space<vmem>> -> memref<72x128xf32, #tpu.memory_space<vmem>>
      tpu.enqueue_dma source(%dma_start3A_95 : memref<72x128xf32, #tpu.memory_space<vmem>>) target(%dma_start3A_92 : memref<72x128xf32, #tpu.memory_space<vmem_shared>>) target_semaphore(%run_scoped3A : memref<!tpu.dma_semaphore, #tpu.memory_space<semaphore_mem>>)
      %dma_wait3A_96 = arith.constant 0 : i32
      %dma_wait3A_97 = arith.constant 0 : i32
      %dma_wait3A_98 = tpu.memref_slice %arg10[%dma_wait3A_96, %dma_wait3A_97] : memref<128x128xf32, #tpu.memory_space<vmem>> -> memref<72x128xf32, #tpu.memory_space<vmem>>
      %dma_wait3A_99 = arith.constant 0 : i32
      %dma_wait3A_100 = tpu.memref_slice %arg12[%add3A_16, %dma_wait3A_99] : memref<5248x128xf32, #tpu.memory_space<vmem_shared>> -> memref<72x128xf32, #tpu.memory_space<vmem_shared>>
      %dma_wait3A_101 = arith.constant 0 : i32
      %dma_wait3A_102 = tpu.memref_slice %arg12[%add3A_16, %dma_wait3A_101] : memref<5248x128xf32, #tpu.memory_space<vmem_shared>> -> memref<72x128xf32, #tpu.memory_space<vmem_shared>>
      %dma_wait3A_103 = arith.constant 0 : i32
      %dma_wait3A_104 = arith.constant 0 : i32
      %dma_wait3A_105 = tpu.memref_slice %arg10[%dma_wait3A_103, %dma_wait3A_104] : memref<128x128xf32, #tpu.memory_space<vmem>> -> memref<72x128xf32, #tpu.memory_space<vmem>>
      tpu.wait_dma2 semaphore(%run_scoped3A : memref<!tpu.dma_semaphore, #tpu.memory_space<semaphore_mem>>) src(%dma_wait3A_105 : memref<72x128xf32, #tpu.memory_space<vmem>>) dst(%dma_wait3A_102 : memref<72x128xf32, #tpu.memory_space<vmem_shared>>)
      tpu.yield
    }) : () -> ()
    %barrier3A = arith.constant 0 : index
    tpu.barrier barrier_id(%barrier3A)
    %dma_start3A = arith.constant 0 : i32
    %dma_start3A_17 = arith.constant 0 : i32
    %dma_start3A_18 = tpu.memref_slice %arg7[%dma_start3A, %dma_start3A_17] : memref<80x128xi32, #tpu.memory_space<vmem>> -> memref<1x128xi32, #tpu.memory_space<vmem>>
    %dma_start3A_19 = tpu.memref_squeeze %dma_start3A_18 : memref<1x128xi32, #tpu.memory_space<vmem>> -> memref<128xi32, #tpu.memory_space<vmem>>
    %dma_start3A_20 = arith.constant 0 : i32
    %dma_start3A_21 = arith.constant 0 : i32
    %dma_start3A_22 = tpu.memref_slice %arg2[%dma_start3A_20, %dma_start3A_21] : memref<10000x128xf32, #tpu.memory_space<hbm>> -> memref<10000x128xf32, #tpu.memory_space<hbm>>
    tpu.enqueue_indirect_dma source(%dma_start3A_22 : memref<10000x128xf32, #tpu.memory_space<hbm>>) target(%arg10 : memref<128x128xf32, #tpu.memory_space<vmem>>) offsets(%dma_start3A_19 : memref<128xi32, #tpu.memory_space<vmem>>) semaphore(%arg13 : memref<!tpu.dma_semaphore, #tpu.memory_space<semaphore_mem>>)
    %scan3A_23 = arith.constant 0 : i32
    %scan3A_24 = arith.constant 0 : i32
    %scan3A_25 = arith.constant 40 : i32
    %scan3A_26 = arith.addi %scan3A_24, %scan3A_25 : i32
    %scan3A_27 = arith.constant 1 : i32
    scf.for %scan3A_86 = %scan3A_24 to %scan3A_26 step %scan3A_27  : i32 {
      %mul3A_87 = arith.constant 2 : i32
      %mul3A_88 = arith.muli %mul3A_87, %scan3A_86 : i32
      %mul3A_89 = arith.constant 2 : i32
      %mul3A_90 = arith.muli %mul3A_89, %scan3A_86 : i32
      %add3A_91 = arith.constant 1 : i32
      %add3A_92 = arith.addi %mul3A_90, %add3A_91 : i32
      %mul3A_93 = arith.constant 2 : i32
      %mul3A_94 = arith.muli %mul3A_93, %scan3A_86 : i32
      %add3A_95 = arith.constant 2 : i32
      %add3A_96 = arith.addi %mul3A_94, %add3A_95 : i32
      %jit3A = arith.constant 80 : i32
      %eq3A_97 = arith.constant 0 : i32
      %eq3A_98 = arith.cmpi eq, %jit3A, %eq3A_97 : i32
      %jit3A_99 = arith.constant 1 : i32
      %select_n3A = arith.select %eq3A_98, %jit3A_99, %jit3A : i32
      %rem3A = arith.remsi %add3A_96, %select_n3A : i32
      %ne3A = arith.constant 0 : i32
      %ne3A_100 = arith.cmpi ne, %rem3A, %ne3A : i32
      %lt3A_101 = arith.constant 0 : i32
      %lt3A_102 = arith.cmpi slt, %rem3A, %lt3A_101 : i32
      %lt3A_103 = arith.constant 0 : i32
      %lt3A_104 = arith.cmpi slt, %select_n3A, %lt3A_103 : i32
      %ne3A_105 = arith.xori %lt3A_102, %lt3A_104 : i1
      %and3A = arith.andi %ne3A_105, %ne3A_100 : i1
      %add3A_106 = arith.addi %rem3A, %select_n3A : i32
      %select_n3A_107 = arith.select %and3A, %add3A_106, %rem3A : i32
      %dma_wait3A_108 = arith.constant 0 : i32
      %dma_wait3A_109 = tpu.memref_slice %arg7[%mul3A_88, %dma_wait3A_108] : memref<80x128xi32, #tpu.memory_space<vmem>> -> memref<1x128xi32, #tpu.memory_space<vmem>>
      %dma_wait3A_110 = tpu.memref_squeeze %dma_wait3A_109 : memref<1x128xi32, #tpu.memory_space<vmem>> -> memref<128xi32, #tpu.memory_space<vmem>>
      %dma_wait3A_111 = arith.constant 0 : i32
      %dma_wait3A_112 = arith.constant 0 : i32
      %dma_wait3A_113 = tpu.memref_slice %arg2[%dma_wait3A_111, %dma_wait3A_112] : memref<10000x128xf32, #tpu.memory_space<hbm>> -> memref<10000x128xf32, #tpu.memory_space<hbm>>
      tpu.wait_indirect_dma semaphore(%arg13 : memref<!tpu.dma_semaphore, #tpu.memory_space<semaphore_mem>>) src(%dma_wait3A_113 : memref<10000x128xf32, #tpu.memory_space<hbm>>) dst(%arg10 : memref<128x128xf32, #tpu.memory_space<vmem>>)
      %dma_start3A_114 = arith.constant 0 : i32
      %dma_start3A_115 = tpu.memref_slice %arg7[%add3A_92, %dma_start3A_114] : memref<80x128xi32, #tpu.memory_space<vmem>> -> memref<1x128xi32, #tpu.memory_space<vmem>>
      %dma_start3A_116 = tpu.memref_squeeze %dma_start3A_115 : memref<1x128xi32, #tpu.memory_space<vmem>> -> memref<128xi32, #tpu.memory_space<vmem>>
      %dma_start3A_117 = arith.constant 0 : i32
      %dma_start3A_118 = arith.constant 0 : i32
      %dma_start3A_119 = tpu.memref_slice %arg2[%dma_start3A_117, %dma_start3A_118] : memref<10000x128xf32, #tpu.memory_space<hbm>> -> memref<10000x128xf32, #tpu.memory_space<hbm>>
      tpu.enqueue_indirect_dma source(%dma_start3A_119 : memref<10000x128xf32, #tpu.memory_space<hbm>>) target(%arg11 : memref<128x128xf32, #tpu.memory_space<vmem>>) offsets(%dma_start3A_116 : memref<128xi32, #tpu.memory_space<vmem>>) semaphore(%arg14 : memref<!tpu.dma_semaphore, #tpu.memory_space<semaphore_mem>>)
      "tpu.region"() ({
        %run_scoped3A = tpu.sem_alloc : memref<!tpu.dma_semaphore, #tpu.memory_space<semaphore_mem>>
        %dma_start3A_132 = arith.constant 0 : i32
        %dma_start3A_133 = tpu.memref_slice %arg8[%mul3A_88, %dma_start3A_132] : memref<80x128xi32, #tpu.memory_space<vmem>> -> memref<1x128xi32, #tpu.memory_space<vmem>>
        %dma_start3A_134 = tpu.memref_squeeze %dma_start3A_133 : memref<1x128xi32, #tpu.memory_space<vmem>> -> memref<128xi32, #tpu.memory_space<vmem>>
        %dma_start3A_135 = arith.constant 0 : i32
        %dma_start3A_136 = arith.constant 0 : i32
        %dma_start3A_137 = tpu.memref_slice %arg12[%dma_start3A_135, %dma_start3A_136] : memref<5248x128xf32, #tpu.memory_space<vmem_shared>> -> memref<5248x128xf32, #tpu.memory_space<vmem_shared>>
        tpu.enqueue_indirect_dma source(%arg10 : memref<128x128xf32, #tpu.memory_space<vmem>>) target(%dma_start3A_137 : memref<5248x128xf32, #tpu.memory_space<vmem_shared>>) offsets(%dma_start3A_134 : memref<128xi32, #tpu.memory_space<vmem>>) semaphore(%run_scoped3A : memref<!tpu.dma_semaphore, #tpu.memory_space<semaphore_mem>>) {add = true}
        %dma_wait3A_138 = arith.constant 0 : i32
        %dma_wait3A_139 = tpu.memref_slice %arg8[%mul3A_88, %dma_wait3A_138] : memref<80x128xi32, #tpu.memory_space<vmem>> -> memref<1x128xi32, #tpu.memory_space<vmem>>
        %dma_wait3A_140 = tpu.memref_squeeze %dma_wait3A_139 : memref<1x128xi32, #tpu.memory_space<vmem>> -> memref<128xi32, #tpu.memory_space<vmem>>
        %dma_wait3A_141 = arith.constant 0 : i32
        %dma_wait3A_142 = arith.constant 0 : i32
        %dma_wait3A_143 = tpu.memref_slice %arg12[%dma_wait3A_141, %dma_wait3A_142] : memref<5248x128xf32, #tpu.memory_space<vmem_shared>> -> memref<5248x128xf32, #tpu.memory_space<vmem_shared>>
        tpu.wait_indirect_dma semaphore(%run_scoped3A : memref<!tpu.dma_semaphore, #tpu.memory_space<semaphore_mem>>) src(%arg10 : memref<128x128xf32, #tpu.memory_space<vmem>>) dst(%dma_wait3A_143 : memref<5248x128xf32, #tpu.memory_space<vmem_shared>>)
        tpu.yield
      }) : () -> ()
      %dma_start3A_120 = arith.constant 0 : i32
      %dma_start3A_121 = tpu.memref_slice %arg7[%select_n3A_107, %dma_start3A_120] : memref<80x128xi32, #tpu.memory_space<vmem>> -> memref<1x128xi32, #tpu.memory_space<vmem>>
      %dma_start3A_122 = tpu.memref_squeeze %dma_start3A_121 : memref<1x128xi32, #tpu.memory_space<vmem>> -> memref<128xi32, #tpu.memory_space<vmem>>
      %dma_start3A_123 = arith.constant 0 : i32
      %dma_start3A_124 = arith.constant 0 : i32
      %dma_start3A_125 = tpu.memref_slice %arg2[%dma_start3A_123, %dma_start3A_124] : memref<10000x128xf32, #tpu.memory_space<hbm>> -> memref<10000x128xf32, #tpu.memory_space<hbm>>
      tpu.enqueue_indirect_dma source(%dma_start3A_125 : memref<10000x128xf32, #tpu.memory_space<hbm>>) target(%arg10 : memref<128x128xf32, #tpu.memory_space<vmem>>) offsets(%dma_start3A_122 : memref<128xi32, #tpu.memory_space<vmem>>) semaphore(%arg13 : memref<!tpu.dma_semaphore, #tpu.memory_space<semaphore_mem>>)
      %dma_wait3A_126 = arith.constant 0 : i32
      %dma_wait3A_127 = tpu.memref_slice %arg7[%add3A_92, %dma_wait3A_126] : memref<80x128xi32, #tpu.memory_space<vmem>> -> memref<1x128xi32, #tpu.memory_space<vmem>>
      %dma_wait3A_128 = tpu.memref_squeeze %dma_wait3A_127 : memref<1x128xi32, #tpu.memory_space<vmem>> -> memref<128xi32, #tpu.memory_space<vmem>>
      %dma_wait3A_129 = arith.constant 0 : i32
      %dma_wait3A_130 = arith.constant 0 : i32
      %dma_wait3A_131 = tpu.memref_slice %arg2[%dma_wait3A_129, %dma_wait3A_130] : memref<10000x128xf32, #tpu.memory_space<hbm>> -> memref<10000x128xf32, #tpu.memory_space<hbm>>
      tpu.wait_indirect_dma semaphore(%arg14 : memref<!tpu.dma_semaphore, #tpu.memory_space<semaphore_mem>>) src(%dma_wait3A_131 : memref<10000x128xf32, #tpu.memory_space<hbm>>) dst(%arg11 : memref<128x128xf32, #tpu.memory_space<vmem>>)
      "tpu.region"() ({
        %run_scoped3A = tpu.sem_alloc : memref<!tpu.dma_semaphore, #tpu.memory_space<semaphore_mem>>
        %dma_start3A_132 = arith.constant 0 : i32
        %dma_start3A_133 = tpu.memref_slice %arg8[%add3A_92, %dma_start3A_132] : memref<80x128xi32, #tpu.memory_space<vmem>> -> memref<1x128xi32, #tpu.memory_space<vmem>>
        %dma_start3A_134 = tpu.memref_squeeze %dma_start3A_133 : memref<1x128xi32, #tpu.memory_space<vmem>> -> memref<128xi32, #tpu.memory_space<vmem>>
        %dma_start3A_135 = arith.constant 0 : i32
        %dma_start3A_136 = arith.constant 0 : i32
        %dma_start3A_137 = tpu.memref_slice %arg12[%dma_start3A_135, %dma_start3A_136] : memref<5248x128xf32, #tpu.memory_space<vmem_shared>> -> memref<5248x128xf32, #tpu.memory_space<vmem_shared>>
        tpu.enqueue_indirect_dma source(%arg11 : memref<128x128xf32, #tpu.memory_space<vmem>>) target(%dma_start3A_137 : memref<5248x128xf32, #tpu.memory_space<vmem_shared>>) offsets(%dma_start3A_134 : memref<128xi32, #tpu.memory_space<vmem>>) semaphore(%run_scoped3A : memref<!tpu.dma_semaphore, #tpu.memory_space<semaphore_mem>>) {add = true}
        %dma_wait3A_138 = arith.constant 0 : i32
        %dma_wait3A_139 = tpu.memref_slice %arg8[%add3A_92, %dma_wait3A_138] : memref<80x128xi32, #tpu.memory_space<vmem>> -> memref<1x128xi32, #tpu.memory_space<vmem>>
        %dma_wait3A_140 = tpu.memref_squeeze %dma_wait3A_139 : memref<1x128xi32, #tpu.memory_space<vmem>> -> memref<128xi32, #tpu.memory_space<vmem>>
        %dma_wait3A_141 = arith.constant 0 : i32
        %dma_wait3A_142 = arith.constant 0 : i32
        %dma_wait3A_143 = tpu.memref_slice %arg12[%dma_wait3A_141, %dma_wait3A_142] : memref<5248x128xf32, #tpu.memory_space<vmem_shared>> -> memref<5248x128xf32, #tpu.memory_space<vmem_shared>>
        tpu.wait_indirect_dma semaphore(%run_scoped3A : memref<!tpu.dma_semaphore, #tpu.memory_space<semaphore_mem>>) src(%arg11 : memref<128x128xf32, #tpu.memory_space<vmem>>) dst(%dma_wait3A_143 : memref<5248x128xf32, #tpu.memory_space<vmem_shared>>)
        tpu.yield
      }) : () -> ()
    }
    %scan3A_28 = arith.constant 40 : i32
    %dma_wait3A = arith.constant 0 : i32
    %dma_wait3A_29 = arith.constant 0 : i32
    %dma_wait3A_30 = tpu.memref_slice %arg7[%dma_wait3A, %dma_wait3A_29] : memref<80x128xi32, #tpu.memory_space<vmem>> -> memref<1x128xi32, #tpu.memory_space<vmem>>
    %dma_wait3A_31 = tpu.memref_squeeze %dma_wait3A_30 : memref<1x128xi32, #tpu.memory_space<vmem>> -> memref<128xi32, #tpu.memory_space<vmem>>
    %dma_wait3A_32 = arith.constant 0 : i32
    %dma_wait3A_33 = arith.constant 0 : i32
    %dma_wait3A_34 = tpu.memref_slice %arg2[%dma_wait3A_32, %dma_wait3A_33] : memref<10000x128xf32, #tpu.memory_space<hbm>> -> memref<10000x128xf32, #tpu.memory_space<hbm>>
    tpu.wait_indirect_dma semaphore(%arg13 : memref<!tpu.dma_semaphore, #tpu.memory_space<semaphore_mem>>) src(%dma_wait3A_34 : memref<10000x128xf32, #tpu.memory_space<hbm>>) dst(%arg10 : memref<128x128xf32, #tpu.memory_space<vmem>>)
    %barrier3A_35 = arith.constant 0 : index
    tpu.barrier barrier_id(%barrier3A_35)
    %mul3A_36 = arith.constant 320 : i32
    %mul3A_37 = arith.muli %arg1, %mul3A_36 : i32
    %mul3A_38 = arith.constant 320 : i32
    %mul3A_39 = arith.muli %arg1, %mul3A_38 : i32
    "tpu.region"() ({
      %run_scoped3A = tpu.sem_alloc : memref<!tpu.dma_semaphore, #tpu.memory_space<semaphore_mem>>
      %dma_start3A_86 = arith.constant 0 : i32
      %dma_start3A_87 = tpu.memref_slice %arg6[%arg0, %mul3A_39, %dma_start3A_86] : memref<2x10000x128xf32, #tpu.memory_space<hbm>> -> memref<1x320x128xf32, #tpu.memory_space<hbm>>
      %dma_start3A_88 = tpu.memref_squeeze %dma_start3A_87 : memref<1x320x128xf32, #tpu.memory_space<hbm>> -> memref<320x128xf32, #tpu.memory_space<hbm>>
      %dma_start3A_89 = arith.constant 0 : i32
      %dma_start3A_90 = tpu.memref_slice %arg12[%mul3A_37, %dma_start3A_89] : memref<5248x128xf32, #tpu.memory_space<vmem_shared>> -> memref<320x128xf32, #tpu.memory_space<vmem_shared>>
      tpu.enqueue_dma source(%dma_start3A_90 : memref<320x128xf32, #tpu.memory_space<vmem_shared>>) target(%dma_start3A_88 : memref<320x128xf32, #tpu.memory_space<hbm>>) target_semaphore(%run_scoped3A : memref<!tpu.dma_semaphore, #tpu.memory_space<semaphore_mem>>)
      %dma_wait3A_91 = arith.constant 0 : i32
      %dma_wait3A_92 = tpu.memref_slice %arg6[%arg0, %mul3A_39, %dma_wait3A_91] : memref<2x10000x128xf32, #tpu.memory_space<hbm>> -> memref<1x320x128xf32, #tpu.memory_space<hbm>>
      %dma_wait3A_93 = tpu.memref_squeeze %dma_wait3A_92 : memref<1x320x128xf32, #tpu.memory_space<hbm>> -> memref<320x128xf32, #tpu.memory_space<hbm>>
      %dma_wait3A_94 = arith.constant 0 : i32
      %dma_wait3A_95 = tpu.memref_slice %arg12[%mul3A_37, %dma_wait3A_94] : memref<5248x128xf32, #tpu.memory_space<vmem_shared>> -> memref<320x128xf32, #tpu.memory_space<vmem_shared>>
      tpu.wait_dma2 semaphore(%run_scoped3A : memref<!tpu.dma_semaphore, #tpu.memory_space<semaphore_mem>>) src(%dma_wait3A_95 : memref<320x128xf32, #tpu.memory_space<vmem_shared>>) dst(%dma_wait3A_93 : memref<320x128xf32, #tpu.memory_space<hbm>>)
      tpu.yield
    }) : () -> ()
    %barrier3A_40 = arith.constant 0 : index
    tpu.barrier barrier_id(%barrier3A_40)
    %scan3A_41 = arith.constant 0 : i32
    %scan3A_42 = arith.constant 0 : i32
    %scan3A_43 = arith.constant 128 : i32
    %scan3A_44 = arith.addi %scan3A_42, %scan3A_43 : i32
    %scan3A_45 = arith.constant 1 : i32
    scf.for %scan3A_86 = %scan3A_42 to %scan3A_44 step %scan3A_45  : i32 {
      %swap3A = arith.index_cast %scan3A_86 : i32 to index
      %swap3A_87 = arith.constant 0 : index
      %swap3A_88 = tpu.vector_load %arg10[%swap3A, %swap3A_87] {strides = array<i32>} : memref<128x128xf32, #tpu.memory_space<vmem>>, vector<1x16xf32>,
      %swap3A_89 = vector.shape_cast %swap3A_88 : vector<1x16xf32> to vector<16xf32>
      %swap3A_90 = vector.shape_cast %broadcast_in_dim3A_1 : vector<16xf32> to vector<1x16xf32>
      tpu.vector_store %arg10[%swap3A, %swap3A_87], %swap3A_90 {strides = array<i32>} : memref<128x128xf32, #tpu.memory_space<vmem>>, vector<1x16xf32>,
      %swap3A_91 = arith.index_cast %scan3A_86 : i32 to index
      %swap3A_92 = arith.constant 16 : index
      %swap3A_93 = tpu.vector_load %arg10[%swap3A_91, %swap3A_92] {strides = array<i32>} : memref<128x128xf32, #tpu.memory_space<vmem>>, vector<1x16xf32>,
      %swap3A_94 = vector.shape_cast %swap3A_93 : vector<1x16xf32> to vector<16xf32>
      %swap3A_95 = vector.shape_cast %broadcast_in_dim3A_1 : vector<16xf32> to vector<1x16xf32>
      tpu.vector_store %arg10[%swap3A_91, %swap3A_92], %swap3A_95 {strides = array<i32>} : memref<128x128xf32, #tpu.memory_space<vmem>>, vector<1x16xf32>,
      %swap3A_96 = arith.index_cast %scan3A_86 : i32 to index
      %swap3A_97 = arith.constant 32 : index
      %swap3A_98 = tpu.vector_load %arg10[%swap3A_96, %swap3A_97] {strides = array<i32>} : memref<128x128xf32, #tpu.memory_space<vmem>>, vector<1x16xf32>,
      %swap3A_99 = vector.shape_cast %swap3A_98 : vector<1x16xf32> to vector<16xf32>
      %swap3A_100 = vector.shape_cast %broadcast_in_dim3A_1 : vector<16xf32> to vector<1x16xf32>
      tpu.vector_store %arg10[%swap3A_96, %swap3A_97], %swap3A_100 {strides = array<i32>} : memref<128x128xf32, #tpu.memory_space<vmem>>, vector<1x16xf32>,
      %swap3A_101 = arith.index_cast %scan3A_86 : i32 to index
      %swap3A_102 = arith.constant 48 : index
      %swap3A_103 = tpu.vector_load %arg10[%swap3A_101, %swap3A_102] {strides = array<i32>} : memref<128x128xf32, #tpu.memory_space<vmem>>, vector<1x16xf32>,
      %swap3A_104 = vector.shape_cast %swap3A_103 : vector<1x16xf32> to vector<16xf32>
      %swap3A_105 = vector.shape_cast %broadcast_in_dim3A_1 : vector<16xf32> to vector<1x16xf32>
      tpu.vector_store %arg10[%swap3A_101, %swap3A_102], %swap3A_105 {strides = array<i32>} : memref<128x128xf32, #tpu.memory_space<vmem>>, vector<1x16xf32>,
      %swap3A_106 = arith.index_cast %scan3A_86 : i32 to index
      %swap3A_107 = arith.constant 64 : index
      %swap3A_108 = tpu.vector_load %arg10[%swap3A_106, %swap3A_107] {strides = array<i32>} : memref<128x128xf32, #tpu.memory_space<vmem>>, vector<1x16xf32>,
      %swap3A_109 = vector.shape_cast %swap3A_108 : vector<1x16xf32> to vector<16xf32>
      %swap3A_110 = vector.shape_cast %broadcast_in_dim3A_1 : vector<16xf32> to vector<1x16xf32>
      tpu.vector_store %arg10[%swap3A_106, %swap3A_107], %swap3A_110 {strides = array<i32>} : memref<128x128xf32, #tpu.memory_space<vmem>>, vector<1x16xf32>,
      %swap3A_111 = arith.index_cast %scan3A_86 : i32 to index
      %swap3A_112 = arith.constant 80 : index
      %swap3A_113 = tpu.vector_load %arg10[%swap3A_111, %swap3A_112] {strides = array<i32>} : memref<128x128xf32, #tpu.memory_space<vmem>>, vector<1x16xf32>,
      %swap3A_114 = vector.shape_cast %swap3A_113 : vector<1x16xf32> to vector<16xf32>
      %swap3A_115 = vector.shape_cast %broadcast_in_dim3A_1 : vector<16xf32> to vector<1x16xf32>
      tpu.vector_store %arg10[%swap3A_111, %swap3A_112], %swap3A_115 {strides = array<i32>} : memref<128x128xf32, #tpu.memory_space<vmem>>, vector<1x16xf32>,
      %swap3A_116 = arith.index_cast %scan3A_86 : i32 to index
      %swap3A_117 = arith.constant 96 : index
      %swap3A_118 = tpu.vector_load %arg10[%swap3A_116, %swap3A_117] {strides = array<i32>} : memref<128x128xf32, #tpu.memory_space<vmem>>, vector<1x16xf32>,
      %swap3A_119 = vector.shape_cast %swap3A_118 : vector<1x16xf32> to vector<16xf32>
      %swap3A_120 = vector.shape_cast %broadcast_in_dim3A_1 : vector<16xf32> to vector<1x16xf32>
      tpu.vector_store %arg10[%swap3A_116, %swap3A_117], %swap3A_120 {strides = array<i32>} : memref<128x128xf32, #tpu.memory_space<vmem>>, vector<1x16xf32>,
      %swap3A_121 = arith.index_cast %scan3A_86 : i32 to index
      %swap3A_122 = arith.constant 112 : index
      %swap3A_123 = tpu.vector_load %arg10[%swap3A_121, %swap3A_122] {strides = array<i32>} : memref<128x128xf32, #tpu.memory_space<vmem>>, vector<1x16xf32>,
      %swap3A_124 = vector.shape_cast %swap3A_123 : vector<1x16xf32> to vector<16xf32>
      %swap3A_125 = vector.shape_cast %broadcast_in_dim3A_1 : vector<16xf32> to vector<1x16xf32>
      tpu.vector_store %arg10[%swap3A_121, %swap3A_122], %swap3A_125 {strides = array<i32>} : memref<128x128xf32, #tpu.memory_space<vmem>>, vector<1x16xf32>,
    }
    %scan3A_46 = arith.constant 128 : i32
    %mul3A_47 = arith.constant 328 : i32
    %mul3A_48 = arith.muli %arg1, %mul3A_47 : i32
    "tpu.region"() ({
      %run_scoped3A = tpu.sem_alloc : memref<!tpu.dma_semaphore, #tpu.memory_space<semaphore_mem>>
      %dma_start3A_86 = arith.constant 0 : i32
      %dma_start3A_87 = tpu.memref_slice %arg12[%mul3A_48, %dma_start3A_86] : memref<5248x128xf32, #tpu.memory_space<vmem_shared>> -> memref<128x128xf32, #tpu.memory_space<vmem_shared>>
      %dma_start3A_88 = arith.constant 0 : i32
      %dma_start3A_89 = tpu.memref_slice %arg12[%mul3A_48, %dma_start3A_88] : memref<5248x128xf32, #tpu.memory_space<vmem_shared>> -> memref<128x128xf32, #tpu.memory_space<vmem_shared>>
      tpu.enqueue_dma source(%arg10 : memref<128x128xf32, #tpu.memory_space<vmem>>) target(%dma_start3A_89 : memref<128x128xf32, #tpu.memory_space<vmem_shared>>) target_semaphore(%run_scoped3A : memref<!tpu.dma_semaphore, #tpu.memory_space<semaphore_mem>>)
      %dma_wait3A_90 = arith.constant 0 : i32
      %dma_wait3A_91 = tpu.memref_slice %arg12[%mul3A_48, %dma_wait3A_90] : memref<5248x128xf32, #tpu.memory_space<vmem_shared>> -> memref<128x128xf32, #tpu.memory_space<vmem_shared>>
      %dma_wait3A_92 = arith.constant 0 : i32
      %dma_wait3A_93 = tpu.memref_slice %arg12[%mul3A_48, %dma_wait3A_92] : memref<5248x128xf32, #tpu.memory_space<vmem_shared>> -> memref<128x128xf32, #tpu.memory_space<vmem_shared>>
      tpu.wait_dma2 semaphore(%run_scoped3A : memref<!tpu.dma_semaphore, #tpu.memory_space<semaphore_mem>>) src(%arg10 : memref<128x128xf32, #tpu.memory_space<vmem>>) dst(%dma_wait3A_93 : memref<128x128xf32, #tpu.memory_space<vmem_shared>>)
      tpu.yield
    }) : () -> ()
    %mul3A_49 = arith.constant 328 : i32
    %mul3A_50 = arith.muli %arg1, %mul3A_49 : i32
    %add3A_51 = arith.constant 128 : i32
    %add3A_52 = arith.addi %mul3A_50, %add3A_51 : i32
    "tpu.region"() ({
      %run_scoped3A = tpu.sem_alloc : memref<!tpu.dma_semaphore, #tpu.memory_space<semaphore_mem>>
      %dma_start3A_86 = arith.constant 0 : i32
      %dma_start3A_87 = tpu.memref_slice %arg12[%add3A_52, %dma_start3A_86] : memref<5248x128xf32, #tpu.memory_space<vmem_shared>> -> memref<128x128xf32, #tpu.memory_space<vmem_shared>>
      %dma_start3A_88 = arith.constant 0 : i32
      %dma_start3A_89 = tpu.memref_slice %arg12[%add3A_52, %dma_start3A_88] : memref<5248x128xf32, #tpu.memory_space<vmem_shared>> -> memref<128x128xf32, #tpu.memory_space<vmem_shared>>
      tpu.enqueue_dma source(%arg10 : memref<128x128xf32, #tpu.memory_space<vmem>>) target(%dma_start3A_89 : memref<128x128xf32, #tpu.memory_space<vmem_shared>>) target_semaphore(%run_scoped3A : memref<!tpu.dma_semaphore, #tpu.memory_space<semaphore_mem>>)
      %dma_wait3A_90 = arith.constant 0 : i32
      %dma_wait3A_91 = tpu.memref_slice %arg12[%add3A_52, %dma_wait3A_90] : memref<5248x128xf32, #tpu.memory_space<vmem_shared>> -> memref<128x128xf32, #tpu.memory_space<vmem_shared>>
      %dma_wait3A_92 = arith.constant 0 : i32
      %dma_wait3A_93 = tpu.memref_slice %arg12[%add3A_52, %dma_wait3A_92] : memref<5248x128xf32, #tpu.memory_space<vmem_shared>> -> memref<128x128xf32, #tpu.memory_space<vmem_shared>>
      tpu.wait_dma2 semaphore(%run_scoped3A : memref<!tpu.dma_semaphore, #tpu.memory_space<semaphore_mem>>) src(%arg10 : memref<128x128xf32, #tpu.memory_space<vmem>>) dst(%dma_wait3A_93 : memref<128x128xf32, #tpu.memory_space<vmem_shared>>)
      tpu.yield
    }) : () -> ()
    %mul3A_53 = arith.constant 328 : i32
    %mul3A_54 = arith.muli %arg1, %mul3A_53 : i32
    %add3A_55 = arith.constant 256 : i32
    %add3A_56 = arith.addi %mul3A_54, %add3A_55 : i32
    "tpu.region"() ({
      %run_scoped3A = tpu.sem_alloc : memref<!tpu.dma_semaphore, #tpu.memory_space<semaphore_mem>>
      %dma_start3A_86 = arith.constant 0 : i32
      %dma_start3A_87 = arith.constant 0 : i32
      %dma_start3A_88 = tpu.memref_slice %arg10[%dma_start3A_86, %dma_start3A_87] : memref<128x128xf32, #tpu.memory_space<vmem>> -> memref<72x128xf32, #tpu.memory_space<vmem>>
      %dma_start3A_89 = arith.constant 0 : i32
      %dma_start3A_90 = tpu.memref_slice %arg12[%add3A_56, %dma_start3A_89] : memref<5248x128xf32, #tpu.memory_space<vmem_shared>> -> memref<72x128xf32, #tpu.memory_space<vmem_shared>>
      %dma_start3A_91 = arith.constant 0 : i32
      %dma_start3A_92 = tpu.memref_slice %arg12[%add3A_56, %dma_start3A_91] : memref<5248x128xf32, #tpu.memory_space<vmem_shared>> -> memref<72x128xf32, #tpu.memory_space<vmem_shared>>
      %dma_start3A_93 = arith.constant 0 : i32
      %dma_start3A_94 = arith.constant 0 : i32
      %dma_start3A_95 = tpu.memref_slice %arg10[%dma_start3A_93, %dma_start3A_94] : memref<128x128xf32, #tpu.memory_space<vmem>> -> memref<72x128xf32, #tpu.memory_space<vmem>>
      tpu.enqueue_dma source(%dma_start3A_95 : memref<72x128xf32, #tpu.memory_space<vmem>>) target(%dma_start3A_92 : memref<72x128xf32, #tpu.memory_space<vmem_shared>>) target_semaphore(%run_scoped3A : memref<!tpu.dma_semaphore, #tpu.memory_space<semaphore_mem>>)
      %dma_wait3A_96 = arith.constant 0 : i32
      %dma_wait3A_97 = arith.constant 0 : i32
      %dma_wait3A_98 = tpu.memref_slice %arg10[%dma_wait3A_96, %dma_wait3A_97] : memref<128x128xf32, #tpu.memory_space<vmem>> -> memref<72x128xf32, #tpu.memory_space<vmem>>
      %dma_wait3A_99 = arith.constant 0 : i32
      %dma_wait3A_100 = tpu.memref_slice %arg12[%add3A_56, %dma_wait3A_99] : memref<5248x128xf32, #tpu.memory_space<vmem_shared>> -> memref<72x128xf32, #tpu.memory_space<vmem_shared>>
      %dma_wait3A_101 = arith.constant 0 : i32
      %dma_wait3A_102 = tpu.memref_slice %arg12[%add3A_56, %dma_wait3A_101] : memref<5248x128xf32, #tpu.memory_space<vmem_shared>> -> memref<72x128xf32, #tpu.memory_space<vmem_shared>>
      %dma_wait3A_103 = arith.constant 0 : i32
      %dma_wait3A_104 = arith.constant 0 : i32
      %dma_wait3A_105 = tpu.memref_slice %arg10[%dma_wait3A_103, %dma_wait3A_104] : memref<128x128xf32, #tpu.memory_space<vmem>> -> memref<72x128xf32, #tpu.memory_space<vmem>>
      tpu.wait_dma2 semaphore(%run_scoped3A : memref<!tpu.dma_semaphore, #tpu.memory_space<semaphore_mem>>) src(%dma_wait3A_105 : memref<72x128xf32, #tpu.memory_space<vmem>>) dst(%dma_wait3A_102 : memref<72x128xf32, #tpu.memory_space<vmem_shared>>)
      tpu.yield
    }) : () -> ()
    %barrier3A_57 = arith.constant 0 : index
    tpu.barrier barrier_id(%barrier3A_57)
    %dma_start3A_58 = arith.constant 0 : i32
    %dma_start3A_59 = arith.constant 0 : i32
    %dma_start3A_60 = tpu.memref_slice %arg7[%dma_start3A_58, %dma_start3A_59] : memref<80x128xi32, #tpu.memory_space<vmem>> -> memref<1x128xi32, #tpu.memory_space<vmem>>
    %dma_start3A_61 = tpu.memref_squeeze %dma_start3A_60 : memref<1x128xi32, #tpu.memory_space<vmem>> -> memref<128xi32, #tpu.memory_space<vmem>>
    %dma_start3A_62 = arith.constant 0 : i32
    %dma_start3A_63 = arith.constant 0 : i32
    %dma_start3A_64 = tpu.memref_slice %arg2[%dma_start3A_62, %dma_start3A_63] : memref<10000x128xf32, #tpu.memory_space<hbm>> -> memref<10000x128xf32, #tpu.memory_space<hbm>>
    tpu.enqueue_indirect_dma source(%dma_start3A_64 : memref<10000x128xf32, #tpu.memory_space<hbm>>) target(%arg10 : memref<128x128xf32, #tpu.memory_space<vmem>>) offsets(%dma_start3A_61 : memref<128xi32, #tpu.memory_space<vmem>>) semaphore(%arg13 : memref<!tpu.dma_semaphore, #tpu.memory_space<semaphore_mem>>)
    %scan3A_65 = arith.constant 0 : i32
    %scan3A_66 = arith.constant 0 : i32
    %scan3A_67 = arith.constant 40 : i32
    %scan3A_68 = arith.addi %scan3A_66, %scan3A_67 : i32
    %scan3A_69 = arith.constant 1 : i32
    scf.for %scan3A_86 = %scan3A_66 to %scan3A_68 step %scan3A_69  : i32 {
      %mul3A_87 = arith.constant 2 : i32
      %mul3A_88 = arith.muli %mul3A_87, %scan3A_86 : i32
      %mul3A_89 = arith.constant 2 : i32
      %mul3A_90 = arith.muli %mul3A_89, %scan3A_86 : i32
      %add3A_91 = arith.constant 1 : i32
      %add3A_92 = arith.addi %mul3A_90, %add3A_91 : i32
      %mul3A_93 = arith.constant 2 : i32
      %mul3A_94 = arith.muli %mul3A_93, %scan3A_86 : i32
      %add3A_95 = arith.constant 2 : i32
      %add3A_96 = arith.addi %mul3A_94, %add3A_95 : i32
      %jit3A = arith.constant 80 : i32
      %eq3A_97 = arith.constant 0 : i32
      %eq3A_98 = arith.cmpi eq, %jit3A, %eq3A_97 : i32
      %jit3A_99 = arith.constant 1 : i32
      %select_n3A = arith.select %eq3A_98, %jit3A_99, %jit3A : i32
      %rem3A = arith.remsi %add3A_96, %select_n3A : i32
      %ne3A = arith.constant 0 : i32
      %ne3A_100 = arith.cmpi ne, %rem3A, %ne3A : i32
      %lt3A_101 = arith.constant 0 : i32
      %lt3A_102 = arith.cmpi slt, %rem3A, %lt3A_101 : i32
      %lt3A_103 = arith.constant 0 : i32
      %lt3A_104 = arith.cmpi slt, %select_n3A, %lt3A_103 : i32
      %ne3A_105 = arith.xori %lt3A_102, %lt3A_104 : i1
      %and3A = arith.andi %ne3A_105, %ne3A_100 : i1
      %add3A_106 = arith.addi %rem3A, %select_n3A : i32
      %select_n3A_107 = arith.select %and3A, %add3A_106, %rem3A : i32
      %dma_wait3A_108 = arith.constant 0 : i32
      %dma_wait3A_109 = tpu.memref_slice %arg7[%mul3A_88, %dma_wait3A_108] : memref<80x128xi32, #tpu.memory_space<vmem>> -> memref<1x128xi32, #tpu.memory_space<vmem>>
      %dma_wait3A_110 = tpu.memref_squeeze %dma_wait3A_109 : memref<1x128xi32, #tpu.memory_space<vmem>> -> memref<128xi32, #tpu.memory_space<vmem>>
      %dma_wait3A_111 = arith.constant 0 : i32
      %dma_wait3A_112 = arith.constant 0 : i32
      %dma_wait3A_113 = tpu.memref_slice %arg2[%dma_wait3A_111, %dma_wait3A_112] : memref<10000x128xf32, #tpu.memory_space<hbm>> -> memref<10000x128xf32, #tpu.memory_space<hbm>>
      tpu.wait_indirect_dma semaphore(%arg13 : memref<!tpu.dma_semaphore, #tpu.memory_space<semaphore_mem>>) src(%dma_wait3A_113 : memref<10000x128xf32, #tpu.memory_space<hbm>>) dst(%arg10 : memref<128x128xf32, #tpu.memory_space<vmem>>)
      %dma_start3A_114 = arith.constant 0 : i32
      %dma_start3A_115 = tpu.memref_slice %arg7[%add3A_92, %dma_start3A_114] : memref<80x128xi32, #tpu.memory_space<vmem>> -> memref<1x128xi32, #tpu.memory_space<vmem>>
      %dma_start3A_116 = tpu.memref_squeeze %dma_start3A_115 : memref<1x128xi32, #tpu.memory_space<vmem>> -> memref<128xi32, #tpu.memory_space<vmem>>
      %dma_start3A_117 = arith.constant 0 : i32
      %dma_start3A_118 = arith.constant 0 : i32
      %dma_start3A_119 = tpu.memref_slice %arg2[%dma_start3A_117, %dma_start3A_118] : memref<10000x128xf32, #tpu.memory_space<hbm>> -> memref<10000x128xf32, #tpu.memory_space<hbm>>
      tpu.enqueue_indirect_dma source(%dma_start3A_119 : memref<10000x128xf32, #tpu.memory_space<hbm>>) target(%arg11 : memref<128x128xf32, #tpu.memory_space<vmem>>) offsets(%dma_start3A_116 : memref<128xi32, #tpu.memory_space<vmem>>) semaphore(%arg14 : memref<!tpu.dma_semaphore, #tpu.memory_space<semaphore_mem>>)
      "tpu.region"() ({
        %run_scoped3A = tpu.sem_alloc : memref<!tpu.dma_semaphore, #tpu.memory_space<semaphore_mem>>
        %dma_start3A_132 = arith.constant 0 : i32
        %dma_start3A_133 = tpu.memref_slice %arg9[%mul3A_88, %dma_start3A_132] : memref<80x128xi32, #tpu.memory_space<vmem>> -> memref<1x128xi32, #tpu.memory_space<vmem>>
        %dma_start3A_134 = tpu.memref_squeeze %dma_start3A_133 : memref<1x128xi32, #tpu.memory_space<vmem>> -> memref<128xi32, #tpu.memory_space<vmem>>
        %dma_start3A_135 = arith.constant 0 : i32
        %dma_start3A_136 = arith.constant 0 : i32
        %dma_start3A_137 = tpu.memref_slice %arg12[%dma_start3A_135, %dma_start3A_136] : memref<5248x128xf32, #tpu.memory_space<vmem_shared>> -> memref<5248x128xf32, #tpu.memory_space<vmem_shared>>
        tpu.enqueue_indirect_dma source(%arg10 : memref<128x128xf32, #tpu.memory_space<vmem>>) target(%dma_start3A_137 : memref<5248x128xf32, #tpu.memory_space<vmem_shared>>) offsets(%dma_start3A_134 : memref<128xi32, #tpu.memory_space<vmem>>) semaphore(%run_scoped3A : memref<!tpu.dma_semaphore, #tpu.memory_space<semaphore_mem>>) {add = true}
        %dma_wait3A_138 = arith.constant 0 : i32
        %dma_wait3A_139 = tpu.memref_slice %arg9[%mul3A_88, %dma_wait3A_138] : memref<80x128xi32, #tpu.memory_space<vmem>> -> memref<1x128xi32, #tpu.memory_space<vmem>>
        %dma_wait3A_140 = tpu.memref_squeeze %dma_wait3A_139 : memref<1x128xi32, #tpu.memory_space<vmem>> -> memref<128xi32, #tpu.memory_space<vmem>>
        %dma_wait3A_141 = arith.constant 0 : i32
        %dma_wait3A_142 = arith.constant 0 : i32
        %dma_wait3A_143 = tpu.memref_slice %arg12[%dma_wait3A_141, %dma_wait3A_142] : memref<5248x128xf32, #tpu.memory_space<vmem_shared>> -> memref<5248x128xf32, #tpu.memory_space<vmem_shared>>
        tpu.wait_indirect_dma semaphore(%run_scoped3A : memref<!tpu.dma_semaphore, #tpu.memory_space<semaphore_mem>>) src(%arg10 : memref<128x128xf32, #tpu.memory_space<vmem>>) dst(%dma_wait3A_143 : memref<5248x128xf32, #tpu.memory_space<vmem_shared>>)
        tpu.yield
      }) : () -> ()
      %dma_start3A_120 = arith.constant 0 : i32
      %dma_start3A_121 = tpu.memref_slice %arg7[%select_n3A_107, %dma_start3A_120] : memref<80x128xi32, #tpu.memory_space<vmem>> -> memref<1x128xi32, #tpu.memory_space<vmem>>
      %dma_start3A_122 = tpu.memref_squeeze %dma_start3A_121 : memref<1x128xi32, #tpu.memory_space<vmem>> -> memref<128xi32, #tpu.memory_space<vmem>>
      %dma_start3A_123 = arith.constant 0 : i32
      %dma_start3A_124 = arith.constant 0 : i32
      %dma_start3A_125 = tpu.memref_slice %arg2[%dma_start3A_123, %dma_start3A_124] : memref<10000x128xf32, #tpu.memory_space<hbm>> -> memref<10000x128xf32, #tpu.memory_space<hbm>>
      tpu.enqueue_indirect_dma source(%dma_start3A_125 : memref<10000x128xf32, #tpu.memory_space<hbm>>) target(%arg10 : memref<128x128xf32, #tpu.memory_space<vmem>>) offsets(%dma_start3A_122 : memref<128xi32, #tpu.memory_space<vmem>>) semaphore(%arg13 : memref<!tpu.dma_semaphore, #tpu.memory_space<semaphore_mem>>)
      %dma_wait3A_126 = arith.constant 0 : i32
      %dma_wait3A_127 = tpu.memref_slice %arg7[%add3A_92, %dma_wait3A_126] : memref<80x128xi32, #tpu.memory_space<vmem>> -> memref<1x128xi32, #tpu.memory_space<vmem>>
      %dma_wait3A_128 = tpu.memref_squeeze %dma_wait3A_127 : memref<1x128xi32, #tpu.memory_space<vmem>> -> memref<128xi32, #tpu.memory_space<vmem>>
      %dma_wait3A_129 = arith.constant 0 : i32
      %dma_wait3A_130 = arith.constant 0 : i32
      %dma_wait3A_131 = tpu.memref_slice %arg2[%dma_wait3A_129, %dma_wait3A_130] : memref<10000x128xf32, #tpu.memory_space<hbm>> -> memref<10000x128xf32, #tpu.memory_space<hbm>>
      tpu.wait_indirect_dma semaphore(%arg14 : memref<!tpu.dma_semaphore, #tpu.memory_space<semaphore_mem>>) src(%dma_wait3A_131 : memref<10000x128xf32, #tpu.memory_space<hbm>>) dst(%arg11 : memref<128x128xf32, #tpu.memory_space<vmem>>)
      "tpu.region"() ({
        %run_scoped3A = tpu.sem_alloc : memref<!tpu.dma_semaphore, #tpu.memory_space<semaphore_mem>>
        %dma_start3A_132 = arith.constant 0 : i32
        %dma_start3A_133 = tpu.memref_slice %arg9[%add3A_92, %dma_start3A_132] : memref<80x128xi32, #tpu.memory_space<vmem>> -> memref<1x128xi32, #tpu.memory_space<vmem>>
        %dma_start3A_134 = tpu.memref_squeeze %dma_start3A_133 : memref<1x128xi32, #tpu.memory_space<vmem>> -> memref<128xi32, #tpu.memory_space<vmem>>
        %dma_start3A_135 = arith.constant 0 : i32
        %dma_start3A_136 = arith.constant 0 : i32
        %dma_start3A_137 = tpu.memref_slice %arg12[%dma_start3A_135, %dma_start3A_136] : memref<5248x128xf32, #tpu.memory_space<vmem_shared>> -> memref<5248x128xf32, #tpu.memory_space<vmem_shared>>
        tpu.enqueue_indirect_dma source(%arg11 : memref<128x128xf32, #tpu.memory_space<vmem>>) target(%dma_start3A_137 : memref<5248x128xf32, #tpu.memory_space<vmem_shared>>) offsets(%dma_start3A_134 : memref<128xi32, #tpu.memory_space<vmem>>) semaphore(%run_scoped3A : memref<!tpu.dma_semaphore, #tpu.memory_space<semaphore_mem>>) {add = true}
        %dma_wait3A_138 = arith.constant 0 : i32
        %dma_wait3A_139 = tpu.memref_slice %arg9[%add3A_92, %dma_wait3A_138] : memref<80x128xi32, #tpu.memory_space<vmem>> -> memref<1x128xi32, #tpu.memory_space<vmem>>
        %dma_wait3A_140 = tpu.memref_squeeze %dma_wait3A_139 : memref<1x128xi32, #tpu.memory_space<vmem>> -> memref<128xi32, #tpu.memory_space<vmem>>
        %dma_wait3A_141 = arith.constant 0 : i32
        %dma_wait3A_142 = arith.constant 0 : i32
        %dma_wait3A_143 = tpu.memref_slice %arg12[%dma_wait3A_141, %dma_wait3A_142] : memref<5248x128xf32, #tpu.memory_space<vmem_shared>> -> memref<5248x128xf32, #tpu.memory_space<vmem_shared>>
        tpu.wait_indirect_dma semaphore(%run_scoped3A : memref<!tpu.dma_semaphore, #tpu.memory_space<semaphore_mem>>) src(%arg11 : memref<128x128xf32, #tpu.memory_space<vmem>>) dst(%dma_wait3A_143 : memref<5248x128xf32, #tpu.memory_space<vmem_shared>>)
        tpu.yield
      }) : () -> ()
    }
    %scan3A_70 = arith.constant 40 : i32
    %dma_wait3A_71 = arith.constant 0 : i32
    %dma_wait3A_72 = arith.constant 0 : i32
    %dma_wait3A_73 = tpu.memref_slice %arg7[%dma_wait3A_71, %dma_wait3A_72] : memref<80x128xi32, #tpu.memory_space<vmem>> -> memref<1x128xi32, #tpu.memory_space<vmem>>
    %dma_wait3A_74 = tpu.memref_squeeze %dma_wait3A_73 : memref<1x128xi32, #tpu.memory_space<vmem>> -> memref<128xi32, #tpu.memory_space<vmem>>
    %dma_wait3A_75 = arith.constant 0 : i32
    %dma_wait3A_76 = arith.constant 0 : i32
    %dma_wait3A_77 = tpu.memref_slice %arg2[%dma_wait3A_75, %dma_wait3A_76] : memref<10000x128xf32, #tpu.memory_space<hbm>> -> memref<10000x128xf32, #tpu.memory_space<hbm>>
    tpu.wait_indirect_dma semaphore(%arg13 : memref<!tpu.dma_semaphore, #tpu.memory_space<semaphore_mem>>) src(%dma_wait3A_77 : memref<10000x128xf32, #tpu.memory_space<hbm>>) dst(%arg10 : memref<128x128xf32, #tpu.memory_space<vmem>>)
    %barrier3A_78 = arith.constant 0 : index
    tpu.barrier barrier_id(%barrier3A_78)
    %lt3A = arith.constant 15 : i32
    %lt3A_79 = arith.cmpi slt, %arg1, %lt3A : i32
    %convert_element_type3A = arith.extui %lt3A_79 : i1 to i32
    %cond3A = arith.constant 0 : i32
    %cond3A_80 = arith.cmpi ne, %convert_element_type3A, %cond3A : i32
    scf.if %cond3A_80 {
      %mul3A_86 = arith.constant 312 : i32
      %mul3A_87 = arith.muli %arg1, %mul3A_86 : i32
      %mul3A_88 = arith.constant 312 : i32
      %mul3A_89 = arith.muli %arg1, %mul3A_88 : i32
      %add3A_90 = arith.constant 5120 : i32
      %add3A_91 = arith.addi %add3A_90, %mul3A_89 : i32
      "tpu.region"() ({
        %run_scoped3A = tpu.sem_alloc : memref<!tpu.dma_semaphore, #tpu.memory_space<semaphore_mem>>
        %dma_start3A_92 = arith.constant 0 : i32
        %dma_start3A_93 = tpu.memref_slice %arg6[%arg0, %add3A_91, %dma_start3A_92] : memref<2x10000x128xf32, #tpu.memory_space<hbm>> -> memref<1x312x128xf32, #tpu.memory_space<hbm>>
        %dma_start3A_94 = tpu.memref_squeeze %dma_start3A_93 : memref<1x312x128xf32, #tpu.memory_space<hbm>> -> memref<312x128xf32, #tpu.memory_space<hbm>>
        %dma_start3A_95 = arith.constant 0 : i32
        %dma_start3A_96 = tpu.memref_slice %arg12[%mul3A_87, %dma_start3A_95] : memref<5248x128xf32, #tpu.memory_space<vmem_shared>> -> memref<312x128xf32, #tpu.memory_space<vmem_shared>>
        tpu.enqueue_dma source(%dma_start3A_96 : memref<312x128xf32, #tpu.memory_space<vmem_shared>>) target(%dma_start3A_94 : memref<312x128xf32, #tpu.memory_space<hbm>>) target_semaphore(%run_scoped3A : memref<!tpu.dma_semaphore, #tpu.memory_space<semaphore_mem>>)
        %dma_wait3A_97 = arith.constant 0 : i32
        %dma_wait3A_98 = tpu.memref_slice %arg6[%arg0, %add3A_91, %dma_wait3A_97] : memref<2x10000x128xf32, #tpu.memory_space<hbm>> -> memref<1x312x128xf32, #tpu.memory_space<hbm>>
        %dma_wait3A_99 = tpu.memref_squeeze %dma_wait3A_98 : memref<1x312x128xf32, #tpu.memory_space<hbm>> -> memref<312x128xf32, #tpu.memory_space<hbm>>
        %dma_wait3A_100 = arith.constant 0 : i32
        %dma_wait3A_101 = tpu.memref_slice %arg12[%mul3A_87, %dma_wait3A_100] : memref<5248x128xf32, #tpu.memory_space<vmem_shared>> -> memref<312x128xf32, #tpu.memory_space<vmem_shared>>
        tpu.wait_dma2 semaphore(%run_scoped3A : memref<!tpu.dma_semaphore, #tpu.memory_space<semaphore_mem>>) src(%dma_wait3A_101 : memref<312x128xf32, #tpu.memory_space<vmem_shared>>) dst(%dma_wait3A_99 : memref<312x128xf32, #tpu.memory_space<hbm>>)
        tpu.yield
      }) : () -> ()
    } else {
    }
    %eq3A = arith.constant 15 : i32
    %eq3A_81 = arith.cmpi eq, %arg1, %eq3A : i32
    %convert_element_type3A_82 = arith.extui %eq3A_81 : i1 to i32
    %cond3A_83 = arith.constant 0 : i32
    %cond3A_84 = arith.cmpi ne, %convert_element_type3A_82, %cond3A_83 : i32
    scf.if %cond3A_84 {
      "tpu.region"() ({
        %run_scoped3A = tpu.sem_alloc : memref<!tpu.dma_semaphore, #tpu.memory_space<semaphore_mem>>
        %dma_start3A_86 = arith.constant 9800 : i32
        %dma_start3A_87 = arith.constant 0 : i32
        %dma_start3A_88 = tpu.memref_slice %arg6[%arg0, %dma_start3A_86, %dma_start3A_87] : memref<2x10000x128xf32, #tpu.memory_space<hbm>> -> memref<1x200x128xf32, #tpu.memory_space<hbm>>
        %dma_start3A_89 = tpu.memref_squeeze %dma_start3A_88 : memref<1x200x128xf32, #tpu.memory_space<hbm>> -> memref<200x128xf32, #tpu.memory_space<hbm>>
        %dma_start3A_90 = arith.constant 4680 : i32
        %dma_start3A_91 = arith.constant 0 : i32
        %dma_start3A_92 = tpu.memref_slice %arg12[%dma_start3A_90, %dma_start3A_91] : memref<5248x128xf32, #tpu.memory_space<vmem_shared>> -> memref<200x128xf32, #tpu.memory_space<vmem_shared>>
        tpu.enqueue_dma source(%dma_start3A_92 : memref<200x128xf32, #tpu.memory_space<vmem_shared>>) target(%dma_start3A_89 : memref<200x128xf32, #tpu.memory_space<hbm>>) target_semaphore(%run_scoped3A : memref<!tpu.dma_semaphore, #tpu.memory_space<semaphore_mem>>)
        %dma_wait3A_93 = arith.constant 9800 : i32
        %dma_wait3A_94 = arith.constant 0 : i32
        %dma_wait3A_95 = tpu.memref_slice %arg6[%arg0, %dma_wait3A_93, %dma_wait3A_94] : memref<2x10000x128xf32, #tpu.memory_space<hbm>> -> memref<1x200x128xf32, #tpu.memory_space<hbm>>
        %dma_wait3A_96 = tpu.memref_squeeze %dma_wait3A_95 : memref<1x200x128xf32, #tpu.memory_space<hbm>> -> memref<200x128xf32, #tpu.memory_space<hbm>>
        %dma_wait3A_97 = arith.constant 4680 : i32
        %dma_wait3A_98 = arith.constant 0 : i32
        %dma_wait3A_99 = tpu.memref_slice %arg12[%dma_wait3A_97, %dma_wait3A_98] : memref<5248x128xf32, #tpu.memory_space<vmem_shared>> -> memref<200x128xf32, #tpu.memory_space<vmem_shared>>
        tpu.wait_dma2 semaphore(%run_scoped3A : memref<!tpu.dma_semaphore, #tpu.memory_space<semaphore_mem>>) src(%dma_wait3A_99 : memref<200x128xf32, #tpu.memory_space<vmem_shared>>) dst(%dma_wait3A_96 : memref<200x128xf32, #tpu.memory_space<hbm>>)
        tpu.yield
      }) : () -> ()
    } else {
    }
    %barrier3A_85 = arith.constant 0 : index
    tpu.barrier barrier_id(%barrier3A_85)
    return
  }
}

module attributes {stable_mosaic.version = 14 : i64} {
  func.func @_layer0_body(%arg0: memref<2x10000x128xf32, #tpu.memory_space<vmem>>, %arg1: memref<10000x128xf32, #tpu.memory_space<vmem>>, %arg2: memref<1x1xf32, #tpu.memory_space<vmem>>, %arg3: memref<128x128xf32, #tpu.memory_space<vmem>>, %arg4: memref<1x128xf32, #tpu.memory_space<vmem>>, %arg5: memref<1x128xf32, #tpu.memory_space<vmem>>, %arg6: memref<1x128xf32, #tpu.memory_space<vmem>>, %arg7: memref<128x128xf32, #tpu.memory_space<vmem>>, %arg8: memref<1x128xf32, #tpu.memory_space<vmem>>, %arg9: memref<1x128xf32, #tpu.memory_space<vmem>>, %arg10: memref<1x128xf32, #tpu.memory_space<vmem>>, %arg11: memref<128x16xf32, #tpu.memory_space<vmem>>, %arg12: memref<128x16xf32, #tpu.memory_space<vmem>>, %arg13: memref<10000x128xf32, #tpu.memory_space<vmem>>, %arg14: memref<10000x16xf32, #tpu.memory_space<vmem>>) attributes {dimension_semantics = [], scalar_prefetch = 0 : i64, scratch_operands = 0 : i64, tpu.core_type = #tpu.core_type<tc>} {
    %get3A = arith.constant 0 : index
    %get3A_0 = arith.constant 0 : index
    %get3A_1 = vector.load %arg1[%get3A, %get3A_0] : memref<10000x128xf32, #tpu.memory_space<vmem>>, vector<10000x128xf32>
    %get3A_2 = arith.constant 0 : index
    %get3A_3 = arith.constant 0 : index
    %get3A_4 = arith.constant 0 : index
    %get3A_5 = vector.load %arg0[%get3A_2, %get3A_3, %get3A_4] : memref<2x10000x128xf32, #tpu.memory_space<vmem>>, vector<1x10000x128xf32>
    %get3A_6 = vector.shape_cast %get3A_5 : vector<1x10000x128xf32> to vector<10000x128xf32>
    %get3A_7 = arith.constant 1 : index
    %get3A_8 = arith.constant 0 : index
    %get3A_9 = arith.constant 0 : index
    %get3A_10 = vector.load %arg0[%get3A_7, %get3A_8, %get3A_9] : memref<2x10000x128xf32, #tpu.memory_space<vmem>>, vector<1x10000x128xf32>
    %get3A_11 = vector.shape_cast %get3A_10 : vector<1x10000x128xf32> to vector<10000x128xf32>
    %add3A = arith.addf %get3A_6, %get3A_11 : vector<10000x128xf32>
    %get3A_12 = arith.constant 0 : index
    %get3A_13 = arith.constant 0 : index
    %get3A_14 = vector.load %arg2[%get3A_12, %get3A_13] : memref<1x1xf32, #tpu.memory_space<vmem>>, vector<1x1xf32>
    %get3A_15 = vector.extract %get3A_14[0, 0] : f32 from vector<1x1xf32>
    %add3A_16 = arith.constant 1.000000e+00 : f32
    %add3A_17 = arith.addf %add3A_16, %get3A_15 : f32
    %mul3A = vector.broadcast %add3A_17 : f32 to vector<10000x128xf32>
    %mul3A_18 = arith.mulf %mul3A, %get3A_1 : vector<10000x128xf32>
    %add3A_19 = arith.addf %add3A, %mul3A_18 : vector<10000x128xf32>
    %get3A_20 = arith.constant 0 : index
    %get3A_21 = arith.constant 0 : index
    %get3A_22 = vector.load %arg3[%get3A_20, %get3A_21] : memref<128x128xf32, #tpu.memory_space<vmem>>, vector<128x128xf32>
    %dot_general3A = arith.constant dense<0.000000e+00> : vector<10000x128xf32>
    %dot_general3A_23 = tpu.matmul %add3A_19, %get3A_22, %dot_general3A {dimension_numbers = #tpu.dot_dimension_numbers<[1], [0], [0], [1], [0, 0, 1, 1], [], []>, transpose_lhs_hint = false} : vector<10000x128xf32>, vector<128x128xf32>, vector<10000x128xf32> -> vector<10000x128xf32>
    %get3A_24 = arith.constant 0 : index
    %get3A_25 = arith.constant 0 : index
    %get3A_26 = vector.load %arg4[%get3A_24, %get3A_25] : memref<1x128xf32, #tpu.memory_space<vmem>>, vector<1x128xf32>
    %add3A_27 = vector.broadcast %get3A_26 : vector<1x128xf32> to vector<10000x128xf32>
    %add3A_28 = arith.addf %dot_general3A_23, %add3A_27 : vector<10000x128xf32>
    %get3A_29 = arith.constant 0 : index
    %get3A_30 = arith.constant 0 : index
    %get3A_31 = vector.load %arg5[%get3A_29, %get3A_30] : memref<1x128xf32, #tpu.memory_space<vmem>>, vector<1x128xf32>
    %get3A_32 = arith.constant 0 : index
    %get3A_33 = arith.constant 0 : index
    %get3A_34 = vector.load %arg6[%get3A_32, %get3A_33] : memref<1x128xf32, #tpu.memory_space<vmem>>, vector<1x128xf32>
    %reduce_sum3A = arith.constant dense<0.000000e+00> : vector<128xf32>
    %reduce_sum3A_35 = vector.multi_reduction <add>, %add3A_28, %reduce_sum3A [0] : vector<10000x128xf32> to vector<128xf32>
    %broadcast_in_dim3A = vector.shape_cast %reduce_sum3A_35 : vector<128xf32> to vector<1x128xf32>
    %div3A = arith.constant 1.000000e+04 : f32
    %div3A_36 = vector.broadcast %div3A : f32 to vector<1x128xf32>
    %div3A_37 = arith.divf %broadcast_in_dim3A, %div3A_36 : vector<1x128xf32>
    %sub3A = vector.broadcast %div3A_37 : vector<1x128xf32> to vector<10000x128xf32>
    %sub3A_38 = arith.subf %add3A_28, %sub3A : vector<10000x128xf32>
    %integer_pow3A = arith.mulf %sub3A_38, %sub3A_38 : vector<10000x128xf32>
    %reduce_sum3A_39 = arith.constant dense<0.000000e+00> : vector<128xf32>
    %reduce_sum3A_40 = vector.multi_reduction <add>, %integer_pow3A, %reduce_sum3A_39 [0] : vector<10000x128xf32> to vector<128xf32>
    %broadcast_in_dim3A_41 = vector.shape_cast %reduce_sum3A_40 : vector<128xf32> to vector<1x128xf32>
    %div3A_42 = arith.constant 1.000000e+04 : f32
    %div3A_43 = vector.broadcast %div3A_42 : f32 to vector<1x128xf32>
    %div3A_44 = arith.divf %broadcast_in_dim3A_41, %div3A_43 : vector<1x128xf32>
    %sub3A_45 = vector.broadcast %div3A_37 : vector<1x128xf32> to vector<10000x128xf32>
    %sub3A_46 = arith.subf %add3A_28, %sub3A_45 : vector<10000x128xf32>
    %add3A_47 = arith.constant 9.99999974E-6 : f32
    %add3A_48 = vector.broadcast %add3A_47 : f32 to vector<1x128xf32>
    %add3A_49 = arith.addf %div3A_44, %add3A_48 : vector<1x128xf32>
    %rsqrt3A = math.rsqrt %add3A_49 : vector<1x128xf32>
    %mul3A_50 = vector.broadcast %rsqrt3A : vector<1x128xf32> to vector<10000x128xf32>
    %mul3A_51 = arith.mulf %sub3A_46, %mul3A_50 : vector<10000x128xf32>
    %mul3A_52 = vector.broadcast %get3A_31 : vector<1x128xf32> to vector<10000x128xf32>
    %mul3A_53 = arith.mulf %mul3A_51, %mul3A_52 : vector<10000x128xf32>
    %add3A_54 = vector.broadcast %get3A_34 : vector<1x128xf32> to vector<10000x128xf32>
    %add3A_55 = arith.addf %mul3A_53, %add3A_54 : vector<10000x128xf32>
    %max3A = arith.constant 0.000000e+00 : f32
    %max3A_56 = vector.broadcast %max3A : f32 to vector<10000x128xf32>
    %max3A_57 = arith.maximumf %add3A_55, %max3A_56 : vector<10000x128xf32>
    %get3A_58 = arith.constant 0 : index
    %get3A_59 = arith.constant 0 : index
    %get3A_60 = vector.load %arg7[%get3A_58, %get3A_59] : memref<128x128xf32, #tpu.memory_space<vmem>>, vector<128x128xf32>
    %dot_general3A_61 = arith.constant dense<0.000000e+00> : vector<10000x128xf32>
    %dot_general3A_62 = tpu.matmul %max3A_57, %get3A_60, %dot_general3A_61 {dimension_numbers = #tpu.dot_dimension_numbers<[1], [0], [0], [1], [0, 0, 1, 1], [], []>, transpose_lhs_hint = false} : vector<10000x128xf32>, vector<128x128xf32>, vector<10000x128xf32> -> vector<10000x128xf32>
    %get3A_63 = arith.constant 0 : index
    %get3A_64 = arith.constant 0 : index
    %get3A_65 = vector.load %arg8[%get3A_63, %get3A_64] : memref<1x128xf32, #tpu.memory_space<vmem>>, vector<1x128xf32>
    %add3A_66 = vector.broadcast %get3A_65 : vector<1x128xf32> to vector<10000x128xf32>
    %add3A_67 = arith.addf %dot_general3A_62, %add3A_66 : vector<10000x128xf32>
    %get3A_68 = arith.constant 0 : index
    %get3A_69 = arith.constant 0 : index
    %get3A_70 = vector.load %arg9[%get3A_68, %get3A_69] : memref<1x128xf32, #tpu.memory_space<vmem>>, vector<1x128xf32>
    %get3A_71 = arith.constant 0 : index
    %get3A_72 = arith.constant 0 : index
    %get3A_73 = vector.load %arg10[%get3A_71, %get3A_72] : memref<1x128xf32, #tpu.memory_space<vmem>>, vector<1x128xf32>
    %reduce_sum3A_74 = arith.constant dense<0.000000e+00> : vector<128xf32>
    %reduce_sum3A_75 = vector.multi_reduction <add>, %add3A_67, %reduce_sum3A_74 [0] : vector<10000x128xf32> to vector<128xf32>
    %broadcast_in_dim3A_76 = vector.shape_cast %reduce_sum3A_75 : vector<128xf32> to vector<1x128xf32>
    %div3A_77 = arith.constant 1.000000e+04 : f32
    %div3A_78 = vector.broadcast %div3A_77 : f32 to vector<1x128xf32>
    %div3A_79 = arith.divf %broadcast_in_dim3A_76, %div3A_78 : vector<1x128xf32>
    %sub3A_80 = vector.broadcast %div3A_79 : vector<1x128xf32> to vector<10000x128xf32>
    %sub3A_81 = arith.subf %add3A_67, %sub3A_80 : vector<10000x128xf32>
    %integer_pow3A_82 = arith.mulf %sub3A_81, %sub3A_81 : vector<10000x128xf32>
    %reduce_sum3A_83 = arith.constant dense<0.000000e+00> : vector<128xf32>
    %reduce_sum3A_84 = vector.multi_reduction <add>, %integer_pow3A_82, %reduce_sum3A_83 [0] : vector<10000x128xf32> to vector<128xf32>
    %broadcast_in_dim3A_85 = vector.shape_cast %reduce_sum3A_84 : vector<128xf32> to vector<1x128xf32>
    %div3A_86 = arith.constant 1.000000e+04 : f32
    %div3A_87 = vector.broadcast %div3A_86 : f32 to vector<1x128xf32>
    %div3A_88 = arith.divf %broadcast_in_dim3A_85, %div3A_87 : vector<1x128xf32>
    %sub3A_89 = vector.broadcast %div3A_79 : vector<1x128xf32> to vector<10000x128xf32>
    %sub3A_90 = arith.subf %add3A_67, %sub3A_89 : vector<10000x128xf32>
    %add3A_91 = arith.constant 9.99999974E-6 : f32
    %add3A_92 = vector.broadcast %add3A_91 : f32 to vector<1x128xf32>
    %add3A_93 = arith.addf %div3A_88, %add3A_92 : vector<1x128xf32>
    %rsqrt3A_94 = math.rsqrt %add3A_93 : vector<1x128xf32>
    %mul3A_95 = vector.broadcast %rsqrt3A_94 : vector<1x128xf32> to vector<10000x128xf32>
    %mul3A_96 = arith.mulf %sub3A_90, %mul3A_95 : vector<10000x128xf32>
    %mul3A_97 = vector.broadcast %get3A_70 : vector<1x128xf32> to vector<10000x128xf32>
    %mul3A_98 = arith.mulf %mul3A_96, %mul3A_97 : vector<10000x128xf32>
    %add3A_99 = vector.broadcast %get3A_73 : vector<1x128xf32> to vector<10000x128xf32>
    %add3A_100 = arith.addf %mul3A_98, %add3A_99 : vector<10000x128xf32>
    %max3A_101 = arith.constant 0.000000e+00 : f32
    %max3A_102 = vector.broadcast %max3A_101 : f32 to vector<10000x128xf32>
    %max3A_103 = arith.maximumf %add3A_100, %max3A_102 : vector<10000x128xf32>
    %swap3A = arith.constant 0 : index
    %swap3A_104 = arith.constant 0 : index
    %swap3A_105 = vector.load %arg13[%swap3A, %swap3A_104] : memref<10000x128xf32, #tpu.memory_space<vmem>>, vector<10000x128xf32>
    tpu.vector_store %arg13[%swap3A, %swap3A_104], %max3A_103 {strides = array<i32>} : memref<10000x128xf32, #tpu.memory_space<vmem>>, vector<10000x128xf32>,
    %get3A_106 = arith.constant 0 : index
    %get3A_107 = arith.constant 0 : index
    %get3A_108 = vector.load %arg1[%get3A_106, %get3A_107] : memref<10000x128xf32, #tpu.memory_space<vmem>>, vector<10000x128xf32>
    %get3A_109 = arith.constant 0 : index
    %get3A_110 = arith.constant 0 : index
    %get3A_111 = vector.load %arg11[%get3A_109, %get3A_110] : memref<128x16xf32, #tpu.memory_space<vmem>>, vector<128x16xf32>
    %dot_general3A_112 = arith.constant dense<0.000000e+00> : vector<10000x16xf32>
    %dot_general3A_113 = tpu.matmul %get3A_108, %get3A_111, %dot_general3A_112 {dimension_numbers = #tpu.dot_dimension_numbers<[1], [0], [0], [1], [0, 0, 1, 1], [], []>, transpose_lhs_hint = false} : vector<10000x128xf32>, vector<128x16xf32>, vector<10000x16xf32> -> vector<10000x16xf32>
    %get3A_114 = arith.constant 0 : index
    %get3A_115 = arith.constant 0 : index
    %get3A_116 = vector.load %arg12[%get3A_114, %get3A_115] : memref<128x16xf32, #tpu.memory_space<vmem>>, vector<128x16xf32>
    %dot_general3A_117 = arith.constant dense<0.000000e+00> : vector<10000x16xf32>
    %dot_general3A_118 = tpu.matmul %max3A_103, %get3A_116, %dot_general3A_117 {dimension_numbers = #tpu.dot_dimension_numbers<[1], [0], [0], [1], [0, 0, 1, 1], [], []>, transpose_lhs_hint = false} : vector<10000x128xf32>, vector<128x16xf32>, vector<10000x16xf32> -> vector<10000x16xf32>
    %add3A_119 = arith.addf %dot_general3A_113, %dot_general3A_118 : vector<10000x16xf32>
    %swap3A_120 = arith.constant 0 : index
    %swap3A_121 = arith.constant 0 : index
    %swap3A_122 = vector.load %arg14[%swap3A_120, %swap3A_121] : memref<10000x16xf32, #tpu.memory_space<vmem>>, vector<10000x16xf32>
    tpu.vector_store %arg14[%swap3A_120, %swap3A_121], %add3A_119 {strides = array<i32>} : memref<10000x16xf32, #tpu.memory_space<vmem>>, vector<10000x16xf32>,
    return
  }
}

module attributes {stable_mosaic.version = 14 : i64} {
  func.func @_layer_mid_body(%arg0: memref<2x10000x128xf32, #tpu.memory_space<vmem>>, %arg1: memref<10000x128xf32, #tpu.memory_space<vmem>>, %arg2: memref<1x1xf32, #tpu.memory_space<vmem>>, %arg3: memref<128x128xf32, #tpu.memory_space<vmem>>, %arg4: memref<1x128xf32, #tpu.memory_space<vmem>>, %arg5: memref<1x128xf32, #tpu.memory_space<vmem>>, %arg6: memref<1x128xf32, #tpu.memory_space<vmem>>, %arg7: memref<128x128xf32, #tpu.memory_space<vmem>>, %arg8: memref<1x128xf32, #tpu.memory_space<vmem>>, %arg9: memref<1x128xf32, #tpu.memory_space<vmem>>, %arg10: memref<1x128xf32, #tpu.memory_space<vmem>>, %arg11: memref<128x16xf32, #tpu.memory_space<vmem>>, %arg12: memref<10000x16xf32, #tpu.memory_space<vmem>>, %arg13: memref<10000x128xf32, #tpu.memory_space<vmem>>, %arg14: memref<10000x16xf32, #tpu.memory_space<vmem>>) attributes {dimension_semantics = [], scalar_prefetch = 0 : i64, scratch_operands = 0 : i64, tpu.core_type = #tpu.core_type<tc>} {
    %get3A = arith.constant 0 : index
    %get3A_0 = arith.constant 0 : index
    %get3A_1 = vector.load %arg1[%get3A, %get3A_0] : memref<10000x128xf32, #tpu.memory_space<vmem>>, vector<10000x128xf32>
    %get3A_2 = arith.constant 0 : index
    %get3A_3 = arith.constant 0 : index
    %get3A_4 = arith.constant 0 : index
    %get3A_5 = vector.load %arg0[%get3A_2, %get3A_3, %get3A_4] : memref<2x10000x128xf32, #tpu.memory_space<vmem>>, vector<1x10000x128xf32>
    %get3A_6 = vector.shape_cast %get3A_5 : vector<1x10000x128xf32> to vector<10000x128xf32>
    %get3A_7 = arith.constant 1 : index
    %get3A_8 = arith.constant 0 : index
    %get3A_9 = arith.constant 0 : index
    %get3A_10 = vector.load %arg0[%get3A_7, %get3A_8, %get3A_9] : memref<2x10000x128xf32, #tpu.memory_space<vmem>>, vector<1x10000x128xf32>
    %get3A_11 = vector.shape_cast %get3A_10 : vector<1x10000x128xf32> to vector<10000x128xf32>
    %add3A = arith.addf %get3A_6, %get3A_11 : vector<10000x128xf32>
    %get3A_12 = arith.constant 0 : index
    %get3A_13 = arith.constant 0 : index
    %get3A_14 = vector.load %arg2[%get3A_12, %get3A_13] : memref<1x1xf32, #tpu.memory_space<vmem>>, vector<1x1xf32>
    %get3A_15 = vector.extract %get3A_14[0, 0] : f32 from vector<1x1xf32>
    %add3A_16 = arith.constant 1.000000e+00 : f32
    %add3A_17 = arith.addf %add3A_16, %get3A_15 : f32
    %mul3A = vector.broadcast %add3A_17 : f32 to vector<10000x128xf32>
    %mul3A_18 = arith.mulf %mul3A, %get3A_1 : vector<10000x128xf32>
    %add3A_19 = arith.addf %add3A, %mul3A_18 : vector<10000x128xf32>
    %get3A_20 = arith.constant 0 : index
    %get3A_21 = arith.constant 0 : index
    %get3A_22 = vector.load %arg3[%get3A_20, %get3A_21] : memref<128x128xf32, #tpu.memory_space<vmem>>, vector<128x128xf32>
    %dot_general3A = arith.constant dense<0.000000e+00> : vector<10000x128xf32>
    %dot_general3A_23 = tpu.matmul %add3A_19, %get3A_22, %dot_general3A {dimension_numbers = #tpu.dot_dimension_numbers<[1], [0], [0], [1], [0, 0, 1, 1], [], []>, transpose_lhs_hint = false} : vector<10000x128xf32>, vector<128x128xf32>, vector<10000x128xf32> -> vector<10000x128xf32>
    %get3A_24 = arith.constant 0 : index
    %get3A_25 = arith.constant 0 : index
    %get3A_26 = vector.load %arg4[%get3A_24, %get3A_25] : memref<1x128xf32, #tpu.memory_space<vmem>>, vector<1x128xf32>
    %add3A_27 = vector.broadcast %get3A_26 : vector<1x128xf32> to vector<10000x128xf32>
    %add3A_28 = arith.addf %dot_general3A_23, %add3A_27 : vector<10000x128xf32>
    %get3A_29 = arith.constant 0 : index
    %get3A_30 = arith.constant 0 : index
    %get3A_31 = vector.load %arg5[%get3A_29, %get3A_30] : memref<1x128xf32, #tpu.memory_space<vmem>>, vector<1x128xf32>
    %get3A_32 = arith.constant 0 : index
    %get3A_33 = arith.constant 0 : index
    %get3A_34 = vector.load %arg6[%get3A_32, %get3A_33] : memref<1x128xf32, #tpu.memory_space<vmem>>, vector<1x128xf32>
    %reduce_sum3A = arith.constant dense<0.000000e+00> : vector<128xf32>
    %reduce_sum3A_35 = vector.multi_reduction <add>, %add3A_28, %reduce_sum3A [0] : vector<10000x128xf32> to vector<128xf32>
    %broadcast_in_dim3A = vector.shape_cast %reduce_sum3A_35 : vector<128xf32> to vector<1x128xf32>
    %div3A = arith.constant 1.000000e+04 : f32
    %div3A_36 = vector.broadcast %div3A : f32 to vector<1x128xf32>
    %div3A_37 = arith.divf %broadcast_in_dim3A, %div3A_36 : vector<1x128xf32>
    %sub3A = vector.broadcast %div3A_37 : vector<1x128xf32> to vector<10000x128xf32>
    %sub3A_38 = arith.subf %add3A_28, %sub3A : vector<10000x128xf32>
    %integer_pow3A = arith.mulf %sub3A_38, %sub3A_38 : vector<10000x128xf32>
    %reduce_sum3A_39 = arith.constant dense<0.000000e+00> : vector<128xf32>
    %reduce_sum3A_40 = vector.multi_reduction <add>, %integer_pow3A, %reduce_sum3A_39 [0] : vector<10000x128xf32> to vector<128xf32>
    %broadcast_in_dim3A_41 = vector.shape_cast %reduce_sum3A_40 : vector<128xf32> to vector<1x128xf32>
    %div3A_42 = arith.constant 1.000000e+04 : f32
    %div3A_43 = vector.broadcast %div3A_42 : f32 to vector<1x128xf32>
    %div3A_44 = arith.divf %broadcast_in_dim3A_41, %div3A_43 : vector<1x128xf32>
    %sub3A_45 = vector.broadcast %div3A_37 : vector<1x128xf32> to vector<10000x128xf32>
    %sub3A_46 = arith.subf %add3A_28, %sub3A_45 : vector<10000x128xf32>
    %add3A_47 = arith.constant 9.99999974E-6 : f32
    %add3A_48 = vector.broadcast %add3A_47 : f32 to vector<1x128xf32>
    %add3A_49 = arith.addf %div3A_44, %add3A_48 : vector<1x128xf32>
    %rsqrt3A = math.rsqrt %add3A_49 : vector<1x128xf32>
    %mul3A_50 = vector.broadcast %rsqrt3A : vector<1x128xf32> to vector<10000x128xf32>
    %mul3A_51 = arith.mulf %sub3A_46, %mul3A_50 : vector<10000x128xf32>
    %mul3A_52 = vector.broadcast %get3A_31 : vector<1x128xf32> to vector<10000x128xf32>
    %mul3A_53 = arith.mulf %mul3A_51, %mul3A_52 : vector<10000x128xf32>
    %add3A_54 = vector.broadcast %get3A_34 : vector<1x128xf32> to vector<10000x128xf32>
    %add3A_55 = arith.addf %mul3A_53, %add3A_54 : vector<10000x128xf32>
    %max3A = arith.constant 0.000000e+00 : f32
    %max3A_56 = vector.broadcast %max3A : f32 to vector<10000x128xf32>
    %max3A_57 = arith.maximumf %add3A_55, %max3A_56 : vector<10000x128xf32>
    %get3A_58 = arith.constant 0 : index
    %get3A_59 = arith.constant 0 : index
    %get3A_60 = vector.load %arg7[%get3A_58, %get3A_59] : memref<128x128xf32, #tpu.memory_space<vmem>>, vector<128x128xf32>
    %dot_general3A_61 = arith.constant dense<0.000000e+00> : vector<10000x128xf32>
    %dot_general3A_62 = tpu.matmul %max3A_57, %get3A_60, %dot_general3A_61 {dimension_numbers = #tpu.dot_dimension_numbers<[1], [0], [0], [1], [0, 0, 1, 1], [], []>, transpose_lhs_hint = false} : vector<10000x128xf32>, vector<128x128xf32>, vector<10000x128xf32> -> vector<10000x128xf32>
    %get3A_63 = arith.constant 0 : index
    %get3A_64 = arith.constant 0 : index
    %get3A_65 = vector.load %arg8[%get3A_63, %get3A_64] : memref<1x128xf32, #tpu.memory_space<vmem>>, vector<1x128xf32>
    %add3A_66 = vector.broadcast %get3A_65 : vector<1x128xf32> to vector<10000x128xf32>
    %add3A_67 = arith.addf %dot_general3A_62, %add3A_66 : vector<10000x128xf32>
    %get3A_68 = arith.constant 0 : index
    %get3A_69 = arith.constant 0 : index
    %get3A_70 = vector.load %arg9[%get3A_68, %get3A_69] : memref<1x128xf32, #tpu.memory_space<vmem>>, vector<1x128xf32>
    %get3A_71 = arith.constant 0 : index
    %get3A_72 = arith.constant 0 : index
    %get3A_73 = vector.load %arg10[%get3A_71, %get3A_72] : memref<1x128xf32, #tpu.memory_space<vmem>>, vector<1x128xf32>
    %reduce_sum3A_74 = arith.constant dense<0.000000e+00> : vector<128xf32>
    %reduce_sum3A_75 = vector.multi_reduction <add>, %add3A_67, %reduce_sum3A_74 [0] : vector<10000x128xf32> to vector<128xf32>
    %broadcast_in_dim3A_76 = vector.shape_cast %reduce_sum3A_75 : vector<128xf32> to vector<1x128xf32>
    %div3A_77 = arith.constant 1.000000e+04 : f32
    %div3A_78 = vector.broadcast %div3A_77 : f32 to vector<1x128xf32>
    %div3A_79 = arith.divf %broadcast_in_dim3A_76, %div3A_78 : vector<1x128xf32>
    %sub3A_80 = vector.broadcast %div3A_79 : vector<1x128xf32> to vector<10000x128xf32>
    %sub3A_81 = arith.subf %add3A_67, %sub3A_80 : vector<10000x128xf32>
    %integer_pow3A_82 = arith.mulf %sub3A_81, %sub3A_81 : vector<10000x128xf32>
    %reduce_sum3A_83 = arith.constant dense<0.000000e+00> : vector<128xf32>
    %reduce_sum3A_84 = vector.multi_reduction <add>, %integer_pow3A_82, %reduce_sum3A_83 [0] : vector<10000x128xf32> to vector<128xf32>
    %broadcast_in_dim3A_85 = vector.shape_cast %reduce_sum3A_84 : vector<128xf32> to vector<1x128xf32>
    %div3A_86 = arith.constant 1.000000e+04 : f32
    %div3A_87 = vector.broadcast %div3A_86 : f32 to vector<1x128xf32>
    %div3A_88 = arith.divf %broadcast_in_dim3A_85, %div3A_87 : vector<1x128xf32>
    %sub3A_89 = vector.broadcast %div3A_79 : vector<1x128xf32> to vector<10000x128xf32>
    %sub3A_90 = arith.subf %add3A_67, %sub3A_89 : vector<10000x128xf32>
    %add3A_91 = arith.constant 9.99999974E-6 : f32
    %add3A_92 = vector.broadcast %add3A_91 : f32 to vector<1x128xf32>
    %add3A_93 = arith.addf %div3A_88, %add3A_92 : vector<1x128xf32>
    %rsqrt3A_94 = math.rsqrt %add3A_93 : vector<1x128xf32>
    %mul3A_95 = vector.broadcast %rsqrt3A_94 : vector<1x128xf32> to vector<10000x128xf32>
    %mul3A_96 = arith.mulf %sub3A_90, %mul3A_95 : vector<10000x128xf32>
    %mul3A_97 = vector.broadcast %get3A_70 : vector<1x128xf32> to vector<10000x128xf32>
    %mul3A_98 = arith.mulf %mul3A_96, %mul3A_97 : vector<10000x128xf32>
    %add3A_99 = vector.broadcast %get3A_73 : vector<1x128xf32> to vector<10000x128xf32>
    %add3A_100 = arith.addf %mul3A_98, %add3A_99 : vector<10000x128xf32>
    %max3A_101 = arith.constant 0.000000e+00 : f32
    %max3A_102 = vector.broadcast %max3A_101 : f32 to vector<10000x128xf32>
    %max3A_103 = arith.maximumf %add3A_100, %max3A_102 : vector<10000x128xf32>
    %swap3A = arith.constant 0 : index
    %swap3A_104 = arith.constant 0 : index
    %swap3A_105 = vector.load %arg13[%swap3A, %swap3A_104] : memref<10000x128xf32, #tpu.memory_space<vmem>>, vector<10000x128xf32>
    tpu.vector_store %arg13[%swap3A, %swap3A_104], %max3A_103 {strides = array<i32>} : memref<10000x128xf32, #tpu.memory_space<vmem>>, vector<10000x128xf32>,
    %get3A_106 = arith.constant 0 : index
    %get3A_107 = arith.constant 0 : index
    %get3A_108 = vector.load %arg12[%get3A_106, %get3A_107] : memref<10000x16xf32, #tpu.memory_space<vmem>>, vector<10000x16xf32>
    %get3A_109 = arith.constant 0 : index
    %get3A_110 = arith.constant 0 : index
    %get3A_111 = vector.load %arg11[%get3A_109, %get3A_110] : memref<128x16xf32, #tpu.memory_space<vmem>>, vector<128x16xf32>
    %dot_general3A_112 = arith.constant dense<0.000000e+00> : vector<10000x16xf32>
    %dot_general3A_113 = tpu.matmul %max3A_103, %get3A_111, %dot_general3A_112 {dimension_numbers = #tpu.dot_dimension_numbers<[1], [0], [0], [1], [0, 0, 1, 1], [], []>, transpose_lhs_hint = false} : vector<10000x128xf32>, vector<128x16xf32>, vector<10000x16xf32> -> vector<10000x16xf32>
    %add3A_114 = arith.addf %get3A_108, %dot_general3A_113 : vector<10000x16xf32>
    %swap3A_115 = arith.constant 0 : index
    %swap3A_116 = arith.constant 0 : index
    %swap3A_117 = vector.load %arg14[%swap3A_115, %swap3A_116] : memref<10000x16xf32, #tpu.memory_space<vmem>>, vector<10000x16xf32>
    tpu.vector_store %arg14[%swap3A_115, %swap3A_116], %add3A_114 {strides = array<i32>} : memref<10000x16xf32, #tpu.memory_space<vmem>>, vector<10000x16xf32>,
    return
  }
}

module attributes {stable_mosaic.version = 14 : i64} {
  func.func @_layer_last_body(%arg0: memref<2x10000x128xf32, #tpu.memory_space<vmem>>, %arg1: memref<10000x128xf32, #tpu.memory_space<vmem>>, %arg2: memref<1x1xf32, #tpu.memory_space<vmem>>, %arg3: memref<128x128xf32, #tpu.memory_space<vmem>>, %arg4: memref<1x128xf32, #tpu.memory_space<vmem>>, %arg5: memref<1x128xf32, #tpu.memory_space<vmem>>, %arg6: memref<1x128xf32, #tpu.memory_space<vmem>>, %arg7: memref<128x128xf32, #tpu.memory_space<vmem>>, %arg8: memref<1x128xf32, #tpu.memory_space<vmem>>, %arg9: memref<1x128xf32, #tpu.memory_space<vmem>>, %arg10: memref<1x128xf32, #tpu.memory_space<vmem>>, %arg11: memref<128x16xf32, #tpu.memory_space<vmem>>, %arg12: memref<10000x16xf32, #tpu.memory_space<vmem>>, %arg13: memref<10000x1xi32, #tpu.memory_space<vmem>>, %arg14: memref<5x16xf32, #tpu.memory_space<vmem>>, %arg15: memref<128x16xf32, #tpu.memory_space<vmem>>) attributes {dimension_semantics = [], scalar_prefetch = 0 : i64, scratch_operands = 0 : i64, tpu.core_type = #tpu.core_type<tc>} {
    %get3A = arith.constant 0 : index
    %get3A_0 = arith.constant 0 : index
    %get3A_1 = vector.load %arg1[%get3A, %get3A_0] : memref<10000x128xf32, #tpu.memory_space<vmem>>, vector<10000x128xf32>
    %get3A_2 = arith.constant 0 : index
    %get3A_3 = arith.constant 0 : index
    %get3A_4 = arith.constant 0 : index
    %get3A_5 = vector.load %arg0[%get3A_2, %get3A_3, %get3A_4] : memref<2x10000x128xf32, #tpu.memory_space<vmem>>, vector<1x10000x128xf32>
    %get3A_6 = vector.shape_cast %get3A_5 : vector<1x10000x128xf32> to vector<10000x128xf32>
    %get3A_7 = arith.constant 1 : index
    %get3A_8 = arith.constant 0 : index
    %get3A_9 = arith.constant 0 : index
    %get3A_10 = vector.load %arg0[%get3A_7, %get3A_8, %get3A_9] : memref<2x10000x128xf32, #tpu.memory_space<vmem>>, vector<1x10000x128xf32>
    %get3A_11 = vector.shape_cast %get3A_10 : vector<1x10000x128xf32> to vector<10000x128xf32>
    %add3A = arith.addf %get3A_6, %get3A_11 : vector<10000x128xf32>
    %get3A_12 = arith.constant 0 : index
    %get3A_13 = arith.constant 0 : index
    %get3A_14 = vector.load %arg2[%get3A_12, %get3A_13] : memref<1x1xf32, #tpu.memory_space<vmem>>, vector<1x1xf32>
    %get3A_15 = vector.extract %get3A_14[0, 0] : f32 from vector<1x1xf32>
    %add3A_16 = arith.constant 1.000000e+00 : f32
    %add3A_17 = arith.addf %add3A_16, %get3A_15 : f32
    %mul3A = vector.broadcast %add3A_17 : f32 to vector<10000x128xf32>
    %mul3A_18 = arith.mulf %mul3A, %get3A_1 : vector<10000x128xf32>
    %add3A_19 = arith.addf %add3A, %mul3A_18 : vector<10000x128xf32>
    %get3A_20 = arith.constant 0 : index
    %get3A_21 = arith.constant 0 : index
    %get3A_22 = vector.load %arg3[%get3A_20, %get3A_21] : memref<128x128xf32, #tpu.memory_space<vmem>>, vector<128x128xf32>
    %dot_general3A = arith.constant dense<0.000000e+00> : vector<10000x128xf32>
    %dot_general3A_23 = tpu.matmul %add3A_19, %get3A_22, %dot_general3A {dimension_numbers = #tpu.dot_dimension_numbers<[1], [0], [0], [1], [0, 0, 1, 1], [], []>, transpose_lhs_hint = false} : vector<10000x128xf32>, vector<128x128xf32>, vector<10000x128xf32> -> vector<10000x128xf32>
    %get3A_24 = arith.constant 0 : index
    %get3A_25 = arith.constant 0 : index
    %get3A_26 = vector.load %arg4[%get3A_24, %get3A_25] : memref<1x128xf32, #tpu.memory_space<vmem>>, vector<1x128xf32>
    %add3A_27 = vector.broadcast %get3A_26 : vector<1x128xf32> to vector<10000x128xf32>
    %add3A_28 = arith.addf %dot_general3A_23, %add3A_27 : vector<10000x128xf32>
    %get3A_29 = arith.constant 0 : index
    %get3A_30 = arith.constant 0 : index
    %get3A_31 = vector.load %arg5[%get3A_29, %get3A_30] : memref<1x128xf32, #tpu.memory_space<vmem>>, vector<1x128xf32>
    %get3A_32 = arith.constant 0 : index
    %get3A_33 = arith.constant 0 : index
    %get3A_34 = vector.load %arg6[%get3A_32, %get3A_33] : memref<1x128xf32, #tpu.memory_space<vmem>>, vector<1x128xf32>
    %reduce_sum3A = arith.constant dense<0.000000e+00> : vector<128xf32>
    %reduce_sum3A_35 = vector.multi_reduction <add>, %add3A_28, %reduce_sum3A [0] : vector<10000x128xf32> to vector<128xf32>
    %broadcast_in_dim3A = vector.shape_cast %reduce_sum3A_35 : vector<128xf32> to vector<1x128xf32>
    %div3A = arith.constant 1.000000e+04 : f32
    %div3A_36 = vector.broadcast %div3A : f32 to vector<1x128xf32>
    %div3A_37 = arith.divf %broadcast_in_dim3A, %div3A_36 : vector<1x128xf32>
    %sub3A = vector.broadcast %div3A_37 : vector<1x128xf32> to vector<10000x128xf32>
    %sub3A_38 = arith.subf %add3A_28, %sub3A : vector<10000x128xf32>
    %integer_pow3A = arith.mulf %sub3A_38, %sub3A_38 : vector<10000x128xf32>
    %reduce_sum3A_39 = arith.constant dense<0.000000e+00> : vector<128xf32>
    %reduce_sum3A_40 = vector.multi_reduction <add>, %integer_pow3A, %reduce_sum3A_39 [0] : vector<10000x128xf32> to vector<128xf32>
    %broadcast_in_dim3A_41 = vector.shape_cast %reduce_sum3A_40 : vector<128xf32> to vector<1x128xf32>
    %div3A_42 = arith.constant 1.000000e+04 : f32
    %div3A_43 = vector.broadcast %div3A_42 : f32 to vector<1x128xf32>
    %div3A_44 = arith.divf %broadcast_in_dim3A_41, %div3A_43 : vector<1x128xf32>
    %sub3A_45 = vector.broadcast %div3A_37 : vector<1x128xf32> to vector<10000x128xf32>
    %sub3A_46 = arith.subf %add3A_28, %sub3A_45 : vector<10000x128xf32>
    %add3A_47 = arith.constant 9.99999974E-6 : f32
    %add3A_48 = vector.broadcast %add3A_47 : f32 to vector<1x128xf32>
    %add3A_49 = arith.addf %div3A_44, %add3A_48 : vector<1x128xf32>
    %rsqrt3A = math.rsqrt %add3A_49 : vector<1x128xf32>
    %mul3A_50 = vector.broadcast %rsqrt3A : vector<1x128xf32> to vector<10000x128xf32>
    %mul3A_51 = arith.mulf %sub3A_46, %mul3A_50 : vector<10000x128xf32>
    %mul3A_52 = vector.broadcast %get3A_31 : vector<1x128xf32> to vector<10000x128xf32>
    %mul3A_53 = arith.mulf %mul3A_51, %mul3A_52 : vector<10000x128xf32>
    %add3A_54 = vector.broadcast %get3A_34 : vector<1x128xf32> to vector<10000x128xf32>
    %add3A_55 = arith.addf %mul3A_53, %add3A_54 : vector<10000x128xf32>
    %max3A = arith.constant 0.000000e+00 : f32
    %max3A_56 = vector.broadcast %max3A : f32 to vector<10000x128xf32>
    %max3A_57 = arith.maximumf %add3A_55, %max3A_56 : vector<10000x128xf32>
    %get3A_58 = arith.constant 0 : index
    %get3A_59 = arith.constant 0 : index
    %get3A_60 = vector.load %arg7[%get3A_58, %get3A_59] : memref<128x128xf32, #tpu.memory_space<vmem>>, vector<128x128xf32>
    %dot_general3A_61 = arith.constant dense<0.000000e+00> : vector<10000x128xf32>
    %dot_general3A_62 = tpu.matmul %max3A_57, %get3A_60, %dot_general3A_61 {dimension_numbers = #tpu.dot_dimension_numbers<[1], [0], [0], [1], [0, 0, 1, 1], [], []>, transpose_lhs_hint = false} : vector<10000x128xf32>, vector<128x128xf32>, vector<10000x128xf32> -> vector<10000x128xf32>
    %get3A_63 = arith.constant 0 : index
    %get3A_64 = arith.constant 0 : index
    %get3A_65 = vector.load %arg8[%get3A_63, %get3A_64] : memref<1x128xf32, #tpu.memory_space<vmem>>, vector<1x128xf32>
    %add3A_66 = vector.broadcast %get3A_65 : vector<1x128xf32> to vector<10000x128xf32>
    %add3A_67 = arith.addf %dot_general3A_62, %add3A_66 : vector<10000x128xf32>
    %get3A_68 = arith.constant 0 : index
    %get3A_69 = arith.constant 0 : index
    %get3A_70 = vector.load %arg9[%get3A_68, %get3A_69] : memref<1x128xf32, #tpu.memory_space<vmem>>, vector<1x128xf32>
    %get3A_71 = arith.constant 0 : index
    %get3A_72 = arith.constant 0 : index
    %get3A_73 = vector.load %arg10[%get3A_71, %get3A_72] : memref<1x128xf32, #tpu.memory_space<vmem>>, vector<1x128xf32>
    %reduce_sum3A_74 = arith.constant dense<0.000000e+00> : vector<128xf32>
    %reduce_sum3A_75 = vector.multi_reduction <add>, %add3A_67, %reduce_sum3A_74 [0] : vector<10000x128xf32> to vector<128xf32>
    %broadcast_in_dim3A_76 = vector.shape_cast %reduce_sum3A_75 : vector<128xf32> to vector<1x128xf32>
    %div3A_77 = arith.constant 1.000000e+04 : f32
    %div3A_78 = vector.broadcast %div3A_77 : f32 to vector<1x128xf32>
    %div3A_79 = arith.divf %broadcast_in_dim3A_76, %div3A_78 : vector<1x128xf32>
    %sub3A_80 = vector.broadcast %div3A_79 : vector<1x128xf32> to vector<10000x128xf32>
    %sub3A_81 = arith.subf %add3A_67, %sub3A_80 : vector<10000x128xf32>
    %integer_pow3A_82 = arith.mulf %sub3A_81, %sub3A_81 : vector<10000x128xf32>
    %reduce_sum3A_83 = arith.constant dense<0.000000e+00> : vector<128xf32>
    %reduce_sum3A_84 = vector.multi_reduction <add>, %integer_pow3A_82, %reduce_sum3A_83 [0] : vector<10000x128xf32> to vector<128xf32>
    %broadcast_in_dim3A_85 = vector.shape_cast %reduce_sum3A_84 : vector<128xf32> to vector<1x128xf32>
    %div3A_86 = arith.constant 1.000000e+04 : f32
    %div3A_87 = vector.broadcast %div3A_86 : f32 to vector<1x128xf32>
    %div3A_88 = arith.divf %broadcast_in_dim3A_85, %div3A_87 : vector<1x128xf32>
    %sub3A_89 = vector.broadcast %div3A_79 : vector<1x128xf32> to vector<10000x128xf32>
    %sub3A_90 = arith.subf %add3A_67, %sub3A_89 : vector<10000x128xf32>
    %add3A_91 = arith.constant 9.99999974E-6 : f32
    %add3A_92 = vector.broadcast %add3A_91 : f32 to vector<1x128xf32>
    %add3A_93 = arith.addf %div3A_88, %add3A_92 : vector<1x128xf32>
    %rsqrt3A_94 = math.rsqrt %add3A_93 : vector<1x128xf32>
    %mul3A_95 = vector.broadcast %rsqrt3A_94 : vector<1x128xf32> to vector<10000x128xf32>
    %mul3A_96 = arith.mulf %sub3A_90, %mul3A_95 : vector<10000x128xf32>
    %mul3A_97 = vector.broadcast %get3A_70 : vector<1x128xf32> to vector<10000x128xf32>
    %mul3A_98 = arith.mulf %mul3A_96, %mul3A_97 : vector<10000x128xf32>
    %add3A_99 = vector.broadcast %get3A_73 : vector<1x128xf32> to vector<10000x128xf32>
    %add3A_100 = arith.addf %mul3A_98, %add3A_99 : vector<10000x128xf32>
    %max3A_101 = arith.constant 0.000000e+00 : f32
    %max3A_102 = vector.broadcast %max3A_101 : f32 to vector<10000x128xf32>
    %max3A_103 = arith.maximumf %add3A_100, %max3A_102 : vector<10000x128xf32>
    %get3A_104 = arith.constant 0 : index
    %get3A_105 = arith.constant 0 : index
    %get3A_106 = vector.load %arg12[%get3A_104, %get3A_105] : memref<10000x16xf32, #tpu.memory_space<vmem>>, vector<10000x16xf32>
    %get3A_107 = arith.constant 0 : index
    %get3A_108 = arith.constant 0 : index
    %get3A_109 = vector.load %arg11[%get3A_107, %get3A_108] : memref<128x16xf32, #tpu.memory_space<vmem>>, vector<128x16xf32>
    %dot_general3A_110 = arith.constant dense<0.000000e+00> : vector<10000x16xf32>
    %dot_general3A_111 = tpu.matmul %max3A_103, %get3A_109, %dot_general3A_110 {dimension_numbers = #tpu.dot_dimension_numbers<[1], [0], [0], [1], [0, 0, 1, 1], [], []>, transpose_lhs_hint = false} : vector<10000x128xf32>, vector<128x16xf32>, vector<10000x16xf32> -> vector<10000x16xf32>
    %add3A_112 = arith.addf %get3A_106, %dot_general3A_111 : vector<10000x16xf32>
    %get3A_113 = arith.constant 0 : index
    %get3A_114 = arith.constant 0 : index
    %get3A_115 = vector.load %arg13[%get3A_113, %get3A_114] : memref<10000x1xi32, #tpu.memory_space<vmem>>, vector<10000x1xi32>
    %iota3A = tpu.iota {dimensions = array<i32: 1>} : vector<10000x128xi32>
    %eq3A = vector.broadcast %get3A_115 : vector<10000x1xi32> to vector<10000x128xi32>
    %eq3A_116 = arith.cmpi eq, %eq3A, %iota3A : vector<10000x128xi32>
    %jit3A = arith.constant 1.000000e+00 : f32
    %jit3A_117 = arith.constant 0.000000e+00 : f32
    %broadcast_in_dim3A_118 = vector.broadcast %jit3A : f32 to vector<10000x128xf32>
    %broadcast_in_dim3A_119 = vector.broadcast %jit3A_117 : f32 to vector<10000x128xf32>
    %select_n3A = arith.select %eq3A_116, %broadcast_in_dim3A_118, %broadcast_in_dim3A_119 : vector<10000x128xi1>, vector<10000x128xf32>
    %dot_general3A_120 = arith.constant dense<0.000000e+00> : vector<128x16xf32>
    %dot_general3A_121 = tpu.matmul %select_n3A, %add3A_112, %dot_general3A_120 {dimension_numbers = #tpu.dot_dimension_numbers<[0], [0], [1], [1], [0, 1, 1, 1], [], []>, transpose_lhs_hint = false} : vector<10000x128xf32>, vector<10000x16xf32>, vector<128x16xf32> -> vector<128x16xf32>
    %get3A_122 = arith.constant 0 : index
    %get3A_123 = arith.constant 0 : index
    %get3A_124 = vector.load %arg14[%get3A_122, %get3A_123] : memref<5x16xf32, #tpu.memory_space<vmem>>, vector<5x16xf32>
    %reduce_sum3A_125 = arith.constant dense<0.000000e+00> : vector<16xf32>
    %reduce_sum3A_126 = vector.multi_reduction <add>, %get3A_124, %reduce_sum3A_125 [0] : vector<5x16xf32> to vector<16xf32>
    %broadcast_in_dim3A_127 = vector.shape_cast %reduce_sum3A_126 : vector<16xf32> to vector<1x16xf32>
    %add3A_128 = vector.broadcast %broadcast_in_dim3A_127 : vector<1x16xf32> to vector<128x16xf32>
    %add3A_129 = arith.addf %dot_general3A_121, %add3A_128 : vector<128x16xf32>
    %swap3A = arith.constant 0 : index
    %swap3A_130 = arith.constant 0 : index
    %swap3A_131 = vector.load %arg15[%swap3A, %swap3A_130] : memref<128x16xf32, #tpu.memory_space<vmem>>, vector<128x16xf32>
    tpu.vector_store %arg15[%swap3A, %swap3A_130], %add3A_129 {strides = array<i32>} : memref<128x16xf32, #tpu.memory_space<vmem>>, vector<128x16xf32>,
    return
  }
}

</mosaic_0001>

<sc_bundles>
// kernel: kernel.10.cloned.1.call-start
scs
__scs_entry_jumppad:
0x0: {  	(pc) =	sbr.rel $0x88, $3  }
0x1: {  	(tag) =	ssettag $0x0;
	lr =	simm.s32 $0x1  }
0x2: {  	[smem:$0x3F93] =	sst lr;
	_ =	strace $0xD0000000  }
0x3: {  	_ = 	snop  }
0x4: {  	_ = 	snop  }
0x5: {  	_ = 	snop  }
0x6: {  	_ = 	snop  }
0x7: {  	_ = 	snop  }
__scs_overlays_trampoline_lowered:
0x8: {  	[smem:$0x3FA2] =	sst s0  }
0x9: {  	[smem:$0x3FA3] =	sst s1  }
0xa: {  	[smem:$0x3FA4] =	sst s2  }
0xb: {  	[smem:$0x3FA5] =	sst s3  }
0xc: {  	[smem:$0x3FA6] =	sst s4  }
0xd: {  	[smem:$0x3FA7] =	sst s5  }
0xe: {  	[smem:$0x3FA8] =	sst s6  }
0xf: {  	[smem:$0x3FA9] =	sst s7  }
0x10: {  	[smem:$0x3FAA] =	sst s8  }
0x11: {  	[smem:$0x3FAB] =	sst s9;
	s0 =	simm.s32 @!p0 $0x0  }
0x12: {  	s1 =	sld [smem:$0x3F91];
	s0 =	simm.s32 @p0 $0x1  }
0x13: {  	[smem:$0x3FAC] =	sst s0;
	s0 =	simm.s32 @!p1 $0x0  }
0x14: {  	s2 =	sld [smem:$0x3F90];
	s0 =	simm.s32 @p1 $0x1  }
0x15: {  	[smem:$0x3FAD] =	sst s0;
	s0 =	simm.s32 @!p2 $0x0  }
0x16: {  	s3 =	sld [smem:$0x3FDB];
	s0 =	simm.s32 @p2 $0x1  }
0x17: {  	s4 =	simm.s32 $0x1BF5;
	[smem:$0x3FAF] =	sst s0  }
0x18: {  	s0 =	sld [smem:$0x3F92];
	_ =	swait.ge [sflag:s4], $0x0  }
0x19: {  	s7 =	sld [smem:$0x3F93]  }
0x1a: {  	s8 =	sadd.s32 $0xFFFFE003, lr  }
0x1b: {  	s9 =	sadd.s32 $0xFFFFFEF7, lr;
	s5 =	simm.s32 $0xFFFFFFFF;
	p2 =	slt.u32 s8, $0xFFFFF086  }
0x1c: {  	p1 =	slt.u32 s9, $0xF7A;
	s5 =	simm.s32 @!p2 $0x0  }
0x1d: {  	s5 =	simm.s32 @p1 $0x1;
	p0 =	seq.s32 s7, s2  }
0x1e: {  	s7 =	smul.u32 @!p0 $0xF7A, s2;
	p2 =	seq.s32 @!p0 s5, $0x0  }
0x1f: {  	s9 =	smul.u32 $0xF7A, s1;
	s8 =	simm.s32 @!p0 $0x1BF5;
	p2 =	por !p2, p0  }
0x20: {  	[sflag:s8] =	ssyncset.s32 @!p0 $0xFFFFF086;
	s6 =	sadd.s32 @!p0 s3, s7;
	s7 =	simm.s32 @!p0 $0x108  }
0x21: {  	s3 =	sadd.s32 s3, s9;
	s6 =	sadd.s32 @!p0 $0x88, s6;
	s7 =	simm.s32 @p2 $0x1082  }
0x22: {  	[simem:s7], [sflag:s8] =	dma.local @!p0 [hbm:s6], $0xF7A  }
0x23: {  	s9 =	sor.u32 $0xD0000000, s2;
	s6 =	simm.s32 $0x108;
	_ =	swait.ge @!p0 [sflag:s8], $0x0  }
0x24: {  	s3 =	sadd.s32 $0x88, s3;
	s6 =	simm.s32 @!p1 $0x1082;
	[sflag:s4] =	ssyncset.s32 $0xFFFFF086  }
0x25: {  	[simem:s6], [sflag:s4] =	dma.local [hbm:s3], $0xF7A  }
0x26: {  	[smem:$0x3F93] =	sst s1;
	(tag) =	ssettag s2;
	_ =	strace s9  }
0x27: {  	s1 =	sld [smem:$0x3FA3]  }
0x28: {  	s2 =	sld [smem:$0x3FA4]  }
0x29: {  	s4 =	sld [smem:$0x3FA6]  }
0x2a: {  	p0 =	seq.s32 s5, $0x0;
	s5 =	sld [smem:$0x3FA7]  }
0x2b: {  	s6 =	sld [smem:$0x3FA8]  }
0x2c: {  	s7 =	sld [smem:$0x3FA9]  }
0x2d: {  	s3 =	simm.s32 $0x108;
	s8 =	sld [smem:$0x3FAA]  }
0x2e: {  	s3 =	simm.s32 @!p0 $0x1082;
	s9 =	sld [smem:$0x3FAB]  }
0x2f: {  	lr =	sadd.s32 s0, s3;
	s0 =	sld [smem:$0x3FA2]  }
0x30: {  	s3 =	sld [smem:$0x3FA5]  }
0x31: {  	[smem:$0x3FAE] =	sst s10  }
0x32: {  	s10 =	sld [smem:$0x3FAC];
	_ =	sdelay $0x3  }
0x33: {  	p0 =	seq.s32 s10, $0x1;
	s10 =	sld [smem:$0x3FAE];
	_ =	sdelay $0x3  }
0x34: {  	[smem:$0x3FAE] =	sst s10  }
0x35: {  	s10 =	sld [smem:$0x3FAD];
	_ =	sdelay $0x3  }
0x36: {  	p1 =	seq.s32 s10, $0x1;
	s10 =	sld [smem:$0x3FAE];
	_ =	sdelay $0x3  }
0x37: {  	[smem:$0x3FAE] =	sst s10  }
0x38: {  	s10 =	sld [smem:$0x3FAF]  }
0x39: {  	_ = 	snop;
	(pc) =	sbr.ind lr, $3  }
0x3a: {  	_ = 	snop  }
0x3b: {  	_ = 	snop  }
0x3c: {  	p2 =	seq.s32 s10, $0x1;
	s10 =	sld [smem:$0x3FAE]  }
0x3d: {  	_ =	shalt  }
0x3e: {  	_ =	shalt  }
0x3f: {  	_ =	shalt  }
0x40: {  	_ =	shalt  }
0x41: {  	_ =	shalt  }
0x42: {  	_ =	shalt  }
0x43: {  	_ =	shalt  }
0x44: {  	_ =	shalt  }
0x45: {  	_ =	shalt  }
0x46: {  	_ =	shalt  }
0x47: {  	_ =	shalt  }
0x48: {  	_ =	shalt  }
0x49: {  	_ =	shalt  }
0x4a: {  	_ =	shalt  }
0x4b: {  	_ =	shalt  }
0x4c: {  	_ =	shalt  }
0x4d: {  	_ =	shalt  }
0x4e: {  	_ =	shalt  }
0x4f: {  	_ =	shalt  }
0x50: {  	_ =	shalt  }
0x51: {  	_ =	shalt  }
0x52: {  	_ =	shalt  }
0x53: {  	_ =	shalt  }
0x54: {  	_ =	shalt  }
0x55: {  	_ =	shalt  }
0x56: {  	_ =	shalt  }
0x57: {  	_ =	shalt  }
0x58: {  	_ =	shalt  }
0x59: {  	_ =	shalt  }
0x5a: {  	_ =	shalt  }
0x5b: {  	_ =	shalt  }
0x5c: {  	_ =	shalt  }
0x5d: {  	_ =	shalt  }
0x5e: {  	_ =	shalt  }
0x5f: {  	_ =	shalt  }
0x60: {  	_ =	shalt  }
0x61: {  	_ =	shalt  }
0x62: {  	_ =	shalt  }
0x63: {  	_ =	shalt  }
0x64: {  	_ =	shalt  }
0x65: {  	_ =	shalt  }
0x66: {  	_ =	shalt  }
0x67: {  	_ =	shalt  }
0x68: {  	_ =	shalt  }
0x69: {  	_ =	shalt  }
0x6a: {  	_ =	shalt  }
0x6b: {  	_ =	shalt  }
0x6c: {  	_ =	shalt  }
0x6d: {  	_ =	shalt  }
0x6e: {  	_ =	shalt  }
0x6f: {  	_ =	shalt  }
0x70: {  	_ =	shalt  }
0x71: {  	_ =	shalt  }
0x72: {  	_ =	shalt  }
0x73: {  	_ =	shalt  }
0x74: {  	_ =	shalt  }
0x75: {  	_ =	shalt  }
0x76: {  	_ =	shalt  }
0x77: {  	_ =	shalt  }
0x78: {  	_ =	shalt  }
0x79: {  	_ =	shalt  }
0x7a: {  	_ =	shalt  }
0x7b: {  	_ =	shalt  }
0x7c: {  	_ =	shalt  }
0x7d: {  	_ =	shalt  }
0x7e: {  	_ =	shalt  }
0x7f: {  	_ =	shalt  }
0x80: {  	_ =	shalt  }
0x81: {  	_ =	shalt  }
0x82: {  	_ =	shalt  }
0x83: {  	_ =	shalt  }
0x84: {  	_ =	shalt  }
0x85: {  	_ =	shalt  }
0x86: {  	_ =	shalt  }
0x87: {  	_ =	shalt  }
.Lfunc_end0:
.L_simem_size_0:
called_computation_lowered:
.L_overlay_start_0:
0x88: {  	s2 =	sld [smem:$0x3FD9]  }
0x89: {  	s3 =	sld [smem:$0x3FFE];
	_ =	sdelay $0x1  }
0x8a: {  	s1 =	srdreg.scid  }
0x8b: {  	s0 =	sand.u32 $0x1, s1  }
0x8c: {  	s17 =	sshll.u32 s0, $0xA;
	s2 =	sadd.s32 s3, s2  }
0x8d: {  	s2 =	sadd.s32 s2, s17  }
0x8e: {  	[smem:$0x3FBA] =	sst s2  }
0x8f: {  	_ = 	snop  }
0x90: {  	s2 =	sld [smem:$0x3FC9];
	(tm) =	ssettm $0x1  }
0x91: {  	s18 =	sld [smem:$0x3FFB];
	_ =	sdelay $0x3  }
0x92: {  	_ =	strace s18  }
0x93: {  	s3 =	sld [smem:$0x3FFC];
	_ =	sdelay $0x3  }
0x94: {  	_ =	strace s3  }
0x95: {  	s3 =	sld [smem:$0x3FFD];
	_ =	sdelay $0x3  }
0x96: {  	_ =	strace s3  }
0x97: {  	_ =	strace $0x8FFFFFFF  }
0x98: {  	s19 =	sld [smem:$0x3FDB];
	_ =	sdelay $0x1  }
0x99: {  	s4 =	simm.s32 $_scs_section_size  }
0x9a: {  	s5 =	simm.s32 $_size__tile_overlayer_lowered;
	s6 =	simm.s32 $_tile_overlayer_lowered  }
0x9b: {  	s22 =	simm.s32 $0x1BFF;
	s21 =	sshll.u32 s6, $0x1;
	s3 =	sadd.s32 s4, s19  }
0x9c: {  	s7 =	simm.s32 $0x0;
	s20 =	sshll.u32 s5, $0x1;
	s5 =	sadd.s32 s21, s3  }
0x9d: {  	[timem:s7], [sflag:s22] =	dma.local [hbm:s5], s20  }
0x9e: {  	_ =	swait.ge [sflag:s22], s20  }
0x9f: {  	s4 =	ssub.s32 $0x0, s20;
	[sflag:s22] =	ssyncset.done $0x0  }
0xa0: {  	[sflag:s22] =	ssyncadd.s32 s4;
	_ =	sdelay $0x1  }
0xa1: {  	s23 =	simm.s32 $0x1B8B  }
0xa2: {  	_ =	swait.ge [sflag:s23], $0x1  }
0xa3: {  	[sflag:s23] =	ssyncset.done $0x0  }
0xa4: {  	s25 =	simm.s32 $0x1B8E;
	s24 =	sld [smem:$0x3FFE];
	[sflag:s23] =	ssyncadd.s32 $0xFFFFFFFF  }
0xa5: {  	s26 =	simm.s32 $execute0_lowered;
	[smem:$0x3FD2] =	sst s25  }
0xa6: {  	s5 =	sshll.u32 s26, $0x1;
	_ =	strace $0x80000046;
	[dreg:$0x1] =	wrdreg $0xFFFFFFFF  }
0xa7: {  	s28 =	simm.s32 $_size_execute0_lowered;
	s3 =	sadd.s32 s3, s5;
	[dreg:$0x0] =	wrdreg $0x0  }
0xa8: {  	s5 =	sshll.u32 s28, $0x1;
	[dreg:$0x2] =	wrdreg s3  }
0xa9: {  	[dreg:$0x3] =	wrdreg s5  }
0xaa: {  	[dreg:$0x4] =	wrdreg $0xC0  }
0xab: {  	_ =	task [dreg:s7], $0x5FFFF  }
0xac: {  	[dreg:$0x1] =	wrdreg $0xFFFFFFFF  }
0xad: {  	[dreg:$0x0] =	wrdreg $0x60  }
0xae: {  	[dreg:$0x2] =	wrdreg s2  }
0xaf: {  	[dreg:$0x3] =	wrdreg s24  }
0xb0: {  	[dreg:$0x4] =	wrdreg $0xF8000  }
0xb1: {  	[dreg:$0x5] =	wrdreg $0x9  }
0xb2: {  	_ =	task.clear_ibuf [dreg:s7], $0x6FFFF;
	_ =	strace $0x90000046  }
0xb3: {  	s29 =	simm.s32 $0x9;
	_ =	strace $0x80000048  }
0xb4: {  	_ =	swait.ge [sflag:s29], $0x1  }
0xb5: {  	[sflag:s29] =	ssyncadd.s32 $0xFFFFFFFF  }
0xb6: {  	_ =	strace $0x90000048  }
0xb7: {  	_ =	sfence  }
0xb8: {  	s30 =	sld [smem:$0x0];
	_ =	sdelay $0x2  }
0xb9: {  	s31 =	sshll.u32 s1, $0xD;
	s1 =	sshrl.u32 s1, $0x2  }
0xba: {  	s3 =	sand.u32 $0x4000, s31;
	s1 =	sadd.s32 s1, s30  }
0xbb: {  	s0 =	sor.u32 s3, s0;
	s1 =	sshll.u32 s1, $0x11  }
0xbc: {  	s0 =	sor.u32 s1, s0  }
0xbd: {  	s0 =	sadd.s32 $0x8F2B, s0  }
0xbe: {  	[sflag:s0] =	ssyncadd.remote.s32 $0x1  }
0xbf: {  	_ =	sfence.sel $0xFFFF  }
0xc0: {  	[dreg:$0x0] =	wrdreg $0xFFFFFFFF;
	(pc) =	sbr.abs _section_cstart, $3  }
0xc1: {  	[dreg:$0x1] =	wrdreg $0xFFFFFFFF  }
0xc2: {  	_ =	task.clear_ibuf [dreg:s7], $0x2FFFF;
	_ =	strace $0x9FFFFFFF  }
0xc3: {  	(tm) =	ssettm $0x7FFFFFFF  }
tec
execute0_lowered:
.L_overlay_start_1:
0x0: {  	(tag) =	ssettag $0x1  }
0x1: {  	s1 =	rddreg [dreg:$0x0]  }
0x2: {  	s2 =	rddreg [dreg:$0x1];
	s4 =	srdreg.scid  }
0x3: {  	s0 =	stileid.u32;
	s3 =	rddreg [dreg:$0x2];
	s18 =	simm.s32 $0x7800  }
0x4: {  	s19 =	simm.s32 $0x80;
	s20 =	simm.s32 $0x1;
	s9 =	smul.u32 $0x29000, s0  }
0x5: {  	s21 =	simm.s32 $0xB800;
	s22 =	simm.s32 $0x2;
	s10 =	smul.u32 $0xA000, s0  }
0x6: {  	s30 =	simm.s32 $0x7700;
	s31 =	simm.s32 $0x7780;
	s11 =	smul.u32 $0x28000, s0  }
0x7: {  	s5 =	sand.u32 $0x1, s4;
	s6 =	sshll.u32 s0, $0x1;
	s15 =	smul.u32 $0x9C00, s0  }
0x8: {  	s4 =	simm.s32 $0x0;
	s17 =	smul.u32 $0x27000, s0;
	p0 =	seq.s32 s0, $0xF  }
0x9: {  	s6 =	sor.u32 s5, s6;
	[smem:$0x7FF] =	sst s4;
	s12 =	smul.u32 $0x138800, s5  }
0xa: {  	s7 =	ssub.s32 $0x2, s5;
	s6 =	smul.u32 $0x500, s6;
	_ =	strace $0x80000047  }
0xb: {  	s24 =	sshrl.u32 s7, $0x1;
	s25 =	sshrl.u32 s9, $0x2;
	s16 =	sshrl.u32 s11, $0x2  }
0xc: {  	s28 =	sshrl.u32 s17, $0x2;
	s14 =	ssub.s32 s7, s24;
	s13 =	sadd.s32 s10, s12  }
0xd: {  	s15 =	sadd.s32 s12, s15;
	s16 =	sadd.s32 s16, s3;
	s29 =	sshrl.u32 s12, $0x3  }
0xe: {  	s8 =	sadd.s32 s6, s2;
	s2 =	sadd.s32 $0x23A00, s2;
	s13 =	sshrl.u32 s13, $0x3  }
0xf: {  	s26 =	sshrl.u32 s15, $0x3;
	s14 =	smax.u32 s14, $0x1;
	s15 =	simm.s32 $0x3  }
0x10: {  	s23 =	sshrl.u32 s16, $0x3;
	s5 =	sadd.s32 $0x19A00, s8;
	s6 =	sadd.s32 $0xFA00, s8  }
0x11: {  	s7 =	sadd.s32 $0x5A00, s8;
	s8 =	sadd.s32 s25, s3;
	s11 =	sadd.s32 s2, s13  }
0x12: {  	s13 =	sadd.s32 s2, s26;
	s25 =	sadd.s32 s28, s3;
	s2 =	sadd.s32 s2, s29  }
0x13: {  	s26 =	simm.s32 $0x2780;
	s9 =	sadd.s32 $0x4000, s8;
	s10 =	sadd.s32 $0x8000, s8  }
0x14: {  	s12 =	sadd.s32 $0x14000, s13;
	s13 =	sadd.s32 $0x26480, s2;
	s2 =	sadd.s32 $0x92400, s3  }
0x15: {  	v0 =	vimm.f32 $0.0e+00;
	s25 =	sshrl.u32 @!p0 s25, $0x3;
	s24 =	sshrl.u32 @p0 s2, $0x3;
	s2 =	simm.s32 $0x0  }
.LBB2_1:
0x16: {  	[tilespmem:s4], [sflag:$0x3] =	stream.linear.gather [hbm4b:s5+s4], $0x2800, $0x38;
	[tilespmem:$0x19C00] =	vst v63  }
0x17: {  	_ =	swait.ge [sflag:s15], $0x2800  }
0x18: {  	[sflag:s15] =	ssyncset.done $0x0  }
0x19: {  	s16 =	simm.s32 $0x2800;
	[sflag:s15] =	ssyncadd.s32 $0xFFFFD800  }
0x1a: {  	[tilespmem:s16], [sflag:$0x3] =	stream.linear.gather [hbm4b:s6+s4], $0x2800, $0x38;
	[tilespmem:$0x19C00] =	vst v63  }
0x1b: {  	_ =	swait.ge [sflag:s15], $0x2800  }
0x1c: {  	[sflag:s15] =	ssyncset.done $0x0  }
0x1d: {  	s29 =	simm.s32 $0x5000;
	[sflag:s15] =	ssyncadd.s32 $0xFFFFD800  }
0x1e: {  	[tilespmem:s29], [sflag:$0x3] =	stream.linear.gather [hbm4b:s7+s4], $0x2800, $0x38;
	[tilespmem:$0x19C00] =	vst v63  }
0x1f: {  	_ =	swait.ge [sflag:s15], $0x2800  }
0x20: {  	[sflag:s15] =	ssyncset.done $0x0  }
0x21: {  	s17 =	simm.s32 $0x200;
	s16 =	simm.s32 $0x0;
	[sflag:s15] =	ssyncadd.s32 $0xFFFFD800  }
.LBB2_2:
0x22: {  	p1 =	sne.s32 s17, $0xFE00;
	[tilespmem:s16+$0x7870] =	vst v0  }
0x23: {  	[tilespmem:s16+$0x7800] =	vst v0  }
0x24: {  	[tilespmem:s16+$0x7810] =	vst v0  }
.Ltmp0:
0x25: {  	[tilespmem:s16+$0x7820] =	vst v0;
	(pc) =	sbr.rel @p1 .LBB2_2-.Ltmp0, $4  }
0x26: {  	[tilespmem:s16+$0x7830] =	vst v0  }
0x27: {  	[tilespmem:s16+$0x7840] =	vst v0  }
0x28: {  	[tilespmem:s16+$0x7850] =	vst v0  }
0x29: {  	[tilespmem:s16+$0x7860] =	vst v0;
	s16 =	sshra.s32 s17, $0x2;
	s17 =	sadd.s32 $0x200, s17  }
0x2a: {  	[tilespmem:s16+$0x7870] =	vst v0  }
0x2b: {  	[tilespmem:s16+$0x7800] =	vst v0  }
0x2c: {  	[tilespmem:s16+$0x7810] =	vst v0  }
0x2d: {  	[tilespmem:s16+$0x7820] =	vst v0  }
0x2e: {  	[tilespmem:s16+$0x7830] =	vst v0  }
0x2f: {  	[tilespmem:s16+$0x7840] =	vst v0  }
0x30: {  	[tilespmem:s16+$0x7850] =	vst v0  }
0x31: {  	[tilespmem:s16+$0x7860] =	vst v0  }
0x32: {  	[spmem:s8] =	stream.linear.scatter [tilespmem:s18], [sflag:$0x3], $0x4000, $0x38;
	[tilespmem:$0x19C00] =	vst v63  }
0x33: {  	_ =	swait.ge [sflag:s15], $0x4000  }
0x34: {  	[sflag:s15] =	ssyncset.done $0x0  }
0x35: {  	[sflag:s15] =	ssyncadd.s32 $0xFFFFC000  }
0x36: {  	[spmem:s9] =	stream.linear.scatter [tilespmem:s18], [sflag:$0x3], $0x4000, $0x38;
	[tilespmem:$0x19C00] =	vst v63  }
0x37: {  	_ =	swait.ge [sflag:s15], $0x4000  }
0x38: {  	[sflag:s15] =	ssyncset.done $0x0  }
0x39: {  	[sflag:s15] =	ssyncadd.s32 $0xFFFFC000  }
0x3a: {  	[spmem:s10] =	stream.linear.scatter [tilespmem:s18], [sflag:$0x3], $0x2400, $0x38;
	[tilespmem:$0x19C00] =	vst v63  }
0x3b: {  	_ =	swait.ge [sflag:s15], $0x2400  }
0x3c: {  	[sflag:s15] =	ssyncset.done $0x0  }
0x3d: {  	[sflag:s15] =	ssyncadd.s32 $0xFFFFDC00  }
0x3e: {  	s28 =	simm.s32 $0x0;
	[bflag:$0x0] =	sbarrier.arrive $0xFFFF  }
0x3f: {  	[tilespmem:s18], [sflag:$0x1] =	stream.indirect.gather [hbm4b:s1+s19], $0x80, s28, s19, $0xb8;
	[tilespmem:$0x19C00] =	vst v63  }
0x40: {  	_ =	swait.ge [sflag:s20], $0x4000  }
0x41: {  	[sflag:s20] =	ssyncset.done $0x0  }
0x42: {  	s29 =	simm.s32 $0x80;
	[sflag:s20] =	ssyncadd.s32 $0xFFFFC000  }
0x43: {  	[tilespmem:s21], [sflag:$0x2] =	stream.indirect.gather [hbm4b:s1+s19], $0x80, s29, s19, $0xb8;
	[tilespmem:$0x19C00] =	vst v63  }
0x44: {  	s17 =	simm.s32 $0x2800  }
0x45: {  	[spmem:s3] =	stream.indirect.scatter.add.f32 [tilespmem:s18], [sflag:$0x3], $0x80, s17, s19, $0xb8;
	[tilespmem:$0x19C00] =	vst v63  }
0x46: {  	_ =	swait.ge [sflag:s15], $0x4000  }
0x47: {  	[sflag:s15] =	ssyncset.done $0x0  }
0x48: {  	s28 =	simm.s32 $0x100;
	[sflag:s15] =	ssyncadd.s32 $0xFFFFC000  }
0x49: {  	[tilespmem:s18], [sflag:$0x1] =	stream.indirect.gather [hbm4b:s1+s19], $0x80, s28, s19, $0xb8;
	[tilespmem:$0x19C00] =	vst v63  }
0x4a: {  	_ =	swait.ge [sflag:s22], $0x4000  }
0x4b: {  	[sflag:s22] =	ssyncset.done $0x0  }
0x4c: {  	s29 =	simm.s32 $0x2880;
	[sflag:s22] =	ssyncadd.s32 $0xFFFFC000  }
0x4d: {  	[spmem:s3] =	stream.indirect.scatter.add.f32 [tilespmem:s21], [sflag:$0x3], $0x80, s29, s19, $0xb8;
	[tilespmem:$0x19C00] =	vst v63  }
0x4e: {  	_ =	swait.ge [sflag:s15], $0x4000  }
0x4f: {  	s16 =	simm.s32 $0x400;
	[sflag:s15] =	ssyncset.done $0x0  }
.LBB2_4:
0x50: {  	p1 =	sne.s32 s16, $0x9800  }
0x51: {  	[sflag:s15] =	ssyncadd.s32 $0xFFFFC000;
	s17 =	smov.u32 s16;
	s16 =	sadd.s32 $0x400, s16  }
0x52: {  	_ =	swait.ge [sflag:s20], $0x4000  }
0x53: {  	s17 =	sshra.s32 s17, $0x2;
	[sflag:s20] =	ssyncset.done $0x0  }
0x54: {  	s28 =	sadd.s32 $0x80, s17;
	[sflag:s20] =	ssyncadd.s32 $0xFFFFC000  }
0x55: {  	[tilespmem:s21], [sflag:$0x2] =	stream.indirect.gather [hbm4b:s1+s19], $0x80, s28, s19, $0xb8;
	[tilespmem:$0x19C00] =	vst v63  }
0x56: {  	s28 =	sadd.s32 $0x2800, s17  }
0x57: {  	[spmem:s3] =	stream.indirect.scatter.add.f32 [tilespmem:s18], [sflag:$0x3], $0x80, s28, s19, $0xb8;
	[tilespmem:$0x19C00] =	vst v63  }
0x58: {  	_ =	swait.ge [sflag:s15], $0x4000  }
0x59: {  	[sflag:s15] =	ssyncset.done $0x0  }
0x5a: {  	s28 =	sadd.s32 $0x100, s17;
	[sflag:s15] =	ssyncadd.s32 $0xFFFFC000  }
0x5b: {  	[tilespmem:s18], [sflag:$0x1] =	stream.indirect.gather [hbm4b:s1+s19], $0x80, s28, s19, $0xb8;
	[tilespmem:$0x19C00] =	vst v63  }
0x5c: {  	_ =	swait.ge [sflag:s22], $0x4000  }
.Ltmp1:
0x5d: {  	[sflag:s22] =	ssyncset.done $0x0;
	(pc) =	sbr.rel @p1 .LBB2_4-.Ltmp1, $4  }
0x5e: {  	s17 =	sadd.s32 $0x2880, s17;
	[sflag:s22] =	ssyncadd.s32 $0xFFFFC000  }
0x5f: {  	[spmem:s3] =	stream.indirect.scatter.add.f32 [tilespmem:s21], [sflag:$0x3], $0x80, s17, s19, $0xb8;
	[tilespmem:$0x19C00] =	vst v63  }
0x60: {  	_ =	swait.ge [sflag:s15], $0x4000  }
0x61: {  	[sflag:s15] =	ssyncset.done $0x0  }
0x62: {  	[sflag:s15] =	ssyncadd.s32 $0xFFFFC000  }
0x63: {  	_ =	swait.ge [sflag:s20], $0x4000  }
0x64: {  	[sflag:s20] =	ssyncset.done $0x0  }
0x65: {  	[sflag:s20] =	ssyncadd.s32 $0xFFFFC000  }
0x66: {  	[tilespmem:s21], [sflag:$0x2] =	stream.indirect.gather [hbm4b:s1+s19], $0x80, s26, s19, $0xb8;
	[tilespmem:$0x19C00] =	vst v63  }
0x67: {  	s16 =	simm.s32 $0x4F00  }
0x68: {  	[spmem:s3] =	stream.indirect.scatter.add.f32 [tilespmem:s18], [sflag:$0x3], $0x80, s16, s19, $0xb8;
	[tilespmem:$0x19C00] =	vst v63  }
0x69: {  	_ =	swait.ge [sflag:s15], $0x4000  }
0x6a: {  	[sflag:s15] =	ssyncset.done $0x0  }
0x6b: {  	s29 =	simm.s32 $0x0;
	[sflag:s15] =	ssyncadd.s32 $0xFFFFC000  }
0x6c: {  	[tilespmem:s18], [sflag:$0x1] =	stream.indirect.gather [hbm4b:s1+s19], $0x80, s29, s19, $0xb8;
	[tilespmem:$0x19C00] =	vst v63  }
0x6d: {  	_ =	swait.ge [sflag:s22], $0x4000  }
0x6e: {  	[sflag:s22] =	ssyncset.done $0x0  }
0x6f: {  	s17 =	simm.s32 $0x4F80;
	[sflag:s22] =	ssyncadd.s32 $0xFFFFC000  }
0x70: {  	[spmem:s3] =	stream.indirect.scatter.add.f32 [tilespmem:s21], [sflag:$0x3], $0x80, s17, s19, $0xb8;
	[tilespmem:$0x19C00] =	vst v63  }
0x71: {  	_ =	swait.ge [sflag:s15], $0x4000  }
0x72: {  	[sflag:s15] =	ssyncset.done $0x0  }
0x73: {  	[sflag:s15] =	ssyncadd.s32 $0xFFFFC000  }
0x74: {  	_ =	swait.ge [sflag:s20], $0x4000  }
0x75: {  	[sflag:s20] =	ssyncset.done $0x0  }
0x76: {  	s29 =	sshll.u32 s0, $0x6;
	[sflag:s20] =	ssyncadd.s32 $0xFFFFC000  }
0x77: {  	s16 =	sor.u32 $0x1C03, s29;
	[bflag:$0x0] =	sbarrier.arrive $0xFFFF  }
0x78: {  	[hbm:s11], [sflag:s16] =	dma.local [spmem:s23], $0x1400  }
0x79: {  	_ =	swait.ge [sflag:s15], $0x1400  }
0x7a: {  	[sflag:s15] =	ssyncset.done $0x0  }
0x7b: {  	[sflag:s15] =	ssyncadd.s32 $0xFFFFEC00  }
0x7c: {  	s28 =	simm.s32 $0x200;
	s17 =	simm.s32 $0x0;
	[bflag:$0x0] =	sbarrier.arrive $0xFFFF  }
.LBB2_6:
0x7d: {  	p1 =	sne.s32 s28, $0xFE00;
	[tilespmem:s17+$0x7870] =	vst v0  }
0x7e: {  	[tilespmem:s17+$0x7800] =	vst v0  }
0x7f: {  	[tilespmem:s17+$0x7810] =	vst v0  }
.Ltmp2:
0x80: {  	[tilespmem:s17+$0x7820] =	vst v0;
	(pc) =	sbr.rel @p1 .LBB2_6-.Ltmp2, $4  }
0x81: {  	[tilespmem:s17+$0x7830] =	vst v0  }
0x82: {  	[tilespmem:s17+$0x7840] =	vst v0  }
0x83: {  	[tilespmem:s17+$0x7850] =	vst v0  }
0x84: {  	[tilespmem:s17+$0x7860] =	vst v0;
	s17 =	sshra.s32 s28, $0x2;
	s28 =	sadd.s32 $0x200, s28  }
0x85: {  	[tilespmem:s17+$0x7870] =	vst v0  }
0x86: {  	[tilespmem:s17+$0x7800] =	vst v0  }
0x87: {  	[tilespmem:s17+$0x7810] =	vst v0  }
0x88: {  	[tilespmem:s17+$0x7820] =	vst v0  }
0x89: {  	[tilespmem:s17+$0x7830] =	vst v0  }
0x8a: {  	[tilespmem:s17+$0x7840] =	vst v0  }
0x8b: {  	[tilespmem:s17+$0x7850] =	vst v0  }
0x8c: {  	[tilespmem:s17+$0x7860] =	vst v0  }
0x8d: {  	[spmem:s8] =	stream.linear.scatter [tilespmem:s18], [sflag:$0x3], $0x4000, $0x38;
	[tilespmem:$0x19C00] =	vst v63  }
0x8e: {  	_ =	swait.ge [sflag:s15], $0x4000  }
0x8f: {  	[sflag:s15] =	ssyncset.done $0x0  }
0x90: {  	[sflag:s15] =	ssyncadd.s32 $0xFFFFC000  }
0x91: {  	[spmem:s9] =	stream.linear.scatter [tilespmem:s18], [sflag:$0x3], $0x4000, $0x38;
	[tilespmem:$0x19C00] =	vst v63  }
0x92: {  	_ =	swait.ge [sflag:s15], $0x4000  }
0x93: {  	[sflag:s15] =	ssyncset.done $0x0  }
0x94: {  	[sflag:s15] =	ssyncadd.s32 $0xFFFFC000  }
0x95: {  	[spmem:s10] =	stream.linear.scatter [tilespmem:s18], [sflag:$0x3], $0x2400, $0x38;
	[tilespmem:$0x19C00] =	vst v63  }
0x96: {  	_ =	swait.ge [sflag:s15], $0x2400  }
0x97: {  	[sflag:s15] =	ssyncset.done $0x0  }
0x98: {  	[sflag:s15] =	ssyncadd.s32 $0xFFFFDC00  }
0x99: {  	s29 =	simm.s32 $0x0;
	[bflag:$0x0] =	sbarrier.arrive $0xFFFF  }
0x9a: {  	[tilespmem:s18], [sflag:$0x1] =	stream.indirect.gather [hbm4b:s1+s19], $0x80, s29, s19, $0xb8;
	[tilespmem:$0x19C00] =	vst v63  }
0x9b: {  	_ =	swait.ge [sflag:s20], $0x4000  }
0x9c: {  	[sflag:s20] =	ssyncset.done $0x0  }
0x9d: {  	s28 =	simm.s32 $0x80;
	[sflag:s20] =	ssyncadd.s32 $0xFFFFC000  }
0x9e: {  	[tilespmem:s21], [sflag:$0x2] =	stream.indirect.gather [hbm4b:s1+s19], $0x80, s28, s19, $0xb8;
	[tilespmem:$0x19C00] =	vst v63  }
0x9f: {  	s29 =	simm.s32 $0x5000  }
0xa0: {  	[spmem:s3] =	stream.indirect.scatter.add.f32 [tilespmem:s18], [sflag:$0x3], $0x80, s29, s19, $0xb8;
	[tilespmem:$0x19C00] =	vst v63  }
0xa1: {  	_ =	swait.ge [sflag:s15], $0x4000  }
0xa2: {  	[sflag:s15] =	ssyncset.done $0x0  }
0xa3: {  	s28 =	simm.s32 $0x100;
	[sflag:s15] =	ssyncadd.s32 $0xFFFFC000  }
0xa4: {  	[tilespmem:s18], [sflag:$0x1] =	stream.indirect.gather [hbm4b:s1+s19], $0x80, s28, s19, $0xb8;
	[tilespmem:$0x19C00] =	vst v63  }
0xa5: {  	_ =	swait.ge [sflag:s22], $0x4000  }
0xa6: {  	[sflag:s22] =	ssyncset.done $0x0  }
0xa7: {  	s29 =	simm.s32 $0x5080;
	[sflag:s22] =	ssyncadd.s32 $0xFFFFC000  }
0xa8: {  	[spmem:s3] =	stream.indirect.scatter.add.f32 [tilespmem:s21], [sflag:$0x3], $0x80, s29, s19, $0xb8;
	[tilespmem:$0x19C00] =	vst v63  }
0xa9: {  	_ =	swait.ge [sflag:s15], $0x4000  }
0xaa: {  	s17 =	simm.s32 $0x400;
	[sflag:s15] =	ssyncset.done $0x0  }
.LBB2_8:
0xab: {  	p1 =	sne.s32 s17, $0x9800  }
0xac: {  	[sflag:s15] =	ssyncadd.s32 $0xFFFFC000;
	s28 =	smov.u32 s17;
	s17 =	sadd.s32 $0x400, s17  }
0xad: {  	_ =	swait.ge [sflag:s20], $0x4000  }
0xae: {  	s28 =	sshra.s32 s28, $0x2;
	[sflag:s20] =	ssyncset.done $0x0  }
0xaf: {  	s29 =	sadd.s32 $0x80, s28;
	[sflag:s20] =	ssyncadd.s32 $0xFFFFC000  }
0xb0: {  	[tilespmem:s21], [sflag:$0x2] =	stream.indirect.gather [hbm4b:s1+s19], $0x80, s29, s19, $0xb8;
	[tilespmem:$0x19C00] =	vst v63  }
0xb1: {  	s29 =	sadd.s32 $0x5000, s28  }
0xb2: {  	[spmem:s3] =	stream.indirect.scatter.add.f32 [tilespmem:s18], [sflag:$0x3], $0x80, s29, s19, $0xb8;
	[tilespmem:$0x19C00] =	vst v63  }
0xb3: {  	_ =	swait.ge [sflag:s15], $0x4000  }
0xb4: {  	[sflag:s15] =	ssyncset.done $0x0  }
0xb5: {  	s29 =	sadd.s32 $0x100, s28;
	[sflag:s15] =	ssyncadd.s32 $0xFFFFC000  }
0xb6: {  	[tilespmem:s18], [sflag:$0x1] =	stream.indirect.gather [hbm4b:s1+s19], $0x80, s29, s19, $0xb8;
	[tilespmem:$0x19C00] =	vst v63  }
0xb7: {  	_ =	swait.ge [sflag:s22], $0x4000  }
.Ltmp3:
0xb8: {  	[sflag:s22] =	ssyncset.done $0x0;
	(pc) =	sbr.rel @p1 .LBB2_8-.Ltmp3, $4  }
0xb9: {  	s28 =	sadd.s32 $0x5080, s28;
	[sflag:s22] =	ssyncadd.s32 $0xFFFFC000  }
0xba: {  	[spmem:s3] =	stream.indirect.scatter.add.f32 [tilespmem:s21], [sflag:$0x3], $0x80, s28, s19, $0xb8;
	[tilespmem:$0x19C00] =	vst v63  }
0xbb: {  	_ =	swait.ge [sflag:s15], $0x4000  }
0xbc: {  	[sflag:s15] =	ssyncset.done $0x0  }
0xbd: {  	[sflag:s15] =	ssyncadd.s32 $0xFFFFC000  }
0xbe: {  	_ =	swait.ge [sflag:s20], $0x4000  }
0xbf: {  	[sflag:s20] =	ssyncset.done $0x0  }
0xc0: {  	[sflag:s20] =	ssyncadd.s32 $0xFFFFC000  }
0xc1: {  	[tilespmem:s21], [sflag:$0x2] =	stream.indirect.gather [hbm4b:s1+s19], $0x80, s26, s19, $0xb8;
	[tilespmem:$0x19C00] =	vst v63  }
0xc2: {  	_ = 	snop  }
0xc3: {  	[spmem:s3] =	stream.indirect.scatter.add.f32 [tilespmem:s18], [sflag:$0x3], $0x80, s30, s19, $0xb8;
	[tilespmem:$0x19C00] =	vst v63  }
0xc4: {  	_ =	swait.ge [sflag:s15], $0x4000  }
0xc5: {  	[sflag:s15] =	ssyncset.done $0x0  }
0xc6: {  	[sflag:s15] =	ssyncadd.s32 $0xFFFFC000  }
0xc7: {  	[tilespmem:s18], [sflag:$0x1] =	stream.indirect.gather [hbm4b:s1+s19], $0x80, s4, s19, $0xb8;
	[tilespmem:$0x19C00] =	vst v63  }
0xc8: {  	_ =	swait.ge [sflag:s22], $0x4000  }
0xc9: {  	[sflag:s22] =	ssyncset.done $0x0  }
0xca: {  	[sflag:s22] =	ssyncadd.s32 $0xFFFFC000  }
0xcb: {  	[spmem:s3] =	stream.indirect.scatter.add.f32 [tilespmem:s21], [sflag:$0x3], $0x80, s31, s19, $0xb8;
	[tilespmem:$0x19C00] =	vst v63  }
0xcc: {  	_ =	swait.ge [sflag:s15], $0x4000  }
0xcd: {  	[sflag:s15] =	ssyncset.done $0x0  }
0xce: {  	[sflag:s15] =	ssyncadd.s32 $0xFFFFC000  }
0xcf: {  	_ =	swait.ge [sflag:s20], $0x4000  }
0xd0: {  	[sflag:s20] =	ssyncset.done $0x0  }
0xd1: {  	[sflag:s20] =	ssyncadd.s32 $0xFFFFC000  }
0xd2: {  	s17 =	simm.s32 @p0 $0x3;
	[bflag:$0x0] =	sbarrier.arrive $0xFFFF  }
0xd3: {  	[hbm:s13], [sflag:s16] =	dma.local @p0 [spmem:s24], $0xC80  }
0xd4: {  	_ =	swait.ge @p0 [sflag:s17], $0xC80  }
0xd5: {  	[sflag:s17] =	ssyncset.done @p0 $0x0  }
0xd6: {  	s2 =	sadd.s32 $0x1, s2;
	[sflag:s17] =	ssyncadd.s32 @p0 $0xFFFFF380  }
0xd7: {  	[hbm:s12], [sflag:s16] =	dma.local @!p0 [spmem:s25], $0x1380  }
0xd8: {  	p1 =	sne.s32 s2, s14;
	s16 =	simm.s32 @!p0 $0x3  }
.Ltmp4:
0xd9: {  	_ =	swait.ge @!p0 [sflag:s16], $0x1380;
	(pc) =	sbr.rel @p1 .LBB2_1-.Ltmp4, $3  }
0xda: {  	[sflag:s16] =	ssyncset.done @!p0 $0x0  }
0xdb: {  	[sflag:s16] =	ssyncadd.s32 @!p0 $0xFFFFEC80  }
0xdc: {  	[bflag:$0x0] =	sbarrier.arrive $0xFFFF;
	_ =	sdelay $0x1  }
0xdd: {  	_ =	sfence.sel $0x180000  }
0xde: {  	[bflag:$0x0] =	sbarrier.arrive $0xFFFF  }
0xdf: {  	_ =	strace $0x90000047  }
0xe0: {  	[bflag:$0x2] =	sbarrier.arrive $0xFFFF  }
0xe1: {  	p0 =	sne.s32 s0, $0x0;
	s0 =	rddreg [dreg:$0x3]  }
0xe2: {  	s0 =	sadd.s32 @!p0 $0x100000, s0  }
0xe3: {  	[sflag:s0] =	ssyncadd.tile.s32 @!p0 $0x1;
	_ =	shalt  }
.Lfunc_end2:
_tile_overlayer_lowered:
.L_overlay_start_2:
0xe4: {  	(tag) =	ssettag $0x2  }
0xe5: {  	s0 =	rddreg [dreg:$0x0];
	s2 =	stileid.u32  }
0xe6: {  	s1 =	rddreg [dreg:$0x1];
	p0 =	sne.s32 s2, $0x0  }
0xe7: {  	s3 =	rddreg [dreg:$0x2];
	[bflag:$0x3] =	sbarrier.arrive $0xFFFF;
	s2 =	simm.s32 @!p0 $0x1C03  }
0xe8: {  	[timem:s3], [sflag:s2] =	dma.local @!p0 [hbm:s0], s1  }
0xe9: {  	s0 =	simm.s32 @!p0 $0x3  }
0xea: {  	_ =	swait.ge @!p0 [sflag:s0], s1  }
0xeb: {  	s1 =	ssub.s32 @!p0 $0x0, s1;
	[sflag:s0] =	ssyncset.done @!p0 $0x0  }
0xec: {  	[sflag:s0] =	ssyncadd.s32 @!p0 s1  }
0xed: {  	[bflag:$0x3] =	sbarrier.arrive $0xFFFF  }
0xee: {  	_ =	shalt  }

// kernel: kernel.13.cloned.1.call-start
scs
__scs_entry_jumppad:
0x0: {  	(pc) =	sbr.rel $0x88, $3  }
0x1: {  	(tag) =	ssettag $0x0;
	lr =	simm.s32 $0x1  }
0x2: {  	[smem:$0x3F93] =	sst lr;
	_ =	strace $0xD0000000  }
0x3: {  	_ = 	snop  }
0x4: {  	_ = 	snop  }
0x5: {  	_ = 	snop  }
0x6: {  	_ = 	snop  }
0x7: {  	_ = 	snop  }
__scs_overlays_trampoline_lowered:
0x8: {  	[smem:$0x3FA2] =	sst s0  }
0x9: {  	[smem:$0x3FA3] =	sst s1  }
0xa: {  	[smem:$0x3FA4] =	sst s2  }
0xb: {  	[smem:$0x3FA5] =	sst s3  }
0xc: {  	[smem:$0x3FA6] =	sst s4  }
0xd: {  	[smem:$0x3FA7] =	sst s5  }
0xe: {  	[smem:$0x3FA8] =	sst s6  }
0xf: {  	[smem:$0x3FA9] =	sst s7  }
0x10: {  	[smem:$0x3FAA] =	sst s8  }
0x11: {  	[smem:$0x3FAB] =	sst s9;
	s0 =	simm.s32 @!p0 $0x0  }
0x12: {  	s1 =	sld [smem:$0x3F91];
	s0 =	simm.s32 @p0 $0x1  }
0x13: {  	[smem:$0x3FAC] =	sst s0;
	s0 =	simm.s32 @!p1 $0x0  }
0x14: {  	s2 =	sld [smem:$0x3F90];
	s0 =	simm.s32 @p1 $0x1  }
0x15: {  	[smem:$0x3FAD] =	sst s0;
	s0 =	simm.s32 @!p2 $0x0  }
0x16: {  	s3 =	sld [smem:$0x3FDB];
	s0 =	simm.s32 @p2 $0x1  }
0x17: {  	s4 =	simm.s32 $0x1BF5;
	[smem:$0x3FAF] =	sst s0  }
0x18: {  	s0 =	sld [smem:$0x3F92];
	_ =	swait.ge [sflag:s4], $0x0  }
0x19: {  	s7 =	sld [smem:$0x3F93]  }
0x1a: {  	s8 =	sadd.s32 $0xFFFFE003, lr  }
0x1b: {  	s9 =	sadd.s32 $0xFFFFFEF7, lr;
	s5 =	simm.s32 $0xFFFFFFFF;
	p2 =	slt.u32 s8, $0xFFFFF086  }
0x1c: {  	p1 =	slt.u32 s9, $0xF7A;
	s5 =	simm.s32 @!p2 $0x0  }
0x1d: {  	s5 =	simm.s32 @p1 $0x1;
	p0 =	seq.s32 s7, s2  }
0x1e: {  	s7 =	smul.u32 @!p0 $0xF7A, s2;
	p2 =	seq.s32 @!p0 s5, $0x0  }
0x1f: {  	s9 =	smul.u32 $0xF7A, s1;
	s8 =	simm.s32 @!p0 $0x1BF5;
	p2 =	por !p2, p0  }
0x20: {  	[sflag:s8] =	ssyncset.s32 @!p0 $0xFFFFF086;
	s6 =	sadd.s32 @!p0 s3, s7;
	s7 =	simm.s32 @!p0 $0x108  }
0x21: {  	s3 =	sadd.s32 s3, s9;
	s6 =	sadd.s32 @!p0 $0x88, s6;
	s7 =	simm.s32 @p2 $0x1082  }
0x22: {  	[simem:s7], [sflag:s8] =	dma.local @!p0 [hbm:s6], $0xF7A  }
0x23: {  	s9 =	sor.u32 $0xD0000000, s2;
	s6 =	simm.s32 $0x108;
	_ =	swait.ge @!p0 [sflag:s8], $0x0  }
0x24: {  	s3 =	sadd.s32 $0x88, s3;
	s6 =	simm.s32 @!p1 $0x1082;
	[sflag:s4] =	ssyncset.s32 $0xFFFFF086  }
0x25: {  	[simem:s6], [sflag:s4] =	dma.local [hbm:s3], $0xF7A  }
0x26: {  	[smem:$0x3F93] =	sst s1;
	(tag) =	ssettag s2;
	_ =	strace s9  }
0x27: {  	s1 =	sld [smem:$0x3FA3]  }
0x28: {  	s2 =	sld [smem:$0x3FA4]  }
0x29: {  	s4 =	sld [smem:$0x3FA6]  }
0x2a: {  	p0 =	seq.s32 s5, $0x0;
	s5 =	sld [smem:$0x3FA7]  }
0x2b: {  	s6 =	sld [smem:$0x3FA8]  }
0x2c: {  	s7 =	sld [smem:$0x3FA9]  }
0x2d: {  	s3 =	simm.s32 $0x108;
	s8 =	sld [smem:$0x3FAA]  }
0x2e: {  	s3 =	simm.s32 @!p0 $0x1082;
	s9 =	sld [smem:$0x3FAB]  }
0x2f: {  	lr =	sadd.s32 s0, s3;
	s0 =	sld [smem:$0x3FA2]  }
0x30: {  	s3 =	sld [smem:$0x3FA5]  }
0x31: {  	[smem:$0x3FAE] =	sst s10  }
0x32: {  	s10 =	sld [smem:$0x3FAC];
	_ =	sdelay $0x3  }
0x33: {  	p0 =	seq.s32 s10, $0x1;
	s10 =	sld [smem:$0x3FAE];
	_ =	sdelay $0x3  }
0x34: {  	[smem:$0x3FAE] =	sst s10  }
0x35: {  	s10 =	sld [smem:$0x3FAD];
	_ =	sdelay $0x3  }
0x36: {  	p1 =	seq.s32 s10, $0x1;
	s10 =	sld [smem:$0x3FAE];
	_ =	sdelay $0x3  }
0x37: {  	[smem:$0x3FAE] =	sst s10  }
0x38: {  	s10 =	sld [smem:$0x3FAF]  }
0x39: {  	_ = 	snop;
	(pc) =	sbr.ind lr, $3  }
0x3a: {  	_ = 	snop  }
0x3b: {  	_ = 	snop  }
0x3c: {  	p2 =	seq.s32 s10, $0x1;
	s10 =	sld [smem:$0x3FAE]  }
0x3d: {  	_ =	shalt  }
0x3e: {  	_ =	shalt  }
0x3f: {  	_ =	shalt  }
0x40: {  	_ =	shalt  }
0x41: {  	_ =	shalt  }
0x42: {  	_ =	shalt  }
0x43: {  	_ =	shalt  }
0x44: {  	_ =	shalt  }
0x45: {  	_ =	shalt  }
0x46: {  	_ =	shalt  }
0x47: {  	_ =	shalt  }
0x48: {  	_ =	shalt  }
0x49: {  	_ =	shalt  }
0x4a: {  	_ =	shalt  }
0x4b: {  	_ =	shalt  }
0x4c: {  	_ =	shalt  }
0x4d: {  	_ =	shalt  }
0x4e: {  	_ =	shalt  }
0x4f: {  	_ =	shalt  }
0x50: {  	_ =	shalt  }
0x51: {  	_ =	shalt  }
0x52: {  	_ =	shalt  }
0x53: {  	_ =	shalt  }
0x54: {  	_ =	shalt  }
0x55: {  	_ =	shalt  }
0x56: {  	_ =	shalt  }
0x57: {  	_ =	shalt  }
0x58: {  	_ =	shalt  }
0x59: {  	_ =	shalt  }
0x5a: {  	_ =	shalt  }
0x5b: {  	_ =	shalt  }
0x5c: {  	_ =	shalt  }
0x5d: {  	_ =	shalt  }
0x5e: {  	_ =	shalt  }
0x5f: {  	_ =	shalt  }
0x60: {  	_ =	shalt  }
0x61: {  	_ =	shalt  }
0x62: {  	_ =	shalt  }
0x63: {  	_ =	shalt  }
0x64: {  	_ =	shalt  }
0x65: {  	_ =	shalt  }
0x66: {  	_ =	shalt  }
0x67: {  	_ =	shalt  }
0x68: {  	_ =	shalt  }
0x69: {  	_ =	shalt  }
0x6a: {  	_ =	shalt  }
0x6b: {  	_ =	shalt  }
0x6c: {  	_ =	shalt  }
0x6d: {  	_ =	shalt  }
0x6e: {  	_ =	shalt  }
0x6f: {  	_ =	shalt  }
0x70: {  	_ =	shalt  }
0x71: {  	_ =	shalt  }
0x72: {  	_ =	shalt  }
0x73: {  	_ =	shalt  }
0x74: {  	_ =	shalt  }
0x75: {  	_ =	shalt  }
0x76: {  	_ =	shalt  }
0x77: {  	_ =	shalt  }
0x78: {  	_ =	shalt  }
0x79: {  	_ =	shalt  }
0x7a: {  	_ =	shalt  }
0x7b: {  	_ =	shalt  }
0x7c: {  	_ =	shalt  }
0x7d: {  	_ =	shalt  }
0x7e: {  	_ =	shalt  }
0x7f: {  	_ =	shalt  }
0x80: {  	_ =	shalt  }
0x81: {  	_ =	shalt  }
0x82: {  	_ =	shalt  }
0x83: {  	_ =	shalt  }
0x84: {  	_ =	shalt  }
0x85: {  	_ =	shalt  }
0x86: {  	_ =	shalt  }
0x87: {  	_ =	shalt  }
.Lfunc_end0:
.L_simem_size_0:
called_computation.1_lowered:
.L_overlay_start_0:
0x88: {  	s2 =	sld [smem:$0x3FD9]  }
0x89: {  	s3 =	sld [smem:$0x3FFE];
	_ =	sdelay $0x1  }
0x8a: {  	s1 =	srdreg.scid  }
0x8b: {  	s0 =	sand.u32 $0x1, s1  }
0x8c: {  	s16 =	sshll.u32 s0, $0xA;
	s2 =	sadd.s32 s3, s2  }
0x8d: {  	s2 =	sadd.s32 s2, s16  }
0x8e: {  	[smem:$0x3FBA] =	sst s2  }
0x8f: {  	_ = 	snop  }
0x90: {  	(tm) =	ssettm $0x1  }
0x91: {  	s17 =	sld [smem:$0x3FFB];
	_ =	sdelay $0x3  }
0x92: {  	_ =	strace s17  }
0x93: {  	s2 =	sld [smem:$0x3FFC];
	_ =	sdelay $0x3  }
0x94: {  	_ =	strace s2  }
0x95: {  	s2 =	sld [smem:$0x3FFD];
	_ =	sdelay $0x3  }
0x96: {  	_ =	strace s2  }
0x97: {  	_ =	strace $0x8FFFFFFF  }
0x98: {  	s18 =	sld [smem:$0x3FDB];
	_ =	sdelay $0x1  }
0x99: {  	s19 =	simm.s32 $_scs_section_size  }
0x9a: {  	s4 =	simm.s32 $_size__tile_overlayer_lowered;
	s5 =	simm.s32 $_tile_overlayer_lowered  }
0x9b: {  	s22 =	simm.s32 $0x1BFF;
	s21 =	sshll.u32 s5, $0x1;
	s2 =	sadd.s32 s19, s18  }
0x9c: {  	s6 =	simm.s32 $0x0;
	s20 =	sshll.u32 s4, $0x1;
	s4 =	sadd.s32 s21, s2  }
0x9d: {  	[timem:s6], [sflag:s22] =	dma.local [hbm:s4], s20  }
0x9e: {  	_ =	swait.ge [sflag:s22], s20  }
0x9f: {  	s3 =	ssub.s32 $0x0, s20;
	[sflag:s22] =	ssyncset.done $0x0  }
0xa0: {  	[sflag:s22] =	ssyncadd.s32 s3;
	_ =	sdelay $0x1  }
0xa1: {  	s23 =	simm.s32 $0x1B8B  }
0xa2: {  	_ =	swait.ge [sflag:s23], $0x1  }
0xa3: {  	[sflag:s23] =	ssyncset.done $0x0  }
0xa4: {  	s25 =	simm.s32 $0x1B8E;
	s24 =	sld [smem:$0x3FFE];
	[sflag:s23] =	ssyncadd.s32 $0xFFFFFFFF  }
0xa5: {  	s26 =	simm.s32 $execute0_lowered;
	[smem:$0x3FD2] =	sst s25  }
0xa6: {  	s4 =	sshll.u32 s26, $0x1;
	_ =	strace $0x80000049;
	[dreg:$0x1] =	wrdreg $0xFFFFFFFF  }
0xa7: {  	s28 =	simm.s32 $_size_execute0_lowered;
	s2 =	sadd.s32 s2, s4;
	[dreg:$0x0] =	wrdreg $0x0  }
0xa8: {  	s4 =	sshll.u32 s28, $0x1;
	[dreg:$0x2] =	wrdreg s2  }
0xa9: {  	[dreg:$0x3] =	wrdreg s4  }
0xaa: {  	[dreg:$0x4] =	wrdreg $0xC0  }
0xab: {  	_ =	task [dreg:s6], $0x5FFFF  }
0xac: {  	[dreg:$0x1] =	wrdreg $0xFFFFFFFF  }
0xad: {  	[dreg:$0x0] =	wrdreg $0x60  }
0xae: {  	[dreg:$0x2] =	wrdreg s24  }
0xaf: {  	[dreg:$0x3] =	wrdreg $0xF8000  }
0xb0: {  	[dreg:$0x4] =	wrdreg $0x9  }
0xb1: {  	_ =	task.clear_ibuf [dreg:s6], $0x5FFFF;
	_ =	strace $0x90000049  }
0xb2: {  	s29 =	simm.s32 $0x9;
	_ =	strace $0x8000004B  }
0xb3: {  	_ =	swait.ge [sflag:s29], $0x1  }
0xb4: {  	[sflag:s29] =	ssyncadd.s32 $0xFFFFFFFF  }
0xb5: {  	_ =	strace $0x9000004B  }
0xb6: {  	_ =	sfence  }
0xb7: {  	s30 =	sld [smem:$0x0];
	_ =	sdelay $0x2  }
0xb8: {  	s31 =	sshll.u32 s1, $0xD;
	s1 =	sshrl.u32 s1, $0x2  }
0xb9: {  	s3 =	sand.u32 $0x4000, s31;
	s1 =	sadd.s32 s1, s30  }
0xba: {  	s0 =	sor.u32 s3, s0;
	s1 =	sshll.u32 s1, $0x11  }
0xbb: {  	s0 =	sor.u32 s1, s0  }
0xbc: {  	s0 =	sadd.s32 $0x8F2B, s0  }
0xbd: {  	[sflag:s0] =	ssyncadd.remote.s32 $0x1  }
0xbe: {  	_ =	sfence.sel $0xFFFF  }
0xbf: {  	[dreg:$0x0] =	wrdreg $0xFFFFFFFF;
	(pc) =	sbr.abs _section_cstart, $3  }
0xc0: {  	[dreg:$0x1] =	wrdreg $0xFFFFFFFF  }
0xc1: {  	_ =	task.clear_ibuf [dreg:s6], $0x2FFFF;
	_ =	strace $0x9FFFFFFF  }
0xc2: {  	(tm) =	ssettm $0x7FFFFFFF  }
0xc3: {  	_ =	shalt  }
tec
execute0_lowered:
.L_overlay_start_1:
0x0: {  	(tag) =	ssettag $0x1  }
0x1: {  	s1 =	rddreg [dreg:$0x0]  }
0x2: {  	s3 =	srdreg.scid;
	s0 =	stileid.u32  }
0x3: {  	s2 =	rddreg [dreg:$0x1];
	s18 =	simm.s32 $0x7800;
	s19 =	simm.s32 $0x80  }
0x4: {  	s20 =	simm.s32 $0x1;
	s21 =	simm.s32 $0xB800;
	s9 =	smul.u32 $0x29000, s0  }
0x5: {  	s22 =	simm.s32 $0x2;
	s30 =	simm.s32 $0x7700;
	s10 =	smul.u32 $0xA000, s0  }
0x6: {  	s31 =	simm.s32 $0x7780;
	s5 =	sand.u32 $0x1, s3;
	s11 =	smul.u32 $0x28000, s0  }
0x7: {  	s4 =	sshll.u32 s0, $0x1;
	s3 =	simm.s32 $0x0;
	s15 =	smul.u32 $0x9C00, s0  }
0x8: {  	s17 =	smul.u32 $0x27000, s0;
	p0 =	seq.s32 s0, $0xF;
	s4 =	sor.u32 s5, s4  }
0x9: {  	[smem:$0x7FF] =	sst s3;
	s7 =	ssub.s32 $0x2, s5;
	s12 =	smul.u32 $0x138800, s5  }
0xa: {  	s6 =	smul.u32 $0x500, s4;
	_ =	strace $0x8000004A;
	s4 =	sadd.s32 $0x23A00, s1  }
0xb: {  	s24 =	sshrl.u32 s7, $0x1;
	s25 =	sshrl.u32 s9, $0x2;
	s16 =	sshrl.u32 s11, $0x2  }
0xc: {  	s28 =	sshrl.u32 s17, $0x2;
	s14 =	ssub.s32 s7, s24;
	s13 =	sadd.s32 s10, s12  }
0xd: {  	s15 =	sadd.s32 s12, s15;
	s16 =	sadd.s32 s16, s2;
	s29 =	sshrl.u32 s12, $0x3  }
0xe: {  	s8 =	sadd.s32 s6, s1;
	s1 =	sadd.s32 $0x72200, s1;
	s13 =	sshrl.u32 s13, $0x3  }
0xf: {  	s26 =	sshrl.u32 s15, $0x3;
	s14 =	smax.u32 s14, $0x1;
	s15 =	simm.s32 $0x3  }
0x10: {  	s23 =	sshrl.u32 s16, $0x3;
	s5 =	sadd.s32 $0x19A00, s8;
	s6 =	sadd.s32 $0xFA00, s8  }
0x11: {  	s7 =	sadd.s32 $0x5A00, s8;
	s8 =	sadd.s32 s25, s2;
	s11 =	sadd.s32 s1, s13  }
0x12: {  	s13 =	sadd.s32 s1, s26;
	s25 =	sadd.s32 s28, s2;
	s1 =	sadd.s32 s1, s29  }
0x13: {  	s26 =	simm.s32 $0x2780;
	s9 =	sadd.s32 $0x4000, s8;
	s10 =	sadd.s32 $0x8000, s8  }
0x14: {  	s12 =	sadd.s32 $0x14000, s13;
	s13 =	sadd.s32 $0x26480, s1;
	s1 =	sadd.s32 $0x92400, s2  }
0x15: {  	v0 =	vimm.f32 $0.0e+00;
	s25 =	sshrl.u32 @!p0 s25, $0x3;
	s24 =	sshrl.u32 @p0 s1, $0x3;
	s1 =	simm.s32 $0x0  }
.LBB2_1:
0x16: {  	[tilespmem:s3], [sflag:$0x3] =	stream.linear.gather [hbm4b:s5+s3], $0x2800, $0x38;
	[tilespmem:$0x19C00] =	vst v63  }
0x17: {  	_ =	swait.ge [sflag:s15], $0x2800  }
0x18: {  	[sflag:s15] =	ssyncset.done $0x0  }
0x19: {  	s16 =	simm.s32 $0x2800;
	[sflag:s15] =	ssyncadd.s32 $0xFFFFD800  }
0x1a: {  	[tilespmem:s16], [sflag:$0x3] =	stream.linear.gather [hbm4b:s6+s3], $0x2800, $0x38;
	[tilespmem:$0x19C00] =	vst v63  }
0x1b: {  	_ =	swait.ge [sflag:s15], $0x2800  }
0x1c: {  	[sflag:s15] =	ssyncset.done $0x0  }
0x1d: {  	s29 =	simm.s32 $0x5000;
	[sflag:s15] =	ssyncadd.s32 $0xFFFFD800  }
0x1e: {  	[tilespmem:s29], [sflag:$0x3] =	stream.linear.gather [hbm4b:s7+s3], $0x2800, $0x38;
	[tilespmem:$0x19C00] =	vst v63  }
0x1f: {  	_ =	swait.ge [sflag:s15], $0x2800  }
0x20: {  	[sflag:s15] =	ssyncset.done $0x0  }
0x21: {  	s17 =	simm.s32 $0x200;
	s16 =	simm.s32 $0x0;
	[sflag:s15] =	ssyncadd.s32 $0xFFFFD800  }
.LBB2_2:
0x22: {  	p1 =	sne.s32 s17, $0xFE00;
	[tilespmem:s16+$0x7870] =	vst v0  }
0x23: {  	[tilespmem:s16+$0x7800] =	vst v0  }
0x24: {  	[tilespmem:s16+$0x7810] =	vst v0  }
.Ltmp0:
0x25: {  	[tilespmem:s16+$0x7820] =	vst v0;
	(pc) =	sbr.rel @p1 .LBB2_2-.Ltmp0, $4  }
0x26: {  	[tilespmem:s16+$0x7830] =	vst v0  }
0x27: {  	[tilespmem:s16+$0x7840] =	vst v0  }
0x28: {  	[tilespmem:s16+$0x7850] =	vst v0  }
0x29: {  	[tilespmem:s16+$0x7860] =	vst v0;
	s16 =	sshra.s32 s17, $0x2;
	s17 =	sadd.s32 $0x200, s17  }
0x2a: {  	[tilespmem:s16+$0x7870] =	vst v0  }
0x2b: {  	[tilespmem:s16+$0x7800] =	vst v0  }
0x2c: {  	[tilespmem:s16+$0x7810] =	vst v0  }
0x2d: {  	[tilespmem:s16+$0x7820] =	vst v0  }
0x2e: {  	[tilespmem:s16+$0x7830] =	vst v0  }
0x2f: {  	[tilespmem:s16+$0x7840] =	vst v0  }
0x30: {  	[tilespmem:s16+$0x7850] =	vst v0  }
0x31: {  	[tilespmem:s16+$0x7860] =	vst v0  }
0x32: {  	[spmem:s8] =	stream.linear.scatter [tilespmem:s18], [sflag:$0x3], $0x4000, $0x38;
	[tilespmem:$0x19C00] =	vst v63  }
0x33: {  	_ =	swait.ge [sflag:s15], $0x4000  }
0x34: {  	[sflag:s15] =	ssyncset.done $0x0  }
0x35: {  	[sflag:s15] =	ssyncadd.s32 $0xFFFFC000  }
0x36: {  	[spmem:s9] =	stream.linear.scatter [tilespmem:s18], [sflag:$0x3], $0x4000, $0x38;
	[tilespmem:$0x19C00] =	vst v63  }
0x37: {  	_ =	swait.ge [sflag:s15], $0x4000  }
0x38: {  	[sflag:s15] =	ssyncset.done $0x0  }
0x39: {  	[sflag:s15] =	ssyncadd.s32 $0xFFFFC000  }
0x3a: {  	[spmem:s10] =	stream.linear.scatter [tilespmem:s18], [sflag:$0x3], $0x2400, $0x38;
	[tilespmem:$0x19C00] =	vst v63  }
0x3b: {  	_ =	swait.ge [sflag:s15], $0x2400  }
0x3c: {  	[sflag:s15] =	ssyncset.done $0x0  }
0x3d: {  	[sflag:s15] =	ssyncadd.s32 $0xFFFFDC00  }
0x3e: {  	s28 =	simm.s32 $0x0;
	[bflag:$0x0] =	sbarrier.arrive $0xFFFF  }
0x3f: {  	[tilespmem:s18], [sflag:$0x1] =	stream.indirect.gather [hbm4b:s4+s19], $0x80, s28, s19, $0xb8;
	[tilespmem:$0x19C00] =	vst v63  }
0x40: {  	_ =	swait.ge [sflag:s20], $0x4000  }
0x41: {  	[sflag:s20] =	ssyncset.done $0x0  }
0x42: {  	s29 =	simm.s32 $0x80;
	[sflag:s20] =	ssyncadd.s32 $0xFFFFC000  }
0x43: {  	[tilespmem:s21], [sflag:$0x2] =	stream.indirect.gather [hbm4b:s4+s19], $0x80, s29, s19, $0xb8;
	[tilespmem:$0x19C00] =	vst v63  }
0x44: {  	s17 =	simm.s32 $0x2800  }
0x45: {  	[spmem:s2] =	stream.indirect.scatter.add.f32 [tilespmem:s18], [sflag:$0x3], $0x80, s17, s19, $0xb8;
	[tilespmem:$0x19C00] =	vst v63  }
0x46: {  	_ =	swait.ge [sflag:s15], $0x4000  }
0x47: {  	[sflag:s15] =	ssyncset.done $0x0  }
0x48: {  	s28 =	simm.s32 $0x100;
	[sflag:s15] =	ssyncadd.s32 $0xFFFFC000  }
0x49: {  	[tilespmem:s18], [sflag:$0x1] =	stream.indirect.gather [hbm4b:s4+s19], $0x80, s28, s19, $0xb8;
	[tilespmem:$0x19C00] =	vst v63  }
0x4a: {  	_ =	swait.ge [sflag:s22], $0x4000  }
0x4b: {  	[sflag:s22] =	ssyncset.done $0x0  }
0x4c: {  	s29 =	simm.s32 $0x2880;
	[sflag:s22] =	ssyncadd.s32 $0xFFFFC000  }
0x4d: {  	[spmem:s2] =	stream.indirect.scatter.add.f32 [tilespmem:s21], [sflag:$0x3], $0x80, s29, s19, $0xb8;
	[tilespmem:$0x19C00] =	vst v63  }
0x4e: {  	_ =	swait.ge [sflag:s15], $0x4000  }
0x4f: {  	s16 =	simm.s32 $0x400;
	[sflag:s15] =	ssyncset.done $0x0  }
.LBB2_4:
0x50: {  	p1 =	sne.s32 s16, $0x9800  }
0x51: {  	[sflag:s15] =	ssyncadd.s32 $0xFFFFC000;
	s17 =	smov.u32 s16;
	s16 =	sadd.s32 $0x400, s16  }
0x52: {  	_ =	swait.ge [sflag:s20], $0x4000  }
0x53: {  	s17 =	sshra.s32 s17, $0x2;
	[sflag:s20] =	ssyncset.done $0x0  }
0x54: {  	s28 =	sadd.s32 $0x80, s17;
	[sflag:s20] =	ssyncadd.s32 $0xFFFFC000  }
0x55: {  	[tilespmem:s21], [sflag:$0x2] =	stream.indirect.gather [hbm4b:s4+s19], $0x80, s28, s19, $0xb8;
	[tilespmem:$0x19C00] =	vst v63  }
0x56: {  	s28 =	sadd.s32 $0x2800, s17  }
0x57: {  	[spmem:s2] =	stream.indirect.scatter.add.f32 [tilespmem:s18], [sflag:$0x3], $0x80, s28, s19, $0xb8;
	[tilespmem:$0x19C00] =	vst v63  }
0x58: {  	_ =	swait.ge [sflag:s15], $0x4000  }
0x59: {  	[sflag:s15] =	ssyncset.done $0x0  }
0x5a: {  	s28 =	sadd.s32 $0x100, s17;
	[sflag:s15] =	ssyncadd.s32 $0xFFFFC000  }
0x5b: {  	[tilespmem:s18], [sflag:$0x1] =	stream.indirect.gather [hbm4b:s4+s19], $0x80, s28, s19, $0xb8;
	[tilespmem:$0x19C00] =	vst v63  }
0x5c: {  	_ =	swait.ge [sflag:s22], $0x4000  }
.Ltmp1:
0x5d: {  	[sflag:s22] =	ssyncset.done $0x0;
	(pc) =	sbr.rel @p1 .LBB2_4-.Ltmp1, $4  }
0x5e: {  	s17 =	sadd.s32 $0x2880, s17;
	[sflag:s22] =	ssyncadd.s32 $0xFFFFC000  }
0x5f: {  	[spmem:s2] =	stream.indirect.scatter.add.f32 [tilespmem:s21], [sflag:$0x3], $0x80, s17, s19, $0xb8;
	[tilespmem:$0x19C00] =	vst v63  }
0x60: {  	_ =	swait.ge [sflag:s15], $0x4000  }
0x61: {  	[sflag:s15] =	ssyncset.done $0x0  }
0x62: {  	[sflag:s15] =	ssyncadd.s32 $0xFFFFC000  }
0x63: {  	_ =	swait.ge [sflag:s20], $0x4000  }
0x64: {  	[sflag:s20] =	ssyncset.done $0x0  }
0x65: {  	[sflag:s20] =	ssyncadd.s32 $0xFFFFC000  }
0x66: {  	[tilespmem:s21], [sflag:$0x2] =	stream.indirect.gather [hbm4b:s4+s19], $0x80, s26, s19, $0xb8;
	[tilespmem:$0x19C00] =	vst v63  }
0x67: {  	s16 =	simm.s32 $0x4F00  }
0x68: {  	[spmem:s2] =	stream.indirect.scatter.add.f32 [tilespmem:s18], [sflag:$0x3], $0x80, s16, s19, $0xb8;
	[tilespmem:$0x19C00] =	vst v63  }
0x69: {  	_ =	swait.ge [sflag:s15], $0x4000  }
0x6a: {  	[sflag:s15] =	ssyncset.done $0x0  }
0x6b: {  	s29 =	simm.s32 $0x0;
	[sflag:s15] =	ssyncadd.s32 $0xFFFFC000  }
0x6c: {  	[tilespmem:s18], [sflag:$0x1] =	stream.indirect.gather [hbm4b:s4+s19], $0x80, s29, s19, $0xb8;
	[tilespmem:$0x19C00] =	vst v63  }
0x6d: {  	_ =	swait.ge [sflag:s22], $0x4000  }
0x6e: {  	[sflag:s22] =	ssyncset.done $0x0  }
0x6f: {  	s17 =	simm.s32 $0x4F80;
	[sflag:s22] =	ssyncadd.s32 $0xFFFFC000  }
0x70: {  	[spmem:s2] =	stream.indirect.scatter.add.f32 [tilespmem:s21], [sflag:$0x3], $0x80, s17, s19, $0xb8;
	[tilespmem:$0x19C00] =	vst v63  }
0x71: {  	_ =	swait.ge [sflag:s15], $0x4000  }
0x72: {  	[sflag:s15] =	ssyncset.done $0x0  }
0x73: {  	[sflag:s15] =	ssyncadd.s32 $0xFFFFC000  }
0x74: {  	_ =	swait.ge [sflag:s20], $0x4000  }
0x75: {  	[sflag:s20] =	ssyncset.done $0x0  }
0x76: {  	s29 =	sshll.u32 s0, $0x6;
	[sflag:s20] =	ssyncadd.s32 $0xFFFFC000  }
0x77: {  	s16 =	sor.u32 $0x1C03, s29;
	[bflag:$0x0] =	sbarrier.arrive $0xFFFF  }
0x78: {  	[hbm:s11], [sflag:s16] =	dma.local [spmem:s23], $0x1400  }
0x79: {  	_ =	swait.ge [sflag:s15], $0x1400  }
0x7a: {  	[sflag:s15] =	ssyncset.done $0x0  }
0x7b: {  	[sflag:s15] =	ssyncadd.s32 $0xFFFFEC00  }
0x7c: {  	s28 =	simm.s32 $0x200;
	s17 =	simm.s32 $0x0;
	[bflag:$0x0] =	sbarrier.arrive $0xFFFF  }
.LBB2_6:
0x7d: {  	p1 =	sne.s32 s28, $0xFE00;
	[tilespmem:s17+$0x7870] =	vst v0  }
0x7e: {  	[tilespmem:s17+$0x7800] =	vst v0  }
0x7f: {  	[tilespmem:s17+$0x7810] =	vst v0  }
.Ltmp2:
0x80: {  	[tilespmem:s17+$0x7820] =	vst v0;
	(pc) =	sbr.rel @p1 .LBB2_6-.Ltmp2, $4  }
0x81: {  	[tilespmem:s17+$0x7830] =	vst v0  }
0x82: {  	[tilespmem:s17+$0x7840] =	vst v0  }
0x83: {  	[tilespmem:s17+$0x7850] =	vst v0  }
0x84: {  	[tilespmem:s17+$0x7860] =	vst v0;
	s17 =	sshra.s32 s28, $0x2;
	s28 =	sadd.s32 $0x200, s28  }
0x85: {  	[tilespmem:s17+$0x7870] =	vst v0  }
0x86: {  	[tilespmem:s17+$0x7800] =	vst v0  }
0x87: {  	[tilespmem:s17+$0x7810] =	vst v0  }
0x88: {  	[tilespmem:s17+$0x7820] =	vst v0  }
0x89: {  	[tilespmem:s17+$0x7830] =	vst v0  }
0x8a: {  	[tilespmem:s17+$0x7840] =	vst v0  }
0x8b: {  	[tilespmem:s17+$0x7850] =	vst v0  }
0x8c: {  	[tilespmem:s17+$0x7860] =	vst v0  }
0x8d: {  	[spmem:s8] =	stream.linear.scatter [tilespmem:s18], [sflag:$0x3], $0x4000, $0x38;
	[tilespmem:$0x19C00] =	vst v63  }
0x8e: {  	_ =	swait.ge [sflag:s15], $0x4000  }
0x8f: {  	[sflag:s15] =	ssyncset.done $0x0  }
0x90: {  	[sflag:s15] =	ssyncadd.s32 $0xFFFFC000  }
0x91: {  	[spmem:s9] =	stream.linear.scatter [tilespmem:s18], [sflag:$0x3], $0x4000, $0x38;
	[tilespmem:$0x19C00] =	vst v63  }
0x92: {  	_ =	swait.ge [sflag:s15], $0x4000  }
0x93: {  	[sflag:s15] =	ssyncset.done $0x0  }
0x94: {  	[sflag:s15] =	ssyncadd.s32 $0xFFFFC000  }
0x95: {  	[spmem:s10] =	stream.linear.scatter [tilespmem:s18], [sflag:$0x3], $0x2400, $0x38;
	[tilespmem:$0x19C00] =	vst v63  }
0x96: {  	_ =	swait.ge [sflag:s15], $0x2400  }
0x97: {  	[sflag:s15] =	ssyncset.done $0x0  }
0x98: {  	[sflag:s15] =	ssyncadd.s32 $0xFFFFDC00  }
0x99: {  	s29 =	simm.s32 $0x0;
	[bflag:$0x0] =	sbarrier.arrive $0xFFFF  }
0x9a: {  	[tilespmem:s18], [sflag:$0x1] =	stream.indirect.gather [hbm4b:s4+s19], $0x80, s29, s19, $0xb8;
	[tilespmem:$0x19C00] =	vst v63  }
0x9b: {  	_ =	swait.ge [sflag:s20], $0x4000  }
0x9c: {  	[sflag:s20] =	ssyncset.done $0x0  }
0x9d: {  	s28 =	simm.s32 $0x80;
	[sflag:s20] =	ssyncadd.s32 $0xFFFFC000  }
0x9e: {  	[tilespmem:s21], [sflag:$0x2] =	stream.indirect.gather [hbm4b:s4+s19], $0x80, s28, s19, $0xb8;
	[tilespmem:$0x19C00] =	vst v63  }
0x9f: {  	s29 =	simm.s32 $0x5000  }
0xa0: {  	[spmem:s2] =	stream.indirect.scatter.add.f32 [tilespmem:s18], [sflag:$0x3], $0x80, s29, s19, $0xb8;
	[tilespmem:$0x19C00] =	vst v63  }
0xa1: {  	_ =	swait.ge [sflag:s15], $0x4000  }
0xa2: {  	[sflag:s15] =	ssyncset.done $0x0  }
0xa3: {  	s28 =	simm.s32 $0x100;
	[sflag:s15] =	ssyncadd.s32 $0xFFFFC000  }
0xa4: {  	[tilespmem:s18], [sflag:$0x1] =	stream.indirect.gather [hbm4b:s4+s19], $0x80, s28, s19, $0xb8;
	[tilespmem:$0x19C00] =	vst v63  }
0xa5: {  	_ =	swait.ge [sflag:s22], $0x4000  }
0xa6: {  	[sflag:s22] =	ssyncset.done $0x0  }
0xa7: {  	s29 =	simm.s32 $0x5080;
	[sflag:s22] =	ssyncadd.s32 $0xFFFFC000  }
0xa8: {  	[spmem:s2] =	stream.indirect.scatter.add.f32 [tilespmem:s21], [sflag:$0x3], $0x80, s29, s19, $0xb8;
	[tilespmem:$0x19C00] =	vst v63  }
0xa9: {  	_ =	swait.ge [sflag:s15], $0x4000  }
0xaa: {  	s17 =	simm.s32 $0x400;
	[sflag:s15] =	ssyncset.done $0x0  }
.LBB2_8:
0xab: {  	p1 =	sne.s32 s17, $0x9800  }
0xac: {  	[sflag:s15] =	ssyncadd.s32 $0xFFFFC000;
	s28 =	smov.u32 s17;
	s17 =	sadd.s32 $0x400, s17  }
0xad: {  	_ =	swait.ge [sflag:s20], $0x4000  }
0xae: {  	s28 =	sshra.s32 s28, $0x2;
	[sflag:s20] =	ssyncset.done $0x0  }
0xaf: {  	s29 =	sadd.s32 $0x80, s28;
	[sflag:s20] =	ssyncadd.s32 $0xFFFFC000  }
0xb0: {  	[tilespmem:s21], [sflag:$0x2] =	stream.indirect.gather [hbm4b:s4+s19], $0x80, s29, s19, $0xb8;
	[tilespmem:$0x19C00] =	vst v63  }
0xb1: {  	s29 =	sadd.s32 $0x5000, s28  }
0xb2: {  	[spmem:s2] =	stream.indirect.scatter.add.f32 [tilespmem:s18], [sflag:$0x3], $0x80, s29, s19, $0xb8;
	[tilespmem:$0x19C00] =	vst v63  }
0xb3: {  	_ =	swait.ge [sflag:s15], $0x4000  }
0xb4: {  	[sflag:s15] =	ssyncset.done $0x0  }
0xb5: {  	s29 =	sadd.s32 $0x100, s28;
	[sflag:s15] =	ssyncadd.s32 $0xFFFFC000  }
0xb6: {  	[tilespmem:s18], [sflag:$0x1] =	stream.indirect.gather [hbm4b:s4+s19], $0x80, s29, s19, $0xb8;
	[tilespmem:$0x19C00] =	vst v63  }
0xb7: {  	_ =	swait.ge [sflag:s22], $0x4000  }
.Ltmp3:
0xb8: {  	[sflag:s22] =	ssyncset.done $0x0;
	(pc) =	sbr.rel @p1 .LBB2_8-.Ltmp3, $4  }
0xb9: {  	s28 =	sadd.s32 $0x5080, s28;
	[sflag:s22] =	ssyncadd.s32 $0xFFFFC000  }
0xba: {  	[spmem:s2] =	stream.indirect.scatter.add.f32 [tilespmem:s21], [sflag:$0x3], $0x80, s28, s19, $0xb8;
	[tilespmem:$0x19C00] =	vst v63  }
0xbb: {  	_ =	swait.ge [sflag:s15], $0x4000  }
0xbc: {  	[sflag:s15] =	ssyncset.done $0x0  }
0xbd: {  	[sflag:s15] =	ssyncadd.s32 $0xFFFFC000  }
0xbe: {  	_ =	swait.ge [sflag:s20], $0x4000  }
0xbf: {  	[sflag:s20] =	ssyncset.done $0x0  }
0xc0: {  	[sflag:s20] =	ssyncadd.s32 $0xFFFFC000  }
0xc1: {  	[tilespmem:s21], [sflag:$0x2] =	stream.indirect.gather [hbm4b:s4+s19], $0x80, s26, s19, $0xb8;
	[tilespmem:$0x19C00] =	vst v63  }
0xc2: {  	_ = 	snop  }
0xc3: {  	[spmem:s2] =	stream.indirect.scatter.add.f32 [tilespmem:s18], [sflag:$0x3], $0x80, s30, s19, $0xb8;
	[tilespmem:$0x19C00] =	vst v63  }
0xc4: {  	_ =	swait.ge [sflag:s15], $0x4000  }
0xc5: {  	[sflag:s15] =	ssyncset.done $0x0  }
0xc6: {  	[sflag:s15] =	ssyncadd.s32 $0xFFFFC000  }
0xc7: {  	[tilespmem:s18], [sflag:$0x1] =	stream.indirect.gather [hbm4b:s4+s19], $0x80, s3, s19, $0xb8;
	[tilespmem:$0x19C00] =	vst v63  }
0xc8: {  	_ =	swait.ge [sflag:s22], $0x4000  }
0xc9: {  	[sflag:s22] =	ssyncset.done $0x0  }
0xca: {  	[sflag:s22] =	ssyncadd.s32 $0xFFFFC000  }
0xcb: {  	[spmem:s2] =	stream.indirect.scatter.add.f32 [tilespmem:s21], [sflag:$0x3], $0x80, s31, s19, $0xb8;
	[tilespmem:$0x19C00] =	vst v63  }
0xcc: {  	_ =	swait.ge [sflag:s15], $0x4000  }
0xcd: {  	[sflag:s15] =	ssyncset.done $0x0  }
0xce: {  	[sflag:s15] =	ssyncadd.s32 $0xFFFFC000  }
0xcf: {  	_ =	swait.ge [sflag:s20], $0x4000  }
0xd0: {  	[sflag:s20] =	ssyncset.done $0x0  }
0xd1: {  	[sflag:s20] =	ssyncadd.s32 $0xFFFFC000  }
0xd2: {  	s17 =	simm.s32 @p0 $0x3;
	[bflag:$0x0] =	sbarrier.arrive $0xFFFF  }
0xd3: {  	[hbm:s13], [sflag:s16] =	dma.local @p0 [spmem:s24], $0xC80  }
0xd4: {  	_ =	swait.ge @p0 [sflag:s17], $0xC80  }
0xd5: {  	[sflag:s17] =	ssyncset.done @p0 $0x0  }
0xd6: {  	s1 =	sadd.s32 $0x1, s1;
	[sflag:s17] =	ssyncadd.s32 @p0 $0xFFFFF380  }
0xd7: {  	[hbm:s12], [sflag:s16] =	dma.local @!p0 [spmem:s25], $0x1380  }
0xd8: {  	p1 =	sne.s32 s1, s14;
	s16 =	simm.s32 @!p0 $0x3  }
.Ltmp4:
0xd9: {  	_ =	swait.ge @!p0 [sflag:s16], $0x1380;
	(pc) =	sbr.rel @p1 .LBB2_1-.Ltmp4, $3  }
0xda: {  	[sflag:s16] =	ssyncset.done @!p0 $0x0  }
0xdb: {  	[sflag:s16] =	ssyncadd.s32 @!p0 $0xFFFFEC80  }
0xdc: {  	[bflag:$0x0] =	sbarrier.arrive $0xFFFF;
	_ =	sdelay $0x1  }
0xdd: {  	_ =	sfence.sel $0x180000  }
0xde: {  	[bflag:$0x0] =	sbarrier.arrive $0xFFFF  }
0xdf: {  	_ =	strace $0x9000004A  }
0xe0: {  	[bflag:$0x2] =	sbarrier.arrive $0xFFFF  }
0xe1: {  	p0 =	sne.s32 s0, $0x0;
	s0 =	rddreg [dreg:$0x2]  }
0xe2: {  	s0 =	sadd.s32 @!p0 $0x100000, s0  }
0xe3: {  	[sflag:s0] =	ssyncadd.tile.s32 @!p0 $0x1;
	_ =	shalt  }
.Lfunc_end2:
_tile_overlayer_lowered:
.L_overlay_start_2:
0xe4: {  	(tag) =	ssettag $0x2  }
0xe5: {  	s0 =	rddreg [dreg:$0x0];
	s2 =	stileid.u32  }
0xe6: {  	s1 =	rddreg [dreg:$0x1];
	p0 =	sne.s32 s2, $0x0  }
0xe7: {  	s3 =	rddreg [dreg:$0x2];
	[bflag:$0x3] =	sbarrier.arrive $0xFFFF;
	s2 =	simm.s32 @!p0 $0x1C03  }
0xe8: {  	[timem:s3], [sflag:s2] =	dma.local @!p0 [hbm:s0], s1  }
0xe9: {  	s0 =	simm.s32 @!p0 $0x3  }
0xea: {  	_ =	swait.ge @!p0 [sflag:s0], s1  }
0xeb: {  	s1 =	ssub.s32 @!p0 $0x0, s1;
	[sflag:s0] =	ssyncset.done @!p0 $0x0  }
0xec: {  	[sflag:s0] =	ssyncadd.s32 @!p0 s1  }
0xed: {  	[bflag:$0x3] =	sbarrier.arrive $0xFFFF  }
0xee: {  	_ =	shalt  }

// kernel: kernel.16.cloned.1.call-start
scs
__scs_entry_jumppad:
0x0: {  	(pc) =	sbr.rel $0x88, $3  }
0x1: {  	(tag) =	ssettag $0x0;
	lr =	simm.s32 $0x1  }
0x2: {  	[smem:$0x3F93] =	sst lr;
	_ =	strace $0xD0000000  }
0x3: {  	_ = 	snop  }
0x4: {  	_ = 	snop  }
0x5: {  	_ = 	snop  }
0x6: {  	_ = 	snop  }
0x7: {  	_ = 	snop  }
__scs_overlays_trampoline_lowered:
0x8: {  	[smem:$0x3FA2] =	sst s0  }
0x9: {  	[smem:$0x3FA3] =	sst s1  }
0xa: {  	[smem:$0x3FA4] =	sst s2  }
0xb: {  	[smem:$0x3FA5] =	sst s3  }
0xc: {  	[smem:$0x3FA6] =	sst s4  }
0xd: {  	[smem:$0x3FA7] =	sst s5  }
0xe: {  	[smem:$0x3FA8] =	sst s6  }
0xf: {  	[smem:$0x3FA9] =	sst s7  }
0x10: {  	[smem:$0x3FAA] =	sst s8  }
0x11: {  	[smem:$0x3FAB] =	sst s9;
	s0 =	simm.s32 @!p0 $0x0  }
0x12: {  	s1 =	sld [smem:$0x3F91];
	s0 =	simm.s32 @p0 $0x1  }
0x13: {  	[smem:$0x3FAC] =	sst s0;
	s0 =	simm.s32 @!p1 $0x0  }
0x14: {  	s2 =	sld [smem:$0x3F90];
	s0 =	simm.s32 @p1 $0x1  }
0x15: {  	[smem:$0x3FAD] =	sst s0;
	s0 =	simm.s32 @!p2 $0x0  }
0x16: {  	s3 =	sld [smem:$0x3FDB];
	s0 =	simm.s32 @p2 $0x1  }
0x17: {  	s4 =	simm.s32 $0x1BF5;
	[smem:$0x3FAF] =	sst s0  }
0x18: {  	s0 =	sld [smem:$0x3F92];
	_ =	swait.ge [sflag:s4], $0x0  }
0x19: {  	s7 =	sld [smem:$0x3F93]  }
0x1a: {  	s8 =	sadd.s32 $0xFFFFE003, lr  }
0x1b: {  	s9 =	sadd.s32 $0xFFFFFEF7, lr;
	s5 =	simm.s32 $0xFFFFFFFF;
	p2 =	slt.u32 s8, $0xFFFFF086  }
0x1c: {  	p1 =	slt.u32 s9, $0xF7A;
	s5 =	simm.s32 @!p2 $0x0  }
0x1d: {  	s5 =	simm.s32 @p1 $0x1;
	p0 =	seq.s32 s7, s2  }
0x1e: {  	s7 =	smul.u32 @!p0 $0xF7A, s2;
	p2 =	seq.s32 @!p0 s5, $0x0  }
0x1f: {  	s9 =	smul.u32 $0xF7A, s1;
	s8 =	simm.s32 @!p0 $0x1BF5;
	p2 =	por !p2, p0  }
0x20: {  	[sflag:s8] =	ssyncset.s32 @!p0 $0xFFFFF086;
	s6 =	sadd.s32 @!p0 s3, s7;
	s7 =	simm.s32 @!p0 $0x108  }
0x21: {  	s3 =	sadd.s32 s3, s9;
	s6 =	sadd.s32 @!p0 $0x88, s6;
	s7 =	simm.s32 @p2 $0x1082  }
0x22: {  	[simem:s7], [sflag:s8] =	dma.local @!p0 [hbm:s6], $0xF7A  }
0x23: {  	s9 =	sor.u32 $0xD0000000, s2;
	s6 =	simm.s32 $0x108;
	_ =	swait.ge @!p0 [sflag:s8], $0x0  }
0x24: {  	s3 =	sadd.s32 $0x88, s3;
	s6 =	simm.s32 @!p1 $0x1082;
	[sflag:s4] =	ssyncset.s32 $0xFFFFF086  }
0x25: {  	[simem:s6], [sflag:s4] =	dma.local [hbm:s3], $0xF7A  }
0x26: {  	[smem:$0x3F93] =	sst s1;
	(tag) =	ssettag s2;
	_ =	strace s9  }
0x27: {  	s1 =	sld [smem:$0x3FA3]  }
0x28: {  	s2 =	sld [smem:$0x3FA4]  }
0x29: {  	s4 =	sld [smem:$0x3FA6]  }
0x2a: {  	p0 =	seq.s32 s5, $0x0;
	s5 =	sld [smem:$0x3FA7]  }
0x2b: {  	s6 =	sld [smem:$0x3FA8]  }
0x2c: {  	s7 =	sld [smem:$0x3FA9]  }
0x2d: {  	s3 =	simm.s32 $0x108;
	s8 =	sld [smem:$0x3FAA]  }
0x2e: {  	s3 =	simm.s32 @!p0 $0x1082;
	s9 =	sld [smem:$0x3FAB]  }
0x2f: {  	lr =	sadd.s32 s0, s3;
	s0 =	sld [smem:$0x3FA2]  }
0x30: {  	s3 =	sld [smem:$0x3FA5]  }
0x31: {  	[smem:$0x3FAE] =	sst s10  }
0x32: {  	s10 =	sld [smem:$0x3FAC];
	_ =	sdelay $0x3  }
0x33: {  	p0 =	seq.s32 s10, $0x1;
	s10 =	sld [smem:$0x3FAE];
	_ =	sdelay $0x3  }
0x34: {  	[smem:$0x3FAE] =	sst s10  }
0x35: {  	s10 =	sld [smem:$0x3FAD];
	_ =	sdelay $0x3  }
0x36: {  	p1 =	seq.s32 s10, $0x1;
	s10 =	sld [smem:$0x3FAE];
	_ =	sdelay $0x3  }
0x37: {  	[smem:$0x3FAE] =	sst s10  }
0x38: {  	s10 =	sld [smem:$0x3FAF]  }
0x39: {  	_ = 	snop;
	(pc) =	sbr.ind lr, $3  }
0x3a: {  	_ = 	snop  }
0x3b: {  	_ = 	snop  }
0x3c: {  	p2 =	seq.s32 s10, $0x1;
	s10 =	sld [smem:$0x3FAE]  }
0x3d: {  	_ =	shalt  }
0x3e: {  	_ =	shalt  }
0x3f: {  	_ =	shalt  }
0x40: {  	_ =	shalt  }
0x41: {  	_ =	shalt  }
0x42: {  	_ =	shalt  }
0x43: {  	_ =	shalt  }
0x44: {  	_ =	shalt  }
0x45: {  	_ =	shalt  }
0x46: {  	_ =	shalt  }
0x47: {  	_ =	shalt  }
0x48: {  	_ =	shalt  }
0x49: {  	_ =	shalt  }
0x4a: {  	_ =	shalt  }
0x4b: {  	_ =	shalt  }
0x4c: {  	_ =	shalt  }
0x4d: {  	_ =	shalt  }
0x4e: {  	_ =	shalt  }
0x4f: {  	_ =	shalt  }
0x50: {  	_ =	shalt  }
0x51: {  	_ =	shalt  }
0x52: {  	_ =	shalt  }
0x53: {  	_ =	shalt  }
0x54: {  	_ =	shalt  }
0x55: {  	_ =	shalt  }
0x56: {  	_ =	shalt  }
0x57: {  	_ =	shalt  }
0x58: {  	_ =	shalt  }
0x59: {  	_ =	shalt  }
0x5a: {  	_ =	shalt  }
0x5b: {  	_ =	shalt  }
0x5c: {  	_ =	shalt  }
0x5d: {  	_ =	shalt  }
0x5e: {  	_ =	shalt  }
0x5f: {  	_ =	shalt  }
0x60: {  	_ =	shalt  }
0x61: {  	_ =	shalt  }
0x62: {  	_ =	shalt  }
0x63: {  	_ =	shalt  }
0x64: {  	_ =	shalt  }
0x65: {  	_ =	shalt  }
0x66: {  	_ =	shalt  }
0x67: {  	_ =	shalt  }
0x68: {  	_ =	shalt  }
0x69: {  	_ =	shalt  }
0x6a: {  	_ =	shalt  }
0x6b: {  	_ =	shalt  }
0x6c: {  	_ =	shalt  }
0x6d: {  	_ =	shalt  }
0x6e: {  	_ =	shalt  }
0x6f: {  	_ =	shalt  }
0x70: {  	_ =	shalt  }
0x71: {  	_ =	shalt  }
0x72: {  	_ =	shalt  }
0x73: {  	_ =	shalt  }
0x74: {  	_ =	shalt  }
0x75: {  	_ =	shalt  }
0x76: {  	_ =	shalt  }
0x77: {  	_ =	shalt  }
0x78: {  	_ =	shalt  }
0x79: {  	_ =	shalt  }
0x7a: {  	_ =	shalt  }
0x7b: {  	_ =	shalt  }
0x7c: {  	_ =	shalt  }
0x7d: {  	_ =	shalt  }
0x7e: {  	_ =	shalt  }
0x7f: {  	_ =	shalt  }
0x80: {  	_ =	shalt  }
0x81: {  	_ =	shalt  }
0x82: {  	_ =	shalt  }
0x83: {  	_ =	shalt  }
0x84: {  	_ =	shalt  }
0x85: {  	_ =	shalt  }
0x86: {  	_ =	shalt  }
0x87: {  	_ =	shalt  }
.Lfunc_end0:
.L_simem_size_0:
called_computation.2_lowered:
.L_overlay_start_0:
0x88: {  	s2 =	sld [smem:$0x3FD9]  }
0x89: {  	s3 =	sld [smem:$0x3FFE];
	_ =	sdelay $0x1  }
0x8a: {  	s1 =	srdreg.scid  }
0x8b: {  	s0 =	sand.u32 $0x1, s1  }
0x8c: {  	s16 =	sshll.u32 s0, $0xA;
	s2 =	sadd.s32 s3, s2  }
0x8d: {  	s2 =	sadd.s32 s2, s16  }
0x8e: {  	[smem:$0x3FBA] =	sst s2  }
0x8f: {  	_ = 	snop  }
0x90: {  	(tm) =	ssettm $0x1  }
0x91: {  	s17 =	sld [smem:$0x3FFB];
	_ =	sdelay $0x3  }
0x92: {  	_ =	strace s17  }
0x93: {  	s2 =	sld [smem:$0x3FFC];
	_ =	sdelay $0x3  }
0x94: {  	_ =	strace s2  }
0x95: {  	s2 =	sld [smem:$0x3FFD];
	_ =	sdelay $0x3  }
0x96: {  	_ =	strace s2  }
0x97: {  	_ =	strace $0x8FFFFFFF  }
0x98: {  	s18 =	sld [smem:$0x3FDB];
	_ =	sdelay $0x1  }
0x99: {  	s19 =	simm.s32 $_scs_section_size  }
0x9a: {  	s4 =	simm.s32 $_size__tile_overlayer_lowered;
	s5 =	simm.s32 $_tile_overlayer_lowered  }
0x9b: {  	s22 =	simm.s32 $0x1BFF;
	s21 =	sshll.u32 s5, $0x1;
	s2 =	sadd.s32 s19, s18  }
0x9c: {  	s6 =	simm.s32 $0x0;
	s20 =	sshll.u32 s4, $0x1;
	s4 =	sadd.s32 s21, s2  }
0x9d: {  	[timem:s6], [sflag:s22] =	dma.local [hbm:s4], s20  }
0x9e: {  	_ =	swait.ge [sflag:s22], s20  }
0x9f: {  	s3 =	ssub.s32 $0x0, s20;
	[sflag:s22] =	ssyncset.done $0x0  }
0xa0: {  	[sflag:s22] =	ssyncadd.s32 s3;
	_ =	sdelay $0x1  }
0xa1: {  	s23 =	simm.s32 $0x1B8B  }
0xa2: {  	_ =	swait.ge [sflag:s23], $0x1  }
0xa3: {  	[sflag:s23] =	ssyncset.done $0x0  }
0xa4: {  	s25 =	simm.s32 $0x1B8E;
	s24 =	sld [smem:$0x3FFE];
	[sflag:s23] =	ssyncadd.s32 $0xFFFFFFFF  }
0xa5: {  	s26 =	simm.s32 $execute0_lowered;
	[smem:$0x3FD2] =	sst s25  }
0xa6: {  	s4 =	sshll.u32 s26, $0x1;
	_ =	strace $0x8000004C;
	[dreg:$0x1] =	wrdreg $0xFFFFFFFF  }
0xa7: {  	s28 =	simm.s32 $_size_execute0_lowered;
	s2 =	sadd.s32 s2, s4;
	[dreg:$0x0] =	wrdreg $0x0  }
0xa8: {  	s4 =	sshll.u32 s28, $0x1;
	[dreg:$0x2] =	wrdreg s2  }
0xa9: {  	[dreg:$0x3] =	wrdreg s4  }
0xaa: {  	[dreg:$0x4] =	wrdreg $0xC0  }
0xab: {  	_ =	task [dreg:s6], $0x5FFFF  }
0xac: {  	[dreg:$0x1] =	wrdreg $0xFFFFFFFF  }
0xad: {  	[dreg:$0x0] =	wrdreg $0x60  }
0xae: {  	[dreg:$0x2] =	wrdreg s24  }
0xaf: {  	[dreg:$0x3] =	wrdreg $0xF8000  }
0xb0: {  	[dreg:$0x4] =	wrdreg $0x9  }
0xb1: {  	_ =	task.clear_ibuf [dreg:s6], $0x5FFFF;
	_ =	strace $0x9000004C  }
0xb2: {  	s29 =	simm.s32 $0x9;
	_ =	strace $0x8000004E  }
0xb3: {  	_ =	swait.ge [sflag:s29], $0x1  }
0xb4: {  	[sflag:s29] =	ssyncadd.s32 $0xFFFFFFFF  }
0xb5: {  	_ =	strace $0x9000004E  }
0xb6: {  	_ =	sfence  }
0xb7: {  	s30 =	sld [smem:$0x0];
	_ =	sdelay $0x2  }
0xb8: {  	s31 =	sshll.u32 s1, $0xD;
	s1 =	sshrl.u32 s1, $0x2  }
0xb9: {  	s3 =	sand.u32 $0x4000, s31;
	s1 =	sadd.s32 s1, s30  }
0xba: {  	s0 =	sor.u32 s3, s0;
	s1 =	sshll.u32 s1, $0x11  }
0xbb: {  	s0 =	sor.u32 s1, s0  }
0xbc: {  	s0 =	sadd.s32 $0x8F2B, s0  }
0xbd: {  	[sflag:s0] =	ssyncadd.remote.s32 $0x1  }
0xbe: {  	_ =	sfence.sel $0xFFFF  }
0xbf: {  	[dreg:$0x0] =	wrdreg $0xFFFFFFFF;
	(pc) =	sbr.abs _section_cstart, $3  }
0xc0: {  	[dreg:$0x1] =	wrdreg $0xFFFFFFFF  }
0xc1: {  	_ =	task.clear_ibuf [dreg:s6], $0x2FFFF;
	_ =	strace $0x9FFFFFFF  }
0xc2: {  	(tm) =	ssettm $0x7FFFFFFF  }
0xc3: {  	_ =	shalt  }
tec
execute0_lowered:
.L_overlay_start_1:
0x0: {  	(tag) =	ssettag $0x1  }
0x1: {  	s1 =	rddreg [dreg:$0x0]  }
0x2: {  	s3 =	srdreg.scid;
	s0 =	stileid.u32  }
0x3: {  	s2 =	rddreg [dreg:$0x1];
	s18 =	simm.s32 $0x7800;
	s19 =	simm.s32 $0x80  }
0x4: {  	s20 =	simm.s32 $0x1;
	s21 =	simm.s32 $0xB800;
	s9 =	smul.u32 $0x29000, s0  }
0x5: {  	s22 =	simm.s32 $0x2;
	s30 =	simm.s32 $0x7700;
	s10 =	smul.u32 $0xA000, s0  }
0x6: {  	s31 =	simm.s32 $0x7780;
	s5 =	sand.u32 $0x1, s3;
	s11 =	smul.u32 $0x28000, s0  }
0x7: {  	s4 =	sshll.u32 s0, $0x1;
	s3 =	simm.s32 $0x0;
	s15 =	smul.u32 $0x9C00, s0  }
0x8: {  	s17 =	smul.u32 $0x27000, s0;
	p0 =	seq.s32 s0, $0xF;
	s4 =	sor.u32 s5, s4  }
0x9: {  	[smem:$0x7FF] =	sst s3;
	s7 =	ssub.s32 $0x2, s5;
	s12 =	smul.u32 $0x138800, s5  }
0xa: {  	s6 =	smul.u32 $0x500, s4;
	_ =	strace $0x8000004D;
	s4 =	sadd.s32 $0x23A00, s1  }
0xb: {  	s24 =	sshrl.u32 s7, $0x1;
	s25 =	sshrl.u32 s9, $0x2;
	s16 =	sshrl.u32 s11, $0x2  }
0xc: {  	s28 =	sshrl.u32 s17, $0x2;
	s14 =	ssub.s32 s7, s24;
	s13 =	sadd.s32 s10, s12  }
0xd: {  	s15 =	sadd.s32 s12, s15;
	s16 =	sadd.s32 s16, s2;
	s29 =	sshrl.u32 s12, $0x3  }
0xe: {  	s8 =	sadd.s32 s6, s1;
	s1 =	sadd.s32 $0x72200, s1;
	s13 =	sshrl.u32 s13, $0x3  }
0xf: {  	s26 =	sshrl.u32 s15, $0x3;
	s14 =	smax.u32 s14, $0x1;
	s15 =	simm.s32 $0x3  }
0x10: {  	s23 =	sshrl.u32 s16, $0x3;
	s5 =	sadd.s32 $0x19A00, s8;
	s6 =	sadd.s32 $0xFA00, s8  }
0x11: {  	s7 =	sadd.s32 $0x5A00, s8;
	s8 =	sadd.s32 s25, s2;
	s11 =	sadd.s32 s1, s13  }
0x12: {  	s13 =	sadd.s32 s1, s26;
	s25 =	sadd.s32 s28, s2;
	s1 =	sadd.s32 s1, s29  }
0x13: {  	s26 =	simm.s32 $0x2780;
	s9 =	sadd.s32 $0x4000, s8;
	s10 =	sadd.s32 $0x8000, s8  }
0x14: {  	s12 =	sadd.s32 $0x14000, s13;
	s13 =	sadd.s32 $0x26480, s1;
	s1 =	sadd.s32 $0x92400, s2  }
0x15: {  	v0 =	vimm.f32 $0.0e+00;
	s25 =	sshrl.u32 @!p0 s25, $0x3;
	s24 =	sshrl.u32 @p0 s1, $0x3;
	s1 =	simm.s32 $0x0  }
.LBB2_1:
0x16: {  	[tilespmem:s3], [sflag:$0x3] =	stream.linear.gather [hbm4b:s5+s3], $0x2800, $0x38;
	[tilespmem:$0x19C00] =	vst v63  }
0x17: {  	_ =	swait.ge [sflag:s15], $0x2800  }
0x18: {  	[sflag:s15] =	ssyncset.done $0x0  }
0x19: {  	s16 =	simm.s32 $0x2800;
	[sflag:s15] =	ssyncadd.s32 $0xFFFFD800  }
0x1a: {  	[tilespmem:s16], [sflag:$0x3] =	stream.linear.gather [hbm4b:s6+s3], $0x2800, $0x38;
	[tilespmem:$0x19C00] =	vst v63  }
0x1b: {  	_ =	swait.ge [sflag:s15], $0x2800  }
0x1c: {  	[sflag:s15] =	ssyncset.done $0x0  }
0x1d: {  	s29 =	simm.s32 $0x5000;
	[sflag:s15] =	ssyncadd.s32 $0xFFFFD800  }
0x1e: {  	[tilespmem:s29], [sflag:$0x3] =	stream.linear.gather [hbm4b:s7+s3], $0x2800, $0x38;
	[tilespmem:$0x19C00] =	vst v63  }
0x1f: {  	_ =	swait.ge [sflag:s15], $0x2800  }
0x20: {  	[sflag:s15] =	ssyncset.done $0x0  }
0x21: {  	s17 =	simm.s32 $0x200;
	s16 =	simm.s32 $0x0;
	[sflag:s15] =	ssyncadd.s32 $0xFFFFD800  }
.LBB2_2:
0x22: {  	p1 =	sne.s32 s17, $0xFE00;
	[tilespmem:s16+$0x7870] =	vst v0  }
0x23: {  	[tilespmem:s16+$0x7800] =	vst v0  }
0x24: {  	[tilespmem:s16+$0x7810] =	vst v0  }
.Ltmp0:
0x25: {  	[tilespmem:s16+$0x7820] =	vst v0;
	(pc) =	sbr.rel @p1 .LBB2_2-.Ltmp0, $4  }
0x26: {  	[tilespmem:s16+$0x7830] =	vst v0  }
0x27: {  	[tilespmem:s16+$0x7840] =	vst v0  }
0x28: {  	[tilespmem:s16+$0x7850] =	vst v0  }
0x29: {  	[tilespmem:s16+$0x7860] =	vst v0;
	s16 =	sshra.s32 s17, $0x2;
	s17 =	sadd.s32 $0x200, s17  }
0x2a: {  	[tilespmem:s16+$0x7870] =	vst v0  }
0x2b: {  	[tilespmem:s16+$0x7800] =	vst v0  }
0x2c: {  	[tilespmem:s16+$0x7810] =	vst v0  }
0x2d: {  	[tilespmem:s16+$0x7820] =	vst v0  }
0x2e: {  	[tilespmem:s16+$0x7830] =	vst v0  }
0x2f: {  	[tilespmem:s16+$0x7840] =	vst v0  }
0x30: {  	[tilespmem:s16+$0x7850] =	vst v0  }
0x31: {  	[tilespmem:s16+$0x7860] =	vst v0  }
0x32: {  	[spmem:s8] =	stream.linear.scatter [tilespmem:s18], [sflag:$0x3], $0x4000, $0x38;
	[tilespmem:$0x19C00] =	vst v63  }
0x33: {  	_ =	swait.ge [sflag:s15], $0x4000  }
0x34: {  	[sflag:s15] =	ssyncset.done $0x0  }
0x35: {  	[sflag:s15] =	ssyncadd.s32 $0xFFFFC000  }
0x36: {  	[spmem:s9] =	stream.linear.scatter [tilespmem:s18], [sflag:$0x3], $0x4000, $0x38;
	[tilespmem:$0x19C00] =	vst v63  }
0x37: {  	_ =	swait.ge [sflag:s15], $0x4000  }
0x38: {  	[sflag:s15] =	ssyncset.done $0x0  }
0x39: {  	[sflag:s15] =	ssyncadd.s32 $0xFFFFC000  }
0x3a: {  	[spmem:s10] =	stream.linear.scatter [tilespmem:s18], [sflag:$0x3], $0x2400, $0x38;
	[tilespmem:$0x19C00] =	vst v63  }
0x3b: {  	_ =	swait.ge [sflag:s15], $0x2400  }
0x3c: {  	[sflag:s15] =	ssyncset.done $0x0  }
0x3d: {  	[sflag:s15] =	ssyncadd.s32 $0xFFFFDC00  }
0x3e: {  	s28 =	simm.s32 $0x0;
	[bflag:$0x0] =	sbarrier.arrive $0xFFFF  }
0x3f: {  	[tilespmem:s18], [sflag:$0x1] =	stream.indirect.gather [hbm4b:s4+s19], $0x80, s28, s19, $0xb8;
	[tilespmem:$0x19C00] =	vst v63  }
0x40: {  	_ =	swait.ge [sflag:s20], $0x4000  }
0x41: {  	[sflag:s20] =	ssyncset.done $0x0  }
0x42: {  	s29 =	simm.s32 $0x80;
	[sflag:s20] =	ssyncadd.s32 $0xFFFFC000  }
0x43: {  	[tilespmem:s21], [sflag:$0x2] =	stream.indirect.gather [hbm4b:s4+s19], $0x80, s29, s19, $0xb8;
	[tilespmem:$0x19C00] =	vst v63  }
0x44: {  	s17 =	simm.s32 $0x2800  }
0x45: {  	[spmem:s2] =	stream.indirect.scatter.add.f32 [tilespmem:s18], [sflag:$0x3], $0x80, s17, s19, $0xb8;
	[tilespmem:$0x19C00] =	vst v63  }
0x46: {  	_ =	swait.ge [sflag:s15], $0x4000  }
0x47: {  	[sflag:s15] =	ssyncset.done $0x0  }
0x48: {  	s28 =	simm.s32 $0x100;
	[sflag:s15] =	ssyncadd.s32 $0xFFFFC000  }
0x49: {  	[tilespmem:s18], [sflag:$0x1] =	stream.indirect.gather [hbm4b:s4+s19], $0x80, s28, s19, $0xb8;
	[tilespmem:$0x19C00] =	vst v63  }
0x4a: {  	_ =	swait.ge [sflag:s22], $0x4000  }
0x4b: {  	[sflag:s22] =	ssyncset.done $0x0  }
0x4c: {  	s29 =	simm.s32 $0x2880;
	[sflag:s22] =	ssyncadd.s32 $0xFFFFC000  }
0x4d: {  	[spmem:s2] =	stream.indirect.scatter.add.f32 [tilespmem:s21], [sflag:$0x3], $0x80, s29, s19, $0xb8;
	[tilespmem:$0x19C00] =	vst v63  }
0x4e: {  	_ =	swait.ge [sflag:s15], $0x4000  }
0x4f: {  	s16 =	simm.s32 $0x400;
	[sflag:s15] =	ssyncset.done $0x0  }
.LBB2_4:
0x50: {  	p1 =	sne.s32 s16, $0x9800  }
0x51: {  	[sflag:s15] =	ssyncadd.s32 $0xFFFFC000;
	s17 =	smov.u32 s16;
	s16 =	sadd.s32 $0x400, s16  }
0x52: {  	_ =	swait.ge [sflag:s20], $0x4000  }
0x53: {  	s17 =	sshra.s32 s17, $0x2;
	[sflag:s20] =	ssyncset.done $0x0  }
0x54: {  	s28 =	sadd.s32 $0x80, s17;
	[sflag:s20] =	ssyncadd.s32 $0xFFFFC000  }
0x55: {  	[tilespmem:s21], [sflag:$0x2] =	stream.indirect.gather [hbm4b:s4+s19], $0x80, s28, s19, $0xb8;
	[tilespmem:$0x19C00] =	vst v63  }
0x56: {  	s28 =	sadd.s32 $0x2800, s17  }
0x57: {  	[spmem:s2] =	stream.indirect.scatter.add.f32 [tilespmem:s18], [sflag:$0x3], $0x80, s28, s19, $0xb8;
	[tilespmem:$0x19C00] =	vst v63  }
0x58: {  	_ =	swait.ge [sflag:s15], $0x4000  }
0x59: {  	[sflag:s15] =	ssyncset.done $0x0  }
0x5a: {  	s28 =	sadd.s32 $0x100, s17;
	[sflag:s15] =	ssyncadd.s32 $0xFFFFC000  }
0x5b: {  	[tilespmem:s18], [sflag:$0x1] =	stream.indirect.gather [hbm4b:s4+s19], $0x80, s28, s19, $0xb8;
	[tilespmem:$0x19C00] =	vst v63  }
0x5c: {  	_ =	swait.ge [sflag:s22], $0x4000  }
.Ltmp1:
0x5d: {  	[sflag:s22] =	ssyncset.done $0x0;
	(pc) =	sbr.rel @p1 .LBB2_4-.Ltmp1, $4  }
0x5e: {  	s17 =	sadd.s32 $0x2880, s17;
	[sflag:s22] =	ssyncadd.s32 $0xFFFFC000  }
0x5f: {  	[spmem:s2] =	stream.indirect.scatter.add.f32 [tilespmem:s21], [sflag:$0x3], $0x80, s17, s19, $0xb8;
	[tilespmem:$0x19C00] =	vst v63  }
0x60: {  	_ =	swait.ge [sflag:s15], $0x4000  }
0x61: {  	[sflag:s15] =	ssyncset.done $0x0  }
0x62: {  	[sflag:s15] =	ssyncadd.s32 $0xFFFFC000  }
0x63: {  	_ =	swait.ge [sflag:s20], $0x4000  }
0x64: {  	[sflag:s20] =	ssyncset.done $0x0  }
0x65: {  	[sflag:s20] =	ssyncadd.s32 $0xFFFFC000  }
0x66: {  	[tilespmem:s21], [sflag:$0x2] =	stream.indirect.gather [hbm4b:s4+s19], $0x80, s26, s19, $0xb8;
	[tilespmem:$0x19C00] =	vst v63  }
0x67: {  	s16 =	simm.s32 $0x4F00  }
0x68: {  	[spmem:s2] =	stream.indirect.scatter.add.f32 [tilespmem:s18], [sflag:$0x3], $0x80, s16, s19, $0xb8;
	[tilespmem:$0x19C00] =	vst v63  }
0x69: {  	_ =	swait.ge [sflag:s15], $0x4000  }
0x6a: {  	[sflag:s15] =	ssyncset.done $0x0  }
0x6b: {  	s29 =	simm.s32 $0x0;
	[sflag:s15] =	ssyncadd.s32 $0xFFFFC000  }
0x6c: {  	[tilespmem:s18], [sflag:$0x1] =	stream.indirect.gather [hbm4b:s4+s19], $0x80, s29, s19, $0xb8;
	[tilespmem:$0x19C00] =	vst v63  }
0x6d: {  	_ =	swait.ge [sflag:s22], $0x4000  }
0x6e: {  	[sflag:s22] =	ssyncset.done $0x0  }
0x6f: {  	s17 =	simm.s32 $0x4F80;
	[sflag:s22] =	ssyncadd.s32 $0xFFFFC000  }
0x70: {  	[spmem:s2] =	stream.indirect.scatter.add.f32 [tilespmem:s21], [sflag:$0x3], $0x80, s17, s19, $0xb8;
	[tilespmem:$0x19C00] =	vst v63  }
0x71: {  	_ =	swait.ge [sflag:s15], $0x4000  }
0x72: {  	[sflag:s15] =	ssyncset.done $0x0  }
0x73: {  	[sflag:s15] =	ssyncadd.s32 $0xFFFFC000  }
0x74: {  	_ =	swait.ge [sflag:s20], $0x4000  }
0x75: {  	[sflag:s20] =	ssyncset.done $0x0  }
0x76: {  	s29 =	sshll.u32 s0, $0x6;
	[sflag:s20] =	ssyncadd.s32 $0xFFFFC000  }
0x77: {  	s16 =	sor.u32 $0x1C03, s29;
	[bflag:$0x0] =	sbarrier.arrive $0xFFFF  }
0x78: {  	[hbm:s11], [sflag:s16] =	dma.local [spmem:s23], $0x1400  }
0x79: {  	_ =	swait.ge [sflag:s15], $0x1400  }
0x7a: {  	[sflag:s15] =	ssyncset.done $0x0  }
0x7b: {  	[sflag:s15] =	ssyncadd.s32 $0xFFFFEC00  }
0x7c: {  	s28 =	simm.s32 $0x200;
	s17 =	simm.s32 $0x0;
	[bflag:$0x0] =	sbarrier.arrive $0xFFFF  }
.LBB2_6:
0x7d: {  	p1 =	sne.s32 s28, $0xFE00;
	[tilespmem:s17+$0x7870] =	vst v0  }
0x7e: {  	[tilespmem:s17+$0x7800] =	vst v0  }
0x7f: {  	[tilespmem:s17+$0x7810] =	vst v0  }
.Ltmp2:
0x80: {  	[tilespmem:s17+$0x7820] =	vst v0;
	(pc) =	sbr.rel @p1 .LBB2_6-.Ltmp2, $4  }
0x81: {  	[tilespmem:s17+$0x7830] =	vst v0  }
0x82: {  	[tilespmem:s17+$0x7840] =	vst v0  }
0x83: {  	[tilespmem:s17+$0x7850] =	vst v0  }
0x84: {  	[tilespmem:s17+$0x7860] =	vst v0;
	s17 =	sshra.s32 s28, $0x2;
	s28 =	sadd.s32 $0x200, s28  }
0x85: {  	[tilespmem:s17+$0x7870] =	vst v0  }
0x86: {  	[tilespmem:s17+$0x7800] =	vst v0  }
0x87: {  	[tilespmem:s17+$0x7810] =	vst v0  }
0x88: {  	[tilespmem:s17+$0x7820] =	vst v0  }
0x89: {  	[tilespmem:s17+$0x7830] =	vst v0  }
0x8a: {  	[tilespmem:s17+$0x7840] =	vst v0  }
0x8b: {  	[tilespmem:s17+$0x7850] =	vst v0  }
0x8c: {  	[tilespmem:s17+$0x7860] =	vst v0  }
0x8d: {  	[spmem:s8] =	stream.linear.scatter [tilespmem:s18], [sflag:$0x3], $0x4000, $0x38;
	[tilespmem:$0x19C00] =	vst v63  }
0x8e: {  	_ =	swait.ge [sflag:s15], $0x4000  }
0x8f: {  	[sflag:s15] =	ssyncset.done $0x0  }
0x90: {  	[sflag:s15] =	ssyncadd.s32 $0xFFFFC000  }
0x91: {  	[spmem:s9] =	stream.linear.scatter [tilespmem:s18], [sflag:$0x3], $0x4000, $0x38;
	[tilespmem:$0x19C00] =	vst v63  }
0x92: {  	_ =	swait.ge [sflag:s15], $0x4000  }
0x93: {  	[sflag:s15] =	ssyncset.done $0x0  }
0x94: {  	[sflag:s15] =	ssyncadd.s32 $0xFFFFC000  }
0x95: {  	[spmem:s10] =	stream.linear.scatter [tilespmem:s18], [sflag:$0x3], $0x2400, $0x38;
	[tilespmem:$0x19C00] =	vst v63  }
0x96: {  	_ =	swait.ge [sflag:s15], $0x2400  }
0x97: {  	[sflag:s15] =	ssyncset.done $0x0  }
0x98: {  	[sflag:s15] =	ssyncadd.s32 $0xFFFFDC00  }
0x99: {  	s29 =	simm.s32 $0x0;
	[bflag:$0x0] =	sbarrier.arrive $0xFFFF  }
0x9a: {  	[tilespmem:s18], [sflag:$0x1] =	stream.indirect.gather [hbm4b:s4+s19], $0x80, s29, s19, $0xb8;
	[tilespmem:$0x19C00] =	vst v63  }
0x9b: {  	_ =	swait.ge [sflag:s20], $0x4000  }
0x9c: {  	[sflag:s20] =	ssyncset.done $0x0  }
0x9d: {  	s28 =	simm.s32 $0x80;
	[sflag:s20] =	ssyncadd.s32 $0xFFFFC000  }
0x9e: {  	[tilespmem:s21], [sflag:$0x2] =	stream.indirect.gather [hbm4b:s4+s19], $0x80, s28, s19, $0xb8;
	[tilespmem:$0x19C00] =	vst v63  }
0x9f: {  	s29 =	simm.s32 $0x5000  }
0xa0: {  	[spmem:s2] =	stream.indirect.scatter.add.f32 [tilespmem:s18], [sflag:$0x3], $0x80, s29, s19, $0xb8;
	[tilespmem:$0x19C00] =	vst v63  }
0xa1: {  	_ =	swait.ge [sflag:s15], $0x4000  }
0xa2: {  	[sflag:s15] =	ssyncset.done $0x0  }
0xa3: {  	s28 =	simm.s32 $0x100;
	[sflag:s15] =	ssyncadd.s32 $0xFFFFC000  }
0xa4: {  	[tilespmem:s18], [sflag:$0x1] =	stream.indirect.gather [hbm4b:s4+s19], $0x80, s28, s19, $0xb8;
	[tilespmem:$0x19C00] =	vst v63  }
0xa5: {  	_ =	swait.ge [sflag:s22], $0x4000  }
0xa6: {  	[sflag:s22] =	ssyncset.done $0x0  }
0xa7: {  	s29 =	simm.s32 $0x5080;
	[sflag:s22] =	ssyncadd.s32 $0xFFFFC000  }
0xa8: {  	[spmem:s2] =	stream.indirect.scatter.add.f32 [tilespmem:s21], [sflag:$0x3], $0x80, s29, s19, $0xb8;
	[tilespmem:$0x19C00] =	vst v63  }
0xa9: {  	_ =	swait.ge [sflag:s15], $0x4000  }
0xaa: {  	s17 =	simm.s32 $0x400;
	[sflag:s15] =	ssyncset.done $0x0  }
.LBB2_8:
0xab: {  	p1 =	sne.s32 s17, $0x9800  }
0xac: {  	[sflag:s15] =	ssyncadd.s32 $0xFFFFC000;
	s28 =	smov.u32 s17;
	s17 =	sadd.s32 $0x400, s17  }
0xad: {  	_ =	swait.ge [sflag:s20], $0x4000  }
0xae: {  	s28 =	sshra.s32 s28, $0x2;
	[sflag:s20] =	ssyncset.done $0x0  }
0xaf: {  	s29 =	sadd.s32 $0x80, s28;
	[sflag:s20] =	ssyncadd.s32 $0xFFFFC000  }
0xb0: {  	[tilespmem:s21], [sflag:$0x2] =	stream.indirect.gather [hbm4b:s4+s19], $0x80, s29, s19, $0xb8;
	[tilespmem:$0x19C00] =	vst v63  }
0xb1: {  	s29 =	sadd.s32 $0x5000, s28  }
0xb2: {  	[spmem:s2] =	stream.indirect.scatter.add.f32 [tilespmem:s18], [sflag:$0x3], $0x80, s29, s19, $0xb8;
	[tilespmem:$0x19C00] =	vst v63  }
0xb3: {  	_ =	swait.ge [sflag:s15], $0x4000  }
0xb4: {  	[sflag:s15] =	ssyncset.done $0x0  }
0xb5: {  	s29 =	sadd.s32 $0x100, s28;
	[sflag:s15] =	ssyncadd.s32 $0xFFFFC000  }
0xb6: {  	[tilespmem:s18], [sflag:$0x1] =	stream.indirect.gather [hbm4b:s4+s19], $0x80, s29, s19, $0xb8;
	[tilespmem:$0x19C00] =	vst v63  }
0xb7: {  	_ =	swait.ge [sflag:s22], $0x4000  }
.Ltmp3:
0xb8: {  	[sflag:s22] =	ssyncset.done $0x0;
	(pc) =	sbr.rel @p1 .LBB2_8-.Ltmp3, $4  }
0xb9: {  	s28 =	sadd.s32 $0x5080, s28;
	[sflag:s22] =	ssyncadd.s32 $0xFFFFC000  }
0xba: {  	[spmem:s2] =	stream.indirect.scatter.add.f32 [tilespmem:s21], [sflag:$0x3], $0x80, s28, s19, $0xb8;
	[tilespmem:$0x19C00] =	vst v63  }
0xbb: {  	_ =	swait.ge [sflag:s15], $0x4000  }
0xbc: {  	[sflag:s15] =	ssyncset.done $0x0  }
0xbd: {  	[sflag:s15] =	ssyncadd.s32 $0xFFFFC000  }
0xbe: {  	_ =	swait.ge [sflag:s20], $0x4000  }
0xbf: {  	[sflag:s20] =	ssyncset.done $0x0  }
0xc0: {  	[sflag:s20] =	ssyncadd.s32 $0xFFFFC000  }
0xc1: {  	[tilespmem:s21], [sflag:$0x2] =	stream.indirect.gather [hbm4b:s4+s19], $0x80, s26, s19, $0xb8;
	[tilespmem:$0x19C00] =	vst v63  }
0xc2: {  	_ = 	snop  }
0xc3: {  	[spmem:s2] =	stream.indirect.scatter.add.f32 [tilespmem:s18], [sflag:$0x3], $0x80, s30, s19, $0xb8;
	[tilespmem:$0x19C00] =	vst v63  }
0xc4: {  	_ =	swait.ge [sflag:s15], $0x4000  }
0xc5: {  	[sflag:s15] =	ssyncset.done $0x0  }
0xc6: {  	[sflag:s15] =	ssyncadd.s32 $0xFFFFC000  }
0xc7: {  	[tilespmem:s18], [sflag:$0x1] =	stream.indirect.gather [hbm4b:s4+s19], $0x80, s3, s19, $0xb8;
	[tilespmem:$0x19C00] =	vst v63  }
0xc8: {  	_ =	swait.ge [sflag:s22], $0x4000  }
0xc9: {  	[sflag:s22] =	ssyncset.done $0x0  }
0xca: {  	[sflag:s22] =	ssyncadd.s32 $0xFFFFC000  }
0xcb: {  	[spmem:s2] =	stream.indirect.scatter.add.f32 [tilespmem:s21], [sflag:$0x3], $0x80, s31, s19, $0xb8;
	[tilespmem:$0x19C00] =	vst v63  }
0xcc: {  	_ =	swait.ge [sflag:s15], $0x4000  }
0xcd: {  	[sflag:s15] =	ssyncset.done $0x0  }
0xce: {  	[sflag:s15] =	ssyncadd.s32 $0xFFFFC000  }
0xcf: {  	_ =	swait.ge [sflag:s20], $0x4000  }
0xd0: {  	[sflag:s20] =	ssyncset.done $0x0  }
0xd1: {  	[sflag:s20] =	ssyncadd.s32 $0xFFFFC000  }
0xd2: {  	s17 =	simm.s32 @p0 $0x3;
	[bflag:$0x0] =	sbarrier.arrive $0xFFFF  }
0xd3: {  	[hbm:s13], [sflag:s16] =	dma.local @p0 [spmem:s24], $0xC80  }
0xd4: {  	_ =	swait.ge @p0 [sflag:s17], $0xC80  }
0xd5: {  	[sflag:s17] =	ssyncset.done @p0 $0x0  }
0xd6: {  	s1 =	sadd.s32 $0x1, s1;
	[sflag:s17] =	ssyncadd.s32 @p0 $0xFFFFF380  }
0xd7: {  	[hbm:s12], [sflag:s16] =	dma.local @!p0 [spmem:s25], $0x1380  }
0xd8: {  	p1 =	sne.s32 s1, s14;
	s16 =	simm.s32 @!p0 $0x3  }
.Ltmp4:
0xd9: {  	_ =	swait.ge @!p0 [sflag:s16], $0x1380;
	(pc) =	sbr.rel @p1 .LBB2_1-.Ltmp4, $3  }
0xda: {  	[sflag:s16] =	ssyncset.done @!p0 $0x0  }
0xdb: {  	[sflag:s16] =	ssyncadd.s32 @!p0 $0xFFFFEC80  }
0xdc: {  	[bflag:$0x0] =	sbarrier.arrive $0xFFFF;
	_ =	sdelay $0x1  }
0xdd: {  	_ =	sfence.sel $0x180000  }
0xde: {  	[bflag:$0x0] =	sbarrier.arrive $0xFFFF  }
0xdf: {  	_ =	strace $0x9000004D  }
0xe0: {  	[bflag:$0x2] =	sbarrier.arrive $0xFFFF  }
0xe1: {  	p0 =	sne.s32 s0, $0x0;
	s0 =	rddreg [dreg:$0x2]  }
0xe2: {  	s0 =	sadd.s32 @!p0 $0x100000, s0  }
0xe3: {  	[sflag:s0] =	ssyncadd.tile.s32 @!p0 $0x1;
	_ =	shalt  }
.Lfunc_end2:
_tile_overlayer_lowered:
.L_overlay_start_2:
0xe4: {  	(tag) =	ssettag $0x2  }
0xe5: {  	s0 =	rddreg [dreg:$0x0];
	s2 =	stileid.u32  }
0xe6: {  	s1 =	rddreg [dreg:$0x1];
	p0 =	sne.s32 s2, $0x0  }
0xe7: {  	s3 =	rddreg [dreg:$0x2];
	[bflag:$0x3] =	sbarrier.arrive $0xFFFF;
	s2 =	simm.s32 @!p0 $0x1C03  }
0xe8: {  	[timem:s3], [sflag:s2] =	dma.local @!p0 [hbm:s0], s1  }
0xe9: {  	s0 =	simm.s32 @!p0 $0x3  }
0xea: {  	_ =	swait.ge @!p0 [sflag:s0], s1  }
0xeb: {  	s1 =	ssub.s32 @!p0 $0x0, s1;
	[sflag:s0] =	ssyncset.done @!p0 $0x0  }
0xec: {  	[sflag:s0] =	ssyncadd.s32 @!p0 s1  }
0xed: {  	[bflag:$0x3] =	sbarrier.arrive $0xFFFF  }
0xee: {  	_ =	shalt  }

// kernel: kernel.19.cloned.1.call-start
scs
__scs_entry_jumppad:
0x0: {  	(pc) =	sbr.rel $0x88, $3  }
0x1: {  	(tag) =	ssettag $0x0;
	lr =	simm.s32 $0x1  }
0x2: {  	[smem:$0x3F93] =	sst lr;
	_ =	strace $0xD0000000  }
0x3: {  	_ = 	snop  }
0x4: {  	_ = 	snop  }
0x5: {  	_ = 	snop  }
0x6: {  	_ = 	snop  }
0x7: {  	_ = 	snop  }
__scs_overlays_trampoline_lowered:
0x8: {  	[smem:$0x3FA2] =	sst s0  }
0x9: {  	[smem:$0x3FA3] =	sst s1  }
0xa: {  	[smem:$0x3FA4] =	sst s2  }
0xb: {  	[smem:$0x3FA5] =	sst s3  }
0xc: {  	[smem:$0x3FA6] =	sst s4  }
0xd: {  	[smem:$0x3FA7] =	sst s5  }
0xe: {  	[smem:$0x3FA8] =	sst s6  }
0xf: {  	[smem:$0x3FA9] =	sst s7  }
0x10: {  	[smem:$0x3FAA] =	sst s8  }
0x11: {  	[smem:$0x3FAB] =	sst s9;
	s0 =	simm.s32 @!p0 $0x0  }
0x12: {  	s1 =	sld [smem:$0x3F91];
	s0 =	simm.s32 @p0 $0x1  }
0x13: {  	[smem:$0x3FAC] =	sst s0;
	s0 =	simm.s32 @!p1 $0x0  }
0x14: {  	s2 =	sld [smem:$0x3F90];
	s0 =	simm.s32 @p1 $0x1  }
0x15: {  	[smem:$0x3FAD] =	sst s0;
	s0 =	simm.s32 @!p2 $0x0  }
0x16: {  	s3 =	sld [smem:$0x3FDB];
	s0 =	simm.s32 @p2 $0x1  }
0x17: {  	s4 =	simm.s32 $0x1BF5;
	[smem:$0x3FAF] =	sst s0  }
0x18: {  	s0 =	sld [smem:$0x3F92];
	_ =	swait.ge [sflag:s4], $0x0  }
0x19: {  	s7 =	sld [smem:$0x3F93]  }
0x1a: {  	s8 =	sadd.s32 $0xFFFFE003, lr  }
0x1b: {  	s9 =	sadd.s32 $0xFFFFFEF7, lr;
	s5 =	simm.s32 $0xFFFFFFFF;
	p2 =	slt.u32 s8, $0xFFFFF086  }
0x1c: {  	p1 =	slt.u32 s9, $0xF7A;
	s5 =	simm.s32 @!p2 $0x0  }
0x1d: {  	s5 =	simm.s32 @p1 $0x1;
	p0 =	seq.s32 s7, s2  }
0x1e: {  	s7 =	smul.u32 @!p0 $0xF7A, s2;
	p2 =	seq.s32 @!p0 s5, $0x0  }
0x1f: {  	s9 =	smul.u32 $0xF7A, s1;
	s8 =	simm.s32 @!p0 $0x1BF5;
	p2 =	por !p2, p0  }
0x20: {  	[sflag:s8] =	ssyncset.s32 @!p0 $0xFFFFF086;
	s6 =	sadd.s32 @!p0 s3, s7;
	s7 =	simm.s32 @!p0 $0x108  }
0x21: {  	s3 =	sadd.s32 s3, s9;
	s6 =	sadd.s32 @!p0 $0x88, s6;
	s7 =	simm.s32 @p2 $0x1082  }
0x22: {  	[simem:s7], [sflag:s8] =	dma.local @!p0 [hbm:s6], $0xF7A  }
0x23: {  	s9 =	sor.u32 $0xD0000000, s2;
	s6 =	simm.s32 $0x108;
	_ =	swait.ge @!p0 [sflag:s8], $0x0  }
0x24: {  	s3 =	sadd.s32 $0x88, s3;
	s6 =	simm.s32 @!p1 $0x1082;
	[sflag:s4] =	ssyncset.s32 $0xFFFFF086  }
0x25: {  	[simem:s6], [sflag:s4] =	dma.local [hbm:s3], $0xF7A  }
0x26: {  	[smem:$0x3F93] =	sst s1;
	(tag) =	ssettag s2;
	_ =	strace s9  }
0x27: {  	s1 =	sld [smem:$0x3FA3]  }
0x28: {  	s2 =	sld [smem:$0x3FA4]  }
0x29: {  	s4 =	sld [smem:$0x3FA6]  }
0x2a: {  	p0 =	seq.s32 s5, $0x0;
	s5 =	sld [smem:$0x3FA7]  }
0x2b: {  	s6 =	sld [smem:$0x3FA8]  }
0x2c: {  	s7 =	sld [smem:$0x3FA9]  }
0x2d: {  	s3 =	simm.s32 $0x108;
	s8 =	sld [smem:$0x3FAA]  }
0x2e: {  	s3 =	simm.s32 @!p0 $0x1082;
	s9 =	sld [smem:$0x3FAB]  }
0x2f: {  	lr =	sadd.s32 s0, s3;
	s0 =	sld [smem:$0x3FA2]  }
0x30: {  	s3 =	sld [smem:$0x3FA5]  }
0x31: {  	[smem:$0x3FAE] =	sst s10  }
0x32: {  	s10 =	sld [smem:$0x3FAC];
	_ =	sdelay $0x3  }
0x33: {  	p0 =	seq.s32 s10, $0x1;
	s10 =	sld [smem:$0x3FAE];
	_ =	sdelay $0x3  }
0x34: {  	[smem:$0x3FAE] =	sst s10  }
0x35: {  	s10 =	sld [smem:$0x3FAD];
	_ =	sdelay $0x3  }
0x36: {  	p1 =	seq.s32 s10, $0x1;
	s10 =	sld [smem:$0x3FAE];
	_ =	sdelay $0x3  }
0x37: {  	[smem:$0x3FAE] =	sst s10  }
0x38: {  	s10 =	sld [smem:$0x3FAF]  }
0x39: {  	_ = 	snop;
	(pc) =	sbr.ind lr, $3  }
0x3a: {  	_ = 	snop  }
0x3b: {  	_ = 	snop  }
0x3c: {  	p2 =	seq.s32 s10, $0x1;
	s10 =	sld [smem:$0x3FAE]  }
0x3d: {  	_ =	shalt  }
0x3e: {  	_ =	shalt  }
0x3f: {  	_ =	shalt  }
0x40: {  	_ =	shalt  }
0x41: {  	_ =	shalt  }
0x42: {  	_ =	shalt  }
0x43: {  	_ =	shalt  }
0x44: {  	_ =	shalt  }
0x45: {  	_ =	shalt  }
0x46: {  	_ =	shalt  }
0x47: {  	_ =	shalt  }
0x48: {  	_ =	shalt  }
0x49: {  	_ =	shalt  }
0x4a: {  	_ =	shalt  }
0x4b: {  	_ =	shalt  }
0x4c: {  	_ =	shalt  }
0x4d: {  	_ =	shalt  }
0x4e: {  	_ =	shalt  }
0x4f: {  	_ =	shalt  }
0x50: {  	_ =	shalt  }
0x51: {  	_ =	shalt  }
0x52: {  	_ =	shalt  }
0x53: {  	_ =	shalt  }
0x54: {  	_ =	shalt  }
0x55: {  	_ =	shalt  }
0x56: {  	_ =	shalt  }
0x57: {  	_ =	shalt  }
0x58: {  	_ =	shalt  }
0x59: {  	_ =	shalt  }
0x5a: {  	_ =	shalt  }
0x5b: {  	_ =	shalt  }
0x5c: {  	_ =	shalt  }
0x5d: {  	_ =	shalt  }
0x5e: {  	_ =	shalt  }
0x5f: {  	_ =	shalt  }
0x60: {  	_ =	shalt  }
0x61: {  	_ =	shalt  }
0x62: {  	_ =	shalt  }
0x63: {  	_ =	shalt  }
0x64: {  	_ =	shalt  }
0x65: {  	_ =	shalt  }
0x66: {  	_ =	shalt  }
0x67: {  	_ =	shalt  }
0x68: {  	_ =	shalt  }
0x69: {  	_ =	shalt  }
0x6a: {  	_ =	shalt  }
0x6b: {  	_ =	shalt  }
0x6c: {  	_ =	shalt  }
0x6d: {  	_ =	shalt  }
0x6e: {  	_ =	shalt  }
0x6f: {  	_ =	shalt  }
0x70: {  	_ =	shalt  }
0x71: {  	_ =	shalt  }
0x72: {  	_ =	shalt  }
0x73: {  	_ =	shalt  }
0x74: {  	_ =	shalt  }
0x75: {  	_ =	shalt  }
0x76: {  	_ =	shalt  }
0x77: {  	_ =	shalt  }
0x78: {  	_ =	shalt  }
0x79: {  	_ =	shalt  }
0x7a: {  	_ =	shalt  }
0x7b: {  	_ =	shalt  }
0x7c: {  	_ =	shalt  }
0x7d: {  	_ =	shalt  }
0x7e: {  	_ =	shalt  }
0x7f: {  	_ =	shalt  }
0x80: {  	_ =	shalt  }
0x81: {  	_ =	shalt  }
0x82: {  	_ =	shalt  }
0x83: {  	_ =	shalt  }
0x84: {  	_ =	shalt  }
0x85: {  	_ =	shalt  }
0x86: {  	_ =	shalt  }
0x87: {  	_ =	shalt  }
.Lfunc_end0:
.L_simem_size_0:
called_computation.3_lowered:
.L_overlay_start_0:
0x88: {  	s2 =	sld [smem:$0x3FD9]  }
0x89: {  	s3 =	sld [smem:$0x3FFE];
	_ =	sdelay $0x1  }
0x8a: {  	s1 =	srdreg.scid  }
0x8b: {  	s0 =	sand.u32 $0x1, s1  }
0x8c: {  	s16 =	sshll.u32 s0, $0xA;
	s2 =	sadd.s32 s3, s2  }
0x8d: {  	s2 =	sadd.s32 s2, s16  }
0x8e: {  	[smem:$0x3FBA] =	sst s2  }
0x8f: {  	_ = 	snop  }
0x90: {  	(tm) =	ssettm $0x1  }
0x91: {  	s17 =	sld [smem:$0x3FFB];
	_ =	sdelay $0x3  }
0x92: {  	_ =	strace s17  }
0x93: {  	s2 =	sld [smem:$0x3FFC];
	_ =	sdelay $0x3  }
0x94: {  	_ =	strace s2  }
0x95: {  	s2 =	sld [smem:$0x3FFD];
	_ =	sdelay $0x3  }
0x96: {  	_ =	strace s2  }
0x97: {  	_ =	strace $0x8FFFFFFF  }
0x98: {  	s18 =	sld [smem:$0x3FDB];
	_ =	sdelay $0x1  }
0x99: {  	s19 =	simm.s32 $_scs_section_size  }
0x9a: {  	s4 =	simm.s32 $_size__tile_overlayer_lowered;
	s5 =	simm.s32 $_tile_overlayer_lowered  }
0x9b: {  	s22 =	simm.s32 $0x1BFF;
	s21 =	sshll.u32 s5, $0x1;
	s2 =	sadd.s32 s19, s18  }
0x9c: {  	s6 =	simm.s32 $0x0;
	s20 =	sshll.u32 s4, $0x1;
	s4 =	sadd.s32 s21, s2  }
0x9d: {  	[timem:s6], [sflag:s22] =	dma.local [hbm:s4], s20  }
0x9e: {  	_ =	swait.ge [sflag:s22], s20  }
0x9f: {  	s3 =	ssub.s32 $0x0, s20;
	[sflag:s22] =	ssyncset.done $0x0  }
0xa0: {  	[sflag:s22] =	ssyncadd.s32 s3;
	_ =	sdelay $0x1  }
0xa1: {  	s23 =	simm.s32 $0x1B8B  }
0xa2: {  	_ =	swait.ge [sflag:s23], $0x1  }
0xa3: {  	[sflag:s23] =	ssyncset.done $0x0  }
0xa4: {  	s25 =	simm.s32 $0x1B8E;
	s24 =	sld [smem:$0x3FFE];
	[sflag:s23] =	ssyncadd.s32 $0xFFFFFFFF  }
0xa5: {  	s26 =	simm.s32 $execute0_lowered;
	[smem:$0x3FD2] =	sst s25  }
0xa6: {  	s4 =	sshll.u32 s26, $0x1;
	_ =	strace $0x8000004F;
	[dreg:$0x1] =	wrdreg $0xFFFFFFFF  }
0xa7: {  	s28 =	simm.s32 $_size_execute0_lowered;
	s2 =	sadd.s32 s2, s4;
	[dreg:$0x0] =	wrdreg $0x0  }
0xa8: {  	s4 =	sshll.u32 s28, $0x1;
	[dreg:$0x2] =	wrdreg s2  }
0xa9: {  	[dreg:$0x3] =	wrdreg s4  }
0xaa: {  	[dreg:$0x4] =	wrdreg $0xC0  }
0xab: {  	_ =	task [dreg:s6], $0x5FFFF  }
0xac: {  	[dreg:$0x1] =	wrdreg $0xFFFFFFFF  }
0xad: {  	[dreg:$0x0] =	wrdreg $0x60  }
0xae: {  	[dreg:$0x2] =	wrdreg s24  }
0xaf: {  	[dreg:$0x3] =	wrdreg $0xF8000  }
0xb0: {  	[dreg:$0x4] =	wrdreg $0x9  }
0xb1: {  	_ =	task.clear_ibuf [dreg:s6], $0x5FFFF;
	_ =	strace $0x9000004F  }
0xb2: {  	s29 =	simm.s32 $0x9;
	_ =	strace $0x80000051  }
0xb3: {  	_ =	swait.ge [sflag:s29], $0x1  }
0xb4: {  	[sflag:s29] =	ssyncadd.s32 $0xFFFFFFFF  }
0xb5: {  	_ =	strace $0x90000051  }
0xb6: {  	_ =	sfence  }
0xb7: {  	s30 =	sld [smem:$0x0];
	_ =	sdelay $0x2  }
0xb8: {  	s31 =	sshll.u32 s1, $0xD;
	s1 =	sshrl.u32 s1, $0x2  }
0xb9: {  	s3 =	sand.u32 $0x4000, s31;
	s1 =	sadd.s32 s1, s30  }
0xba: {  	s0 =	sor.u32 s3, s0;
	s1 =	sshll.u32 s1, $0x11  }
0xbb: {  	s0 =	sor.u32 s1, s0  }
0xbc: {  	s0 =	sadd.s32 $0x8F2B, s0  }
0xbd: {  	[sflag:s0] =	ssyncadd.remote.s32 $0x1  }
0xbe: {  	_ =	sfence.sel $0xFFFF  }
0xbf: {  	[dreg:$0x0] =	wrdreg $0xFFFFFFFF;
	(pc) =	sbr.abs _section_cstart, $3  }
0xc0: {  	[dreg:$0x1] =	wrdreg $0xFFFFFFFF  }
0xc1: {  	_ =	task.clear_ibuf [dreg:s6], $0x2FFFF;
	_ =	strace $0x9FFFFFFF  }
0xc2: {  	(tm) =	ssettm $0x7FFFFFFF  }
0xc3: {  	_ =	shalt  }
tec
execute0_lowered:
.L_overlay_start_1:
0x0: {  	(tag) =	ssettag $0x1  }
0x1: {  	s1 =	rddreg [dreg:$0x0]  }
0x2: {  	s3 =	srdreg.scid;
	s0 =	stileid.u32  }
0x3: {  	s2 =	rddreg [dreg:$0x1];
	s18 =	simm.s32 $0x7800;
	s19 =	simm.s32 $0x80  }
0x4: {  	s20 =	simm.s32 $0x1;
	s21 =	simm.s32 $0xB800;
	s9 =	smul.u32 $0x29000, s0  }
0x5: {  	s22 =	simm.s32 $0x2;
	s30 =	simm.s32 $0x7700;
	s10 =	smul.u32 $0xA000, s0  }
0x6: {  	s31 =	simm.s32 $0x7780;
	s5 =	sand.u32 $0x1, s3;
	s11 =	smul.u32 $0x28000, s0  }
0x7: {  	s4 =	sshll.u32 s0, $0x1;
	s3 =	simm.s32 $0x0;
	s15 =	smul.u32 $0x9C00, s0  }
0x8: {  	s17 =	smul.u32 $0x27000, s0;
	p0 =	seq.s32 s0, $0xF;
	s4 =	sor.u32 s5, s4  }
0x9: {  	[smem:$0x7FF] =	sst s3;
	s7 =	ssub.s32 $0x2, s5;
	s12 =	smul.u32 $0x138800, s5  }
0xa: {  	s6 =	smul.u32 $0x500, s4;
	_ =	strace $0x80000050;
	s4 =	sadd.s32 $0x23A00, s1  }
0xb: {  	s24 =	sshrl.u32 s7, $0x1;
	s25 =	sshrl.u32 s9, $0x2;
	s16 =	sshrl.u32 s11, $0x2  }
0xc: {  	s28 =	sshrl.u32 s17, $0x2;
	s14 =	ssub.s32 s7, s24;
	s13 =	sadd.s32 s10, s12  }
0xd: {  	s15 =	sadd.s32 s12, s15;
	s16 =	sadd.s32 s16, s2;
	s29 =	sshrl.u32 s12, $0x3  }
0xe: {  	s8 =	sadd.s32 s6, s1;
	s1 =	sadd.s32 $0x4AC00, s1;
	s13 =	sshrl.u32 s13, $0x3  }
0xf: {  	s26 =	sshrl.u32 s15, $0x3;
	s14 =	smax.u32 s14, $0x1;
	s15 =	simm.s32 $0x3  }
0x10: {  	s23 =	sshrl.u32 s16, $0x3;
	s5 =	sadd.s32 $0x19A00, s8;
	s6 =	sadd.s32 $0xFA00, s8  }
0x11: {  	s7 =	sadd.s32 $0x5A00, s8;
	s8 =	sadd.s32 s25, s2;
	s11 =	sadd.s32 s1, s13  }
0x12: {  	s13 =	sadd.s32 s1, s26;
	s25 =	sadd.s32 s28, s2;
	s1 =	sadd.s32 s1, s29  }
0x13: {  	s26 =	simm.s32 $0x2780;
	s9 =	sadd.s32 $0x4000, s8;
	s10 =	sadd.s32 $0x8000, s8  }
0x14: {  	s12 =	sadd.s32 $0x14000, s13;
	s13 =	sadd.s32 $0x26480, s1;
	s1 =	sadd.s32 $0x92400, s2  }
0x15: {  	v0 =	vimm.f32 $0.0e+00;
	s25 =	sshrl.u32 @!p0 s25, $0x3;
	s24 =	sshrl.u32 @p0 s1, $0x3;
	s1 =	simm.s32 $0x0  }
.LBB2_1:
0x16: {  	[tilespmem:s3], [sflag:$0x3] =	stream.linear.gather [hbm4b:s5+s3], $0x2800, $0x38;
	[tilespmem:$0x19C00] =	vst v63  }
0x17: {  	_ =	swait.ge [sflag:s15], $0x2800  }
0x18: {  	[sflag:s15] =	ssyncset.done $0x0  }
0x19: {  	s16 =	simm.s32 $0x2800;
	[sflag:s15] =	ssyncadd.s32 $0xFFFFD800  }
0x1a: {  	[tilespmem:s16], [sflag:$0x3] =	stream.linear.gather [hbm4b:s6+s3], $0x2800, $0x38;
	[tilespmem:$0x19C00] =	vst v63  }
0x1b: {  	_ =	swait.ge [sflag:s15], $0x2800  }
0x1c: {  	[sflag:s15] =	ssyncset.done $0x0  }
0x1d: {  	s29 =	simm.s32 $0x5000;
	[sflag:s15] =	ssyncadd.s32 $0xFFFFD800  }
0x1e: {  	[tilespmem:s29], [sflag:$0x3] =	stream.linear.gather [hbm4b:s7+s3], $0x2800, $0x38;
	[tilespmem:$0x19C00] =	vst v63  }
0x1f: {  	_ =	swait.ge [sflag:s15], $0x2800  }
0x20: {  	[sflag:s15] =	ssyncset.done $0x0  }
0x21: {  	s17 =	simm.s32 $0x200;
	s16 =	simm.s32 $0x0;
	[sflag:s15] =	ssyncadd.s32 $0xFFFFD800  }
.LBB2_2:
0x22: {  	p1 =	sne.s32 s17, $0xFE00;
	[tilespmem:s16+$0x7870] =	vst v0  }
0x23: {  	[tilespmem:s16+$0x7800] =	vst v0  }
0x24: {  	[tilespmem:s16+$0x7810] =	vst v0  }
.Ltmp0:
0x25: {  	[tilespmem:s16+$0x7820] =	vst v0;
	(pc) =	sbr.rel @p1 .LBB2_2-.Ltmp0, $4  }
0x26: {  	[tilespmem:s16+$0x7830] =	vst v0  }
0x27: {  	[tilespmem:s16+$0x7840] =	vst v0  }
0x28: {  	[tilespmem:s16+$0x7850] =	vst v0  }
0x29: {  	[tilespmem:s16+$0x7860] =	vst v0;
	s16 =	sshra.s32 s17, $0x2;
	s17 =	sadd.s32 $0x200, s17  }
0x2a: {  	[tilespmem:s16+$0x7870] =	vst v0  }
0x2b: {  	[tilespmem:s16+$0x7800] =	vst v0  }
0x2c: {  	[tilespmem:s16+$0x7810] =	vst v0  }
0x2d: {  	[tilespmem:s16+$0x7820] =	vst v0  }
0x2e: {  	[tilespmem:s16+$0x7830] =	vst v0  }
0x2f: {  	[tilespmem:s16+$0x7840] =	vst v0  }
0x30: {  	[tilespmem:s16+$0x7850] =	vst v0  }
0x31: {  	[tilespmem:s16+$0x7860] =	vst v0  }
0x32: {  	[spmem:s8] =	stream.linear.scatter [tilespmem:s18], [sflag:$0x3], $0x4000, $0x38;
	[tilespmem:$0x19C00] =	vst v63  }
0x33: {  	_ =	swait.ge [sflag:s15], $0x4000  }
0x34: {  	[sflag:s15] =	ssyncset.done $0x0  }
0x35: {  	[sflag:s15] =	ssyncadd.s32 $0xFFFFC000  }
0x36: {  	[spmem:s9] =	stream.linear.scatter [tilespmem:s18], [sflag:$0x3], $0x4000, $0x38;
	[tilespmem:$0x19C00] =	vst v63  }
0x37: {  	_ =	swait.ge [sflag:s15], $0x4000  }
0x38: {  	[sflag:s15] =	ssyncset.done $0x0  }
0x39: {  	[sflag:s15] =	ssyncadd.s32 $0xFFFFC000  }
0x3a: {  	[spmem:s10] =	stream.linear.scatter [tilespmem:s18], [sflag:$0x3], $0x2400, $0x38;
	[tilespmem:$0x19C00] =	vst v63  }
0x3b: {  	_ =	swait.ge [sflag:s15], $0x2400  }
0x3c: {  	[sflag:s15] =	ssyncset.done $0x0  }
0x3d: {  	[sflag:s15] =	ssyncadd.s32 $0xFFFFDC00  }
0x3e: {  	s28 =	simm.s32 $0x0;
	[bflag:$0x0] =	sbarrier.arrive $0xFFFF  }
0x3f: {  	[tilespmem:s18], [sflag:$0x1] =	stream.indirect.gather [hbm4b:s4+s19], $0x80, s28, s19, $0xb8;
	[tilespmem:$0x19C00] =	vst v63  }
0x40: {  	_ =	swait.ge [sflag:s20], $0x4000  }
0x41: {  	[sflag:s20] =	ssyncset.done $0x0  }
0x42: {  	s29 =	simm.s32 $0x80;
	[sflag:s20] =	ssyncadd.s32 $0xFFFFC000  }
0x43: {  	[tilespmem:s21], [sflag:$0x2] =	stream.indirect.gather [hbm4b:s4+s19], $0x80, s29, s19, $0xb8;
	[tilespmem:$0x19C00] =	vst v63  }
0x44: {  	s17 =	simm.s32 $0x2800  }
0x45: {  	[spmem:s2] =	stream.indirect.scatter.add.f32 [tilespmem:s18], [sflag:$0x3], $0x80, s17, s19, $0xb8;
	[tilespmem:$0x19C00] =	vst v63  }
0x46: {  	_ =	swait.ge [sflag:s15], $0x4000  }
0x47: {  	[sflag:s15] =	ssyncset.done $0x0  }
0x48: {  	s28 =	simm.s32 $0x100;
	[sflag:s15] =	ssyncadd.s32 $0xFFFFC000  }
0x49: {  	[tilespmem:s18], [sflag:$0x1] =	stream.indirect.gather [hbm4b:s4+s19], $0x80, s28, s19, $0xb8;
	[tilespmem:$0x19C00] =	vst v63  }
0x4a: {  	_ =	swait.ge [sflag:s22], $0x4000  }
0x4b: {  	[sflag:s22] =	ssyncset.done $0x0  }
0x4c: {  	s29 =	simm.s32 $0x2880;
	[sflag:s22] =	ssyncadd.s32 $0xFFFFC000  }
0x4d: {  	[spmem:s2] =	stream.indirect.scatter.add.f32 [tilespmem:s21], [sflag:$0x3], $0x80, s29, s19, $0xb8;
	[tilespmem:$0x19C00] =	vst v63  }
0x4e: {  	_ =	swait.ge [sflag:s15], $0x4000  }
0x4f: {  	s16 =	simm.s32 $0x400;
	[sflag:s15] =	ssyncset.done $0x0  }
.LBB2_4:
0x50: {  	p1 =	sne.s32 s16, $0x9800  }
0x51: {  	[sflag:s15] =	ssyncadd.s32 $0xFFFFC000;
	s17 =	smov.u32 s16;
	s16 =	sadd.s32 $0x400, s16  }
0x52: {  	_ =	swait.ge [sflag:s20], $0x4000  }
0x53: {  	s17 =	sshra.s32 s17, $0x2;
	[sflag:s20] =	ssyncset.done $0x0  }
0x54: {  	s28 =	sadd.s32 $0x80, s17;
	[sflag:s20] =	ssyncadd.s32 $0xFFFFC000  }
0x55: {  	[tilespmem:s21], [sflag:$0x2] =	stream.indirect.gather [hbm4b:s4+s19], $0x80, s28, s19, $0xb8;
	[tilespmem:$0x19C00] =	vst v63  }
0x56: {  	s28 =	sadd.s32 $0x2800, s17  }
0x57: {  	[spmem:s2] =	stream.indirect.scatter.add.f32 [tilespmem:s18], [sflag:$0x3], $0x80, s28, s19, $0xb8;
	[tilespmem:$0x19C00] =	vst v63  }
0x58: {  	_ =	swait.ge [sflag:s15], $0x4000  }
0x59: {  	[sflag:s15] =	ssyncset.done $0x0  }
0x5a: {  	s28 =	sadd.s32 $0x100, s17;
	[sflag:s15] =	ssyncadd.s32 $0xFFFFC000  }
0x5b: {  	[tilespmem:s18], [sflag:$0x1] =	stream.indirect.gather [hbm4b:s4+s19], $0x80, s28, s19, $0xb8;
	[tilespmem:$0x19C00] =	vst v63  }
0x5c: {  	_ =	swait.ge [sflag:s22], $0x4000  }
.Ltmp1:
0x5d: {  	[sflag:s22] =	ssyncset.done $0x0;
	(pc) =	sbr.rel @p1 .LBB2_4-.Ltmp1, $4  }
0x5e: {  	s17 =	sadd.s32 $0x2880, s17;
	[sflag:s22] =	ssyncadd.s32 $0xFFFFC000  }
0x5f: {  	[spmem:s2] =	stream.indirect.scatter.add.f32 [tilespmem:s21], [sflag:$0x3], $0x80, s17, s19, $0xb8;
	[tilespmem:$0x19C00] =	vst v63  }
0x60: {  	_ =	swait.ge [sflag:s15], $0x4000  }
0x61: {  	[sflag:s15] =	ssyncset.done $0x0  }
0x62: {  	[sflag:s15] =	ssyncadd.s32 $0xFFFFC000  }
0x63: {  	_ =	swait.ge [sflag:s20], $0x4000  }
0x64: {  	[sflag:s20] =	ssyncset.done $0x0  }
0x65: {  	[sflag:s20] =	ssyncadd.s32 $0xFFFFC000  }
0x66: {  	[tilespmem:s21], [sflag:$0x2] =	stream.indirect.gather [hbm4b:s4+s19], $0x80, s26, s19, $0xb8;
	[tilespmem:$0x19C00] =	vst v63  }
0x67: {  	s16 =	simm.s32 $0x4F00  }
0x68: {  	[spmem:s2] =	stream.indirect.scatter.add.f32 [tilespmem:s18], [sflag:$0x3], $0x80, s16, s19, $0xb8;
	[tilespmem:$0x19C00] =	vst v63  }
0x69: {  	_ =	swait.ge [sflag:s15], $0x4000  }
0x6a: {  	[sflag:s15] =	ssyncset.done $0x0  }
0x6b: {  	s29 =	simm.s32 $0x0;
	[sflag:s15] =	ssyncadd.s32 $0xFFFFC000  }
0x6c: {  	[tilespmem:s18], [sflag:$0x1] =	stream.indirect.gather [hbm4b:s4+s19], $0x80, s29, s19, $0xb8;
	[tilespmem:$0x19C00] =	vst v63  }
0x6d: {  	_ =	swait.ge [sflag:s22], $0x4000  }
0x6e: {  	[sflag:s22] =	ssyncset.done $0x0  }
0x6f: {  	s17 =	simm.s32 $0x4F80;
	[sflag:s22] =	ssyncadd.s32 $0xFFFFC000  }
0x70: {  	[spmem:s2] =	stream.indirect.scatter.add.f32 [tilespmem:s21], [sflag:$0x3], $0x80, s17, s19, $0xb8;
	[tilespmem:$0x19C00] =	vst v63  }
0x71: {  	_ =	swait.ge [sflag:s15], $0x4000  }
0x72: {  	[sflag:s15] =	ssyncset.done $0x0  }
0x73: {  	[sflag:s15] =	ssyncadd.s32 $0xFFFFC000  }
0x74: {  	_ =	swait.ge [sflag:s20], $0x4000  }
0x75: {  	[sflag:s20] =	ssyncset.done $0x0  }
0x76: {  	s29 =	sshll.u32 s0, $0x6;
	[sflag:s20] =	ssyncadd.s32 $0xFFFFC000  }
0x77: {  	s16 =	sor.u32 $0x1C03, s29;
	[bflag:$0x0] =	sbarrier.arrive $0xFFFF  }
0x78: {  	[hbm:s11], [sflag:s16] =	dma.local [spmem:s23], $0x1400  }
0x79: {  	_ =	swait.ge [sflag:s15], $0x1400  }
0x7a: {  	[sflag:s15] =	ssyncset.done $0x0  }
0x7b: {  	[sflag:s15] =	ssyncadd.s32 $0xFFFFEC00  }
0x7c: {  	s28 =	simm.s32 $0x200;
	s17 =	simm.s32 $0x0;
	[bflag:$0x0] =	sbarrier.arrive $0xFFFF  }
.LBB2_6:
0x7d: {  	p1 =	sne.s32 s28, $0xFE00;
	[tilespmem:s17+$0x7870] =	vst v0  }
0x7e: {  	[tilespmem:s17+$0x7800] =	vst v0  }
0x7f: {  	[tilespmem:s17+$0x7810] =	vst v0  }
.Ltmp2:
0x80: {  	[tilespmem:s17+$0x7820] =	vst v0;
	(pc) =	sbr.rel @p1 .LBB2_6-.Ltmp2, $4  }
0x81: {  	[tilespmem:s17+$0x7830] =	vst v0  }
0x82: {  	[tilespmem:s17+$0x7840] =	vst v0  }
0x83: {  	[tilespmem:s17+$0x7850] =	vst v0  }
0x84: {  	[tilespmem:s17+$0x7860] =	vst v0;
	s17 =	sshra.s32 s28, $0x2;
	s28 =	sadd.s32 $0x200, s28  }
0x85: {  	[tilespmem:s17+$0x7870] =	vst v0  }
0x86: {  	[tilespmem:s17+$0x7800] =	vst v0  }
0x87: {  	[tilespmem:s17+$0x7810] =	vst v0  }
0x88: {  	[tilespmem:s17+$0x7820] =	vst v0  }
0x89: {  	[tilespmem:s17+$0x7830] =	vst v0  }
0x8a: {  	[tilespmem:s17+$0x7840] =	vst v0  }
0x8b: {  	[tilespmem:s17+$0x7850] =	vst v0  }
0x8c: {  	[tilespmem:s17+$0x7860] =	vst v0  }
0x8d: {  	[spmem:s8] =	stream.linear.scatter [tilespmem:s18], [sflag:$0x3], $0x4000, $0x38;
	[tilespmem:$0x19C00] =	vst v63  }
0x8e: {  	_ =	swait.ge [sflag:s15], $0x4000  }
0x8f: {  	[sflag:s15] =	ssyncset.done $0x0  }
0x90: {  	[sflag:s15] =	ssyncadd.s32 $0xFFFFC000  }
0x91: {  	[spmem:s9] =	stream.linear.scatter [tilespmem:s18], [sflag:$0x3], $0x4000, $0x38;
	[tilespmem:$0x19C00] =	vst v63  }
0x92: {  	_ =	swait.ge [sflag:s15], $0x4000  }
0x93: {  	[sflag:s15] =	ssyncset.done $0x0  }
0x94: {  	[sflag:s15] =	ssyncadd.s32 $0xFFFFC000  }
0x95: {  	[spmem:s10] =	stream.linear.scatter [tilespmem:s18], [sflag:$0x3], $0x2400, $0x38;
	[tilespmem:$0x19C00] =	vst v63  }
0x96: {  	_ =	swait.ge [sflag:s15], $0x2400  }
0x97: {  	[sflag:s15] =	ssyncset.done $0x0  }
0x98: {  	[sflag:s15] =	ssyncadd.s32 $0xFFFFDC00  }
0x99: {  	s29 =	simm.s32 $0x0;
	[bflag:$0x0] =	sbarrier.arrive $0xFFFF  }
0x9a: {  	[tilespmem:s18], [sflag:$0x1] =	stream.indirect.gather [hbm4b:s4+s19], $0x80, s29, s19, $0xb8;
	[tilespmem:$0x19C00] =	vst v63  }
0x9b: {  	_ =	swait.ge [sflag:s20], $0x4000  }
0x9c: {  	[sflag:s20] =	ssyncset.done $0x0  }
0x9d: {  	s28 =	simm.s32 $0x80;
	[sflag:s20] =	ssyncadd.s32 $0xFFFFC000  }
0x9e: {  	[tilespmem:s21], [sflag:$0x2] =	stream.indirect.gather [hbm4b:s4+s19], $0x80, s28, s19, $0xb8;
	[tilespmem:$0x19C00] =	vst v63  }
0x9f: {  	s29 =	simm.s32 $0x5000  }
0xa0: {  	[spmem:s2] =	stream.indirect.scatter.add.f32 [tilespmem:s18], [sflag:$0x3], $0x80, s29, s19, $0xb8;
	[tilespmem:$0x19C00] =	vst v63  }
0xa1: {  	_ =	swait.ge [sflag:s15], $0x4000  }
0xa2: {  	[sflag:s15] =	ssyncset.done $0x0  }
0xa3: {  	s28 =	simm.s32 $0x100;
	[sflag:s15] =	ssyncadd.s32 $0xFFFFC000  }
0xa4: {  	[tilespmem:s18], [sflag:$0x1] =	stream.indirect.gather [hbm4b:s4+s19], $0x80, s28, s19, $0xb8;
	[tilespmem:$0x19C00] =	vst v63  }
0xa5: {  	_ =	swait.ge [sflag:s22], $0x4000  }
0xa6: {  	[sflag:s22] =	ssyncset.done $0x0  }
0xa7: {  	s29 =	simm.s32 $0x5080;
	[sflag:s22] =	ssyncadd.s32 $0xFFFFC000  }
0xa8: {  	[spmem:s2] =	stream.indirect.scatter.add.f32 [tilespmem:s21], [sflag:$0x3], $0x80, s29, s19, $0xb8;
	[tilespmem:$0x19C00] =	vst v63  }
0xa9: {  	_ =	swait.ge [sflag:s15], $0x4000  }
0xaa: {  	s17 =	simm.s32 $0x400;
	[sflag:s15] =	ssyncset.done $0x0  }
.LBB2_8:
0xab: {  	p1 =	sne.s32 s17, $0x9800  }
0xac: {  	[sflag:s15] =	ssyncadd.s32 $0xFFFFC000;
	s28 =	smov.u32 s17;
	s17 =	sadd.s32 $0x400, s17  }
0xad: {  	_ =	swait.ge [sflag:s20], $0x4000  }
0xae: {  	s28 =	sshra.s32 s28, $0x2;
	[sflag:s20] =	ssyncset.done $0x0  }
0xaf: {  	s29 =	sadd.s32 $0x80, s28;
	[sflag:s20] =	ssyncadd.s32 $0xFFFFC000  }
0xb0: {  	[tilespmem:s21], [sflag:$0x2] =	stream.indirect.gather [hbm4b:s4+s19], $0x80, s29, s19, $0xb8;
	[tilespmem:$0x19C00] =	vst v63  }
0xb1: {  	s29 =	sadd.s32 $0x5000, s28  }
0xb2: {  	[spmem:s2] =	stream.indirect.scatter.add.f32 [tilespmem:s18], [sflag:$0x3], $0x80, s29, s19, $0xb8;
	[tilespmem:$0x19C00] =	vst v63  }
0xb3: {  	_ =	swait.ge [sflag:s15], $0x4000  }
0xb4: {  	[sflag:s15] =	ssyncset.done $0x0  }
0xb5: {  	s29 =	sadd.s32 $0x100, s28;
	[sflag:s15] =	ssyncadd.s32 $0xFFFFC000  }
0xb6: {  	[tilespmem:s18], [sflag:$0x1] =	stream.indirect.gather [hbm4b:s4+s19], $0x80, s29, s19, $0xb8;
	[tilespmem:$0x19C00] =	vst v63  }
0xb7: {  	_ =	swait.ge [sflag:s22], $0x4000  }
.Ltmp3:
0xb8: {  	[sflag:s22] =	ssyncset.done $0x0;
	(pc) =	sbr.rel @p1 .LBB2_8-.Ltmp3, $4  }
0xb9: {  	s28 =	sadd.s32 $0x5080, s28;
	[sflag:s22] =	ssyncadd.s32 $0xFFFFC000  }
0xba: {  	[spmem:s2] =	stream.indirect.scatter.add.f32 [tilespmem:s21], [sflag:$0x3], $0x80, s28, s19, $0xb8;
	[tilespmem:$0x19C00] =	vst v63  }
0xbb: {  	_ =	swait.ge [sflag:s15], $0x4000  }
0xbc: {  	[sflag:s15] =	ssyncset.done $0x0  }
0xbd: {  	[sflag:s15] =	ssyncadd.s32 $0xFFFFC000  }
0xbe: {  	_ =	swait.ge [sflag:s20], $0x4000  }
0xbf: {  	[sflag:s20] =	ssyncset.done $0x0  }
0xc0: {  	[sflag:s20] =	ssyncadd.s32 $0xFFFFC000  }
0xc1: {  	[tilespmem:s21], [sflag:$0x2] =	stream.indirect.gather [hbm4b:s4+s19], $0x80, s26, s19, $0xb8;
	[tilespmem:$0x19C00] =	vst v63  }
0xc2: {  	_ = 	snop  }
0xc3: {  	[spmem:s2] =	stream.indirect.scatter.add.f32 [tilespmem:s18], [sflag:$0x3], $0x80, s30, s19, $0xb8;
	[tilespmem:$0x19C00] =	vst v63  }
0xc4: {  	_ =	swait.ge [sflag:s15], $0x4000  }
0xc5: {  	[sflag:s15] =	ssyncset.done $0x0  }
0xc6: {  	[sflag:s15] =	ssyncadd.s32 $0xFFFFC000  }
0xc7: {  	[tilespmem:s18], [sflag:$0x1] =	stream.indirect.gather [hbm4b:s4+s19], $0x80, s3, s19, $0xb8;
	[tilespmem:$0x19C00] =	vst v63  }
0xc8: {  	_ =	swait.ge [sflag:s22], $0x4000  }
0xc9: {  	[sflag:s22] =	ssyncset.done $0x0  }
0xca: {  	[sflag:s22] =	ssyncadd.s32 $0xFFFFC000  }
0xcb: {  	[spmem:s2] =	stream.indirect.scatter.add.f32 [tilespmem:s21], [sflag:$0x3], $0x80, s31, s19, $0xb8;
	[tilespmem:$0x19C00] =	vst v63  }
0xcc: {  	_ =	swait.ge [sflag:s15], $0x4000  }
0xcd: {  	[sflag:s15] =	ssyncset.done $0x0  }
0xce: {  	[sflag:s15] =	ssyncadd.s32 $0xFFFFC000  }
0xcf: {  	_ =	swait.ge [sflag:s20], $0x4000  }
0xd0: {  	[sflag:s20] =	ssyncset.done $0x0  }
0xd1: {  	[sflag:s20] =	ssyncadd.s32 $0xFFFFC000  }
0xd2: {  	s17 =	simm.s32 @p0 $0x3;
	[bflag:$0x0] =	sbarrier.arrive $0xFFFF  }
0xd3: {  	[hbm:s13], [sflag:s16] =	dma.local @p0 [spmem:s24], $0xC80  }
0xd4: {  	_ =	swait.ge @p0 [sflag:s17], $0xC80  }
0xd5: {  	[sflag:s17] =	ssyncset.done @p0 $0x0  }
0xd6: {  	s1 =	sadd.s32 $0x1, s1;
	[sflag:s17] =	ssyncadd.s32 @p0 $0xFFFFF380  }
0xd7: {  	[hbm:s12], [sflag:s16] =	dma.local @!p0 [spmem:s25], $0x1380  }
0xd8: {  	p1 =	sne.s32 s1, s14;
	s16 =	simm.s32 @!p0 $0x3  }
.Ltmp4:
0xd9: {  	_ =	swait.ge @!p0 [sflag:s16], $0x1380;
	(pc) =	sbr.rel @p1 .LBB2_1-.Ltmp4, $3  }
0xda: {  	[sflag:s16] =	ssyncset.done @!p0 $0x0  }
0xdb: {  	[sflag:s16] =	ssyncadd.s32 @!p0 $0xFFFFEC80  }
0xdc: {  	[bflag:$0x0] =	sbarrier.arrive $0xFFFF;
	_ =	sdelay $0x1  }
0xdd: {  	_ =	sfence.sel $0x180000  }
0xde: {  	[bflag:$0x0] =	sbarrier.arrive $0xFFFF  }
0xdf: {  	_ =	strace $0x90000050  }
0xe0: {  	[bflag:$0x2] =	sbarrier.arrive $0xFFFF  }
0xe1: {  	p0 =	sne.s32 s0, $0x0;
	s0 =	rddreg [dreg:$0x2]  }
0xe2: {  	s0 =	sadd.s32 @!p0 $0x100000, s0  }
0xe3: {  	[sflag:s0] =	ssyncadd.tile.s32 @!p0 $0x1;
	_ =	shalt  }
.Lfunc_end2:
_tile_overlayer_lowered:
.L_overlay_start_2:
0xe4: {  	(tag) =	ssettag $0x2  }
0xe5: {  	s0 =	rddreg [dreg:$0x0];
	s2 =	stileid.u32  }
0xe6: {  	s1 =	rddreg [dreg:$0x1];
	p0 =	sne.s32 s2, $0x0  }
0xe7: {  	s3 =	rddreg [dreg:$0x2];
	[bflag:$0x3] =	sbarrier.arrive $0xFFFF;
	s2 =	simm.s32 @!p0 $0x1C03  }
0xe8: {  	[timem:s3], [sflag:s2] =	dma.local @!p0 [hbm:s0], s1  }
0xe9: {  	s0 =	simm.s32 @!p0 $0x3  }
0xea: {  	_ =	swait.ge @!p0 [sflag:s0], s1  }
0xeb: {  	s1 =	ssub.s32 @!p0 $0x0, s1;
	[sflag:s0] =	ssyncset.done @!p0 $0x0  }
0xec: {  	[sflag:s0] =	ssyncadd.s32 @!p0 s1  }
0xed: {  	[bflag:$0x3] =	sbarrier.arrive $0xFFFF  }
0xee: {  	_ =	shalt  }

</sc_bundles>
